<compile_context>
chip_gen: v7x
topology: tpu7x:2x2x1
jax: 0.10.2.dev20260603
libtpu: 0.0.44.dev20260713+nightly
codegen_flags: <defaults>
</compile_context>

<pallas_src>
import functools

import jax
import jax.numpy as jnp
from jax import lax
from jax.experimental import pallas as pl
from jax.experimental.pallas import tpu as pltpu
from jax.experimental.pallas import tpu_sc as plsc

_N = 262144
_K = 64
_NC = 2
_NS = 16
_NW = _NC * _NS

_N_TC = 65536
_N_SC = _N - _N_TC
_PER_W = _N_SC // _NW

_BSTEPS = 8
_BROWS = (_N // 128) // _BSTEPS
_DW = _N_TC // _BSTEPS


def _sc_colsums(flat_dist, assignments):
    mesh = plsc.VectorSubcoreMesh(core_axis_name="c", subcore_axis_name="s")

    @functools.partial(
        pl.kernel,
        mesh=mesh,
        out_type=jax.ShapeDtypeStruct((_NW * 128,), jnp.float32),
        scratch_types=[
            pltpu.VMEM((_PER_W,), jnp.int32),
            pltpu.VMEM((_PER_W,), jnp.int32),
            pltpu.VMEM((_PER_W,), jnp.float32),
            pltpu.VMEM((128,), jnp.float32),
        ] + [pltpu.SemaphoreType.DMA] * 10,
    )
    def sc_kernel(dist_hbm, a_hbm, cs_out,
                  a_v, idx_v, val_v, acc_v, *sems):
        sid = lax.axis_index("s")
        wid = sid * _NC + lax.axis_index("c")
        base = wid * _PER_W

        stg0 = pltpu.async_copy(a_hbm.at[pl.ds(base, 2048)],
                                a_v.at[pl.ds(0, 2048)], sems[8])
        stg1 = pltpu.async_copy(a_hbm.at[pl.ds(base + 2048, _PER_W - 2048)],
                                a_v.at[pl.ds(2048, _PER_W - 2048)], sems[9])

        lane = lax.iota(jnp.int32, 16)

        def build(g2, carry):
            g = g2 * 2
            a0 = a_v[pl.ds(g * 16, 16)]
            a1 = a_v[pl.ds(g * 16 + 16, 16)]
            s = base + g * 16
            c0 = ((s >> 7) * 1024 + (s & 127)) + lane
            c1 = (((s + 16) >> 7) * 1024 + ((s + 16) & 127)) + lane
            p0 = (a0 << 7) + (a0 >> 3) * 2096128 + c0
            p1 = (a1 << 7) + (a1 >> 3) * 2096128 + c1
            idx_v[pl.ds(g * 16, 16)] = p0
            idx_v[pl.ds(g * 16 + 16, 16)] = p1
            return carry

        bounds = (0, 512, 2048, 4096, _PER_W)
        cps = []
        for k in range(4):
            if k == 0:
                stg0.wait()
            elif k == 2:
                stg1.wait()
            lax.fori_loop(bounds[k] // 32, bounds[k + 1] // 32, build, 0,
                          unroll=8)
            n = bounds[k + 1] - bounds[k]
            cps.append(pltpu.async_copy(
                dist_hbm.at[idx_v.at[pl.ds(bounds[k], n)]],
                val_v.at[pl.ds(bounds[k], n)], sems[k]))

        zf = jnp.zeros((16,), jnp.float32)

        def accum(g, carry):
            c0, c1, c2, c3 = carry
            b = g * 64
            c0 = c0 + val_v[pl.ds(b, 16)]
            c1 = c1 + val_v[pl.ds(b + 16, 16)]
            c2 = c2 + val_v[pl.ds(b + 32, 16)]
            c3 = c3 + val_v[pl.ds(b + 48, 16)]
            return (c0, c1, c2, c3)

        acc = (zf, zf, zf, zf)
        for k in range(4):
            cps[k].wait()
            acc = lax.fori_loop(bounds[k] // 64, bounds[k + 1] // 64,
                                accum, acc, unroll=4)

        for c in range(4):
            acc_v[pl.ds(c * 16, 16)] = acc[c]
            acc_v[pl.ds(64 + c * 16, 16)] = zf
        pltpu.sync_copy(acc_v, cs_out.at[pl.ds(wid * 128, 128)])

    return sc_kernel(flat_dist, assignments)


def _bincount_body(a_ref, ad_ref, d_ref, cnt_out, cs_out,
                   acc_ref, accd_ref, a16_ref):
    g = pl.program_id(0)

    @pl.when(g == 0)
    def _init():
        acc_ref[...] = jnp.zeros((_K, 128), jnp.int16)
        accd_ref[...] = jnp.zeros((_K, 128), jnp.float32)

    a16_ref[...] = a_ref[...].astype(jnp.int16)
    row_iota16 = lax.broadcasted_iota(jnp.int16, (_K, 128), 0)

    def body(r, acc):
        blk = a16_ref[pl.ds(pl.multiple_of(r * 16, 16), 16), :]
        for k in range(16):
            acc = acc + (row_iota16 == blk[k:k + 1, :]).astype(jnp.int16)
        return acc

    acc_ref[...] = lax.fori_loop(0, _BROWS // 16, body, acc_ref[...])

    row_iota = lax.broadcasted_iota(jnp.int32, (_K, 128), 0)

    ad = ad_ref[...]
    accd = accd_ref[...]
    for r in range(_DW // 128):
        arow = ad[r:r + 1, :]
        dsub = d_ref[:, r * 128:(r + 1) * 128]
        mask = row_iota == arow
        accd = accd + jnp.where(mask, dsub, 0.0)
    accd_ref[...] = accd

    @pl.when(g == _BSTEPS - 1)
    def _fin():
        cnt_out[...] = acc_ref[...].astype(jnp.int32)
        s1 = jnp.sum(accd_ref[...], axis=0, keepdims=True)
        cs_out[...] = s1[:, 0:_K] + s1[:, _K:2 * _K]


def _combine_body(cs_ref, cst_ref, cnt_ref, out_ref):
    cs = (jnp.sum(cs_ref[...], axis=0, keepdims=True)[:, 0:_K]
          + cst_ref[...])
    cnt = jnp.sum(cnt_ref[...], axis=1, keepdims=True)
    valid = cnt > 0
    cntf = jnp.maximum(cnt, 1).astype(jnp.float32)
    recip = jnp.where(valid, 1.0 / cntf, 0.0)
    total = jax.lax.dot_general(
        cs, recip, (((1,), (0,)), ((), ())),
        precision=jax.lax.Precision.HIGHEST,
        preferred_element_type=jnp.float32)
    n_valid = jnp.sum(valid.astype(jnp.float32))
    out_ref[...] = total / jnp.maximum(n_valid, 1.0)


def kernel(distances, assignments):
    flat = (distances.T.reshape(8, 8, 2048, 128)
            .transpose(0, 2, 1, 3).reshape(-1))
    dt = distances.T
    a2 = assignments.reshape(_N // 128, 128)
    cs = _sc_colsums(flat, assignments)
    tail0 = _N_SC // _DW
    cnt, cs_tail = pl.pallas_call(
        _bincount_body,
        grid=(_BSTEPS,),
        in_specs=[
            pl.BlockSpec((_BROWS, 128), lambda g: (g, 0)),
            pl.BlockSpec((_DW // 128, 128), lambda g: (tail0 + g, 0)),
            pl.BlockSpec((_K, _DW), lambda g: (0, tail0 + g)),
        ],
        out_specs=[
            pl.BlockSpec((_K, 128), lambda g: (0, 0)),
            pl.BlockSpec((1, _K), lambda g: (0, 0)),
        ],
        out_shape=(
            jax.ShapeDtypeStruct((_K, 128), jnp.int32),
            jax.ShapeDtypeStruct((1, _K), jnp.float32),
        ),
        scratch_shapes=[pltpu.VMEM((_K, 128), jnp.int16),
                        pltpu.VMEM((_K, 128), jnp.float32),
                        pltpu.VMEM((_BROWS, 128), jnp.int16)],
    )(a2, a2, dt)
    out = pl.pallas_call(
        _combine_body,
        out_shape=jax.ShapeDtypeStruct((1, 1), jnp.float32),
    )(cs.reshape(_NW, 128), cs_tail, cnt)
    return out[0, 0]

# --- scband reference (transcript-rebuilt; emitter-appended) ---
"""Pipeline reference for scband-within-cluster-variance-loss-83915071029270 (READ-ONLY COPY).

The authoritative reference and input builder live on the scoring server;
editing this copy changes nothing except your own understanding.
"""

import jax, jax.numpy as jnp
import numpy as np

N = 262144
K = 64

def setup_inputs(seed: int = 0) -> dict:
    key = jax.random.key(seed)
    k1, k2 = jax.random.split(key)
    distances = jax.random.uniform(k1, (N, K), dtype=jnp.float32)
    assignments = jax.random.randint(k2, (N,), 0, K, dtype=jnp.int32)
    return {"distances": distances, "assignments": assignments}

def reference(distances, assignments):
    n_clusters = distances.shape[1]
    # torch: mask = one_hot(assignments).bool(); distances[mask] picks exactly one
    # element per row in row-major order -> equivalent to take_along_axis.
    sel = jnp.take_along_axis(distances, assignments[:, None], axis=1).reshape(-1)
    # torch: .view(-1, n_clusters)  (requires N % K == 0; replicated faithfully)
    cluster_distances = sel.reshape(-1, n_clusters)
    cluster_sizes = jnp.bincount(assignments, length=n_clusters)
    valid_clusters = cluster_sizes > 0
    col_sums = cluster_distances.sum(axis=0)
    cluster_means = jnp.where(
        valid_clusters,
        col_sums / jnp.maximum(cluster_sizes, 1).astype(distances.dtype),
        jnp.zeros((), dtype=distances.dtype),
    )
    n_valid = jnp.sum(valid_clusters)
    # cluster_means[valid].mean() == sum(means*valid)/sum(valid)
    return jnp.sum(cluster_means * valid_clusters) / jnp.maximum(n_valid, 1).astype(distances.dtype)

if __name__ == "__main__":
    import jax
    _d = setup_inputs()
    print(jax.jit(kernel)(*tuple(_d.values())))

</pallas_src>

<mosaic_0001>
#map = affine_map<(d0, d1) -> (0)>
module attributes {stable_mosaic.version = 14 : i64} {
  func.func @sc_kernel(%arg0: i32, %arg1: i32, %arg2: memref<16777216xf32, #tpu.memory_space<hbm>>, %arg3: memref<262144xi32, #tpu.memory_space<hbm>>, %arg4: memref<4096xf32, #tpu.memory_space<hbm>>, %arg5: memref<6144xi32, #tpu.memory_space<vmem>>, %arg6: memref<6144xi32, #tpu.memory_space<vmem>>, %arg7: memref<6144xf32, #tpu.memory_space<vmem>>, %arg8: memref<128xf32, #tpu.memory_space<vmem>>, %arg9: memref<!tpu.dma_semaphore, #tpu.memory_space<semaphore_mem>>, %arg10: memref<!tpu.dma_semaphore, #tpu.memory_space<semaphore_mem>>, %arg11: memref<!tpu.dma_semaphore, #tpu.memory_space<semaphore_mem>>, %arg12: memref<!tpu.dma_semaphore, #tpu.memory_space<semaphore_mem>>, %arg13: memref<!tpu.dma_semaphore, #tpu.memory_space<semaphore_mem>>, %arg14: memref<!tpu.dma_semaphore, #tpu.memory_space<semaphore_mem>>, %arg15: memref<!tpu.dma_semaphore, #tpu.memory_space<semaphore_mem>>, %arg16: memref<!tpu.dma_semaphore, #tpu.memory_space<semaphore_mem>>, %arg17: memref<!tpu.dma_semaphore, #tpu.memory_space<semaphore_mem>>, %arg18: memref<!tpu.dma_semaphore, #tpu.memory_space<semaphore_mem>>) attributes {dimension_semantics = [#tpu.dimension_semantics<core_parallel>, #tpu.dimension_semantics<subcore_parallel>], iteration_bounds = array<i64: 2, 16>, scalar_prefetch = 0 : i64, scratch_operands = 14 : i64, tpu.core_type = #tpu.core_type<sc_vector_subcore>, window_params = [{transform_indices = #map}, {transform_indices = #map}, {transform_indices = #map}]} {
    %mul3A = arith.constant 2 : i32
    %mul3A_0 = arith.muli %arg1, %mul3A : i32
    %add3A = arith.addi %mul3A_0, %arg0 : i32
    %mul3A_1 = arith.constant 6144 : i32
    %mul3A_2 = arith.muli %add3A, %mul3A_1 : i32
    %dma_start3A = arith.constant 0 : i32
    %dma_start3A_3 = tpu.memref_slice %arg5[%dma_start3A] : memref<6144xi32, #tpu.memory_space<vmem>> -> memref<2048xi32, #tpu.memory_space<vmem>>
    %dma_start3A_4 = tpu.memref_slice %arg3[%mul3A_2] : memref<262144xi32, #tpu.memory_space<hbm>> -> memref<2048xi32, #tpu.memory_space<hbm>>
    %dma_start3A_5 = arith.constant 0 : i32
    %dma_start3A_6 = tpu.memref_slice %arg5[%dma_start3A_5] : memref<6144xi32, #tpu.memory_space<vmem>> -> memref<2048xi32, #tpu.memory_space<vmem>>
    %dma_start3A_7 = tpu.memref_slice %arg3[%mul3A_2] : memref<262144xi32, #tpu.memory_space<hbm>> -> memref<2048xi32, #tpu.memory_space<hbm>>
    tpu.enqueue_dma source(%dma_start3A_7 : memref<2048xi32, #tpu.memory_space<hbm>>) target(%dma_start3A_6 : memref<2048xi32, #tpu.memory_space<vmem>>) target_semaphore(%arg17 : memref<!tpu.dma_semaphore, #tpu.memory_space<semaphore_mem>>)
    %add3A_8 = arith.constant 2048 : i32
    %add3A_9 = arith.addi %mul3A_2, %add3A_8 : i32
    %dma_start3A_10 = arith.constant 2048 : i32
    %dma_start3A_11 = tpu.memref_slice %arg5[%dma_start3A_10] : memref<6144xi32, #tpu.memory_space<vmem>> -> memref<4096xi32, #tpu.memory_space<vmem>>
    %dma_start3A_12 = tpu.memref_slice %arg3[%add3A_9] : memref<262144xi32, #tpu.memory_space<hbm>> -> memref<4096xi32, #tpu.memory_space<hbm>>
    %dma_start3A_13 = arith.constant 2048 : i32
    %dma_start3A_14 = tpu.memref_slice %arg5[%dma_start3A_13] : memref<6144xi32, #tpu.memory_space<vmem>> -> memref<4096xi32, #tpu.memory_space<vmem>>
    %dma_start3A_15 = tpu.memref_slice %arg3[%add3A_9] : memref<262144xi32, #tpu.memory_space<hbm>> -> memref<4096xi32, #tpu.memory_space<hbm>>
    tpu.enqueue_dma source(%dma_start3A_15 : memref<4096xi32, #tpu.memory_space<hbm>>) target(%dma_start3A_14 : memref<4096xi32, #tpu.memory_space<vmem>>) target_semaphore(%arg18 : memref<!tpu.dma_semaphore, #tpu.memory_space<semaphore_mem>>)
    %iota3A = tpu.iota {dimensions = array<i32: 0>} : vector<16xi32>
    %dma_wait3A = arith.constant 0 : i32
    %dma_wait3A_16 = tpu.memref_slice %arg5[%dma_wait3A] : memref<6144xi32, #tpu.memory_space<vmem>> -> memref<2048xi32, #tpu.memory_space<vmem>>
    %dma_wait3A_17 = tpu.memref_slice %arg3[%mul3A_2] : memref<262144xi32, #tpu.memory_space<hbm>> -> memref<2048xi32, #tpu.memory_space<hbm>>
    %dma_wait3A_18 = arith.constant 0 : i32
    %dma_wait3A_19 = tpu.memref_slice %arg5[%dma_wait3A_18] : memref<6144xi32, #tpu.memory_space<vmem>> -> memref<2048xi32, #tpu.memory_space<vmem>>
    %dma_wait3A_20 = tpu.memref_slice %arg3[%mul3A_2] : memref<262144xi32, #tpu.memory_space<hbm>> -> memref<2048xi32, #tpu.memory_space<hbm>>
    tpu.wait_dma2 semaphore(%arg17 : memref<!tpu.dma_semaphore, #tpu.memory_space<semaphore_mem>>) src(%dma_wait3A_20 : memref<2048xi32, #tpu.memory_space<hbm>>) dst(%dma_wait3A_19 : memref<2048xi32, #tpu.memory_space<vmem>>)
    %scan3A = arith.constant 0 : i32
    %scan3A_21 = arith.constant 0 : i32
    %scan3A_22 = arith.constant 16 : i32
    %scan3A_23 = arith.addi %scan3A_21, %scan3A_22 : i32
    %scan3A_24 = arith.constant 8 : i32
    scf.for %scan3A_156 = %scan3A_21 to %scan3A_23 step %scan3A_24  : i32 {
      %mul3A_157 = arith.constant 2 : i32
      %mul3A_158 = arith.muli %scan3A_156, %mul3A_157 : i32
      %mul3A_159 = arith.constant 16 : i32
      %mul3A_160 = arith.muli %mul3A_158, %mul3A_159 : i32
      %get3A = arith.index_cast %mul3A_160 : i32 to index
      %get3A_161 = tpu.vector_load %arg5[%get3A] {strides = array<i32>} : memref<6144xi32, #tpu.memory_space<vmem>>, vector<16xi32>,
      %get3A_162 = vector.shape_cast %get3A_161 : vector<16xi32> to vector<16xi32>
      %mul3A_163 = arith.constant 16 : i32
      %mul3A_164 = arith.muli %mul3A_158, %mul3A_163 : i32
      %add3A_165 = arith.constant 16 : i32
      %add3A_166 = arith.addi %mul3A_164, %add3A_165 : i32
      %get3A_167 = arith.index_cast %add3A_166 : i32 to index
      %get3A_168 = tpu.vector_load %arg5[%get3A_167] {strides = array<i32>} : memref<6144xi32, #tpu.memory_space<vmem>>, vector<16xi32>,
      %get3A_169 = vector.shape_cast %get3A_168 : vector<16xi32> to vector<16xi32>
      %mul3A_170 = arith.constant 16 : i32
      %mul3A_171 = arith.muli %mul3A_158, %mul3A_170 : i32
      %add3A_172 = arith.addi %mul3A_2, %mul3A_171 : i32
      %shift_right_arithmetic3A = arith.constant 7 : i32
      %shift_right_arithmetic3A_173 = arith.shrsi %add3A_172, %shift_right_arithmetic3A : i32
      %mul3A_174 = arith.constant 1024 : i32
      %mul3A_175 = arith.muli %shift_right_arithmetic3A_173, %mul3A_174 : i32
      %and3A = arith.constant 127 : i32
      %and3A_176 = arith.andi %add3A_172, %and3A : i32
      %add3A_177 = arith.addi %mul3A_175, %and3A_176 : i32
      %add3A_178 = vector.broadcast %add3A_177 : i32 to vector<16xi32>
      %add3A_179 = arith.addi %add3A_178, %iota3A : vector<16xi32>
      %add3A_180 = arith.constant 16 : i32
      %add3A_181 = arith.addi %add3A_172, %add3A_180 : i32
      %shift_right_arithmetic3A_182 = arith.constant 7 : i32
      %shift_right_arithmetic3A_183 = arith.shrsi %add3A_181, %shift_right_arithmetic3A_182 : i32
      %mul3A_184 = arith.constant 1024 : i32
      %mul3A_185 = arith.muli %shift_right_arithmetic3A_183, %mul3A_184 : i32
      %add3A_186 = arith.constant 16 : i32
      %add3A_187 = arith.addi %add3A_172, %add3A_186 : i32
      %and3A_188 = arith.constant 127 : i32
      %and3A_189 = arith.andi %add3A_187, %and3A_188 : i32
      %add3A_190 = arith.addi %mul3A_185, %and3A_189 : i32
      %add3A_191 = vector.broadcast %add3A_190 : i32 to vector<16xi32>
      %add3A_192 = arith.addi %add3A_191, %iota3A : vector<16xi32>
      %shift_left3A = arith.constant 7 : i32
      %shift_left3A_193 = vector.broadcast %shift_left3A : i32 to vector<16xi32>
      %shift_left3A_194 = arith.shli %get3A_162, %shift_left3A_193 : vector<16xi32>
      %shift_right_arithmetic3A_195 = arith.constant 3 : i32
      %shift_right_arithmetic3A_196 = vector.broadcast %shift_right_arithmetic3A_195 : i32 to vector<16xi32>
      %shift_right_arithmetic3A_197 = arith.shrsi %get3A_162, %shift_right_arithmetic3A_196 : vector<16xi32>
      %mul3A_198 = arith.constant 2096128 : i32
      %mul3A_199 = vector.broadcast %mul3A_198 : i32 to vector<16xi32>
      %mul3A_200 = arith.muli %shift_right_arithmetic3A_197, %mul3A_199 : vector<16xi32>
      %add3A_201 = arith.addi %shift_left3A_194, %mul3A_200 : vector<16xi32>
      %add3A_202 = arith.addi %add3A_201, %add3A_179 : vector<16xi32>
      %shift_left3A_203 = arith.constant 7 : i32
      %shift_left3A_204 = vector.broadcast %shift_left3A_203 : i32 to vector<16xi32>
      %shift_left3A_205 = arith.shli %get3A_169, %shift_left3A_204 : vector<16xi32>
      %shift_right_arithmetic3A_206 = arith.constant 3 : i32
      %shift_right_arithmetic3A_207 = vector.broadcast %shift_right_arithmetic3A_206 : i32 to vector<16xi32>
      %shift_right_arithmetic3A_208 = arith.shrsi %get3A_169, %shift_right_arithmetic3A_207 : vector<16xi32>
      %mul3A_209 = arith.constant 2096128 : i32
      %mul3A_210 = vector.broadcast %mul3A_209 : i32 to vector<16xi32>
      %mul3A_211 = arith.muli %shift_right_arithmetic3A_208, %mul3A_210 : vector<16xi32>
      %add3A_212 = arith.addi %shift_left3A_205, %mul3A_211 : vector<16xi32>
      %add3A_213 = arith.addi %add3A_212, %add3A_192 : vector<16xi32>
      %mul3A_214 = arith.constant 16 : i32
      %mul3A_215 = arith.muli %mul3A_158, %mul3A_214 : i32
      %swap3A_216 = arith.index_cast %mul3A_215 : i32 to index
      %swap3A_217 = tpu.vector_load %arg6[%swap3A_216] {strides = array<i32>} : memref<6144xi32, #tpu.memory_space<vmem>>, vector<16xi32>,
      %swap3A_218 = vector.shape_cast %swap3A_217 : vector<16xi32> to vector<16xi32>
      %swap3A_219 = vector.shape_cast %add3A_202 : vector<16xi32> to vector<16xi32>
      tpu.vector_store %arg6[%swap3A_216], %swap3A_219 {strides = array<i32>} : memref<6144xi32, #tpu.memory_space<vmem>>, vector<16xi32>,
      %mul3A_220 = arith.constant 16 : i32
      %mul3A_221 = arith.muli %mul3A_158, %mul3A_220 : i32
      %add3A_222 = arith.constant 16 : i32
      %add3A_223 = arith.addi %mul3A_221, %add3A_222 : i32
      %swap3A_224 = arith.index_cast %add3A_223 : i32 to index
      %swap3A_225 = tpu.vector_load %arg6[%swap3A_224] {strides = array<i32>} : memref<6144xi32, #tpu.memory_space<vmem>>, vector<16xi32>,
      %swap3A_226 = vector.shape_cast %swap3A_225 : vector<16xi32> to vector<16xi32>
      %swap3A_227 = vector.shape_cast %add3A_213 : vector<16xi32> to vector<16xi32>
      tpu.vector_store %arg6[%swap3A_224], %swap3A_227 {strides = array<i32>} : memref<6144xi32, #tpu.memory_space<vmem>>, vector<16xi32>,
      %scan3A_228 = arith.constant 1 : i32
      %scan3A_229 = arith.addi %scan3A_156, %scan3A_228 : i32
      %mul3A_230 = arith.constant 2 : i32
      %mul3A_231 = arith.muli %scan3A_229, %mul3A_230 : i32
      %mul3A_232 = arith.constant 16 : i32
      %mul3A_233 = arith.muli %mul3A_231, %mul3A_232 : i32
      %get3A_234 = arith.index_cast %mul3A_233 : i32 to index
      %get3A_235 = tpu.vector_load %arg5[%get3A_234] {strides = array<i32>} : memref<6144xi32, #tpu.memory_space<vmem>>, vector<16xi32>,
      %get3A_236 = vector.shape_cast %get3A_235 : vector<16xi32> to vector<16xi32>
      %mul3A_237 = arith.constant 16 : i32
      %mul3A_238 = arith.muli %mul3A_231, %mul3A_237 : i32
      %add3A_239 = arith.constant 16 : i32
      %add3A_240 = arith.addi %mul3A_238, %add3A_239 : i32
      %get3A_241 = arith.index_cast %add3A_240 : i32 to index
      %get3A_242 = tpu.vector_load %arg5[%get3A_241] {strides = array<i32>} : memref<6144xi32, #tpu.memory_space<vmem>>, vector<16xi32>,
      %get3A_243 = vector.shape_cast %get3A_242 : vector<16xi32> to vector<16xi32>
      %mul3A_244 = arith.constant 16 : i32
      %mul3A_245 = arith.muli %mul3A_231, %mul3A_244 : i32
      %add3A_246 = arith.addi %mul3A_2, %mul3A_245 : i32
      %shift_right_arithmetic3A_247 = arith.constant 7 : i32
      %shift_right_arithmetic3A_248 = arith.shrsi %add3A_246, %shift_right_arithmetic3A_247 : i32
      %mul3A_249 = arith.constant 1024 : i32
      %mul3A_250 = arith.muli %shift_right_arithmetic3A_248, %mul3A_249 : i32
      %and3A_251 = arith.constant 127 : i32
      %and3A_252 = arith.andi %add3A_246, %and3A_251 : i32
      %add3A_253 = arith.addi %mul3A_250, %and3A_252 : i32
      %add3A_254 = vector.broadcast %add3A_253 : i32 to vector<16xi32>
      %add3A_255 = arith.addi %add3A_254, %iota3A : vector<16xi32>
      %add3A_256 = arith.constant 16 : i32
      %add3A_257 = arith.addi %add3A_246, %add3A_256 : i32
      %shift_right_arithmetic3A_258 = arith.constant 7 : i32
      %shift_right_arithmetic3A_259 = arith.shrsi %add3A_257, %shift_right_arithmetic3A_258 : i32
      %mul3A_260 = arith.constant 1024 : i32
      %mul3A_261 = arith.muli %shift_right_arithmetic3A_259, %mul3A_260 : i32
      %add3A_262 = arith.constant 16 : i32
      %add3A_263 = arith.addi %add3A_246, %add3A_262 : i32
      %and3A_264 = arith.constant 127 : i32
      %and3A_265 = arith.andi %add3A_263, %and3A_264 : i32
      %add3A_266 = arith.addi %mul3A_261, %and3A_265 : i32
      %add3A_267 = vector.broadcast %add3A_266 : i32 to vector<16xi32>
      %add3A_268 = arith.addi %add3A_267, %iota3A : vector<16xi32>
      %shift_left3A_269 = arith.constant 7 : i32
      %shift_left3A_270 = vector.broadcast %shift_left3A_269 : i32 to vector<16xi32>
      %shift_left3A_271 = arith.shli %get3A_236, %shift_left3A_270 : vector<16xi32>
      %shift_right_arithmetic3A_272 = arith.constant 3 : i32
      %shift_right_arithmetic3A_273 = vector.broadcast %shift_right_arithmetic3A_272 : i32 to vector<16xi32>
      %shift_right_arithmetic3A_274 = arith.shrsi %get3A_236, %shift_right_arithmetic3A_273 : vector<16xi32>
      %mul3A_275 = arith.constant 2096128 : i32
      %mul3A_276 = vector.broadcast %mul3A_275 : i32 to vector<16xi32>
      %mul3A_277 = arith.muli %shift_right_arithmetic3A_274, %mul3A_276 : vector<16xi32>
      %add3A_278 = arith.addi %shift_left3A_271, %mul3A_277 : vector<16xi32>
      %add3A_279 = arith.addi %add3A_278, %add3A_255 : vector<16xi32>
      %shift_left3A_280 = arith.constant 7 : i32
      %shift_left3A_281 = vector.broadcast %shift_left3A_280 : i32 to vector<16xi32>
      %shift_left3A_282 = arith.shli %get3A_243, %shift_left3A_281 : vector<16xi32>
      %shift_right_arithmetic3A_283 = arith.constant 3 : i32
      %shift_right_arithmetic3A_284 = vector.broadcast %shift_right_arithmetic3A_283 : i32 to vector<16xi32>
      %shift_right_arithmetic3A_285 = arith.shrsi %get3A_243, %shift_right_arithmetic3A_284 : vector<16xi32>
      %mul3A_286 = arith.constant 2096128 : i32
      %mul3A_287 = vector.broadcast %mul3A_286 : i32 to vector<16xi32>
      %mul3A_288 = arith.muli %shift_right_arithmetic3A_285, %mul3A_287 : vector<16xi32>
      %add3A_289 = arith.addi %shift_left3A_282, %mul3A_288 : vector<16xi32>
      %add3A_290 = arith.addi %add3A_289, %add3A_268 : vector<16xi32>
      %mul3A_291 = arith.constant 16 : i32
      %mul3A_292 = arith.muli %mul3A_231, %mul3A_291 : i32
      %swap3A_293 = arith.index_cast %mul3A_292 : i32 to index
      %swap3A_294 = tpu.vector_load %arg6[%swap3A_293] {strides = array<i32>} : memref<6144xi32, #tpu.memory_space<vmem>>, vector<16xi32>,
      %swap3A_295 = vector.shape_cast %swap3A_294 : vector<16xi32> to vector<16xi32>
      %swap3A_296 = vector.shape_cast %add3A_279 : vector<16xi32> to vector<16xi32>
      tpu.vector_store %arg6[%swap3A_293], %swap3A_296 {strides = array<i32>} : memref<6144xi32, #tpu.memory_space<vmem>>, vector<16xi32>,
      %mul3A_297 = arith.constant 16 : i32
      %mul3A_298 = arith.muli %mul3A_231, %mul3A_297 : i32
      %add3A_299 = arith.constant 16 : i32
      %add3A_300 = arith.addi %mul3A_298, %add3A_299 : i32
      %swap3A_301 = arith.index_cast %add3A_300 : i32 to index
      %swap3A_302 = tpu.vector_load %arg6[%swap3A_301] {strides = array<i32>} : memref<6144xi32, #tpu.memory_space<vmem>>, vector<16xi32>,
      %swap3A_303 = vector.shape_cast %swap3A_302 : vector<16xi32> to vector<16xi32>
      %swap3A_304 = vector.shape_cast %add3A_290 : vector<16xi32> to vector<16xi32>
      tpu.vector_store %arg6[%swap3A_301], %swap3A_304 {strides = array<i32>} : memref<6144xi32, #tpu.memory_space<vmem>>, vector<16xi32>,
      %scan3A_305 = arith.constant 2 : i32
      %scan3A_306 = arith.addi %scan3A_156, %scan3A_305 : i32
      %mul3A_307 = arith.constant 2 : i32
      %mul3A_308 = arith.muli %scan3A_306, %mul3A_307 : i32
      %mul3A_309 = arith.constant 16 : i32
      %mul3A_310 = arith.muli %mul3A_308, %mul3A_309 : i32
      %get3A_311 = arith.index_cast %mul3A_310 : i32 to index
      %get3A_312 = tpu.vector_load %arg5[%get3A_311] {strides = array<i32>} : memref<6144xi32, #tpu.memory_space<vmem>>, vector<16xi32>,
      %get3A_313 = vector.shape_cast %get3A_312 : vector<16xi32> to vector<16xi32>
      %mul3A_314 = arith.constant 16 : i32
      %mul3A_315 = arith.muli %mul3A_308, %mul3A_314 : i32
      %add3A_316 = arith.constant 16 : i32
      %add3A_317 = arith.addi %mul3A_315, %add3A_316 : i32
      %get3A_318 = arith.index_cast %add3A_317 : i32 to index
      %get3A_319 = tpu.vector_load %arg5[%get3A_318] {strides = array<i32>} : memref<6144xi32, #tpu.memory_space<vmem>>, vector<16xi32>,
      %get3A_320 = vector.shape_cast %get3A_319 : vector<16xi32> to vector<16xi32>
      %mul3A_321 = arith.constant 16 : i32
      %mul3A_322 = arith.muli %mul3A_308, %mul3A_321 : i32
      %add3A_323 = arith.addi %mul3A_2, %mul3A_322 : i32
      %shift_right_arithmetic3A_324 = arith.constant 7 : i32
      %shift_right_arithmetic3A_325 = arith.shrsi %add3A_323, %shift_right_arithmetic3A_324 : i32
      %mul3A_326 = arith.constant 1024 : i32
      %mul3A_327 = arith.muli %shift_right_arithmetic3A_325, %mul3A_326 : i32
      %and3A_328 = arith.constant 127 : i32
      %and3A_329 = arith.andi %add3A_323, %and3A_328 : i32
      %add3A_330 = arith.addi %mul3A_327, %and3A_329 : i32
      %add3A_331 = vector.broadcast %add3A_330 : i32 to vector<16xi32>
      %add3A_332 = arith.addi %add3A_331, %iota3A : vector<16xi32>
      %add3A_333 = arith.constant 16 : i32
      %add3A_334 = arith.addi %add3A_323, %add3A_333 : i32
      %shift_right_arithmetic3A_335 = arith.constant 7 : i32
      %shift_right_arithmetic3A_336 = arith.shrsi %add3A_334, %shift_right_arithmetic3A_335 : i32
      %mul3A_337 = arith.constant 1024 : i32
      %mul3A_338 = arith.muli %shift_right_arithmetic3A_336, %mul3A_337 : i32
      %add3A_339 = arith.constant 16 : i32
      %add3A_340 = arith.addi %add3A_323, %add3A_339 : i32
      %and3A_341 = arith.constant 127 : i32
      %and3A_342 = arith.andi %add3A_340, %and3A_341 : i32
      %add3A_343 = arith.addi %mul3A_338, %and3A_342 : i32
      %add3A_344 = vector.broadcast %add3A_343 : i32 to vector<16xi32>
      %add3A_345 = arith.addi %add3A_344, %iota3A : vector<16xi32>
      %shift_left3A_346 = arith.constant 7 : i32
      %shift_left3A_347 = vector.broadcast %shift_left3A_346 : i32 to vector<16xi32>
      %shift_left3A_348 = arith.shli %get3A_313, %shift_left3A_347 : vector<16xi32>
      %shift_right_arithmetic3A_349 = arith.constant 3 : i32
      %shift_right_arithmetic3A_350 = vector.broadcast %shift_right_arithmetic3A_349 : i32 to vector<16xi32>
      %shift_right_arithmetic3A_351 = arith.shrsi %get3A_313, %shift_right_arithmetic3A_350 : vector<16xi32>
      %mul3A_352 = arith.constant 2096128 : i32
      %mul3A_353 = vector.broadcast %mul3A_352 : i32 to vector<16xi32>
      %mul3A_354 = arith.muli %shift_right_arithmetic3A_351, %mul3A_353 : vector<16xi32>
      %add3A_355 = arith.addi %shift_left3A_348, %mul3A_354 : vector<16xi32>
      %add3A_356 = arith.addi %add3A_355, %add3A_332 : vector<16xi32>
      %shift_left3A_357 = arith.constant 7 : i32
      %shift_left3A_358 = vector.broadcast %shift_left3A_357 : i32 to vector<16xi32>
      %shift_left3A_359 = arith.shli %get3A_320, %shift_left3A_358 : vector<16xi32>
      %shift_right_arithmetic3A_360 = arith.constant 3 : i32
      %shift_right_arithmetic3A_361 = vector.broadcast %shift_right_arithmetic3A_360 : i32 to vector<16xi32>
      %shift_right_arithmetic3A_362 = arith.shrsi %get3A_320, %shift_right_arithmetic3A_361 : vector<16xi32>
      %mul3A_363 = arith.constant 2096128 : i32
      %mul3A_364 = vector.broadcast %mul3A_363 : i32 to vector<16xi32>
      %mul3A_365 = arith.muli %shift_right_arithmetic3A_362, %mul3A_364 : vector<16xi32>
      %add3A_366 = arith.addi %shift_left3A_359, %mul3A_365 : vector<16xi32>
      %add3A_367 = arith.addi %add3A_366, %add3A_345 : vector<16xi32>
      %mul3A_368 = arith.constant 16 : i32
      %mul3A_369 = arith.muli %mul3A_308, %mul3A_368 : i32
      %swap3A_370 = arith.index_cast %mul3A_369 : i32 to index
      %swap3A_371 = tpu.vector_load %arg6[%swap3A_370] {strides = array<i32>} : memref<6144xi32, #tpu.memory_space<vmem>>, vector<16xi32>,
      %swap3A_372 = vector.shape_cast %swap3A_371 : vector<16xi32> to vector<16xi32>
      %swap3A_373 = vector.shape_cast %add3A_356 : vector<16xi32> to vector<16xi32>
      tpu.vector_store %arg6[%swap3A_370], %swap3A_373 {strides = array<i32>} : memref<6144xi32, #tpu.memory_space<vmem>>, vector<16xi32>,
      %mul3A_374 = arith.constant 16 : i32
      %mul3A_375 = arith.muli %mul3A_308, %mul3A_374 : i32
      %add3A_376 = arith.constant 16 : i32
      %add3A_377 = arith.addi %mul3A_375, %add3A_376 : i32
      %swap3A_378 = arith.index_cast %add3A_377 : i32 to index
      %swap3A_379 = tpu.vector_load %arg6[%swap3A_378] {strides = array<i32>} : memref<6144xi32, #tpu.memory_space<vmem>>, vector<16xi32>,
      %swap3A_380 = vector.shape_cast %swap3A_379 : vector<16xi32> to vector<16xi32>
      %swap3A_381 = vector.shape_cast %add3A_367 : vector<16xi32> to vector<16xi32>
      tpu.vector_store %arg6[%swap3A_378], %swap3A_381 {strides = array<i32>} : memref<6144xi32, #tpu.memory_space<vmem>>, vector<16xi32>,
      %scan3A_382 = arith.constant 3 : i32
      %scan3A_383 = arith.addi %scan3A_156, %scan3A_382 : i32
      %mul3A_384 = arith.constant 2 : i32
      %mul3A_385 = arith.muli %scan3A_383, %mul3A_384 : i32
      %mul3A_386 = arith.constant 16 : i32
      %mul3A_387 = arith.muli %mul3A_385, %mul3A_386 : i32
      %get3A_388 = arith.index_cast %mul3A_387 : i32 to index
      %get3A_389 = tpu.vector_load %arg5[%get3A_388] {strides = array<i32>} : memref<6144xi32, #tpu.memory_space<vmem>>, vector<16xi32>,
      %get3A_390 = vector.shape_cast %get3A_389 : vector<16xi32> to vector<16xi32>
      %mul3A_391 = arith.constant 16 : i32
      %mul3A_392 = arith.muli %mul3A_385, %mul3A_391 : i32
      %add3A_393 = arith.constant 16 : i32
      %add3A_394 = arith.addi %mul3A_392, %add3A_393 : i32
      %get3A_395 = arith.index_cast %add3A_394 : i32 to index
      %get3A_396 = tpu.vector_load %arg5[%get3A_395] {strides = array<i32>} : memref<6144xi32, #tpu.memory_space<vmem>>, vector<16xi32>,
      %get3A_397 = vector.shape_cast %get3A_396 : vector<16xi32> to vector<16xi32>
      %mul3A_398 = arith.constant 16 : i32
      %mul3A_399 = arith.muli %mul3A_385, %mul3A_398 : i32
      %add3A_400 = arith.addi %mul3A_2, %mul3A_399 : i32
      %shift_right_arithmetic3A_401 = arith.constant 7 : i32
      %shift_right_arithmetic3A_402 = arith.shrsi %add3A_400, %shift_right_arithmetic3A_401 : i32
      %mul3A_403 = arith.constant 1024 : i32
      %mul3A_404 = arith.muli %shift_right_arithmetic3A_402, %mul3A_403 : i32
      %and3A_405 = arith.constant 127 : i32
      %and3A_406 = arith.andi %add3A_400, %and3A_405 : i32
      %add3A_407 = arith.addi %mul3A_404, %and3A_406 : i32
      %add3A_408 = vector.broadcast %add3A_407 : i32 to vector<16xi32>
      %add3A_409 = arith.addi %add3A_408, %iota3A : vector<16xi32>
      %add3A_410 = arith.constant 16 : i32
      %add3A_411 = arith.addi %add3A_400, %add3A_410 : i32
      %shift_right_arithmetic3A_412 = arith.constant 7 : i32
      %shift_right_arithmetic3A_413 = arith.shrsi %add3A_411, %shift_right_arithmetic3A_412 : i32
      %mul3A_414 = arith.constant 1024 : i32
      %mul3A_415 = arith.muli %shift_right_arithmetic3A_413, %mul3A_414 : i32
      %add3A_416 = arith.constant 16 : i32
      %add3A_417 = arith.addi %add3A_400, %add3A_416 : i32
      %and3A_418 = arith.constant 127 : i32
      %and3A_419 = arith.andi %add3A_417, %and3A_418 : i32
      %add3A_420 = arith.addi %mul3A_415, %and3A_419 : i32
      %add3A_421 = vector.broadcast %add3A_420 : i32 to vector<16xi32>
      %add3A_422 = arith.addi %add3A_421, %iota3A : vector<16xi32>
      %shift_left3A_423 = arith.constant 7 : i32
      %shift_left3A_424 = vector.broadcast %shift_left3A_423 : i32 to vector<16xi32>
      %shift_left3A_425 = arith.shli %get3A_390, %shift_left3A_424 : vector<16xi32>
      %shift_right_arithmetic3A_426 = arith.constant 3 : i32
      %shift_right_arithmetic3A_427 = vector.broadcast %shift_right_arithmetic3A_426 : i32 to vector<16xi32>
      %shift_right_arithmetic3A_428 = arith.shrsi %get3A_390, %shift_right_arithmetic3A_427 : vector<16xi32>
      %mul3A_429 = arith.constant 2096128 : i32
      %mul3A_430 = vector.broadcast %mul3A_429 : i32 to vector<16xi32>
      %mul3A_431 = arith.muli %shift_right_arithmetic3A_428, %mul3A_430 : vector<16xi32>
      %add3A_432 = arith.addi %shift_left3A_425, %mul3A_431 : vector<16xi32>
      %add3A_433 = arith.addi %add3A_432, %add3A_409 : vector<16xi32>
      %shift_left3A_434 = arith.constant 7 : i32
      %shift_left3A_435 = vector.broadcast %shift_left3A_434 : i32 to vector<16xi32>
      %shift_left3A_436 = arith.shli %get3A_397, %shift_left3A_435 : vector<16xi32>
      %shift_right_arithmetic3A_437 = arith.constant 3 : i32
      %shift_right_arithmetic3A_438 = vector.broadcast %shift_right_arithmetic3A_437 : i32 to vector<16xi32>
      %shift_right_arithmetic3A_439 = arith.shrsi %get3A_397, %shift_right_arithmetic3A_438 : vector<16xi32>
      %mul3A_440 = arith.constant 2096128 : i32
      %mul3A_441 = vector.broadcast %mul3A_440 : i32 to vector<16xi32>
      %mul3A_442 = arith.muli %shift_right_arithmetic3A_439, %mul3A_441 : vector<16xi32>
      %add3A_443 = arith.addi %shift_left3A_436, %mul3A_442 : vector<16xi32>
      %add3A_444 = arith.addi %add3A_443, %add3A_422 : vector<16xi32>
      %mul3A_445 = arith.constant 16 : i32
      %mul3A_446 = arith.muli %mul3A_385, %mul3A_445 : i32
      %swap3A_447 = arith.index_cast %mul3A_446 : i32 to index
      %swap3A_448 = tpu.vector_load %arg6[%swap3A_447] {strides = array<i32>} : memref<6144xi32, #tpu.memory_space<vmem>>, vector<16xi32>,
      %swap3A_449 = vector.shape_cast %swap3A_448 : vector<16xi32> to vector<16xi32>
      %swap3A_450 = vector.shape_cast %add3A_433 : vector<16xi32> to vector<16xi32>
      tpu.vector_store %arg6[%swap3A_447], %swap3A_450 {strides = array<i32>} : memref<6144xi32, #tpu.memory_space<vmem>>, vector<16xi32>,
      %mul3A_451 = arith.constant 16 : i32
      %mul3A_452 = arith.muli %mul3A_385, %mul3A_451 : i32
      %add3A_453 = arith.constant 16 : i32
      %add3A_454 = arith.addi %mul3A_452, %add3A_453 : i32
      %swap3A_455 = arith.index_cast %add3A_454 : i32 to index
      %swap3A_456 = tpu.vector_load %arg6[%swap3A_455] {strides = array<i32>} : memref<6144xi32, #tpu.memory_space<vmem>>, vector<16xi32>,
      %swap3A_457 = vector.shape_cast %swap3A_456 : vector<16xi32> to vector<16xi32>
      %swap3A_458 = vector.shape_cast %add3A_444 : vector<16xi32> to vector<16xi32>
      tpu.vector_store %arg6[%swap3A_455], %swap3A_458 {strides = array<i32>} : memref<6144xi32, #tpu.memory_space<vmem>>, vector<16xi32>,
      %scan3A_459 = arith.constant 4 : i32
      %scan3A_460 = arith.addi %scan3A_156, %scan3A_459 : i32
      %mul3A_461 = arith.constant 2 : i32
      %mul3A_462 = arith.muli %scan3A_460, %mul3A_461 : i32
      %mul3A_463 = arith.constant 16 : i32
      %mul3A_464 = arith.muli %mul3A_462, %mul3A_463 : i32
      %get3A_465 = arith.index_cast %mul3A_464 : i32 to index
      %get3A_466 = tpu.vector_load %arg5[%get3A_465] {strides = array<i32>} : memref<6144xi32, #tpu.memory_space<vmem>>, vector<16xi32>,
      %get3A_467 = vector.shape_cast %get3A_466 : vector<16xi32> to vector<16xi32>
      %mul3A_468 = arith.constant 16 : i32
      %mul3A_469 = arith.muli %mul3A_462, %mul3A_468 : i32
      %add3A_470 = arith.constant 16 : i32
      %add3A_471 = arith.addi %mul3A_469, %add3A_470 : i32
      %get3A_472 = arith.index_cast %add3A_471 : i32 to index
      %get3A_473 = tpu.vector_load %arg5[%get3A_472] {strides = array<i32>} : memref<6144xi32, #tpu.memory_space<vmem>>, vector<16xi32>,
      %get3A_474 = vector.shape_cast %get3A_473 : vector<16xi32> to vector<16xi32>
      %mul3A_475 = arith.constant 16 : i32
      %mul3A_476 = arith.muli %mul3A_462, %mul3A_475 : i32
      %add3A_477 = arith.addi %mul3A_2, %mul3A_476 : i32
      %shift_right_arithmetic3A_478 = arith.constant 7 : i32
      %shift_right_arithmetic3A_479 = arith.shrsi %add3A_477, %shift_right_arithmetic3A_478 : i32
      %mul3A_480 = arith.constant 1024 : i32
      %mul3A_481 = arith.muli %shift_right_arithmetic3A_479, %mul3A_480 : i32
      %and3A_482 = arith.constant 127 : i32
      %and3A_483 = arith.andi %add3A_477, %and3A_482 : i32
      %add3A_484 = arith.addi %mul3A_481, %and3A_483 : i32
      %add3A_485 = vector.broadcast %add3A_484 : i32 to vector<16xi32>
      %add3A_486 = arith.addi %add3A_485, %iota3A : vector<16xi32>
      %add3A_487 = arith.constant 16 : i32
      %add3A_488 = arith.addi %add3A_477, %add3A_487 : i32
      %shift_right_arithmetic3A_489 = arith.constant 7 : i32
      %shift_right_arithmetic3A_490 = arith.shrsi %add3A_488, %shift_right_arithmetic3A_489 : i32
      %mul3A_491 = arith.constant 1024 : i32
      %mul3A_492 = arith.muli %shift_right_arithmetic3A_490, %mul3A_491 : i32
      %add3A_493 = arith.constant 16 : i32
      %add3A_494 = arith.addi %add3A_477, %add3A_493 : i32
      %and3A_495 = arith.constant 127 : i32
      %and3A_496 = arith.andi %add3A_494, %and3A_495 : i32
      %add3A_497 = arith.addi %mul3A_492, %and3A_496 : i32
      %add3A_498 = vector.broadcast %add3A_497 : i32 to vector<16xi32>
      %add3A_499 = arith.addi %add3A_498, %iota3A : vector<16xi32>
      %shift_left3A_500 = arith.constant 7 : i32
      %shift_left3A_501 = vector.broadcast %shift_left3A_500 : i32 to vector<16xi32>
      %shift_left3A_502 = arith.shli %get3A_467, %shift_left3A_501 : vector<16xi32>
      %shift_right_arithmetic3A_503 = arith.constant 3 : i32
      %shift_right_arithmetic3A_504 = vector.broadcast %shift_right_arithmetic3A_503 : i32 to vector<16xi32>
      %shift_right_arithmetic3A_505 = arith.shrsi %get3A_467, %shift_right_arithmetic3A_504 : vector<16xi32>
      %mul3A_506 = arith.constant 2096128 : i32
      %mul3A_507 = vector.broadcast %mul3A_506 : i32 to vector<16xi32>
      %mul3A_508 = arith.muli %shift_right_arithmetic3A_505, %mul3A_507 : vector<16xi32>
      %add3A_509 = arith.addi %shift_left3A_502, %mul3A_508 : vector<16xi32>
      %add3A_510 = arith.addi %add3A_509, %add3A_486 : vector<16xi32>
      %shift_left3A_511 = arith.constant 7 : i32
      %shift_left3A_512 = vector.broadcast %shift_left3A_511 : i32 to vector<16xi32>
      %shift_left3A_513 = arith.shli %get3A_474, %shift_left3A_512 : vector<16xi32>
      %shift_right_arithmetic3A_514 = arith.constant 3 : i32
      %shift_right_arithmetic3A_515 = vector.broadcast %shift_right_arithmetic3A_514 : i32 to vector<16xi32>
      %shift_right_arithmetic3A_516 = arith.shrsi %get3A_474, %shift_right_arithmetic3A_515 : vector<16xi32>
      %mul3A_517 = arith.constant 2096128 : i32
      %mul3A_518 = vector.broadcast %mul3A_517 : i32 to vector<16xi32>
      %mul3A_519 = arith.muli %shift_right_arithmetic3A_516, %mul3A_518 : vector<16xi32>
      %add3A_520 = arith.addi %shift_left3A_513, %mul3A_519 : vector<16xi32>
      %add3A_521 = arith.addi %add3A_520, %add3A_499 : vector<16xi32>
      %mul3A_522 = arith.constant 16 : i32
      %mul3A_523 = arith.muli %mul3A_462, %mul3A_522 : i32
      %swap3A_524 = arith.index_cast %mul3A_523 : i32 to index
      %swap3A_525 = tpu.vector_load %arg6[%swap3A_524] {strides = array<i32>} : memref<6144xi32, #tpu.memory_space<vmem>>, vector<16xi32>,
      %swap3A_526 = vector.shape_cast %swap3A_525 : vector<16xi32> to vector<16xi32>
      %swap3A_527 = vector.shape_cast %add3A_510 : vector<16xi32> to vector<16xi32>
      tpu.vector_store %arg6[%swap3A_524], %swap3A_527 {strides = array<i32>} : memref<6144xi32, #tpu.memory_space<vmem>>, vector<16xi32>,
      %mul3A_528 = arith.constant 16 : i32
      %mul3A_529 = arith.muli %mul3A_462, %mul3A_528 : i32
      %add3A_530 = arith.constant 16 : i32
      %add3A_531 = arith.addi %mul3A_529, %add3A_530 : i32
      %swap3A_532 = arith.index_cast %add3A_531 : i32 to index
      %swap3A_533 = tpu.vector_load %arg6[%swap3A_532] {strides = array<i32>} : memref<6144xi32, #tpu.memory_space<vmem>>, vector<16xi32>,
      %swap3A_534 = vector.shape_cast %swap3A_533 : vector<16xi32> to vector<16xi32>
      %swap3A_535 = vector.shape_cast %add3A_521 : vector<16xi32> to vector<16xi32>
      tpu.vector_store %arg6[%swap3A_532], %swap3A_535 {strides = array<i32>} : memref<6144xi32, #tpu.memory_space<vmem>>, vector<16xi32>,
      %scan3A_536 = arith.constant 5 : i32
      %scan3A_537 = arith.addi %scan3A_156, %scan3A_536 : i32
      %mul3A_538 = arith.constant 2 : i32
      %mul3A_539 = arith.muli %scan3A_537, %mul3A_538 : i32
      %mul3A_540 = arith.constant 16 : i32
      %mul3A_541 = arith.muli %mul3A_539, %mul3A_540 : i32
      %get3A_542 = arith.index_cast %mul3A_541 : i32 to index
      %get3A_543 = tpu.vector_load %arg5[%get3A_542] {strides = array<i32>} : memref<6144xi32, #tpu.memory_space<vmem>>, vector<16xi32>,
      %get3A_544 = vector.shape_cast %get3A_543 : vector<16xi32> to vector<16xi32>
      %mul3A_545 = arith.constant 16 : i32
      %mul3A_546 = arith.muli %mul3A_539, %mul3A_545 : i32
      %add3A_547 = arith.constant 16 : i32
      %add3A_548 = arith.addi %mul3A_546, %add3A_547 : i32
      %get3A_549 = arith.index_cast %add3A_548 : i32 to index
      %get3A_550 = tpu.vector_load %arg5[%get3A_549] {strides = array<i32>} : memref<6144xi32, #tpu.memory_space<vmem>>, vector<16xi32>,
      %get3A_551 = vector.shape_cast %get3A_550 : vector<16xi32> to vector<16xi32>
      %mul3A_552 = arith.constant 16 : i32
      %mul3A_553 = arith.muli %mul3A_539, %mul3A_552 : i32
      %add3A_554 = arith.addi %mul3A_2, %mul3A_553 : i32
      %shift_right_arithmetic3A_555 = arith.constant 7 : i32
      %shift_right_arithmetic3A_556 = arith.shrsi %add3A_554, %shift_right_arithmetic3A_555 : i32
      %mul3A_557 = arith.constant 1024 : i32
      %mul3A_558 = arith.muli %shift_right_arithmetic3A_556, %mul3A_557 : i32
      %and3A_559 = arith.constant 127 : i32
      %and3A_560 = arith.andi %add3A_554, %and3A_559 : i32
      %add3A_561 = arith.addi %mul3A_558, %and3A_560 : i32
      %add3A_562 = vector.broadcast %add3A_561 : i32 to vector<16xi32>
      %add3A_563 = arith.addi %add3A_562, %iota3A : vector<16xi32>
      %add3A_564 = arith.constant 16 : i32
      %add3A_565 = arith.addi %add3A_554, %add3A_564 : i32
      %shift_right_arithmetic3A_566 = arith.constant 7 : i32
      %shift_right_arithmetic3A_567 = arith.shrsi %add3A_565, %shift_right_arithmetic3A_566 : i32
      %mul3A_568 = arith.constant 1024 : i32
      %mul3A_569 = arith.muli %shift_right_arithmetic3A_567, %mul3A_568 : i32
      %add3A_570 = arith.constant 16 : i32
      %add3A_571 = arith.addi %add3A_554, %add3A_570 : i32
      %and3A_572 = arith.constant 127 : i32
      %and3A_573 = arith.andi %add3A_571, %and3A_572 : i32
      %add3A_574 = arith.addi %mul3A_569, %and3A_573 : i32
      %add3A_575 = vector.broadcast %add3A_574 : i32 to vector<16xi32>
      %add3A_576 = arith.addi %add3A_575, %iota3A : vector<16xi32>
      %shift_left3A_577 = arith.constant 7 : i32
      %shift_left3A_578 = vector.broadcast %shift_left3A_577 : i32 to vector<16xi32>
      %shift_left3A_579 = arith.shli %get3A_544, %shift_left3A_578 : vector<16xi32>
      %shift_right_arithmetic3A_580 = arith.constant 3 : i32
      %shift_right_arithmetic3A_581 = vector.broadcast %shift_right_arithmetic3A_580 : i32 to vector<16xi32>
      %shift_right_arithmetic3A_582 = arith.shrsi %get3A_544, %shift_right_arithmetic3A_581 : vector<16xi32>
      %mul3A_583 = arith.constant 2096128 : i32
      %mul3A_584 = vector.broadcast %mul3A_583 : i32 to vector<16xi32>
      %mul3A_585 = arith.muli %shift_right_arithmetic3A_582, %mul3A_584 : vector<16xi32>
      %add3A_586 = arith.addi %shift_left3A_579, %mul3A_585 : vector<16xi32>
      %add3A_587 = arith.addi %add3A_586, %add3A_563 : vector<16xi32>
      %shift_left3A_588 = arith.constant 7 : i32
      %shift_left3A_589 = vector.broadcast %shift_left3A_588 : i32 to vector<16xi32>
      %shift_left3A_590 = arith.shli %get3A_551, %shift_left3A_589 : vector<16xi32>
      %shift_right_arithmetic3A_591 = arith.constant 3 : i32
      %shift_right_arithmetic3A_592 = vector.broadcast %shift_right_arithmetic3A_591 : i32 to vector<16xi32>
      %shift_right_arithmetic3A_593 = arith.shrsi %get3A_551, %shift_right_arithmetic3A_592 : vector<16xi32>
      %mul3A_594 = arith.constant 2096128 : i32
      %mul3A_595 = vector.broadcast %mul3A_594 : i32 to vector<16xi32>
      %mul3A_596 = arith.muli %shift_right_arithmetic3A_593, %mul3A_595 : vector<16xi32>
      %add3A_597 = arith.addi %shift_left3A_590, %mul3A_596 : vector<16xi32>
      %add3A_598 = arith.addi %add3A_597, %add3A_576 : vector<16xi32>
      %mul3A_599 = arith.constant 16 : i32
      %mul3A_600 = arith.muli %mul3A_539, %mul3A_599 : i32
      %swap3A_601 = arith.index_cast %mul3A_600 : i32 to index
      %swap3A_602 = tpu.vector_load %arg6[%swap3A_601] {strides = array<i32>} : memref<6144xi32, #tpu.memory_space<vmem>>, vector<16xi32>,
      %swap3A_603 = vector.shape_cast %swap3A_602 : vector<16xi32> to vector<16xi32>
      %swap3A_604 = vector.shape_cast %add3A_587 : vector<16xi32> to vector<16xi32>
      tpu.vector_store %arg6[%swap3A_601], %swap3A_604 {strides = array<i32>} : memref<6144xi32, #tpu.memory_space<vmem>>, vector<16xi32>,
      %mul3A_605 = arith.constant 16 : i32
      %mul3A_606 = arith.muli %mul3A_539, %mul3A_605 : i32
      %add3A_607 = arith.constant 16 : i32
      %add3A_608 = arith.addi %mul3A_606, %add3A_607 : i32
      %swap3A_609 = arith.index_cast %add3A_608 : i32 to index
      %swap3A_610 = tpu.vector_load %arg6[%swap3A_609] {strides = array<i32>} : memref<6144xi32, #tpu.memory_space<vmem>>, vector<16xi32>,
      %swap3A_611 = vector.shape_cast %swap3A_610 : vector<16xi32> to vector<16xi32>
      %swap3A_612 = vector.shape_cast %add3A_598 : vector<16xi32> to vector<16xi32>
      tpu.vector_store %arg6[%swap3A_609], %swap3A_612 {strides = array<i32>} : memref<6144xi32, #tpu.memory_space<vmem>>, vector<16xi32>,
      %scan3A_613 = arith.constant 6 : i32
      %scan3A_614 = arith.addi %scan3A_156, %scan3A_613 : i32
      %mul3A_615 = arith.constant 2 : i32
      %mul3A_616 = arith.muli %scan3A_614, %mul3A_615 : i32
      %mul3A_617 = arith.constant 16 : i32
      %mul3A_618 = arith.muli %mul3A_616, %mul3A_617 : i32
      %get3A_619 = arith.index_cast %mul3A_618 : i32 to index
      %get3A_620 = tpu.vector_load %arg5[%get3A_619] {strides = array<i32>} : memref<6144xi32, #tpu.memory_space<vmem>>, vector<16xi32>,
      %get3A_621 = vector.shape_cast %get3A_620 : vector<16xi32> to vector<16xi32>
      %mul3A_622 = arith.constant 16 : i32
      %mul3A_623 = arith.muli %mul3A_616, %mul3A_622 : i32
      %add3A_624 = arith.constant 16 : i32
      %add3A_625 = arith.addi %mul3A_623, %add3A_624 : i32
      %get3A_626 = arith.index_cast %add3A_625 : i32 to index
      %get3A_627 = tpu.vector_load %arg5[%get3A_626] {strides = array<i32>} : memref<6144xi32, #tpu.memory_space<vmem>>, vector<16xi32>,
      %get3A_628 = vector.shape_cast %get3A_627 : vector<16xi32> to vector<16xi32>
      %mul3A_629 = arith.constant 16 : i32
      %mul3A_630 = arith.muli %mul3A_616, %mul3A_629 : i32
      %add3A_631 = arith.addi %mul3A_2, %mul3A_630 : i32
      %shift_right_arithmetic3A_632 = arith.constant 7 : i32
      %shift_right_arithmetic3A_633 = arith.shrsi %add3A_631, %shift_right_arithmetic3A_632 : i32
      %mul3A_634 = arith.constant 1024 : i32
      %mul3A_635 = arith.muli %shift_right_arithmetic3A_633, %mul3A_634 : i32
      %and3A_636 = arith.constant 127 : i32
      %and3A_637 = arith.andi %add3A_631, %and3A_636 : i32
      %add3A_638 = arith.addi %mul3A_635, %and3A_637 : i32
      %add3A_639 = vector.broadcast %add3A_638 : i32 to vector<16xi32>
      %add3A_640 = arith.addi %add3A_639, %iota3A : vector<16xi32>
      %add3A_641 = arith.constant 16 : i32
      %add3A_642 = arith.addi %add3A_631, %add3A_641 : i32
      %shift_right_arithmetic3A_643 = arith.constant 7 : i32
      %shift_right_arithmetic3A_644 = arith.shrsi %add3A_642, %shift_right_arithmetic3A_643 : i32
      %mul3A_645 = arith.constant 1024 : i32
      %mul3A_646 = arith.muli %shift_right_arithmetic3A_644, %mul3A_645 : i32
      %add3A_647 = arith.constant 16 : i32
      %add3A_648 = arith.addi %add3A_631, %add3A_647 : i32
      %and3A_649 = arith.constant 127 : i32
      %and3A_650 = arith.andi %add3A_648, %and3A_649 : i32
      %add3A_651 = arith.addi %mul3A_646, %and3A_650 : i32
      %add3A_652 = vector.broadcast %add3A_651 : i32 to vector<16xi32>
      %add3A_653 = arith.addi %add3A_652, %iota3A : vector<16xi32>
      %shift_left3A_654 = arith.constant 7 : i32
      %shift_left3A_655 = vector.broadcast %shift_left3A_654 : i32 to vector<16xi32>
      %shift_left3A_656 = arith.shli %get3A_621, %shift_left3A_655 : vector<16xi32>
      %shift_right_arithmetic3A_657 = arith.constant 3 : i32
      %shift_right_arithmetic3A_658 = vector.broadcast %shift_right_arithmetic3A_657 : i32 to vector<16xi32>
      %shift_right_arithmetic3A_659 = arith.shrsi %get3A_621, %shift_right_arithmetic3A_658 : vector<16xi32>
      %mul3A_660 = arith.constant 2096128 : i32
      %mul3A_661 = vector.broadcast %mul3A_660 : i32 to vector<16xi32>
      %mul3A_662 = arith.muli %shift_right_arithmetic3A_659, %mul3A_661 : vector<16xi32>
      %add3A_663 = arith.addi %shift_left3A_656, %mul3A_662 : vector<16xi32>
      %add3A_664 = arith.addi %add3A_663, %add3A_640 : vector<16xi32>
      %shift_left3A_665 = arith.constant 7 : i32
      %shift_left3A_666 = vector.broadcast %shift_left3A_665 : i32 to vector<16xi32>
      %shift_left3A_667 = arith.shli %get3A_628, %shift_left3A_666 : vector<16xi32>
      %shift_right_arithmetic3A_668 = arith.constant 3 : i32
      %shift_right_arithmetic3A_669 = vector.broadcast %shift_right_arithmetic3A_668 : i32 to vector<16xi32>
      %shift_right_arithmetic3A_670 = arith.shrsi %get3A_628, %shift_right_arithmetic3A_669 : vector<16xi32>
      %mul3A_671 = arith.constant 2096128 : i32
      %mul3A_672 = vector.broadcast %mul3A_671 : i32 to vector<16xi32>
      %mul3A_673 = arith.muli %shift_right_arithmetic3A_670, %mul3A_672 : vector<16xi32>
      %add3A_674 = arith.addi %shift_left3A_667, %mul3A_673 : vector<16xi32>
      %add3A_675 = arith.addi %add3A_674, %add3A_653 : vector<16xi32>
      %mul3A_676 = arith.constant 16 : i32
      %mul3A_677 = arith.muli %mul3A_616, %mul3A_676 : i32
      %swap3A_678 = arith.index_cast %mul3A_677 : i32 to index
      %swap3A_679 = tpu.vector_load %arg6[%swap3A_678] {strides = array<i32>} : memref<6144xi32, #tpu.memory_space<vmem>>, vector<16xi32>,
      %swap3A_680 = vector.shape_cast %swap3A_679 : vector<16xi32> to vector<16xi32>
      %swap3A_681 = vector.shape_cast %add3A_664 : vector<16xi32> to vector<16xi32>
      tpu.vector_store %arg6[%swap3A_678], %swap3A_681 {strides = array<i32>} : memref<6144xi32, #tpu.memory_space<vmem>>, vector<16xi32>,
      %mul3A_682 = arith.constant 16 : i32
      %mul3A_683 = arith.muli %mul3A_616, %mul3A_682 : i32
      %add3A_684 = arith.constant 16 : i32
      %add3A_685 = arith.addi %mul3A_683, %add3A_684 : i32
      %swap3A_686 = arith.index_cast %add3A_685 : i32 to index
      %swap3A_687 = tpu.vector_load %arg6[%swap3A_686] {strides = array<i32>} : memref<6144xi32, #tpu.memory_space<vmem>>, vector<16xi32>,
      %swap3A_688 = vector.shape_cast %swap3A_687 : vector<16xi32> to vector<16xi32>
      %swap3A_689 = vector.shape_cast %add3A_675 : vector<16xi32> to vector<16xi32>
      tpu.vector_store %arg6[%swap3A_686], %swap3A_689 {strides = array<i32>} : memref<6144xi32, #tpu.memory_space<vmem>>, vector<16xi32>,
      %scan3A_690 = arith.constant 7 : i32
      %scan3A_691 = arith.addi %scan3A_156, %scan3A_690 : i32
      %mul3A_692 = arith.constant 2 : i32
      %mul3A_693 = arith.muli %scan3A_691, %mul3A_692 : i32
      %mul3A_694 = arith.constant 16 : i32
      %mul3A_695 = arith.muli %mul3A_693, %mul3A_694 : i32
      %get3A_696 = arith.index_cast %mul3A_695 : i32 to index
      %get3A_697 = tpu.vector_load %arg5[%get3A_696] {strides = array<i32>} : memref<6144xi32, #tpu.memory_space<vmem>>, vector<16xi32>,
      %get3A_698 = vector.shape_cast %get3A_697 : vector<16xi32> to vector<16xi32>
      %mul3A_699 = arith.constant 16 : i32
      %mul3A_700 = arith.muli %mul3A_693, %mul3A_699 : i32
      %add3A_701 = arith.constant 16 : i32
      %add3A_702 = arith.addi %mul3A_700, %add3A_701 : i32
      %get3A_703 = arith.index_cast %add3A_702 : i32 to index
      %get3A_704 = tpu.vector_load %arg5[%get3A_703] {strides = array<i32>} : memref<6144xi32, #tpu.memory_space<vmem>>, vector<16xi32>,
      %get3A_705 = vector.shape_cast %get3A_704 : vector<16xi32> to vector<16xi32>
      %mul3A_706 = arith.constant 16 : i32
      %mul3A_707 = arith.muli %mul3A_693, %mul3A_706 : i32
      %add3A_708 = arith.addi %mul3A_2, %mul3A_707 : i32
      %shift_right_arithmetic3A_709 = arith.constant 7 : i32
      %shift_right_arithmetic3A_710 = arith.shrsi %add3A_708, %shift_right_arithmetic3A_709 : i32
      %mul3A_711 = arith.constant 1024 : i32
      %mul3A_712 = arith.muli %shift_right_arithmetic3A_710, %mul3A_711 : i32
      %and3A_713 = arith.constant 127 : i32
      %and3A_714 = arith.andi %add3A_708, %and3A_713 : i32
      %add3A_715 = arith.addi %mul3A_712, %and3A_714 : i32
      %add3A_716 = vector.broadcast %add3A_715 : i32 to vector<16xi32>
      %add3A_717 = arith.addi %add3A_716, %iota3A : vector<16xi32>
      %add3A_718 = arith.constant 16 : i32
      %add3A_719 = arith.addi %add3A_708, %add3A_718 : i32
      %shift_right_arithmetic3A_720 = arith.constant 7 : i32
      %shift_right_arithmetic3A_721 = arith.shrsi %add3A_719, %shift_right_arithmetic3A_720 : i32
      %mul3A_722 = arith.constant 1024 : i32
      %mul3A_723 = arith.muli %shift_right_arithmetic3A_721, %mul3A_722 : i32
      %add3A_724 = arith.constant 16 : i32
      %add3A_725 = arith.addi %add3A_708, %add3A_724 : i32
      %and3A_726 = arith.constant 127 : i32
      %and3A_727 = arith.andi %add3A_725, %and3A_726 : i32
      %add3A_728 = arith.addi %mul3A_723, %and3A_727 : i32
      %add3A_729 = vector.broadcast %add3A_728 : i32 to vector<16xi32>
      %add3A_730 = arith.addi %add3A_729, %iota3A : vector<16xi32>
      %shift_left3A_731 = arith.constant 7 : i32
      %shift_left3A_732 = vector.broadcast %shift_left3A_731 : i32 to vector<16xi32>
      %shift_left3A_733 = arith.shli %get3A_698, %shift_left3A_732 : vector<16xi32>
      %shift_right_arithmetic3A_734 = arith.constant 3 : i32
      %shift_right_arithmetic3A_735 = vector.broadcast %shift_right_arithmetic3A_734 : i32 to vector<16xi32>
      %shift_right_arithmetic3A_736 = arith.shrsi %get3A_698, %shift_right_arithmetic3A_735 : vector<16xi32>
      %mul3A_737 = arith.constant 2096128 : i32
      %mul3A_738 = vector.broadcast %mul3A_737 : i32 to vector<16xi32>
      %mul3A_739 = arith.muli %shift_right_arithmetic3A_736, %mul3A_738 : vector<16xi32>
      %add3A_740 = arith.addi %shift_left3A_733, %mul3A_739 : vector<16xi32>
      %add3A_741 = arith.addi %add3A_740, %add3A_717 : vector<16xi32>
      %shift_left3A_742 = arith.constant 7 : i32
      %shift_left3A_743 = vector.broadcast %shift_left3A_742 : i32 to vector<16xi32>
      %shift_left3A_744 = arith.shli %get3A_705, %shift_left3A_743 : vector<16xi32>
      %shift_right_arithmetic3A_745 = arith.constant 3 : i32
      %shift_right_arithmetic3A_746 = vector.broadcast %shift_right_arithmetic3A_745 : i32 to vector<16xi32>
      %shift_right_arithmetic3A_747 = arith.shrsi %get3A_705, %shift_right_arithmetic3A_746 : vector<16xi32>
      %mul3A_748 = arith.constant 2096128 : i32
      %mul3A_749 = vector.broadcast %mul3A_748 : i32 to vector<16xi32>
      %mul3A_750 = arith.muli %shift_right_arithmetic3A_747, %mul3A_749 : vector<16xi32>
      %add3A_751 = arith.addi %shift_left3A_744, %mul3A_750 : vector<16xi32>
      %add3A_752 = arith.addi %add3A_751, %add3A_730 : vector<16xi32>
      %mul3A_753 = arith.constant 16 : i32
      %mul3A_754 = arith.muli %mul3A_693, %mul3A_753 : i32
      %swap3A_755 = arith.index_cast %mul3A_754 : i32 to index
      %swap3A_756 = tpu.vector_load %arg6[%swap3A_755] {strides = array<i32>} : memref<6144xi32, #tpu.memory_space<vmem>>, vector<16xi32>,
      %swap3A_757 = vector.shape_cast %swap3A_756 : vector<16xi32> to vector<16xi32>
      %swap3A_758 = vector.shape_cast %add3A_741 : vector<16xi32> to vector<16xi32>
      tpu.vector_store %arg6[%swap3A_755], %swap3A_758 {strides = array<i32>} : memref<6144xi32, #tpu.memory_space<vmem>>, vector<16xi32>,
      %mul3A_759 = arith.constant 16 : i32
      %mul3A_760 = arith.muli %mul3A_693, %mul3A_759 : i32
      %add3A_761 = arith.constant 16 : i32
      %add3A_762 = arith.addi %mul3A_760, %add3A_761 : i32
      %swap3A_763 = arith.index_cast %add3A_762 : i32 to index
      %swap3A_764 = tpu.vector_load %arg6[%swap3A_763] {strides = array<i32>} : memref<6144xi32, #tpu.memory_space<vmem>>, vector<16xi32>,
      %swap3A_765 = vector.shape_cast %swap3A_764 : vector<16xi32> to vector<16xi32>
      %swap3A_766 = vector.shape_cast %add3A_752 : vector<16xi32> to vector<16xi32>
      tpu.vector_store %arg6[%swap3A_763], %swap3A_766 {strides = array<i32>} : memref<6144xi32, #tpu.memory_space<vmem>>, vector<16xi32>,
    }
    %scan3A_25 = arith.constant 16 : i32
    %dma_start3A_26 = arith.constant 0 : i32
    %dma_start3A_27 = tpu.memref_slice %arg7[%dma_start3A_26] : memref<6144xf32, #tpu.memory_space<vmem>> -> memref<512xf32, #tpu.memory_space<vmem>>
    %dma_start3A_28 = arith.constant 0 : i32
    %dma_start3A_29 = tpu.memref_slice %arg6[%dma_start3A_28] : memref<6144xi32, #tpu.memory_space<vmem>> -> memref<512xi32, #tpu.memory_space<vmem>>
    %dma_start3A_30 = arith.constant 0 : i32
    %dma_start3A_31 = tpu.memref_slice %arg2[%dma_start3A_30] : memref<16777216xf32, #tpu.memory_space<hbm>> -> memref<16777216xf32, #tpu.memory_space<hbm>>
    tpu.enqueue_indirect_dma source(%dma_start3A_31 : memref<16777216xf32, #tpu.memory_space<hbm>>) target(%dma_start3A_27 : memref<512xf32, #tpu.memory_space<vmem>>) offsets(%dma_start3A_29 : memref<512xi32, #tpu.memory_space<vmem>>) semaphore(%arg9 : memref<!tpu.dma_semaphore, #tpu.memory_space<semaphore_mem>>)
    %scan3A_32 = arith.constant 0 : i32
    %scan3A_33 = arith.constant 16 : i32
    %scan3A_34 = arith.constant 48 : i32
    %scan3A_35 = arith.addi %scan3A_33, %scan3A_34 : i32
    %scan3A_36 = arith.constant 8 : i32
    scf.for %scan3A_156 = %scan3A_33 to %scan3A_35 step %scan3A_36  : i32 {
      %mul3A_157 = arith.constant 2 : i32
      %mul3A_158 = arith.muli %scan3A_156, %mul3A_157 : i32
      %mul3A_159 = arith.constant 16 : i32
      %mul3A_160 = arith.muli %mul3A_158, %mul3A_159 : i32
      %get3A = arith.index_cast %mul3A_160 : i32 to index
      %get3A_161 = tpu.vector_load %arg5[%get3A] {strides = array<i32>} : memref<6144xi32, #tpu.memory_space<vmem>>, vector<16xi32>,
      %get3A_162 = vector.shape_cast %get3A_161 : vector<16xi32> to vector<16xi32>
      %mul3A_163 = arith.constant 16 : i32
      %mul3A_164 = arith.muli %mul3A_158, %mul3A_163 : i32
      %add3A_165 = arith.constant 16 : i32
      %add3A_166 = arith.addi %mul3A_164, %add3A_165 : i32
      %get3A_167 = arith.index_cast %add3A_166 : i32 to index
      %get3A_168 = tpu.vector_load %arg5[%get3A_167] {strides = array<i32>} : memref<6144xi32, #tpu.memory_space<vmem>>, vector<16xi32>,
      %get3A_169 = vector.shape_cast %get3A_168 : vector<16xi32> to vector<16xi32>
      %mul3A_170 = arith.constant 16 : i32
      %mul3A_171 = arith.muli %mul3A_158, %mul3A_170 : i32
      %add3A_172 = arith.addi %mul3A_2, %mul3A_171 : i32
      %shift_right_arithmetic3A = arith.constant 7 : i32
      %shift_right_arithmetic3A_173 = arith.shrsi %add3A_172, %shift_right_arithmetic3A : i32
      %mul3A_174 = arith.constant 1024 : i32
      %mul3A_175 = arith.muli %shift_right_arithmetic3A_173, %mul3A_174 : i32
      %and3A = arith.constant 127 : i32
      %and3A_176 = arith.andi %add3A_172, %and3A : i32
      %add3A_177 = arith.addi %mul3A_175, %and3A_176 : i32
      %add3A_178 = vector.broadcast %add3A_177 : i32 to vector<16xi32>
      %add3A_179 = arith.addi %add3A_178, %iota3A : vector<16xi32>
      %add3A_180 = arith.constant 16 : i32
      %add3A_181 = arith.addi %add3A_172, %add3A_180 : i32
      %shift_right_arithmetic3A_182 = arith.constant 7 : i32
      %shift_right_arithmetic3A_183 = arith.shrsi %add3A_181, %shift_right_arithmetic3A_182 : i32
      %mul3A_184 = arith.constant 1024 : i32
      %mul3A_185 = arith.muli %shift_right_arithmetic3A_183, %mul3A_184 : i32
      %add3A_186 = arith.constant 16 : i32
      %add3A_187 = arith.addi %add3A_172, %add3A_186 : i32
      %and3A_188 = arith.constant 127 : i32
      %and3A_189 = arith.andi %add3A_187, %and3A_188 : i32
      %add3A_190 = arith.addi %mul3A_185, %and3A_189 : i32
      %add3A_191 = vector.broadcast %add3A_190 : i32 to vector<16xi32>
      %add3A_192 = arith.addi %add3A_191, %iota3A : vector<16xi32>
      %shift_left3A = arith.constant 7 : i32
      %shift_left3A_193 = vector.broadcast %shift_left3A : i32 to vector<16xi32>
      %shift_left3A_194 = arith.shli %get3A_162, %shift_left3A_193 : vector<16xi32>
      %shift_right_arithmetic3A_195 = arith.constant 3 : i32
      %shift_right_arithmetic3A_196 = vector.broadcast %shift_right_arithmetic3A_195 : i32 to vector<16xi32>
      %shift_right_arithmetic3A_197 = arith.shrsi %get3A_162, %shift_right_arithmetic3A_196 : vector<16xi32>
      %mul3A_198 = arith.constant 2096128 : i32
      %mul3A_199 = vector.broadcast %mul3A_198 : i32 to vector<16xi32>
      %mul3A_200 = arith.muli %shift_right_arithmetic3A_197, %mul3A_199 : vector<16xi32>
      %add3A_201 = arith.addi %shift_left3A_194, %mul3A_200 : vector<16xi32>
      %add3A_202 = arith.addi %add3A_201, %add3A_179 : vector<16xi32>
      %shift_left3A_203 = arith.constant 7 : i32
      %shift_left3A_204 = vector.broadcast %shift_left3A_203 : i32 to vector<16xi32>
      %shift_left3A_205 = arith.shli %get3A_169, %shift_left3A_204 : vector<16xi32>
      %shift_right_arithmetic3A_206 = arith.constant 3 : i32
      %shift_right_arithmetic3A_207 = vector.broadcast %shift_right_arithmetic3A_206 : i32 to vector<16xi32>
      %shift_right_arithmetic3A_208 = arith.shrsi %get3A_169, %shift_right_arithmetic3A_207 : vector<16xi32>
      %mul3A_209 = arith.constant 2096128 : i32
      %mul3A_210 = vector.broadcast %mul3A_209 : i32 to vector<16xi32>
      %mul3A_211 = arith.muli %shift_right_arithmetic3A_208, %mul3A_210 : vector<16xi32>
      %add3A_212 = arith.addi %shift_left3A_205, %mul3A_211 : vector<16xi32>
      %add3A_213 = arith.addi %add3A_212, %add3A_192 : vector<16xi32>
      %mul3A_214 = arith.constant 16 : i32
      %mul3A_215 = arith.muli %mul3A_158, %mul3A_214 : i32
      %swap3A_216 = arith.index_cast %mul3A_215 : i32 to index
      %swap3A_217 = tpu.vector_load %arg6[%swap3A_216] {strides = array<i32>} : memref<6144xi32, #tpu.memory_space<vmem>>, vector<16xi32>,
      %swap3A_218 = vector.shape_cast %swap3A_217 : vector<16xi32> to vector<16xi32>
      %swap3A_219 = vector.shape_cast %add3A_202 : vector<16xi32> to vector<16xi32>
      tpu.vector_store %arg6[%swap3A_216], %swap3A_219 {strides = array<i32>} : memref<6144xi32, #tpu.memory_space<vmem>>, vector<16xi32>,
      %mul3A_220 = arith.constant 16 : i32
      %mul3A_221 = arith.muli %mul3A_158, %mul3A_220 : i32
      %add3A_222 = arith.constant 16 : i32
      %add3A_223 = arith.addi %mul3A_221, %add3A_222 : i32
      %swap3A_224 = arith.index_cast %add3A_223 : i32 to index
      %swap3A_225 = tpu.vector_load %arg6[%swap3A_224] {strides = array<i32>} : memref<6144xi32, #tpu.memory_space<vmem>>, vector<16xi32>,
      %swap3A_226 = vector.shape_cast %swap3A_225 : vector<16xi32> to vector<16xi32>
      %swap3A_227 = vector.shape_cast %add3A_213 : vector<16xi32> to vector<16xi32>
      tpu.vector_store %arg6[%swap3A_224], %swap3A_227 {strides = array<i32>} : memref<6144xi32, #tpu.memory_space<vmem>>, vector<16xi32>,
      %scan3A_228 = arith.constant 1 : i32
      %scan3A_229 = arith.addi %scan3A_156, %scan3A_228 : i32
      %mul3A_230 = arith.constant 2 : i32
      %mul3A_231 = arith.muli %scan3A_229, %mul3A_230 : i32
      %mul3A_232 = arith.constant 16 : i32
      %mul3A_233 = arith.muli %mul3A_231, %mul3A_232 : i32
      %get3A_234 = arith.index_cast %mul3A_233 : i32 to index
      %get3A_235 = tpu.vector_load %arg5[%get3A_234] {strides = array<i32>} : memref<6144xi32, #tpu.memory_space<vmem>>, vector<16xi32>,
      %get3A_236 = vector.shape_cast %get3A_235 : vector<16xi32> to vector<16xi32>
      %mul3A_237 = arith.constant 16 : i32
      %mul3A_238 = arith.muli %mul3A_231, %mul3A_237 : i32
      %add3A_239 = arith.constant 16 : i32
      %add3A_240 = arith.addi %mul3A_238, %add3A_239 : i32
      %get3A_241 = arith.index_cast %add3A_240 : i32 to index
      %get3A_242 = tpu.vector_load %arg5[%get3A_241] {strides = array<i32>} : memref<6144xi32, #tpu.memory_space<vmem>>, vector<16xi32>,
      %get3A_243 = vector.shape_cast %get3A_242 : vector<16xi32> to vector<16xi32>
      %mul3A_244 = arith.constant 16 : i32
      %mul3A_245 = arith.muli %mul3A_231, %mul3A_244 : i32
      %add3A_246 = arith.addi %mul3A_2, %mul3A_245 : i32
      %shift_right_arithmetic3A_247 = arith.constant 7 : i32
      %shift_right_arithmetic3A_248 = arith.shrsi %add3A_246, %shift_right_arithmetic3A_247 : i32
      %mul3A_249 = arith.constant 1024 : i32
      %mul3A_250 = arith.muli %shift_right_arithmetic3A_248, %mul3A_249 : i32
      %and3A_251 = arith.constant 127 : i32
      %and3A_252 = arith.andi %add3A_246, %and3A_251 : i32
      %add3A_253 = arith.addi %mul3A_250, %and3A_252 : i32
      %add3A_254 = vector.broadcast %add3A_253 : i32 to vector<16xi32>
      %add3A_255 = arith.addi %add3A_254, %iota3A : vector<16xi32>
      %add3A_256 = arith.constant 16 : i32
      %add3A_257 = arith.addi %add3A_246, %add3A_256 : i32
      %shift_right_arithmetic3A_258 = arith.constant 7 : i32
      %shift_right_arithmetic3A_259 = arith.shrsi %add3A_257, %shift_right_arithmetic3A_258 : i32
      %mul3A_260 = arith.constant 1024 : i32
      %mul3A_261 = arith.muli %shift_right_arithmetic3A_259, %mul3A_260 : i32
      %add3A_262 = arith.constant 16 : i32
      %add3A_263 = arith.addi %add3A_246, %add3A_262 : i32
      %and3A_264 = arith.constant 127 : i32
      %and3A_265 = arith.andi %add3A_263, %and3A_264 : i32
      %add3A_266 = arith.addi %mul3A_261, %and3A_265 : i32
      %add3A_267 = vector.broadcast %add3A_266 : i32 to vector<16xi32>
      %add3A_268 = arith.addi %add3A_267, %iota3A : vector<16xi32>
      %shift_left3A_269 = arith.constant 7 : i32
      %shift_left3A_270 = vector.broadcast %shift_left3A_269 : i32 to vector<16xi32>
      %shift_left3A_271 = arith.shli %get3A_236, %shift_left3A_270 : vector<16xi32>
      %shift_right_arithmetic3A_272 = arith.constant 3 : i32
      %shift_right_arithmetic3A_273 = vector.broadcast %shift_right_arithmetic3A_272 : i32 to vector<16xi32>
      %shift_right_arithmetic3A_274 = arith.shrsi %get3A_236, %shift_right_arithmetic3A_273 : vector<16xi32>
      %mul3A_275 = arith.constant 2096128 : i32
      %mul3A_276 = vector.broadcast %mul3A_275 : i32 to vector<16xi32>
      %mul3A_277 = arith.muli %shift_right_arithmetic3A_274, %mul3A_276 : vector<16xi32>
      %add3A_278 = arith.addi %shift_left3A_271, %mul3A_277 : vector<16xi32>
      %add3A_279 = arith.addi %add3A_278, %add3A_255 : vector<16xi32>
      %shift_left3A_280 = arith.constant 7 : i32
      %shift_left3A_281 = vector.broadcast %shift_left3A_280 : i32 to vector<16xi32>
      %shift_left3A_282 = arith.shli %get3A_243, %shift_left3A_281 : vector<16xi32>
      %shift_right_arithmetic3A_283 = arith.constant 3 : i32
      %shift_right_arithmetic3A_284 = vector.broadcast %shift_right_arithmetic3A_283 : i32 to vector<16xi32>
      %shift_right_arithmetic3A_285 = arith.shrsi %get3A_243, %shift_right_arithmetic3A_284 : vector<16xi32>
      %mul3A_286 = arith.constant 2096128 : i32
      %mul3A_287 = vector.broadcast %mul3A_286 : i32 to vector<16xi32>
      %mul3A_288 = arith.muli %shift_right_arithmetic3A_285, %mul3A_287 : vector<16xi32>
      %add3A_289 = arith.addi %shift_left3A_282, %mul3A_288 : vector<16xi32>
      %add3A_290 = arith.addi %add3A_289, %add3A_268 : vector<16xi32>
      %mul3A_291 = arith.constant 16 : i32
      %mul3A_292 = arith.muli %mul3A_231, %mul3A_291 : i32
      %swap3A_293 = arith.index_cast %mul3A_292 : i32 to index
      %swap3A_294 = tpu.vector_load %arg6[%swap3A_293] {strides = array<i32>} : memref<6144xi32, #tpu.memory_space<vmem>>, vector<16xi32>,
      %swap3A_295 = vector.shape_cast %swap3A_294 : vector<16xi32> to vector<16xi32>
      %swap3A_296 = vector.shape_cast %add3A_279 : vector<16xi32> to vector<16xi32>
      tpu.vector_store %arg6[%swap3A_293], %swap3A_296 {strides = array<i32>} : memref<6144xi32, #tpu.memory_space<vmem>>, vector<16xi32>,
      %mul3A_297 = arith.constant 16 : i32
      %mul3A_298 = arith.muli %mul3A_231, %mul3A_297 : i32
      %add3A_299 = arith.constant 16 : i32
      %add3A_300 = arith.addi %mul3A_298, %add3A_299 : i32
      %swap3A_301 = arith.index_cast %add3A_300 : i32 to index
      %swap3A_302 = tpu.vector_load %arg6[%swap3A_301] {strides = array<i32>} : memref<6144xi32, #tpu.memory_space<vmem>>, vector<16xi32>,
      %swap3A_303 = vector.shape_cast %swap3A_302 : vector<16xi32> to vector<16xi32>
      %swap3A_304 = vector.shape_cast %add3A_290 : vector<16xi32> to vector<16xi32>
      tpu.vector_store %arg6[%swap3A_301], %swap3A_304 {strides = array<i32>} : memref<6144xi32, #tpu.memory_space<vmem>>, vector<16xi32>,
      %scan3A_305 = arith.constant 2 : i32
      %scan3A_306 = arith.addi %scan3A_156, %scan3A_305 : i32
      %mul3A_307 = arith.constant 2 : i32
      %mul3A_308 = arith.muli %scan3A_306, %mul3A_307 : i32
      %mul3A_309 = arith.constant 16 : i32
      %mul3A_310 = arith.muli %mul3A_308, %mul3A_309 : i32
      %get3A_311 = arith.index_cast %mul3A_310 : i32 to index
      %get3A_312 = tpu.vector_load %arg5[%get3A_311] {strides = array<i32>} : memref<6144xi32, #tpu.memory_space<vmem>>, vector<16xi32>,
      %get3A_313 = vector.shape_cast %get3A_312 : vector<16xi32> to vector<16xi32>
      %mul3A_314 = arith.constant 16 : i32
      %mul3A_315 = arith.muli %mul3A_308, %mul3A_314 : i32
      %add3A_316 = arith.constant 16 : i32
      %add3A_317 = arith.addi %mul3A_315, %add3A_316 : i32
      %get3A_318 = arith.index_cast %add3A_317 : i32 to index
      %get3A_319 = tpu.vector_load %arg5[%get3A_318] {strides = array<i32>} : memref<6144xi32, #tpu.memory_space<vmem>>, vector<16xi32>,
      %get3A_320 = vector.shape_cast %get3A_319 : vector<16xi32> to vector<16xi32>
      %mul3A_321 = arith.constant 16 : i32
      %mul3A_322 = arith.muli %mul3A_308, %mul3A_321 : i32
      %add3A_323 = arith.addi %mul3A_2, %mul3A_322 : i32
      %shift_right_arithmetic3A_324 = arith.constant 7 : i32
      %shift_right_arithmetic3A_325 = arith.shrsi %add3A_323, %shift_right_arithmetic3A_324 : i32
      %mul3A_326 = arith.constant 1024 : i32
      %mul3A_327 = arith.muli %shift_right_arithmetic3A_325, %mul3A_326 : i32
      %and3A_328 = arith.constant 127 : i32
      %and3A_329 = arith.andi %add3A_323, %and3A_328 : i32
      %add3A_330 = arith.addi %mul3A_327, %and3A_329 : i32
      %add3A_331 = vector.broadcast %add3A_330 : i32 to vector<16xi32>
      %add3A_332 = arith.addi %add3A_331, %iota3A : vector<16xi32>
      %add3A_333 = arith.constant 16 : i32
      %add3A_334 = arith.addi %add3A_323, %add3A_333 : i32
      %shift_right_arithmetic3A_335 = arith.constant 7 : i32
      %shift_right_arithmetic3A_336 = arith.shrsi %add3A_334, %shift_right_arithmetic3A_335 : i32
      %mul3A_337 = arith.constant 1024 : i32
      %mul3A_338 = arith.muli %shift_right_arithmetic3A_336, %mul3A_337 : i32
      %add3A_339 = arith.constant 16 : i32
      %add3A_340 = arith.addi %add3A_323, %add3A_339 : i32
      %and3A_341 = arith.constant 127 : i32
      %and3A_342 = arith.andi %add3A_340, %and3A_341 : i32
      %add3A_343 = arith.addi %mul3A_338, %and3A_342 : i32
      %add3A_344 = vector.broadcast %add3A_343 : i32 to vector<16xi32>
      %add3A_345 = arith.addi %add3A_344, %iota3A : vector<16xi32>
      %shift_left3A_346 = arith.constant 7 : i32
      %shift_left3A_347 = vector.broadcast %shift_left3A_346 : i32 to vector<16xi32>
      %shift_left3A_348 = arith.shli %get3A_313, %shift_left3A_347 : vector<16xi32>
      %shift_right_arithmetic3A_349 = arith.constant 3 : i32
      %shift_right_arithmetic3A_350 = vector.broadcast %shift_right_arithmetic3A_349 : i32 to vector<16xi32>
      %shift_right_arithmetic3A_351 = arith.shrsi %get3A_313, %shift_right_arithmetic3A_350 : vector<16xi32>
      %mul3A_352 = arith.constant 2096128 : i32
      %mul3A_353 = vector.broadcast %mul3A_352 : i32 to vector<16xi32>
      %mul3A_354 = arith.muli %shift_right_arithmetic3A_351, %mul3A_353 : vector<16xi32>
      %add3A_355 = arith.addi %shift_left3A_348, %mul3A_354 : vector<16xi32>
      %add3A_356 = arith.addi %add3A_355, %add3A_332 : vector<16xi32>
      %shift_left3A_357 = arith.constant 7 : i32
      %shift_left3A_358 = vector.broadcast %shift_left3A_357 : i32 to vector<16xi32>
      %shift_left3A_359 = arith.shli %get3A_320, %shift_left3A_358 : vector<16xi32>
      %shift_right_arithmetic3A_360 = arith.constant 3 : i32
      %shift_right_arithmetic3A_361 = vector.broadcast %shift_right_arithmetic3A_360 : i32 to vector<16xi32>
      %shift_right_arithmetic3A_362 = arith.shrsi %get3A_320, %shift_right_arithmetic3A_361 : vector<16xi32>
      %mul3A_363 = arith.constant 2096128 : i32
      %mul3A_364 = vector.broadcast %mul3A_363 : i32 to vector<16xi32>
      %mul3A_365 = arith.muli %shift_right_arithmetic3A_362, %mul3A_364 : vector<16xi32>
      %add3A_366 = arith.addi %shift_left3A_359, %mul3A_365 : vector<16xi32>
      %add3A_367 = arith.addi %add3A_366, %add3A_345 : vector<16xi32>
      %mul3A_368 = arith.constant 16 : i32
      %mul3A_369 = arith.muli %mul3A_308, %mul3A_368 : i32
      %swap3A_370 = arith.index_cast %mul3A_369 : i32 to index
      %swap3A_371 = tpu.vector_load %arg6[%swap3A_370] {strides = array<i32>} : memref<6144xi32, #tpu.memory_space<vmem>>, vector<16xi32>,
      %swap3A_372 = vector.shape_cast %swap3A_371 : vector<16xi32> to vector<16xi32>
      %swap3A_373 = vector.shape_cast %add3A_356 : vector<16xi32> to vector<16xi32>
      tpu.vector_store %arg6[%swap3A_370], %swap3A_373 {strides = array<i32>} : memref<6144xi32, #tpu.memory_space<vmem>>, vector<16xi32>,
      %mul3A_374 = arith.constant 16 : i32
      %mul3A_375 = arith.muli %mul3A_308, %mul3A_374 : i32
      %add3A_376 = arith.constant 16 : i32
      %add3A_377 = arith.addi %mul3A_375, %add3A_376 : i32
      %swap3A_378 = arith.index_cast %add3A_377 : i32 to index
      %swap3A_379 = tpu.vector_load %arg6[%swap3A_378] {strides = array<i32>} : memref<6144xi32, #tpu.memory_space<vmem>>, vector<16xi32>,
      %swap3A_380 = vector.shape_cast %swap3A_379 : vector<16xi32> to vector<16xi32>
      %swap3A_381 = vector.shape_cast %add3A_367 : vector<16xi32> to vector<16xi32>
      tpu.vector_store %arg6[%swap3A_378], %swap3A_381 {strides = array<i32>} : memref<6144xi32, #tpu.memory_space<vmem>>, vector<16xi32>,
      %scan3A_382 = arith.constant 3 : i32
      %scan3A_383 = arith.addi %scan3A_156, %scan3A_382 : i32
      %mul3A_384 = arith.constant 2 : i32
      %mul3A_385 = arith.muli %scan3A_383, %mul3A_384 : i32
      %mul3A_386 = arith.constant 16 : i32
      %mul3A_387 = arith.muli %mul3A_385, %mul3A_386 : i32
      %get3A_388 = arith.index_cast %mul3A_387 : i32 to index
      %get3A_389 = tpu.vector_load %arg5[%get3A_388] {strides = array<i32>} : memref<6144xi32, #tpu.memory_space<vmem>>, vector<16xi32>,
      %get3A_390 = vector.shape_cast %get3A_389 : vector<16xi32> to vector<16xi32>
      %mul3A_391 = arith.constant 16 : i32
      %mul3A_392 = arith.muli %mul3A_385, %mul3A_391 : i32
      %add3A_393 = arith.constant 16 : i32
      %add3A_394 = arith.addi %mul3A_392, %add3A_393 : i32
      %get3A_395 = arith.index_cast %add3A_394 : i32 to index
      %get3A_396 = tpu.vector_load %arg5[%get3A_395] {strides = array<i32>} : memref<6144xi32, #tpu.memory_space<vmem>>, vector<16xi32>,
      %get3A_397 = vector.shape_cast %get3A_396 : vector<16xi32> to vector<16xi32>
      %mul3A_398 = arith.constant 16 : i32
      %mul3A_399 = arith.muli %mul3A_385, %mul3A_398 : i32
      %add3A_400 = arith.addi %mul3A_2, %mul3A_399 : i32
      %shift_right_arithmetic3A_401 = arith.constant 7 : i32
      %shift_right_arithmetic3A_402 = arith.shrsi %add3A_400, %shift_right_arithmetic3A_401 : i32
      %mul3A_403 = arith.constant 1024 : i32
      %mul3A_404 = arith.muli %shift_right_arithmetic3A_402, %mul3A_403 : i32
      %and3A_405 = arith.constant 127 : i32
      %and3A_406 = arith.andi %add3A_400, %and3A_405 : i32
      %add3A_407 = arith.addi %mul3A_404, %and3A_406 : i32
      %add3A_408 = vector.broadcast %add3A_407 : i32 to vector<16xi32>
      %add3A_409 = arith.addi %add3A_408, %iota3A : vector<16xi32>
      %add3A_410 = arith.constant 16 : i32
      %add3A_411 = arith.addi %add3A_400, %add3A_410 : i32
      %shift_right_arithmetic3A_412 = arith.constant 7 : i32
      %shift_right_arithmetic3A_413 = arith.shrsi %add3A_411, %shift_right_arithmetic3A_412 : i32
      %mul3A_414 = arith.constant 1024 : i32
      %mul3A_415 = arith.muli %shift_right_arithmetic3A_413, %mul3A_414 : i32
      %add3A_416 = arith.constant 16 : i32
      %add3A_417 = arith.addi %add3A_400, %add3A_416 : i32
      %and3A_418 = arith.constant 127 : i32
      %and3A_419 = arith.andi %add3A_417, %and3A_418 : i32
      %add3A_420 = arith.addi %mul3A_415, %and3A_419 : i32
      %add3A_421 = vector.broadcast %add3A_420 : i32 to vector<16xi32>
      %add3A_422 = arith.addi %add3A_421, %iota3A : vector<16xi32>
      %shift_left3A_423 = arith.constant 7 : i32
      %shift_left3A_424 = vector.broadcast %shift_left3A_423 : i32 to vector<16xi32>
      %shift_left3A_425 = arith.shli %get3A_390, %shift_left3A_424 : vector<16xi32>
      %shift_right_arithmetic3A_426 = arith.constant 3 : i32
      %shift_right_arithmetic3A_427 = vector.broadcast %shift_right_arithmetic3A_426 : i32 to vector<16xi32>
      %shift_right_arithmetic3A_428 = arith.shrsi %get3A_390, %shift_right_arithmetic3A_427 : vector<16xi32>
      %mul3A_429 = arith.constant 2096128 : i32
      %mul3A_430 = vector.broadcast %mul3A_429 : i32 to vector<16xi32>
      %mul3A_431 = arith.muli %shift_right_arithmetic3A_428, %mul3A_430 : vector<16xi32>
      %add3A_432 = arith.addi %shift_left3A_425, %mul3A_431 : vector<16xi32>
      %add3A_433 = arith.addi %add3A_432, %add3A_409 : vector<16xi32>
      %shift_left3A_434 = arith.constant 7 : i32
      %shift_left3A_435 = vector.broadcast %shift_left3A_434 : i32 to vector<16xi32>
      %shift_left3A_436 = arith.shli %get3A_397, %shift_left3A_435 : vector<16xi32>
      %shift_right_arithmetic3A_437 = arith.constant 3 : i32
      %shift_right_arithmetic3A_438 = vector.broadcast %shift_right_arithmetic3A_437 : i32 to vector<16xi32>
      %shift_right_arithmetic3A_439 = arith.shrsi %get3A_397, %shift_right_arithmetic3A_438 : vector<16xi32>
      %mul3A_440 = arith.constant 2096128 : i32
      %mul3A_441 = vector.broadcast %mul3A_440 : i32 to vector<16xi32>
      %mul3A_442 = arith.muli %shift_right_arithmetic3A_439, %mul3A_441 : vector<16xi32>
      %add3A_443 = arith.addi %shift_left3A_436, %mul3A_442 : vector<16xi32>
      %add3A_444 = arith.addi %add3A_443, %add3A_422 : vector<16xi32>
      %mul3A_445 = arith.constant 16 : i32
      %mul3A_446 = arith.muli %mul3A_385, %mul3A_445 : i32
      %swap3A_447 = arith.index_cast %mul3A_446 : i32 to index
      %swap3A_448 = tpu.vector_load %arg6[%swap3A_447] {strides = array<i32>} : memref<6144xi32, #tpu.memory_space<vmem>>, vector<16xi32>,
      %swap3A_449 = vector.shape_cast %swap3A_448 : vector<16xi32> to vector<16xi32>
      %swap3A_450 = vector.shape_cast %add3A_433 : vector<16xi32> to vector<16xi32>
      tpu.vector_store %arg6[%swap3A_447], %swap3A_450 {strides = array<i32>} : memref<6144xi32, #tpu.memory_space<vmem>>, vector<16xi32>,
      %mul3A_451 = arith.constant 16 : i32
      %mul3A_452 = arith.muli %mul3A_385, %mul3A_451 : i32
      %add3A_453 = arith.constant 16 : i32
      %add3A_454 = arith.addi %mul3A_452, %add3A_453 : i32
      %swap3A_455 = arith.index_cast %add3A_454 : i32 to index
      %swap3A_456 = tpu.vector_load %arg6[%swap3A_455] {strides = array<i32>} : memref<6144xi32, #tpu.memory_space<vmem>>, vector<16xi32>,
      %swap3A_457 = vector.shape_cast %swap3A_456 : vector<16xi32> to vector<16xi32>
      %swap3A_458 = vector.shape_cast %add3A_444 : vector<16xi32> to vector<16xi32>
      tpu.vector_store %arg6[%swap3A_455], %swap3A_458 {strides = array<i32>} : memref<6144xi32, #tpu.memory_space<vmem>>, vector<16xi32>,
      %scan3A_459 = arith.constant 4 : i32
      %scan3A_460 = arith.addi %scan3A_156, %scan3A_459 : i32
      %mul3A_461 = arith.constant 2 : i32
      %mul3A_462 = arith.muli %scan3A_460, %mul3A_461 : i32
      %mul3A_463 = arith.constant 16 : i32
      %mul3A_464 = arith.muli %mul3A_462, %mul3A_463 : i32
      %get3A_465 = arith.index_cast %mul3A_464 : i32 to index
      %get3A_466 = tpu.vector_load %arg5[%get3A_465] {strides = array<i32>} : memref<6144xi32, #tpu.memory_space<vmem>>, vector<16xi32>,
      %get3A_467 = vector.shape_cast %get3A_466 : vector<16xi32> to vector<16xi32>
      %mul3A_468 = arith.constant 16 : i32
      %mul3A_469 = arith.muli %mul3A_462, %mul3A_468 : i32
      %add3A_470 = arith.constant 16 : i32
      %add3A_471 = arith.addi %mul3A_469, %add3A_470 : i32
      %get3A_472 = arith.index_cast %add3A_471 : i32 to index
      %get3A_473 = tpu.vector_load %arg5[%get3A_472] {strides = array<i32>} : memref<6144xi32, #tpu.memory_space<vmem>>, vector<16xi32>,
      %get3A_474 = vector.shape_cast %get3A_473 : vector<16xi32> to vector<16xi32>
      %mul3A_475 = arith.constant 16 : i32
      %mul3A_476 = arith.muli %mul3A_462, %mul3A_475 : i32
      %add3A_477 = arith.addi %mul3A_2, %mul3A_476 : i32
      %shift_right_arithmetic3A_478 = arith.constant 7 : i32
      %shift_right_arithmetic3A_479 = arith.shrsi %add3A_477, %shift_right_arithmetic3A_478 : i32
      %mul3A_480 = arith.constant 1024 : i32
      %mul3A_481 = arith.muli %shift_right_arithmetic3A_479, %mul3A_480 : i32
      %and3A_482 = arith.constant 127 : i32
      %and3A_483 = arith.andi %add3A_477, %and3A_482 : i32
      %add3A_484 = arith.addi %mul3A_481, %and3A_483 : i32
      %add3A_485 = vector.broadcast %add3A_484 : i32 to vector<16xi32>
      %add3A_486 = arith.addi %add3A_485, %iota3A : vector<16xi32>
      %add3A_487 = arith.constant 16 : i32
      %add3A_488 = arith.addi %add3A_477, %add3A_487 : i32
      %shift_right_arithmetic3A_489 = arith.constant 7 : i32
      %shift_right_arithmetic3A_490 = arith.shrsi %add3A_488, %shift_right_arithmetic3A_489 : i32
      %mul3A_491 = arith.constant 1024 : i32
      %mul3A_492 = arith.muli %shift_right_arithmetic3A_490, %mul3A_491 : i32
      %add3A_493 = arith.constant 16 : i32
      %add3A_494 = arith.addi %add3A_477, %add3A_493 : i32
      %and3A_495 = arith.constant 127 : i32
      %and3A_496 = arith.andi %add3A_494, %and3A_495 : i32
      %add3A_497 = arith.addi %mul3A_492, %and3A_496 : i32
      %add3A_498 = vector.broadcast %add3A_497 : i32 to vector<16xi32>
      %add3A_499 = arith.addi %add3A_498, %iota3A : vector<16xi32>
      %shift_left3A_500 = arith.constant 7 : i32
      %shift_left3A_501 = vector.broadcast %shift_left3A_500 : i32 to vector<16xi32>
      %shift_left3A_502 = arith.shli %get3A_467, %shift_left3A_501 : vector<16xi32>
      %shift_right_arithmetic3A_503 = arith.constant 3 : i32
      %shift_right_arithmetic3A_504 = vector.broadcast %shift_right_arithmetic3A_503 : i32 to vector<16xi32>
      %shift_right_arithmetic3A_505 = arith.shrsi %get3A_467, %shift_right_arithmetic3A_504 : vector<16xi32>
      %mul3A_506 = arith.constant 2096128 : i32
      %mul3A_507 = vector.broadcast %mul3A_506 : i32 to vector<16xi32>
      %mul3A_508 = arith.muli %shift_right_arithmetic3A_505, %mul3A_507 : vector<16xi32>
      %add3A_509 = arith.addi %shift_left3A_502, %mul3A_508 : vector<16xi32>
      %add3A_510 = arith.addi %add3A_509, %add3A_486 : vector<16xi32>
      %shift_left3A_511 = arith.constant 7 : i32
      %shift_left3A_512 = vector.broadcast %shift_left3A_511 : i32 to vector<16xi32>
      %shift_left3A_513 = arith.shli %get3A_474, %shift_left3A_512 : vector<16xi32>
      %shift_right_arithmetic3A_514 = arith.constant 3 : i32
      %shift_right_arithmetic3A_515 = vector.broadcast %shift_right_arithmetic3A_514 : i32 to vector<16xi32>
      %shift_right_arithmetic3A_516 = arith.shrsi %get3A_474, %shift_right_arithmetic3A_515 : vector<16xi32>
      %mul3A_517 = arith.constant 2096128 : i32
      %mul3A_518 = vector.broadcast %mul3A_517 : i32 to vector<16xi32>
      %mul3A_519 = arith.muli %shift_right_arithmetic3A_516, %mul3A_518 : vector<16xi32>
      %add3A_520 = arith.addi %shift_left3A_513, %mul3A_519 : vector<16xi32>
      %add3A_521 = arith.addi %add3A_520, %add3A_499 : vector<16xi32>
      %mul3A_522 = arith.constant 16 : i32
      %mul3A_523 = arith.muli %mul3A_462, %mul3A_522 : i32
      %swap3A_524 = arith.index_cast %mul3A_523 : i32 to index
      %swap3A_525 = tpu.vector_load %arg6[%swap3A_524] {strides = array<i32>} : memref<6144xi32, #tpu.memory_space<vmem>>, vector<16xi32>,
      %swap3A_526 = vector.shape_cast %swap3A_525 : vector<16xi32> to vector<16xi32>
      %swap3A_527 = vector.shape_cast %add3A_510 : vector<16xi32> to vector<16xi32>
      tpu.vector_store %arg6[%swap3A_524], %swap3A_527 {strides = array<i32>} : memref<6144xi32, #tpu.memory_space<vmem>>, vector<16xi32>,
      %mul3A_528 = arith.constant 16 : i32
      %mul3A_529 = arith.muli %mul3A_462, %mul3A_528 : i32
      %add3A_530 = arith.constant 16 : i32
      %add3A_531 = arith.addi %mul3A_529, %add3A_530 : i32
      %swap3A_532 = arith.index_cast %add3A_531 : i32 to index
      %swap3A_533 = tpu.vector_load %arg6[%swap3A_532] {strides = array<i32>} : memref<6144xi32, #tpu.memory_space<vmem>>, vector<16xi32>,
      %swap3A_534 = vector.shape_cast %swap3A_533 : vector<16xi32> to vector<16xi32>
      %swap3A_535 = vector.shape_cast %add3A_521 : vector<16xi32> to vector<16xi32>
      tpu.vector_store %arg6[%swap3A_532], %swap3A_535 {strides = array<i32>} : memref<6144xi32, #tpu.memory_space<vmem>>, vector<16xi32>,
      %scan3A_536 = arith.constant 5 : i32
      %scan3A_537 = arith.addi %scan3A_156, %scan3A_536 : i32
      %mul3A_538 = arith.constant 2 : i32
      %mul3A_539 = arith.muli %scan3A_537, %mul3A_538 : i32
      %mul3A_540 = arith.constant 16 : i32
      %mul3A_541 = arith.muli %mul3A_539, %mul3A_540 : i32
      %get3A_542 = arith.index_cast %mul3A_541 : i32 to index
      %get3A_543 = tpu.vector_load %arg5[%get3A_542] {strides = array<i32>} : memref<6144xi32, #tpu.memory_space<vmem>>, vector<16xi32>,
      %get3A_544 = vector.shape_cast %get3A_543 : vector<16xi32> to vector<16xi32>
      %mul3A_545 = arith.constant 16 : i32
      %mul3A_546 = arith.muli %mul3A_539, %mul3A_545 : i32
      %add3A_547 = arith.constant 16 : i32
      %add3A_548 = arith.addi %mul3A_546, %add3A_547 : i32
      %get3A_549 = arith.index_cast %add3A_548 : i32 to index
      %get3A_550 = tpu.vector_load %arg5[%get3A_549] {strides = array<i32>} : memref<6144xi32, #tpu.memory_space<vmem>>, vector<16xi32>,
      %get3A_551 = vector.shape_cast %get3A_550 : vector<16xi32> to vector<16xi32>
      %mul3A_552 = arith.constant 16 : i32
      %mul3A_553 = arith.muli %mul3A_539, %mul3A_552 : i32
      %add3A_554 = arith.addi %mul3A_2, %mul3A_553 : i32
      %shift_right_arithmetic3A_555 = arith.constant 7 : i32
      %shift_right_arithmetic3A_556 = arith.shrsi %add3A_554, %shift_right_arithmetic3A_555 : i32
      %mul3A_557 = arith.constant 1024 : i32
      %mul3A_558 = arith.muli %shift_right_arithmetic3A_556, %mul3A_557 : i32
      %and3A_559 = arith.constant 127 : i32
      %and3A_560 = arith.andi %add3A_554, %and3A_559 : i32
      %add3A_561 = arith.addi %mul3A_558, %and3A_560 : i32
      %add3A_562 = vector.broadcast %add3A_561 : i32 to vector<16xi32>
      %add3A_563 = arith.addi %add3A_562, %iota3A : vector<16xi32>
      %add3A_564 = arith.constant 16 : i32
      %add3A_565 = arith.addi %add3A_554, %add3A_564 : i32
      %shift_right_arithmetic3A_566 = arith.constant 7 : i32
      %shift_right_arithmetic3A_567 = arith.shrsi %add3A_565, %shift_right_arithmetic3A_566 : i32
      %mul3A_568 = arith.constant 1024 : i32
      %mul3A_569 = arith.muli %shift_right_arithmetic3A_567, %mul3A_568 : i32
      %add3A_570 = arith.constant 16 : i32
      %add3A_571 = arith.addi %add3A_554, %add3A_570 : i32
      %and3A_572 = arith.constant 127 : i32
      %and3A_573 = arith.andi %add3A_571, %and3A_572 : i32
      %add3A_574 = arith.addi %mul3A_569, %and3A_573 : i32
      %add3A_575 = vector.broadcast %add3A_574 : i32 to vector<16xi32>
      %add3A_576 = arith.addi %add3A_575, %iota3A : vector<16xi32>
      %shift_left3A_577 = arith.constant 7 : i32
      %shift_left3A_578 = vector.broadcast %shift_left3A_577 : i32 to vector<16xi32>
      %shift_left3A_579 = arith.shli %get3A_544, %shift_left3A_578 : vector<16xi32>
      %shift_right_arithmetic3A_580 = arith.constant 3 : i32
      %shift_right_arithmetic3A_581 = vector.broadcast %shift_right_arithmetic3A_580 : i32 to vector<16xi32>
      %shift_right_arithmetic3A_582 = arith.shrsi %get3A_544, %shift_right_arithmetic3A_581 : vector<16xi32>
      %mul3A_583 = arith.constant 2096128 : i32
      %mul3A_584 = vector.broadcast %mul3A_583 : i32 to vector<16xi32>
      %mul3A_585 = arith.muli %shift_right_arithmetic3A_582, %mul3A_584 : vector<16xi32>
      %add3A_586 = arith.addi %shift_left3A_579, %mul3A_585 : vector<16xi32>
      %add3A_587 = arith.addi %add3A_586, %add3A_563 : vector<16xi32>
      %shift_left3A_588 = arith.constant 7 : i32
      %shift_left3A_589 = vector.broadcast %shift_left3A_588 : i32 to vector<16xi32>
      %shift_left3A_590 = arith.shli %get3A_551, %shift_left3A_589 : vector<16xi32>
      %shift_right_arithmetic3A_591 = arith.constant 3 : i32
      %shift_right_arithmetic3A_592 = vector.broadcast %shift_right_arithmetic3A_591 : i32 to vector<16xi32>
      %shift_right_arithmetic3A_593 = arith.shrsi %get3A_551, %shift_right_arithmetic3A_592 : vector<16xi32>
      %mul3A_594 = arith.constant 2096128 : i32
      %mul3A_595 = vector.broadcast %mul3A_594 : i32 to vector<16xi32>
      %mul3A_596 = arith.muli %shift_right_arithmetic3A_593, %mul3A_595 : vector<16xi32>
      %add3A_597 = arith.addi %shift_left3A_590, %mul3A_596 : vector<16xi32>
      %add3A_598 = arith.addi %add3A_597, %add3A_576 : vector<16xi32>
      %mul3A_599 = arith.constant 16 : i32
      %mul3A_600 = arith.muli %mul3A_539, %mul3A_599 : i32
      %swap3A_601 = arith.index_cast %mul3A_600 : i32 to index
      %swap3A_602 = tpu.vector_load %arg6[%swap3A_601] {strides = array<i32>} : memref<6144xi32, #tpu.memory_space<vmem>>, vector<16xi32>,
      %swap3A_603 = vector.shape_cast %swap3A_602 : vector<16xi32> to vector<16xi32>
      %swap3A_604 = vector.shape_cast %add3A_587 : vector<16xi32> to vector<16xi32>
      tpu.vector_store %arg6[%swap3A_601], %swap3A_604 {strides = array<i32>} : memref<6144xi32, #tpu.memory_space<vmem>>, vector<16xi32>,
      %mul3A_605 = arith.constant 16 : i32
      %mul3A_606 = arith.muli %mul3A_539, %mul3A_605 : i32
      %add3A_607 = arith.constant 16 : i32
      %add3A_608 = arith.addi %mul3A_606, %add3A_607 : i32
      %swap3A_609 = arith.index_cast %add3A_608 : i32 to index
      %swap3A_610 = tpu.vector_load %arg6[%swap3A_609] {strides = array<i32>} : memref<6144xi32, #tpu.memory_space<vmem>>, vector<16xi32>,
      %swap3A_611 = vector.shape_cast %swap3A_610 : vector<16xi32> to vector<16xi32>
      %swap3A_612 = vector.shape_cast %add3A_598 : vector<16xi32> to vector<16xi32>
      tpu.vector_store %arg6[%swap3A_609], %swap3A_612 {strides = array<i32>} : memref<6144xi32, #tpu.memory_space<vmem>>, vector<16xi32>,
      %scan3A_613 = arith.constant 6 : i32
      %scan3A_614 = arith.addi %scan3A_156, %scan3A_613 : i32
      %mul3A_615 = arith.constant 2 : i32
      %mul3A_616 = arith.muli %scan3A_614, %mul3A_615 : i32
      %mul3A_617 = arith.constant 16 : i32
      %mul3A_618 = arith.muli %mul3A_616, %mul3A_617 : i32
      %get3A_619 = arith.index_cast %mul3A_618 : i32 to index
      %get3A_620 = tpu.vector_load %arg5[%get3A_619] {strides = array<i32>} : memref<6144xi32, #tpu.memory_space<vmem>>, vector<16xi32>,
      %get3A_621 = vector.shape_cast %get3A_620 : vector<16xi32> to vector<16xi32>
      %mul3A_622 = arith.constant 16 : i32
      %mul3A_623 = arith.muli %mul3A_616, %mul3A_622 : i32
      %add3A_624 = arith.constant 16 : i32
      %add3A_625 = arith.addi %mul3A_623, %add3A_624 : i32
      %get3A_626 = arith.index_cast %add3A_625 : i32 to index
      %get3A_627 = tpu.vector_load %arg5[%get3A_626] {strides = array<i32>} : memref<6144xi32, #tpu.memory_space<vmem>>, vector<16xi32>,
      %get3A_628 = vector.shape_cast %get3A_627 : vector<16xi32> to vector<16xi32>
      %mul3A_629 = arith.constant 16 : i32
      %mul3A_630 = arith.muli %mul3A_616, %mul3A_629 : i32
      %add3A_631 = arith.addi %mul3A_2, %mul3A_630 : i32
      %shift_right_arithmetic3A_632 = arith.constant 7 : i32
      %shift_right_arithmetic3A_633 = arith.shrsi %add3A_631, %shift_right_arithmetic3A_632 : i32
      %mul3A_634 = arith.constant 1024 : i32
      %mul3A_635 = arith.muli %shift_right_arithmetic3A_633, %mul3A_634 : i32
      %and3A_636 = arith.constant 127 : i32
      %and3A_637 = arith.andi %add3A_631, %and3A_636 : i32
      %add3A_638 = arith.addi %mul3A_635, %and3A_637 : i32
      %add3A_639 = vector.broadcast %add3A_638 : i32 to vector<16xi32>
      %add3A_640 = arith.addi %add3A_639, %iota3A : vector<16xi32>
      %add3A_641 = arith.constant 16 : i32
      %add3A_642 = arith.addi %add3A_631, %add3A_641 : i32
      %shift_right_arithmetic3A_643 = arith.constant 7 : i32
      %shift_right_arithmetic3A_644 = arith.shrsi %add3A_642, %shift_right_arithmetic3A_643 : i32
      %mul3A_645 = arith.constant 1024 : i32
      %mul3A_646 = arith.muli %shift_right_arithmetic3A_644, %mul3A_645 : i32
      %add3A_647 = arith.constant 16 : i32
      %add3A_648 = arith.addi %add3A_631, %add3A_647 : i32
      %and3A_649 = arith.constant 127 : i32
      %and3A_650 = arith.andi %add3A_648, %and3A_649 : i32
      %add3A_651 = arith.addi %mul3A_646, %and3A_650 : i32
      %add3A_652 = vector.broadcast %add3A_651 : i32 to vector<16xi32>
      %add3A_653 = arith.addi %add3A_652, %iota3A : vector<16xi32>
      %shift_left3A_654 = arith.constant 7 : i32
      %shift_left3A_655 = vector.broadcast %shift_left3A_654 : i32 to vector<16xi32>
      %shift_left3A_656 = arith.shli %get3A_621, %shift_left3A_655 : vector<16xi32>
      %shift_right_arithmetic3A_657 = arith.constant 3 : i32
      %shift_right_arithmetic3A_658 = vector.broadcast %shift_right_arithmetic3A_657 : i32 to vector<16xi32>
      %shift_right_arithmetic3A_659 = arith.shrsi %get3A_621, %shift_right_arithmetic3A_658 : vector<16xi32>
      %mul3A_660 = arith.constant 2096128 : i32
      %mul3A_661 = vector.broadcast %mul3A_660 : i32 to vector<16xi32>
      %mul3A_662 = arith.muli %shift_right_arithmetic3A_659, %mul3A_661 : vector<16xi32>
      %add3A_663 = arith.addi %shift_left3A_656, %mul3A_662 : vector<16xi32>
      %add3A_664 = arith.addi %add3A_663, %add3A_640 : vector<16xi32>
      %shift_left3A_665 = arith.constant 7 : i32
      %shift_left3A_666 = vector.broadcast %shift_left3A_665 : i32 to vector<16xi32>
      %shift_left3A_667 = arith.shli %get3A_628, %shift_left3A_666 : vector<16xi32>
      %shift_right_arithmetic3A_668 = arith.constant 3 : i32
      %shift_right_arithmetic3A_669 = vector.broadcast %shift_right_arithmetic3A_668 : i32 to vector<16xi32>
      %shift_right_arithmetic3A_670 = arith.shrsi %get3A_628, %shift_right_arithmetic3A_669 : vector<16xi32>
      %mul3A_671 = arith.constant 2096128 : i32
      %mul3A_672 = vector.broadcast %mul3A_671 : i32 to vector<16xi32>
      %mul3A_673 = arith.muli %shift_right_arithmetic3A_670, %mul3A_672 : vector<16xi32>
      %add3A_674 = arith.addi %shift_left3A_667, %mul3A_673 : vector<16xi32>
      %add3A_675 = arith.addi %add3A_674, %add3A_653 : vector<16xi32>
      %mul3A_676 = arith.constant 16 : i32
      %mul3A_677 = arith.muli %mul3A_616, %mul3A_676 : i32
      %swap3A_678 = arith.index_cast %mul3A_677 : i32 to index
      %swap3A_679 = tpu.vector_load %arg6[%swap3A_678] {strides = array<i32>} : memref<6144xi32, #tpu.memory_space<vmem>>, vector<16xi32>,
      %swap3A_680 = vector.shape_cast %swap3A_679 : vector<16xi32> to vector<16xi32>
      %swap3A_681 = vector.shape_cast %add3A_664 : vector<16xi32> to vector<16xi32>
      tpu.vector_store %arg6[%swap3A_678], %swap3A_681 {strides = array<i32>} : memref<6144xi32, #tpu.memory_space<vmem>>, vector<16xi32>,
      %mul3A_682 = arith.constant 16 : i32
      %mul3A_683 = arith.muli %mul3A_616, %mul3A_682 : i32
      %add3A_684 = arith.constant 16 : i32
      %add3A_685 = arith.addi %mul3A_683, %add3A_684 : i32
      %swap3A_686 = arith.index_cast %add3A_685 : i32 to index
      %swap3A_687 = tpu.vector_load %arg6[%swap3A_686] {strides = array<i32>} : memref<6144xi32, #tpu.memory_space<vmem>>, vector<16xi32>,
      %swap3A_688 = vector.shape_cast %swap3A_687 : vector<16xi32> to vector<16xi32>
      %swap3A_689 = vector.shape_cast %add3A_675 : vector<16xi32> to vector<16xi32>
      tpu.vector_store %arg6[%swap3A_686], %swap3A_689 {strides = array<i32>} : memref<6144xi32, #tpu.memory_space<vmem>>, vector<16xi32>,
      %scan3A_690 = arith.constant 7 : i32
      %scan3A_691 = arith.addi %scan3A_156, %scan3A_690 : i32
      %mul3A_692 = arith.constant 2 : i32
      %mul3A_693 = arith.muli %scan3A_691, %mul3A_692 : i32
      %mul3A_694 = arith.constant 16 : i32
      %mul3A_695 = arith.muli %mul3A_693, %mul3A_694 : i32
      %get3A_696 = arith.index_cast %mul3A_695 : i32 to index
      %get3A_697 = tpu.vector_load %arg5[%get3A_696] {strides = array<i32>} : memref<6144xi32, #tpu.memory_space<vmem>>, vector<16xi32>,
      %get3A_698 = vector.shape_cast %get3A_697 : vector<16xi32> to vector<16xi32>
      %mul3A_699 = arith.constant 16 : i32
      %mul3A_700 = arith.muli %mul3A_693, %mul3A_699 : i32
      %add3A_701 = arith.constant 16 : i32
      %add3A_702 = arith.addi %mul3A_700, %add3A_701 : i32
      %get3A_703 = arith.index_cast %add3A_702 : i32 to index
      %get3A_704 = tpu.vector_load %arg5[%get3A_703] {strides = array<i32>} : memref<6144xi32, #tpu.memory_space<vmem>>, vector<16xi32>,
      %get3A_705 = vector.shape_cast %get3A_704 : vector<16xi32> to vector<16xi32>
      %mul3A_706 = arith.constant 16 : i32
      %mul3A_707 = arith.muli %mul3A_693, %mul3A_706 : i32
      %add3A_708 = arith.addi %mul3A_2, %mul3A_707 : i32
      %shift_right_arithmetic3A_709 = arith.constant 7 : i32
      %shift_right_arithmetic3A_710 = arith.shrsi %add3A_708, %shift_right_arithmetic3A_709 : i32
      %mul3A_711 = arith.constant 1024 : i32
      %mul3A_712 = arith.muli %shift_right_arithmetic3A_710, %mul3A_711 : i32
      %and3A_713 = arith.constant 127 : i32
      %and3A_714 = arith.andi %add3A_708, %and3A_713 : i32
      %add3A_715 = arith.addi %mul3A_712, %and3A_714 : i32
      %add3A_716 = vector.broadcast %add3A_715 : i32 to vector<16xi32>
      %add3A_717 = arith.addi %add3A_716, %iota3A : vector<16xi32>
      %add3A_718 = arith.constant 16 : i32
      %add3A_719 = arith.addi %add3A_708, %add3A_718 : i32
      %shift_right_arithmetic3A_720 = arith.constant 7 : i32
      %shift_right_arithmetic3A_721 = arith.shrsi %add3A_719, %shift_right_arithmetic3A_720 : i32
      %mul3A_722 = arith.constant 1024 : i32
      %mul3A_723 = arith.muli %shift_right_arithmetic3A_721, %mul3A_722 : i32
      %add3A_724 = arith.constant 16 : i32
      %add3A_725 = arith.addi %add3A_708, %add3A_724 : i32
      %and3A_726 = arith.constant 127 : i32
      %and3A_727 = arith.andi %add3A_725, %and3A_726 : i32
      %add3A_728 = arith.addi %mul3A_723, %and3A_727 : i32
      %add3A_729 = vector.broadcast %add3A_728 : i32 to vector<16xi32>
      %add3A_730 = arith.addi %add3A_729, %iota3A : vector<16xi32>
      %shift_left3A_731 = arith.constant 7 : i32
      %shift_left3A_732 = vector.broadcast %shift_left3A_731 : i32 to vector<16xi32>
      %shift_left3A_733 = arith.shli %get3A_698, %shift_left3A_732 : vector<16xi32>
      %shift_right_arithmetic3A_734 = arith.constant 3 : i32
      %shift_right_arithmetic3A_735 = vector.broadcast %shift_right_arithmetic3A_734 : i32 to vector<16xi32>
      %shift_right_arithmetic3A_736 = arith.shrsi %get3A_698, %shift_right_arithmetic3A_735 : vector<16xi32>
      %mul3A_737 = arith.constant 2096128 : i32
      %mul3A_738 = vector.broadcast %mul3A_737 : i32 to vector<16xi32>
      %mul3A_739 = arith.muli %shift_right_arithmetic3A_736, %mul3A_738 : vector<16xi32>
      %add3A_740 = arith.addi %shift_left3A_733, %mul3A_739 : vector<16xi32>
      %add3A_741 = arith.addi %add3A_740, %add3A_717 : vector<16xi32>
      %shift_left3A_742 = arith.constant 7 : i32
      %shift_left3A_743 = vector.broadcast %shift_left3A_742 : i32 to vector<16xi32>
      %shift_left3A_744 = arith.shli %get3A_705, %shift_left3A_743 : vector<16xi32>
      %shift_right_arithmetic3A_745 = arith.constant 3 : i32
      %shift_right_arithmetic3A_746 = vector.broadcast %shift_right_arithmetic3A_745 : i32 to vector<16xi32>
      %shift_right_arithmetic3A_747 = arith.shrsi %get3A_705, %shift_right_arithmetic3A_746 : vector<16xi32>
      %mul3A_748 = arith.constant 2096128 : i32
      %mul3A_749 = vector.broadcast %mul3A_748 : i32 to vector<16xi32>
      %mul3A_750 = arith.muli %shift_right_arithmetic3A_747, %mul3A_749 : vector<16xi32>
      %add3A_751 = arith.addi %shift_left3A_744, %mul3A_750 : vector<16xi32>
      %add3A_752 = arith.addi %add3A_751, %add3A_730 : vector<16xi32>
      %mul3A_753 = arith.constant 16 : i32
      %mul3A_754 = arith.muli %mul3A_693, %mul3A_753 : i32
      %swap3A_755 = arith.index_cast %mul3A_754 : i32 to index
      %swap3A_756 = tpu.vector_load %arg6[%swap3A_755] {strides = array<i32>} : memref<6144xi32, #tpu.memory_space<vmem>>, vector<16xi32>,
      %swap3A_757 = vector.shape_cast %swap3A_756 : vector<16xi32> to vector<16xi32>
      %swap3A_758 = vector.shape_cast %add3A_741 : vector<16xi32> to vector<16xi32>
      tpu.vector_store %arg6[%swap3A_755], %swap3A_758 {strides = array<i32>} : memref<6144xi32, #tpu.memory_space<vmem>>, vector<16xi32>,
      %mul3A_759 = arith.constant 16 : i32
      %mul3A_760 = arith.muli %mul3A_693, %mul3A_759 : i32
      %add3A_761 = arith.constant 16 : i32
      %add3A_762 = arith.addi %mul3A_760, %add3A_761 : i32
      %swap3A_763 = arith.index_cast %add3A_762 : i32 to index
      %swap3A_764 = tpu.vector_load %arg6[%swap3A_763] {strides = array<i32>} : memref<6144xi32, #tpu.memory_space<vmem>>, vector<16xi32>,
      %swap3A_765 = vector.shape_cast %swap3A_764 : vector<16xi32> to vector<16xi32>
      %swap3A_766 = vector.shape_cast %add3A_752 : vector<16xi32> to vector<16xi32>
      tpu.vector_store %arg6[%swap3A_763], %swap3A_766 {strides = array<i32>} : memref<6144xi32, #tpu.memory_space<vmem>>, vector<16xi32>,
    }
    %scan3A_37 = arith.constant 48 : i32
    %dma_start3A_38 = arith.constant 512 : i32
    %dma_start3A_39 = tpu.memref_slice %arg7[%dma_start3A_38] : memref<6144xf32, #tpu.memory_space<vmem>> -> memref<1536xf32, #tpu.memory_space<vmem>>
    %dma_start3A_40 = arith.constant 512 : i32
    %dma_start3A_41 = tpu.memref_slice %arg6[%dma_start3A_40] : memref<6144xi32, #tpu.memory_space<vmem>> -> memref<1536xi32, #tpu.memory_space<vmem>>
    %dma_start3A_42 = arith.constant 0 : i32
    %dma_start3A_43 = tpu.memref_slice %arg2[%dma_start3A_42] : memref<16777216xf32, #tpu.memory_space<hbm>> -> memref<16777216xf32, #tpu.memory_space<hbm>>
    tpu.enqueue_indirect_dma source(%dma_start3A_43 : memref<16777216xf32, #tpu.memory_space<hbm>>) target(%dma_start3A_39 : memref<1536xf32, #tpu.memory_space<vmem>>) offsets(%dma_start3A_41 : memref<1536xi32, #tpu.memory_space<vmem>>) semaphore(%arg10 : memref<!tpu.dma_semaphore, #tpu.memory_space<semaphore_mem>>)
    %dma_wait3A_44 = arith.constant 2048 : i32
    %dma_wait3A_45 = tpu.memref_slice %arg5[%dma_wait3A_44] : memref<6144xi32, #tpu.memory_space<vmem>> -> memref<4096xi32, #tpu.memory_space<vmem>>
    %dma_wait3A_46 = tpu.memref_slice %arg3[%add3A_9] : memref<262144xi32, #tpu.memory_space<hbm>> -> memref<4096xi32, #tpu.memory_space<hbm>>
    %dma_wait3A_47 = arith.constant 2048 : i32
    %dma_wait3A_48 = tpu.memref_slice %arg5[%dma_wait3A_47] : memref<6144xi32, #tpu.memory_space<vmem>> -> memref<4096xi32, #tpu.memory_space<vmem>>
    %dma_wait3A_49 = tpu.memref_slice %arg3[%add3A_9] : memref<262144xi32, #tpu.memory_space<hbm>> -> memref<4096xi32, #tpu.memory_space<hbm>>
    tpu.wait_dma2 semaphore(%arg18 : memref<!tpu.dma_semaphore, #tpu.memory_space<semaphore_mem>>) src(%dma_wait3A_49 : memref<4096xi32, #tpu.memory_space<hbm>>) dst(%dma_wait3A_48 : memref<4096xi32, #tpu.memory_space<vmem>>)
    %scan3A_50 = arith.constant 0 : i32
    %scan3A_51 = arith.constant 64 : i32
    %scan3A_52 = arith.constant 64 : i32
    %scan3A_53 = arith.addi %scan3A_51, %scan3A_52 : i32
    %scan3A_54 = arith.constant 8 : i32
    scf.for %scan3A_156 = %scan3A_51 to %scan3A_53 step %scan3A_54  : i32 {
      %mul3A_157 = arith.constant 2 : i32
      %mul3A_158 = arith.muli %scan3A_156, %mul3A_157 : i32
      %mul3A_159 = arith.constant 16 : i32
      %mul3A_160 = arith.muli %mul3A_158, %mul3A_159 : i32
      %get3A = arith.index_cast %mul3A_160 : i32 to index
      %get3A_161 = tpu.vector_load %arg5[%get3A] {strides = array<i32>} : memref<6144xi32, #tpu.memory_space<vmem>>, vector<16xi32>,
      %get3A_162 = vector.shape_cast %get3A_161 : vector<16xi32> to vector<16xi32>
      %mul3A_163 = arith.constant 16 : i32
      %mul3A_164 = arith.muli %mul3A_158, %mul3A_163 : i32
      %add3A_165 = arith.constant 16 : i32
      %add3A_166 = arith.addi %mul3A_164, %add3A_165 : i32
      %get3A_167 = arith.index_cast %add3A_166 : i32 to index
      %get3A_168 = tpu.vector_load %arg5[%get3A_167] {strides = array<i32>} : memref<6144xi32, #tpu.memory_space<vmem>>, vector<16xi32>,
      %get3A_169 = vector.shape_cast %get3A_168 : vector<16xi32> to vector<16xi32>
      %mul3A_170 = arith.constant 16 : i32
      %mul3A_171 = arith.muli %mul3A_158, %mul3A_170 : i32
      %add3A_172 = arith.addi %mul3A_2, %mul3A_171 : i32
      %shift_right_arithmetic3A = arith.constant 7 : i32
      %shift_right_arithmetic3A_173 = arith.shrsi %add3A_172, %shift_right_arithmetic3A : i32
      %mul3A_174 = arith.constant 1024 : i32
      %mul3A_175 = arith.muli %shift_right_arithmetic3A_173, %mul3A_174 : i32
      %and3A = arith.constant 127 : i32
      %and3A_176 = arith.andi %add3A_172, %and3A : i32
      %add3A_177 = arith.addi %mul3A_175, %and3A_176 : i32
      %add3A_178 = vector.broadcast %add3A_177 : i32 to vector<16xi32>
      %add3A_179 = arith.addi %add3A_178, %iota3A : vector<16xi32>
      %add3A_180 = arith.constant 16 : i32
      %add3A_181 = arith.addi %add3A_172, %add3A_180 : i32
      %shift_right_arithmetic3A_182 = arith.constant 7 : i32
      %shift_right_arithmetic3A_183 = arith.shrsi %add3A_181, %shift_right_arithmetic3A_182 : i32
      %mul3A_184 = arith.constant 1024 : i32
      %mul3A_185 = arith.muli %shift_right_arithmetic3A_183, %mul3A_184 : i32
      %add3A_186 = arith.constant 16 : i32
      %add3A_187 = arith.addi %add3A_172, %add3A_186 : i32
      %and3A_188 = arith.constant 127 : i32
      %and3A_189 = arith.andi %add3A_187, %and3A_188 : i32
      %add3A_190 = arith.addi %mul3A_185, %and3A_189 : i32
      %add3A_191 = vector.broadcast %add3A_190 : i32 to vector<16xi32>
      %add3A_192 = arith.addi %add3A_191, %iota3A : vector<16xi32>
      %shift_left3A = arith.constant 7 : i32
      %shift_left3A_193 = vector.broadcast %shift_left3A : i32 to vector<16xi32>
      %shift_left3A_194 = arith.shli %get3A_162, %shift_left3A_193 : vector<16xi32>
      %shift_right_arithmetic3A_195 = arith.constant 3 : i32
      %shift_right_arithmetic3A_196 = vector.broadcast %shift_right_arithmetic3A_195 : i32 to vector<16xi32>
      %shift_right_arithmetic3A_197 = arith.shrsi %get3A_162, %shift_right_arithmetic3A_196 : vector<16xi32>
      %mul3A_198 = arith.constant 2096128 : i32
      %mul3A_199 = vector.broadcast %mul3A_198 : i32 to vector<16xi32>
      %mul3A_200 = arith.muli %shift_right_arithmetic3A_197, %mul3A_199 : vector<16xi32>
      %add3A_201 = arith.addi %shift_left3A_194, %mul3A_200 : vector<16xi32>
      %add3A_202 = arith.addi %add3A_201, %add3A_179 : vector<16xi32>
      %shift_left3A_203 = arith.constant 7 : i32
      %shift_left3A_204 = vector.broadcast %shift_left3A_203 : i32 to vector<16xi32>
      %shift_left3A_205 = arith.shli %get3A_169, %shift_left3A_204 : vector<16xi32>
      %shift_right_arithmetic3A_206 = arith.constant 3 : i32
      %shift_right_arithmetic3A_207 = vector.broadcast %shift_right_arithmetic3A_206 : i32 to vector<16xi32>
      %shift_right_arithmetic3A_208 = arith.shrsi %get3A_169, %shift_right_arithmetic3A_207 : vector<16xi32>
      %mul3A_209 = arith.constant 2096128 : i32
      %mul3A_210 = vector.broadcast %mul3A_209 : i32 to vector<16xi32>
      %mul3A_211 = arith.muli %shift_right_arithmetic3A_208, %mul3A_210 : vector<16xi32>
      %add3A_212 = arith.addi %shift_left3A_205, %mul3A_211 : vector<16xi32>
      %add3A_213 = arith.addi %add3A_212, %add3A_192 : vector<16xi32>
      %mul3A_214 = arith.constant 16 : i32
      %mul3A_215 = arith.muli %mul3A_158, %mul3A_214 : i32
      %swap3A_216 = arith.index_cast %mul3A_215 : i32 to index
      %swap3A_217 = tpu.vector_load %arg6[%swap3A_216] {strides = array<i32>} : memref<6144xi32, #tpu.memory_space<vmem>>, vector<16xi32>,
      %swap3A_218 = vector.shape_cast %swap3A_217 : vector<16xi32> to vector<16xi32>
      %swap3A_219 = vector.shape_cast %add3A_202 : vector<16xi32> to vector<16xi32>
      tpu.vector_store %arg6[%swap3A_216], %swap3A_219 {strides = array<i32>} : memref<6144xi32, #tpu.memory_space<vmem>>, vector<16xi32>,
      %mul3A_220 = arith.constant 16 : i32
      %mul3A_221 = arith.muli %mul3A_158, %mul3A_220 : i32
      %add3A_222 = arith.constant 16 : i32
      %add3A_223 = arith.addi %mul3A_221, %add3A_222 : i32
      %swap3A_224 = arith.index_cast %add3A_223 : i32 to index
      %swap3A_225 = tpu.vector_load %arg6[%swap3A_224] {strides = array<i32>} : memref<6144xi32, #tpu.memory_space<vmem>>, vector<16xi32>,
      %swap3A_226 = vector.shape_cast %swap3A_225 : vector<16xi32> to vector<16xi32>
      %swap3A_227 = vector.shape_cast %add3A_213 : vector<16xi32> to vector<16xi32>
      tpu.vector_store %arg6[%swap3A_224], %swap3A_227 {strides = array<i32>} : memref<6144xi32, #tpu.memory_space<vmem>>, vector<16xi32>,
      %scan3A_228 = arith.constant 1 : i32
      %scan3A_229 = arith.addi %scan3A_156, %scan3A_228 : i32
      %mul3A_230 = arith.constant 2 : i32
      %mul3A_231 = arith.muli %scan3A_229, %mul3A_230 : i32
      %mul3A_232 = arith.constant 16 : i32
      %mul3A_233 = arith.muli %mul3A_231, %mul3A_232 : i32
      %get3A_234 = arith.index_cast %mul3A_233 : i32 to index
      %get3A_235 = tpu.vector_load %arg5[%get3A_234] {strides = array<i32>} : memref<6144xi32, #tpu.memory_space<vmem>>, vector<16xi32>,
      %get3A_236 = vector.shape_cast %get3A_235 : vector<16xi32> to vector<16xi32>
      %mul3A_237 = arith.constant 16 : i32
      %mul3A_238 = arith.muli %mul3A_231, %mul3A_237 : i32
      %add3A_239 = arith.constant 16 : i32
      %add3A_240 = arith.addi %mul3A_238, %add3A_239 : i32
      %get3A_241 = arith.index_cast %add3A_240 : i32 to index
      %get3A_242 = tpu.vector_load %arg5[%get3A_241] {strides = array<i32>} : memref<6144xi32, #tpu.memory_space<vmem>>, vector<16xi32>,
      %get3A_243 = vector.shape_cast %get3A_242 : vector<16xi32> to vector<16xi32>
      %mul3A_244 = arith.constant 16 : i32
      %mul3A_245 = arith.muli %mul3A_231, %mul3A_244 : i32
      %add3A_246 = arith.addi %mul3A_2, %mul3A_245 : i32
      %shift_right_arithmetic3A_247 = arith.constant 7 : i32
      %shift_right_arithmetic3A_248 = arith.shrsi %add3A_246, %shift_right_arithmetic3A_247 : i32
      %mul3A_249 = arith.constant 1024 : i32
      %mul3A_250 = arith.muli %shift_right_arithmetic3A_248, %mul3A_249 : i32
      %and3A_251 = arith.constant 127 : i32
      %and3A_252 = arith.andi %add3A_246, %and3A_251 : i32
      %add3A_253 = arith.addi %mul3A_250, %and3A_252 : i32
      %add3A_254 = vector.broadcast %add3A_253 : i32 to vector<16xi32>
      %add3A_255 = arith.addi %add3A_254, %iota3A : vector<16xi32>
      %add3A_256 = arith.constant 16 : i32
      %add3A_257 = arith.addi %add3A_246, %add3A_256 : i32
      %shift_right_arithmetic3A_258 = arith.constant 7 : i32
      %shift_right_arithmetic3A_259 = arith.shrsi %add3A_257, %shift_right_arithmetic3A_258 : i32
      %mul3A_260 = arith.constant 1024 : i32
      %mul3A_261 = arith.muli %shift_right_arithmetic3A_259, %mul3A_260 : i32
      %add3A_262 = arith.constant 16 : i32
      %add3A_263 = arith.addi %add3A_246, %add3A_262 : i32
      %and3A_264 = arith.constant 127 : i32
      %and3A_265 = arith.andi %add3A_263, %and3A_264 : i32
      %add3A_266 = arith.addi %mul3A_261, %and3A_265 : i32
      %add3A_267 = vector.broadcast %add3A_266 : i32 to vector<16xi32>
      %add3A_268 = arith.addi %add3A_267, %iota3A : vector<16xi32>
      %shift_left3A_269 = arith.constant 7 : i32
      %shift_left3A_270 = vector.broadcast %shift_left3A_269 : i32 to vector<16xi32>
      %shift_left3A_271 = arith.shli %get3A_236, %shift_left3A_270 : vector<16xi32>
      %shift_right_arithmetic3A_272 = arith.constant 3 : i32
      %shift_right_arithmetic3A_273 = vector.broadcast %shift_right_arithmetic3A_272 : i32 to vector<16xi32>
      %shift_right_arithmetic3A_274 = arith.shrsi %get3A_236, %shift_right_arithmetic3A_273 : vector<16xi32>
      %mul3A_275 = arith.constant 2096128 : i32
      %mul3A_276 = vector.broadcast %mul3A_275 : i32 to vector<16xi32>
      %mul3A_277 = arith.muli %shift_right_arithmetic3A_274, %mul3A_276 : vector<16xi32>
      %add3A_278 = arith.addi %shift_left3A_271, %mul3A_277 : vector<16xi32>
      %add3A_279 = arith.addi %add3A_278, %add3A_255 : vector<16xi32>
      %shift_left3A_280 = arith.constant 7 : i32
      %shift_left3A_281 = vector.broadcast %shift_left3A_280 : i32 to vector<16xi32>
      %shift_left3A_282 = arith.shli %get3A_243, %shift_left3A_281 : vector<16xi32>
      %shift_right_arithmetic3A_283 = arith.constant 3 : i32
      %shift_right_arithmetic3A_284 = vector.broadcast %shift_right_arithmetic3A_283 : i32 to vector<16xi32>
      %shift_right_arithmetic3A_285 = arith.shrsi %get3A_243, %shift_right_arithmetic3A_284 : vector<16xi32>
      %mul3A_286 = arith.constant 2096128 : i32
      %mul3A_287 = vector.broadcast %mul3A_286 : i32 to vector<16xi32>
      %mul3A_288 = arith.muli %shift_right_arithmetic3A_285, %mul3A_287 : vector<16xi32>
      %add3A_289 = arith.addi %shift_left3A_282, %mul3A_288 : vector<16xi32>
      %add3A_290 = arith.addi %add3A_289, %add3A_268 : vector<16xi32>
      %mul3A_291 = arith.constant 16 : i32
      %mul3A_292 = arith.muli %mul3A_231, %mul3A_291 : i32
      %swap3A_293 = arith.index_cast %mul3A_292 : i32 to index
      %swap3A_294 = tpu.vector_load %arg6[%swap3A_293] {strides = array<i32>} : memref<6144xi32, #tpu.memory_space<vmem>>, vector<16xi32>,
      %swap3A_295 = vector.shape_cast %swap3A_294 : vector<16xi32> to vector<16xi32>
      %swap3A_296 = vector.shape_cast %add3A_279 : vector<16xi32> to vector<16xi32>
      tpu.vector_store %arg6[%swap3A_293], %swap3A_296 {strides = array<i32>} : memref<6144xi32, #tpu.memory_space<vmem>>, vector<16xi32>,
      %mul3A_297 = arith.constant 16 : i32
      %mul3A_298 = arith.muli %mul3A_231, %mul3A_297 : i32
      %add3A_299 = arith.constant 16 : i32
      %add3A_300 = arith.addi %mul3A_298, %add3A_299 : i32
      %swap3A_301 = arith.index_cast %add3A_300 : i32 to index
      %swap3A_302 = tpu.vector_load %arg6[%swap3A_301] {strides = array<i32>} : memref<6144xi32, #tpu.memory_space<vmem>>, vector<16xi32>,
      %swap3A_303 = vector.shape_cast %swap3A_302 : vector<16xi32> to vector<16xi32>
      %swap3A_304 = vector.shape_cast %add3A_290 : vector<16xi32> to vector<16xi32>
      tpu.vector_store %arg6[%swap3A_301], %swap3A_304 {strides = array<i32>} : memref<6144xi32, #tpu.memory_space<vmem>>, vector<16xi32>,
      %scan3A_305 = arith.constant 2 : i32
      %scan3A_306 = arith.addi %scan3A_156, %scan3A_305 : i32
      %mul3A_307 = arith.constant 2 : i32
      %mul3A_308 = arith.muli %scan3A_306, %mul3A_307 : i32
      %mul3A_309 = arith.constant 16 : i32
      %mul3A_310 = arith.muli %mul3A_308, %mul3A_309 : i32
      %get3A_311 = arith.index_cast %mul3A_310 : i32 to index
      %get3A_312 = tpu.vector_load %arg5[%get3A_311] {strides = array<i32>} : memref<6144xi32, #tpu.memory_space<vmem>>, vector<16xi32>,
      %get3A_313 = vector.shape_cast %get3A_312 : vector<16xi32> to vector<16xi32>
      %mul3A_314 = arith.constant 16 : i32
      %mul3A_315 = arith.muli %mul3A_308, %mul3A_314 : i32
      %add3A_316 = arith.constant 16 : i32
      %add3A_317 = arith.addi %mul3A_315, %add3A_316 : i32
      %get3A_318 = arith.index_cast %add3A_317 : i32 to index
      %get3A_319 = tpu.vector_load %arg5[%get3A_318] {strides = array<i32>} : memref<6144xi32, #tpu.memory_space<vmem>>, vector<16xi32>,
      %get3A_320 = vector.shape_cast %get3A_319 : vector<16xi32> to vector<16xi32>
      %mul3A_321 = arith.constant 16 : i32
      %mul3A_322 = arith.muli %mul3A_308, %mul3A_321 : i32
      %add3A_323 = arith.addi %mul3A_2, %mul3A_322 : i32
      %shift_right_arithmetic3A_324 = arith.constant 7 : i32
      %shift_right_arithmetic3A_325 = arith.shrsi %add3A_323, %shift_right_arithmetic3A_324 : i32
      %mul3A_326 = arith.constant 1024 : i32
      %mul3A_327 = arith.muli %shift_right_arithmetic3A_325, %mul3A_326 : i32
      %and3A_328 = arith.constant 127 : i32
      %and3A_329 = arith.andi %add3A_323, %and3A_328 : i32
      %add3A_330 = arith.addi %mul3A_327, %and3A_329 : i32
      %add3A_331 = vector.broadcast %add3A_330 : i32 to vector<16xi32>
      %add3A_332 = arith.addi %add3A_331, %iota3A : vector<16xi32>
      %add3A_333 = arith.constant 16 : i32
      %add3A_334 = arith.addi %add3A_323, %add3A_333 : i32
      %shift_right_arithmetic3A_335 = arith.constant 7 : i32
      %shift_right_arithmetic3A_336 = arith.shrsi %add3A_334, %shift_right_arithmetic3A_335 : i32
      %mul3A_337 = arith.constant 1024 : i32
      %mul3A_338 = arith.muli %shift_right_arithmetic3A_336, %mul3A_337 : i32
      %add3A_339 = arith.constant 16 : i32
      %add3A_340 = arith.addi %add3A_323, %add3A_339 : i32
      %and3A_341 = arith.constant 127 : i32
      %and3A_342 = arith.andi %add3A_340, %and3A_341 : i32
      %add3A_343 = arith.addi %mul3A_338, %and3A_342 : i32
      %add3A_344 = vector.broadcast %add3A_343 : i32 to vector<16xi32>
      %add3A_345 = arith.addi %add3A_344, %iota3A : vector<16xi32>
      %shift_left3A_346 = arith.constant 7 : i32
      %shift_left3A_347 = vector.broadcast %shift_left3A_346 : i32 to vector<16xi32>
      %shift_left3A_348 = arith.shli %get3A_313, %shift_left3A_347 : vector<16xi32>
      %shift_right_arithmetic3A_349 = arith.constant 3 : i32
      %shift_right_arithmetic3A_350 = vector.broadcast %shift_right_arithmetic3A_349 : i32 to vector<16xi32>
      %shift_right_arithmetic3A_351 = arith.shrsi %get3A_313, %shift_right_arithmetic3A_350 : vector<16xi32>
      %mul3A_352 = arith.constant 2096128 : i32
      %mul3A_353 = vector.broadcast %mul3A_352 : i32 to vector<16xi32>
      %mul3A_354 = arith.muli %shift_right_arithmetic3A_351, %mul3A_353 : vector<16xi32>
      %add3A_355 = arith.addi %shift_left3A_348, %mul3A_354 : vector<16xi32>
      %add3A_356 = arith.addi %add3A_355, %add3A_332 : vector<16xi32>
      %shift_left3A_357 = arith.constant 7 : i32
      %shift_left3A_358 = vector.broadcast %shift_left3A_357 : i32 to vector<16xi32>
      %shift_left3A_359 = arith.shli %get3A_320, %shift_left3A_358 : vector<16xi32>
      %shift_right_arithmetic3A_360 = arith.constant 3 : i32
      %shift_right_arithmetic3A_361 = vector.broadcast %shift_right_arithmetic3A_360 : i32 to vector<16xi32>
      %shift_right_arithmetic3A_362 = arith.shrsi %get3A_320, %shift_right_arithmetic3A_361 : vector<16xi32>
      %mul3A_363 = arith.constant 2096128 : i32
      %mul3A_364 = vector.broadcast %mul3A_363 : i32 to vector<16xi32>
      %mul3A_365 = arith.muli %shift_right_arithmetic3A_362, %mul3A_364 : vector<16xi32>
      %add3A_366 = arith.addi %shift_left3A_359, %mul3A_365 : vector<16xi32>
      %add3A_367 = arith.addi %add3A_366, %add3A_345 : vector<16xi32>
      %mul3A_368 = arith.constant 16 : i32
      %mul3A_369 = arith.muli %mul3A_308, %mul3A_368 : i32
      %swap3A_370 = arith.index_cast %mul3A_369 : i32 to index
      %swap3A_371 = tpu.vector_load %arg6[%swap3A_370] {strides = array<i32>} : memref<6144xi32, #tpu.memory_space<vmem>>, vector<16xi32>,
      %swap3A_372 = vector.shape_cast %swap3A_371 : vector<16xi32> to vector<16xi32>
      %swap3A_373 = vector.shape_cast %add3A_356 : vector<16xi32> to vector<16xi32>
      tpu.vector_store %arg6[%swap3A_370], %swap3A_373 {strides = array<i32>} : memref<6144xi32, #tpu.memory_space<vmem>>, vector<16xi32>,
      %mul3A_374 = arith.constant 16 : i32
      %mul3A_375 = arith.muli %mul3A_308, %mul3A_374 : i32
      %add3A_376 = arith.constant 16 : i32
      %add3A_377 = arith.addi %mul3A_375, %add3A_376 : i32
      %swap3A_378 = arith.index_cast %add3A_377 : i32 to index
      %swap3A_379 = tpu.vector_load %arg6[%swap3A_378] {strides = array<i32>} : memref<6144xi32, #tpu.memory_space<vmem>>, vector<16xi32>,
      %swap3A_380 = vector.shape_cast %swap3A_379 : vector<16xi32> to vector<16xi32>
      %swap3A_381 = vector.shape_cast %add3A_367 : vector<16xi32> to vector<16xi32>
      tpu.vector_store %arg6[%swap3A_378], %swap3A_381 {strides = array<i32>} : memref<6144xi32, #tpu.memory_space<vmem>>, vector<16xi32>,
      %scan3A_382 = arith.constant 3 : i32
      %scan3A_383 = arith.addi %scan3A_156, %scan3A_382 : i32
      %mul3A_384 = arith.constant 2 : i32
      %mul3A_385 = arith.muli %scan3A_383, %mul3A_384 : i32
      %mul3A_386 = arith.constant 16 : i32
      %mul3A_387 = arith.muli %mul3A_385, %mul3A_386 : i32
      %get3A_388 = arith.index_cast %mul3A_387 : i32 to index
      %get3A_389 = tpu.vector_load %arg5[%get3A_388] {strides = array<i32>} : memref<6144xi32, #tpu.memory_space<vmem>>, vector<16xi32>,
      %get3A_390 = vector.shape_cast %get3A_389 : vector<16xi32> to vector<16xi32>
      %mul3A_391 = arith.constant 16 : i32
      %mul3A_392 = arith.muli %mul3A_385, %mul3A_391 : i32
      %add3A_393 = arith.constant 16 : i32
      %add3A_394 = arith.addi %mul3A_392, %add3A_393 : i32
      %get3A_395 = arith.index_cast %add3A_394 : i32 to index
      %get3A_396 = tpu.vector_load %arg5[%get3A_395] {strides = array<i32>} : memref<6144xi32, #tpu.memory_space<vmem>>, vector<16xi32>,
      %get3A_397 = vector.shape_cast %get3A_396 : vector<16xi32> to vector<16xi32>
      %mul3A_398 = arith.constant 16 : i32
      %mul3A_399 = arith.muli %mul3A_385, %mul3A_398 : i32
      %add3A_400 = arith.addi %mul3A_2, %mul3A_399 : i32
      %shift_right_arithmetic3A_401 = arith.constant 7 : i32
      %shift_right_arithmetic3A_402 = arith.shrsi %add3A_400, %shift_right_arithmetic3A_401 : i32
      %mul3A_403 = arith.constant 1024 : i32
      %mul3A_404 = arith.muli %shift_right_arithmetic3A_402, %mul3A_403 : i32
      %and3A_405 = arith.constant 127 : i32
      %and3A_406 = arith.andi %add3A_400, %and3A_405 : i32
      %add3A_407 = arith.addi %mul3A_404, %and3A_406 : i32
      %add3A_408 = vector.broadcast %add3A_407 : i32 to vector<16xi32>
      %add3A_409 = arith.addi %add3A_408, %iota3A : vector<16xi32>
      %add3A_410 = arith.constant 16 : i32
      %add3A_411 = arith.addi %add3A_400, %add3A_410 : i32
      %shift_right_arithmetic3A_412 = arith.constant 7 : i32
      %shift_right_arithmetic3A_413 = arith.shrsi %add3A_411, %shift_right_arithmetic3A_412 : i32
      %mul3A_414 = arith.constant 1024 : i32
      %mul3A_415 = arith.muli %shift_right_arithmetic3A_413, %mul3A_414 : i32
      %add3A_416 = arith.constant 16 : i32
      %add3A_417 = arith.addi %add3A_400, %add3A_416 : i32
      %and3A_418 = arith.constant 127 : i32
      %and3A_419 = arith.andi %add3A_417, %and3A_418 : i32
      %add3A_420 = arith.addi %mul3A_415, %and3A_419 : i32
      %add3A_421 = vector.broadcast %add3A_420 : i32 to vector<16xi32>
      %add3A_422 = arith.addi %add3A_421, %iota3A : vector<16xi32>
      %shift_left3A_423 = arith.constant 7 : i32
      %shift_left3A_424 = vector.broadcast %shift_left3A_423 : i32 to vector<16xi32>
      %shift_left3A_425 = arith.shli %get3A_390, %shift_left3A_424 : vector<16xi32>
      %shift_right_arithmetic3A_426 = arith.constant 3 : i32
      %shift_right_arithmetic3A_427 = vector.broadcast %shift_right_arithmetic3A_426 : i32 to vector<16xi32>
      %shift_right_arithmetic3A_428 = arith.shrsi %get3A_390, %shift_right_arithmetic3A_427 : vector<16xi32>
      %mul3A_429 = arith.constant 2096128 : i32
      %mul3A_430 = vector.broadcast %mul3A_429 : i32 to vector<16xi32>
      %mul3A_431 = arith.muli %shift_right_arithmetic3A_428, %mul3A_430 : vector<16xi32>
      %add3A_432 = arith.addi %shift_left3A_425, %mul3A_431 : vector<16xi32>
      %add3A_433 = arith.addi %add3A_432, %add3A_409 : vector<16xi32>
      %shift_left3A_434 = arith.constant 7 : i32
      %shift_left3A_435 = vector.broadcast %shift_left3A_434 : i32 to vector<16xi32>
      %shift_left3A_436 = arith.shli %get3A_397, %shift_left3A_435 : vector<16xi32>
      %shift_right_arithmetic3A_437 = arith.constant 3 : i32
      %shift_right_arithmetic3A_438 = vector.broadcast %shift_right_arithmetic3A_437 : i32 to vector<16xi32>
      %shift_right_arithmetic3A_439 = arith.shrsi %get3A_397, %shift_right_arithmetic3A_438 : vector<16xi32>
      %mul3A_440 = arith.constant 2096128 : i32
      %mul3A_441 = vector.broadcast %mul3A_440 : i32 to vector<16xi32>
      %mul3A_442 = arith.muli %shift_right_arithmetic3A_439, %mul3A_441 : vector<16xi32>
      %add3A_443 = arith.addi %shift_left3A_436, %mul3A_442 : vector<16xi32>
      %add3A_444 = arith.addi %add3A_443, %add3A_422 : vector<16xi32>
      %mul3A_445 = arith.constant 16 : i32
      %mul3A_446 = arith.muli %mul3A_385, %mul3A_445 : i32
      %swap3A_447 = arith.index_cast %mul3A_446 : i32 to index
      %swap3A_448 = tpu.vector_load %arg6[%swap3A_447] {strides = array<i32>} : memref<6144xi32, #tpu.memory_space<vmem>>, vector<16xi32>,
      %swap3A_449 = vector.shape_cast %swap3A_448 : vector<16xi32> to vector<16xi32>
      %swap3A_450 = vector.shape_cast %add3A_433 : vector<16xi32> to vector<16xi32>
      tpu.vector_store %arg6[%swap3A_447], %swap3A_450 {strides = array<i32>} : memref<6144xi32, #tpu.memory_space<vmem>>, vector<16xi32>,
      %mul3A_451 = arith.constant 16 : i32
      %mul3A_452 = arith.muli %mul3A_385, %mul3A_451 : i32
      %add3A_453 = arith.constant 16 : i32
      %add3A_454 = arith.addi %mul3A_452, %add3A_453 : i32
      %swap3A_455 = arith.index_cast %add3A_454 : i32 to index
      %swap3A_456 = tpu.vector_load %arg6[%swap3A_455] {strides = array<i32>} : memref<6144xi32, #tpu.memory_space<vmem>>, vector<16xi32>,
      %swap3A_457 = vector.shape_cast %swap3A_456 : vector<16xi32> to vector<16xi32>
      %swap3A_458 = vector.shape_cast %add3A_444 : vector<16xi32> to vector<16xi32>
      tpu.vector_store %arg6[%swap3A_455], %swap3A_458 {strides = array<i32>} : memref<6144xi32, #tpu.memory_space<vmem>>, vector<16xi32>,
      %scan3A_459 = arith.constant 4 : i32
      %scan3A_460 = arith.addi %scan3A_156, %scan3A_459 : i32
      %mul3A_461 = arith.constant 2 : i32
      %mul3A_462 = arith.muli %scan3A_460, %mul3A_461 : i32
      %mul3A_463 = arith.constant 16 : i32
      %mul3A_464 = arith.muli %mul3A_462, %mul3A_463 : i32
      %get3A_465 = arith.index_cast %mul3A_464 : i32 to index
      %get3A_466 = tpu.vector_load %arg5[%get3A_465] {strides = array<i32>} : memref<6144xi32, #tpu.memory_space<vmem>>, vector<16xi32>,
      %get3A_467 = vector.shape_cast %get3A_466 : vector<16xi32> to vector<16xi32>
      %mul3A_468 = arith.constant 16 : i32
      %mul3A_469 = arith.muli %mul3A_462, %mul3A_468 : i32
      %add3A_470 = arith.constant 16 : i32
      %add3A_471 = arith.addi %mul3A_469, %add3A_470 : i32
      %get3A_472 = arith.index_cast %add3A_471 : i32 to index
      %get3A_473 = tpu.vector_load %arg5[%get3A_472] {strides = array<i32>} : memref<6144xi32, #tpu.memory_space<vmem>>, vector<16xi32>,
      %get3A_474 = vector.shape_cast %get3A_473 : vector<16xi32> to vector<16xi32>
      %mul3A_475 = arith.constant 16 : i32
      %mul3A_476 = arith.muli %mul3A_462, %mul3A_475 : i32
      %add3A_477 = arith.addi %mul3A_2, %mul3A_476 : i32
      %shift_right_arithmetic3A_478 = arith.constant 7 : i32
      %shift_right_arithmetic3A_479 = arith.shrsi %add3A_477, %shift_right_arithmetic3A_478 : i32
      %mul3A_480 = arith.constant 1024 : i32
      %mul3A_481 = arith.muli %shift_right_arithmetic3A_479, %mul3A_480 : i32
      %and3A_482 = arith.constant 127 : i32
      %and3A_483 = arith.andi %add3A_477, %and3A_482 : i32
      %add3A_484 = arith.addi %mul3A_481, %and3A_483 : i32
      %add3A_485 = vector.broadcast %add3A_484 : i32 to vector<16xi32>
      %add3A_486 = arith.addi %add3A_485, %iota3A : vector<16xi32>
      %add3A_487 = arith.constant 16 : i32
      %add3A_488 = arith.addi %add3A_477, %add3A_487 : i32
      %shift_right_arithmetic3A_489 = arith.constant 7 : i32
      %shift_right_arithmetic3A_490 = arith.shrsi %add3A_488, %shift_right_arithmetic3A_489 : i32
      %mul3A_491 = arith.constant 1024 : i32
      %mul3A_492 = arith.muli %shift_right_arithmetic3A_490, %mul3A_491 : i32
      %add3A_493 = arith.constant 16 : i32
      %add3A_494 = arith.addi %add3A_477, %add3A_493 : i32
      %and3A_495 = arith.constant 127 : i32
      %and3A_496 = arith.andi %add3A_494, %and3A_495 : i32
      %add3A_497 = arith.addi %mul3A_492, %and3A_496 : i32
      %add3A_498 = vector.broadcast %add3A_497 : i32 to vector<16xi32>
      %add3A_499 = arith.addi %add3A_498, %iota3A : vector<16xi32>
      %shift_left3A_500 = arith.constant 7 : i32
      %shift_left3A_501 = vector.broadcast %shift_left3A_500 : i32 to vector<16xi32>
      %shift_left3A_502 = arith.shli %get3A_467, %shift_left3A_501 : vector<16xi32>
      %shift_right_arithmetic3A_503 = arith.constant 3 : i32
      %shift_right_arithmetic3A_504 = vector.broadcast %shift_right_arithmetic3A_503 : i32 to vector<16xi32>
      %shift_right_arithmetic3A_505 = arith.shrsi %get3A_467, %shift_right_arithmetic3A_504 : vector<16xi32>
      %mul3A_506 = arith.constant 2096128 : i32
      %mul3A_507 = vector.broadcast %mul3A_506 : i32 to vector<16xi32>
      %mul3A_508 = arith.muli %shift_right_arithmetic3A_505, %mul3A_507 : vector<16xi32>
      %add3A_509 = arith.addi %shift_left3A_502, %mul3A_508 : vector<16xi32>
      %add3A_510 = arith.addi %add3A_509, %add3A_486 : vector<16xi32>
      %shift_left3A_511 = arith.constant 7 : i32
      %shift_left3A_512 = vector.broadcast %shift_left3A_511 : i32 to vector<16xi32>
      %shift_left3A_513 = arith.shli %get3A_474, %shift_left3A_512 : vector<16xi32>
      %shift_right_arithmetic3A_514 = arith.constant 3 : i32
      %shift_right_arithmetic3A_515 = vector.broadcast %shift_right_arithmetic3A_514 : i32 to vector<16xi32>
      %shift_right_arithmetic3A_516 = arith.shrsi %get3A_474, %shift_right_arithmetic3A_515 : vector<16xi32>
      %mul3A_517 = arith.constant 2096128 : i32
      %mul3A_518 = vector.broadcast %mul3A_517 : i32 to vector<16xi32>
      %mul3A_519 = arith.muli %shift_right_arithmetic3A_516, %mul3A_518 : vector<16xi32>
      %add3A_520 = arith.addi %shift_left3A_513, %mul3A_519 : vector<16xi32>
      %add3A_521 = arith.addi %add3A_520, %add3A_499 : vector<16xi32>
      %mul3A_522 = arith.constant 16 : i32
      %mul3A_523 = arith.muli %mul3A_462, %mul3A_522 : i32
      %swap3A_524 = arith.index_cast %mul3A_523 : i32 to index
      %swap3A_525 = tpu.vector_load %arg6[%swap3A_524] {strides = array<i32>} : memref<6144xi32, #tpu.memory_space<vmem>>, vector<16xi32>,
      %swap3A_526 = vector.shape_cast %swap3A_525 : vector<16xi32> to vector<16xi32>
      %swap3A_527 = vector.shape_cast %add3A_510 : vector<16xi32> to vector<16xi32>
      tpu.vector_store %arg6[%swap3A_524], %swap3A_527 {strides = array<i32>} : memref<6144xi32, #tpu.memory_space<vmem>>, vector<16xi32>,
      %mul3A_528 = arith.constant 16 : i32
      %mul3A_529 = arith.muli %mul3A_462, %mul3A_528 : i32
      %add3A_530 = arith.constant 16 : i32
      %add3A_531 = arith.addi %mul3A_529, %add3A_530 : i32
      %swap3A_532 = arith.index_cast %add3A_531 : i32 to index
      %swap3A_533 = tpu.vector_load %arg6[%swap3A_532] {strides = array<i32>} : memref<6144xi32, #tpu.memory_space<vmem>>, vector<16xi32>,
      %swap3A_534 = vector.shape_cast %swap3A_533 : vector<16xi32> to vector<16xi32>
      %swap3A_535 = vector.shape_cast %add3A_521 : vector<16xi32> to vector<16xi32>
      tpu.vector_store %arg6[%swap3A_532], %swap3A_535 {strides = array<i32>} : memref<6144xi32, #tpu.memory_space<vmem>>, vector<16xi32>,
      %scan3A_536 = arith.constant 5 : i32
      %scan3A_537 = arith.addi %scan3A_156, %scan3A_536 : i32
      %mul3A_538 = arith.constant 2 : i32
      %mul3A_539 = arith.muli %scan3A_537, %mul3A_538 : i32
      %mul3A_540 = arith.constant 16 : i32
      %mul3A_541 = arith.muli %mul3A_539, %mul3A_540 : i32
      %get3A_542 = arith.index_cast %mul3A_541 : i32 to index
      %get3A_543 = tpu.vector_load %arg5[%get3A_542] {strides = array<i32>} : memref<6144xi32, #tpu.memory_space<vmem>>, vector<16xi32>,
      %get3A_544 = vector.shape_cast %get3A_543 : vector<16xi32> to vector<16xi32>
      %mul3A_545 = arith.constant 16 : i32
      %mul3A_546 = arith.muli %mul3A_539, %mul3A_545 : i32
      %add3A_547 = arith.constant 16 : i32
      %add3A_548 = arith.addi %mul3A_546, %add3A_547 : i32
      %get3A_549 = arith.index_cast %add3A_548 : i32 to index
      %get3A_550 = tpu.vector_load %arg5[%get3A_549] {strides = array<i32>} : memref<6144xi32, #tpu.memory_space<vmem>>, vector<16xi32>,
      %get3A_551 = vector.shape_cast %get3A_550 : vector<16xi32> to vector<16xi32>
      %mul3A_552 = arith.constant 16 : i32
      %mul3A_553 = arith.muli %mul3A_539, %mul3A_552 : i32
      %add3A_554 = arith.addi %mul3A_2, %mul3A_553 : i32
      %shift_right_arithmetic3A_555 = arith.constant 7 : i32
      %shift_right_arithmetic3A_556 = arith.shrsi %add3A_554, %shift_right_arithmetic3A_555 : i32
      %mul3A_557 = arith.constant 1024 : i32
      %mul3A_558 = arith.muli %shift_right_arithmetic3A_556, %mul3A_557 : i32
      %and3A_559 = arith.constant 127 : i32
      %and3A_560 = arith.andi %add3A_554, %and3A_559 : i32
      %add3A_561 = arith.addi %mul3A_558, %and3A_560 : i32
      %add3A_562 = vector.broadcast %add3A_561 : i32 to vector<16xi32>
      %add3A_563 = arith.addi %add3A_562, %iota3A : vector<16xi32>
      %add3A_564 = arith.constant 16 : i32
      %add3A_565 = arith.addi %add3A_554, %add3A_564 : i32
      %shift_right_arithmetic3A_566 = arith.constant 7 : i32
      %shift_right_arithmetic3A_567 = arith.shrsi %add3A_565, %shift_right_arithmetic3A_566 : i32
      %mul3A_568 = arith.constant 1024 : i32
      %mul3A_569 = arith.muli %shift_right_arithmetic3A_567, %mul3A_568 : i32
      %add3A_570 = arith.constant 16 : i32
      %add3A_571 = arith.addi %add3A_554, %add3A_570 : i32
      %and3A_572 = arith.constant 127 : i32
      %and3A_573 = arith.andi %add3A_571, %and3A_572 : i32
      %add3A_574 = arith.addi %mul3A_569, %and3A_573 : i32
      %add3A_575 = vector.broadcast %add3A_574 : i32 to vector<16xi32>
      %add3A_576 = arith.addi %add3A_575, %iota3A : vector<16xi32>
      %shift_left3A_577 = arith.constant 7 : i32
      %shift_left3A_578 = vector.broadcast %shift_left3A_577 : i32 to vector<16xi32>
      %shift_left3A_579 = arith.shli %get3A_544, %shift_left3A_578 : vector<16xi32>
      %shift_right_arithmetic3A_580 = arith.constant 3 : i32
      %shift_right_arithmetic3A_581 = vector.broadcast %shift_right_arithmetic3A_580 : i32 to vector<16xi32>
      %shift_right_arithmetic3A_582 = arith.shrsi %get3A_544, %shift_right_arithmetic3A_581 : vector<16xi32>
      %mul3A_583 = arith.constant 2096128 : i32
      %mul3A_584 = vector.broadcast %mul3A_583 : i32 to vector<16xi32>
      %mul3A_585 = arith.muli %shift_right_arithmetic3A_582, %mul3A_584 : vector<16xi32>
      %add3A_586 = arith.addi %shift_left3A_579, %mul3A_585 : vector<16xi32>
      %add3A_587 = arith.addi %add3A_586, %add3A_563 : vector<16xi32>
      %shift_left3A_588 = arith.constant 7 : i32
      %shift_left3A_589 = vector.broadcast %shift_left3A_588 : i32 to vector<16xi32>
      %shift_left3A_590 = arith.shli %get3A_551, %shift_left3A_589 : vector<16xi32>
      %shift_right_arithmetic3A_591 = arith.constant 3 : i32
      %shift_right_arithmetic3A_592 = vector.broadcast %shift_right_arithmetic3A_591 : i32 to vector<16xi32>
      %shift_right_arithmetic3A_593 = arith.shrsi %get3A_551, %shift_right_arithmetic3A_592 : vector<16xi32>
      %mul3A_594 = arith.constant 2096128 : i32
      %mul3A_595 = vector.broadcast %mul3A_594 : i32 to vector<16xi32>
      %mul3A_596 = arith.muli %shift_right_arithmetic3A_593, %mul3A_595 : vector<16xi32>
      %add3A_597 = arith.addi %shift_left3A_590, %mul3A_596 : vector<16xi32>
      %add3A_598 = arith.addi %add3A_597, %add3A_576 : vector<16xi32>
      %mul3A_599 = arith.constant 16 : i32
      %mul3A_600 = arith.muli %mul3A_539, %mul3A_599 : i32
      %swap3A_601 = arith.index_cast %mul3A_600 : i32 to index
      %swap3A_602 = tpu.vector_load %arg6[%swap3A_601] {strides = array<i32>} : memref<6144xi32, #tpu.memory_space<vmem>>, vector<16xi32>,
      %swap3A_603 = vector.shape_cast %swap3A_602 : vector<16xi32> to vector<16xi32>
      %swap3A_604 = vector.shape_cast %add3A_587 : vector<16xi32> to vector<16xi32>
      tpu.vector_store %arg6[%swap3A_601], %swap3A_604 {strides = array<i32>} : memref<6144xi32, #tpu.memory_space<vmem>>, vector<16xi32>,
      %mul3A_605 = arith.constant 16 : i32
      %mul3A_606 = arith.muli %mul3A_539, %mul3A_605 : i32
      %add3A_607 = arith.constant 16 : i32
      %add3A_608 = arith.addi %mul3A_606, %add3A_607 : i32
      %swap3A_609 = arith.index_cast %add3A_608 : i32 to index
      %swap3A_610 = tpu.vector_load %arg6[%swap3A_609] {strides = array<i32>} : memref<6144xi32, #tpu.memory_space<vmem>>, vector<16xi32>,
      %swap3A_611 = vector.shape_cast %swap3A_610 : vector<16xi32> to vector<16xi32>
      %swap3A_612 = vector.shape_cast %add3A_598 : vector<16xi32> to vector<16xi32>
      tpu.vector_store %arg6[%swap3A_609], %swap3A_612 {strides = array<i32>} : memref<6144xi32, #tpu.memory_space<vmem>>, vector<16xi32>,
      %scan3A_613 = arith.constant 6 : i32
      %scan3A_614 = arith.addi %scan3A_156, %scan3A_613 : i32
      %mul3A_615 = arith.constant 2 : i32
      %mul3A_616 = arith.muli %scan3A_614, %mul3A_615 : i32
      %mul3A_617 = arith.constant 16 : i32
      %mul3A_618 = arith.muli %mul3A_616, %mul3A_617 : i32
      %get3A_619 = arith.index_cast %mul3A_618 : i32 to index
      %get3A_620 = tpu.vector_load %arg5[%get3A_619] {strides = array<i32>} : memref<6144xi32, #tpu.memory_space<vmem>>, vector<16xi32>,
      %get3A_621 = vector.shape_cast %get3A_620 : vector<16xi32> to vector<16xi32>
      %mul3A_622 = arith.constant 16 : i32
      %mul3A_623 = arith.muli %mul3A_616, %mul3A_622 : i32
      %add3A_624 = arith.constant 16 : i32
      %add3A_625 = arith.addi %mul3A_623, %add3A_624 : i32
      %get3A_626 = arith.index_cast %add3A_625 : i32 to index
      %get3A_627 = tpu.vector_load %arg5[%get3A_626] {strides = array<i32>} : memref<6144xi32, #tpu.memory_space<vmem>>, vector<16xi32>,
      %get3A_628 = vector.shape_cast %get3A_627 : vector<16xi32> to vector<16xi32>
      %mul3A_629 = arith.constant 16 : i32
      %mul3A_630 = arith.muli %mul3A_616, %mul3A_629 : i32
      %add3A_631 = arith.addi %mul3A_2, %mul3A_630 : i32
      %shift_right_arithmetic3A_632 = arith.constant 7 : i32
      %shift_right_arithmetic3A_633 = arith.shrsi %add3A_631, %shift_right_arithmetic3A_632 : i32
      %mul3A_634 = arith.constant 1024 : i32
      %mul3A_635 = arith.muli %shift_right_arithmetic3A_633, %mul3A_634 : i32
      %and3A_636 = arith.constant 127 : i32
      %and3A_637 = arith.andi %add3A_631, %and3A_636 : i32
      %add3A_638 = arith.addi %mul3A_635, %and3A_637 : i32
      %add3A_639 = vector.broadcast %add3A_638 : i32 to vector<16xi32>
      %add3A_640 = arith.addi %add3A_639, %iota3A : vector<16xi32>
      %add3A_641 = arith.constant 16 : i32
      %add3A_642 = arith.addi %add3A_631, %add3A_641 : i32
      %shift_right_arithmetic3A_643 = arith.constant 7 : i32
      %shift_right_arithmetic3A_644 = arith.shrsi %add3A_642, %shift_right_arithmetic3A_643 : i32
      %mul3A_645 = arith.constant 1024 : i32
      %mul3A_646 = arith.muli %shift_right_arithmetic3A_644, %mul3A_645 : i32
      %add3A_647 = arith.constant 16 : i32
      %add3A_648 = arith.addi %add3A_631, %add3A_647 : i32
      %and3A_649 = arith.constant 127 : i32
      %and3A_650 = arith.andi %add3A_648, %and3A_649 : i32
      %add3A_651 = arith.addi %mul3A_646, %and3A_650 : i32
      %add3A_652 = vector.broadcast %add3A_651 : i32 to vector<16xi32>
      %add3A_653 = arith.addi %add3A_652, %iota3A : vector<16xi32>
      %shift_left3A_654 = arith.constant 7 : i32
      %shift_left3A_655 = vector.broadcast %shift_left3A_654 : i32 to vector<16xi32>
      %shift_left3A_656 = arith.shli %get3A_621, %shift_left3A_655 : vector<16xi32>
      %shift_right_arithmetic3A_657 = arith.constant 3 : i32
      %shift_right_arithmetic3A_658 = vector.broadcast %shift_right_arithmetic3A_657 : i32 to vector<16xi32>
      %shift_right_arithmetic3A_659 = arith.shrsi %get3A_621, %shift_right_arithmetic3A_658 : vector<16xi32>
      %mul3A_660 = arith.constant 2096128 : i32
      %mul3A_661 = vector.broadcast %mul3A_660 : i32 to vector<16xi32>
      %mul3A_662 = arith.muli %shift_right_arithmetic3A_659, %mul3A_661 : vector<16xi32>
      %add3A_663 = arith.addi %shift_left3A_656, %mul3A_662 : vector<16xi32>
      %add3A_664 = arith.addi %add3A_663, %add3A_640 : vector<16xi32>
      %shift_left3A_665 = arith.constant 7 : i32
      %shift_left3A_666 = vector.broadcast %shift_left3A_665 : i32 to vector<16xi32>
      %shift_left3A_667 = arith.shli %get3A_628, %shift_left3A_666 : vector<16xi32>
      %shift_right_arithmetic3A_668 = arith.constant 3 : i32
      %shift_right_arithmetic3A_669 = vector.broadcast %shift_right_arithmetic3A_668 : i32 to vector<16xi32>
      %shift_right_arithmetic3A_670 = arith.shrsi %get3A_628, %shift_right_arithmetic3A_669 : vector<16xi32>
      %mul3A_671 = arith.constant 2096128 : i32
      %mul3A_672 = vector.broadcast %mul3A_671 : i32 to vector<16xi32>
      %mul3A_673 = arith.muli %shift_right_arithmetic3A_670, %mul3A_672 : vector<16xi32>
      %add3A_674 = arith.addi %shift_left3A_667, %mul3A_673 : vector<16xi32>
      %add3A_675 = arith.addi %add3A_674, %add3A_653 : vector<16xi32>
      %mul3A_676 = arith.constant 16 : i32
      %mul3A_677 = arith.muli %mul3A_616, %mul3A_676 : i32
      %swap3A_678 = arith.index_cast %mul3A_677 : i32 to index
      %swap3A_679 = tpu.vector_load %arg6[%swap3A_678] {strides = array<i32>} : memref<6144xi32, #tpu.memory_space<vmem>>, vector<16xi32>,
      %swap3A_680 = vector.shape_cast %swap3A_679 : vector<16xi32> to vector<16xi32>
      %swap3A_681 = vector.shape_cast %add3A_664 : vector<16xi32> to vector<16xi32>
      tpu.vector_store %arg6[%swap3A_678], %swap3A_681 {strides = array<i32>} : memref<6144xi32, #tpu.memory_space<vmem>>, vector<16xi32>,
      %mul3A_682 = arith.constant 16 : i32
      %mul3A_683 = arith.muli %mul3A_616, %mul3A_682 : i32
      %add3A_684 = arith.constant 16 : i32
      %add3A_685 = arith.addi %mul3A_683, %add3A_684 : i32
      %swap3A_686 = arith.index_cast %add3A_685 : i32 to index
      %swap3A_687 = tpu.vector_load %arg6[%swap3A_686] {strides = array<i32>} : memref<6144xi32, #tpu.memory_space<vmem>>, vector<16xi32>,
      %swap3A_688 = vector.shape_cast %swap3A_687 : vector<16xi32> to vector<16xi32>
      %swap3A_689 = vector.shape_cast %add3A_675 : vector<16xi32> to vector<16xi32>
      tpu.vector_store %arg6[%swap3A_686], %swap3A_689 {strides = array<i32>} : memref<6144xi32, #tpu.memory_space<vmem>>, vector<16xi32>,
      %scan3A_690 = arith.constant 7 : i32
      %scan3A_691 = arith.addi %scan3A_156, %scan3A_690 : i32
      %mul3A_692 = arith.constant 2 : i32
      %mul3A_693 = arith.muli %scan3A_691, %mul3A_692 : i32
      %mul3A_694 = arith.constant 16 : i32
      %mul3A_695 = arith.muli %mul3A_693, %mul3A_694 : i32
      %get3A_696 = arith.index_cast %mul3A_695 : i32 to index
      %get3A_697 = tpu.vector_load %arg5[%get3A_696] {strides = array<i32>} : memref<6144xi32, #tpu.memory_space<vmem>>, vector<16xi32>,
      %get3A_698 = vector.shape_cast %get3A_697 : vector<16xi32> to vector<16xi32>
      %mul3A_699 = arith.constant 16 : i32
      %mul3A_700 = arith.muli %mul3A_693, %mul3A_699 : i32
      %add3A_701 = arith.constant 16 : i32
      %add3A_702 = arith.addi %mul3A_700, %add3A_701 : i32
      %get3A_703 = arith.index_cast %add3A_702 : i32 to index
      %get3A_704 = tpu.vector_load %arg5[%get3A_703] {strides = array<i32>} : memref<6144xi32, #tpu.memory_space<vmem>>, vector<16xi32>,
      %get3A_705 = vector.shape_cast %get3A_704 : vector<16xi32> to vector<16xi32>
      %mul3A_706 = arith.constant 16 : i32
      %mul3A_707 = arith.muli %mul3A_693, %mul3A_706 : i32
      %add3A_708 = arith.addi %mul3A_2, %mul3A_707 : i32
      %shift_right_arithmetic3A_709 = arith.constant 7 : i32
      %shift_right_arithmetic3A_710 = arith.shrsi %add3A_708, %shift_right_arithmetic3A_709 : i32
      %mul3A_711 = arith.constant 1024 : i32
      %mul3A_712 = arith.muli %shift_right_arithmetic3A_710, %mul3A_711 : i32
      %and3A_713 = arith.constant 127 : i32
      %and3A_714 = arith.andi %add3A_708, %and3A_713 : i32
      %add3A_715 = arith.addi %mul3A_712, %and3A_714 : i32
      %add3A_716 = vector.broadcast %add3A_715 : i32 to vector<16xi32>
      %add3A_717 = arith.addi %add3A_716, %iota3A : vector<16xi32>
      %add3A_718 = arith.constant 16 : i32
      %add3A_719 = arith.addi %add3A_708, %add3A_718 : i32
      %shift_right_arithmetic3A_720 = arith.constant 7 : i32
      %shift_right_arithmetic3A_721 = arith.shrsi %add3A_719, %shift_right_arithmetic3A_720 : i32
      %mul3A_722 = arith.constant 1024 : i32
      %mul3A_723 = arith.muli %shift_right_arithmetic3A_721, %mul3A_722 : i32
      %add3A_724 = arith.constant 16 : i32
      %add3A_725 = arith.addi %add3A_708, %add3A_724 : i32
      %and3A_726 = arith.constant 127 : i32
      %and3A_727 = arith.andi %add3A_725, %and3A_726 : i32
      %add3A_728 = arith.addi %mul3A_723, %and3A_727 : i32
      %add3A_729 = vector.broadcast %add3A_728 : i32 to vector<16xi32>
      %add3A_730 = arith.addi %add3A_729, %iota3A : vector<16xi32>
      %shift_left3A_731 = arith.constant 7 : i32
      %shift_left3A_732 = vector.broadcast %shift_left3A_731 : i32 to vector<16xi32>
      %shift_left3A_733 = arith.shli %get3A_698, %shift_left3A_732 : vector<16xi32>
      %shift_right_arithmetic3A_734 = arith.constant 3 : i32
      %shift_right_arithmetic3A_735 = vector.broadcast %shift_right_arithmetic3A_734 : i32 to vector<16xi32>
      %shift_right_arithmetic3A_736 = arith.shrsi %get3A_698, %shift_right_arithmetic3A_735 : vector<16xi32>
      %mul3A_737 = arith.constant 2096128 : i32
      %mul3A_738 = vector.broadcast %mul3A_737 : i32 to vector<16xi32>
      %mul3A_739 = arith.muli %shift_right_arithmetic3A_736, %mul3A_738 : vector<16xi32>
      %add3A_740 = arith.addi %shift_left3A_733, %mul3A_739 : vector<16xi32>
      %add3A_741 = arith.addi %add3A_740, %add3A_717 : vector<16xi32>
      %shift_left3A_742 = arith.constant 7 : i32
      %shift_left3A_743 = vector.broadcast %shift_left3A_742 : i32 to vector<16xi32>
      %shift_left3A_744 = arith.shli %get3A_705, %shift_left3A_743 : vector<16xi32>
      %shift_right_arithmetic3A_745 = arith.constant 3 : i32
      %shift_right_arithmetic3A_746 = vector.broadcast %shift_right_arithmetic3A_745 : i32 to vector<16xi32>
      %shift_right_arithmetic3A_747 = arith.shrsi %get3A_705, %shift_right_arithmetic3A_746 : vector<16xi32>
      %mul3A_748 = arith.constant 2096128 : i32
      %mul3A_749 = vector.broadcast %mul3A_748 : i32 to vector<16xi32>
      %mul3A_750 = arith.muli %shift_right_arithmetic3A_747, %mul3A_749 : vector<16xi32>
      %add3A_751 = arith.addi %shift_left3A_744, %mul3A_750 : vector<16xi32>
      %add3A_752 = arith.addi %add3A_751, %add3A_730 : vector<16xi32>
      %mul3A_753 = arith.constant 16 : i32
      %mul3A_754 = arith.muli %mul3A_693, %mul3A_753 : i32
      %swap3A_755 = arith.index_cast %mul3A_754 : i32 to index
      %swap3A_756 = tpu.vector_load %arg6[%swap3A_755] {strides = array<i32>} : memref<6144xi32, #tpu.memory_space<vmem>>, vector<16xi32>,
      %swap3A_757 = vector.shape_cast %swap3A_756 : vector<16xi32> to vector<16xi32>
      %swap3A_758 = vector.shape_cast %add3A_741 : vector<16xi32> to vector<16xi32>
      tpu.vector_store %arg6[%swap3A_755], %swap3A_758 {strides = array<i32>} : memref<6144xi32, #tpu.memory_space<vmem>>, vector<16xi32>,
      %mul3A_759 = arith.constant 16 : i32
      %mul3A_760 = arith.muli %mul3A_693, %mul3A_759 : i32
      %add3A_761 = arith.constant 16 : i32
      %add3A_762 = arith.addi %mul3A_760, %add3A_761 : i32
      %swap3A_763 = arith.index_cast %add3A_762 : i32 to index
      %swap3A_764 = tpu.vector_load %arg6[%swap3A_763] {strides = array<i32>} : memref<6144xi32, #tpu.memory_space<vmem>>, vector<16xi32>,
      %swap3A_765 = vector.shape_cast %swap3A_764 : vector<16xi32> to vector<16xi32>
      %swap3A_766 = vector.shape_cast %add3A_752 : vector<16xi32> to vector<16xi32>
      tpu.vector_store %arg6[%swap3A_763], %swap3A_766 {strides = array<i32>} : memref<6144xi32, #tpu.memory_space<vmem>>, vector<16xi32>,
    }
    %scan3A_55 = arith.constant 64 : i32
    %dma_start3A_56 = arith.constant 2048 : i32
    %dma_start3A_57 = tpu.memref_slice %arg7[%dma_start3A_56] : memref<6144xf32, #tpu.memory_space<vmem>> -> memref<2048xf32, #tpu.memory_space<vmem>>
    %dma_start3A_58 = arith.constant 2048 : i32
    %dma_start3A_59 = tpu.memref_slice %arg6[%dma_start3A_58] : memref<6144xi32, #tpu.memory_space<vmem>> -> memref<2048xi32, #tpu.memory_space<vmem>>
    %dma_start3A_60 = arith.constant 0 : i32
    %dma_start3A_61 = tpu.memref_slice %arg2[%dma_start3A_60] : memref<16777216xf32, #tpu.memory_space<hbm>> -> memref<16777216xf32, #tpu.memory_space<hbm>>
    tpu.enqueue_indirect_dma source(%dma_start3A_61 : memref<16777216xf32, #tpu.memory_space<hbm>>) target(%dma_start3A_57 : memref<2048xf32, #tpu.memory_space<vmem>>) offsets(%dma_start3A_59 : memref<2048xi32, #tpu.memory_space<vmem>>) semaphore(%arg11 : memref<!tpu.dma_semaphore, #tpu.memory_space<semaphore_mem>>)
    %scan3A_62 = arith.constant 0 : i32
    %scan3A_63 = arith.constant 128 : i32
    %scan3A_64 = arith.constant 64 : i32
    %scan3A_65 = arith.addi %scan3A_63, %scan3A_64 : i32
    %scan3A_66 = arith.constant 8 : i32
    scf.for %scan3A_156 = %scan3A_63 to %scan3A_65 step %scan3A_66  : i32 {
      %mul3A_157 = arith.constant 2 : i32
      %mul3A_158 = arith.muli %scan3A_156, %mul3A_157 : i32
      %mul3A_159 = arith.constant 16 : i32
      %mul3A_160 = arith.muli %mul3A_158, %mul3A_159 : i32
      %get3A = arith.index_cast %mul3A_160 : i32 to index
      %get3A_161 = tpu.vector_load %arg5[%get3A] {strides = array<i32>} : memref<6144xi32, #tpu.memory_space<vmem>>, vector<16xi32>,
      %get3A_162 = vector.shape_cast %get3A_161 : vector<16xi32> to vector<16xi32>
      %mul3A_163 = arith.constant 16 : i32
      %mul3A_164 = arith.muli %mul3A_158, %mul3A_163 : i32
      %add3A_165 = arith.constant 16 : i32
      %add3A_166 = arith.addi %mul3A_164, %add3A_165 : i32
      %get3A_167 = arith.index_cast %add3A_166 : i32 to index
      %get3A_168 = tpu.vector_load %arg5[%get3A_167] {strides = array<i32>} : memref<6144xi32, #tpu.memory_space<vmem>>, vector<16xi32>,
      %get3A_169 = vector.shape_cast %get3A_168 : vector<16xi32> to vector<16xi32>
      %mul3A_170 = arith.constant 16 : i32
      %mul3A_171 = arith.muli %mul3A_158, %mul3A_170 : i32
      %add3A_172 = arith.addi %mul3A_2, %mul3A_171 : i32
      %shift_right_arithmetic3A = arith.constant 7 : i32
      %shift_right_arithmetic3A_173 = arith.shrsi %add3A_172, %shift_right_arithmetic3A : i32
      %mul3A_174 = arith.constant 1024 : i32
      %mul3A_175 = arith.muli %shift_right_arithmetic3A_173, %mul3A_174 : i32
      %and3A = arith.constant 127 : i32
      %and3A_176 = arith.andi %add3A_172, %and3A : i32
      %add3A_177 = arith.addi %mul3A_175, %and3A_176 : i32
      %add3A_178 = vector.broadcast %add3A_177 : i32 to vector<16xi32>
      %add3A_179 = arith.addi %add3A_178, %iota3A : vector<16xi32>
      %add3A_180 = arith.constant 16 : i32
      %add3A_181 = arith.addi %add3A_172, %add3A_180 : i32
      %shift_right_arithmetic3A_182 = arith.constant 7 : i32
      %shift_right_arithmetic3A_183 = arith.shrsi %add3A_181, %shift_right_arithmetic3A_182 : i32
      %mul3A_184 = arith.constant 1024 : i32
      %mul3A_185 = arith.muli %shift_right_arithmetic3A_183, %mul3A_184 : i32
      %add3A_186 = arith.constant 16 : i32
      %add3A_187 = arith.addi %add3A_172, %add3A_186 : i32
      %and3A_188 = arith.constant 127 : i32
      %and3A_189 = arith.andi %add3A_187, %and3A_188 : i32
      %add3A_190 = arith.addi %mul3A_185, %and3A_189 : i32
      %add3A_191 = vector.broadcast %add3A_190 : i32 to vector<16xi32>
      %add3A_192 = arith.addi %add3A_191, %iota3A : vector<16xi32>
      %shift_left3A = arith.constant 7 : i32
      %shift_left3A_193 = vector.broadcast %shift_left3A : i32 to vector<16xi32>
      %shift_left3A_194 = arith.shli %get3A_162, %shift_left3A_193 : vector<16xi32>
      %shift_right_arithmetic3A_195 = arith.constant 3 : i32
      %shift_right_arithmetic3A_196 = vector.broadcast %shift_right_arithmetic3A_195 : i32 to vector<16xi32>
      %shift_right_arithmetic3A_197 = arith.shrsi %get3A_162, %shift_right_arithmetic3A_196 : vector<16xi32>
      %mul3A_198 = arith.constant 2096128 : i32
      %mul3A_199 = vector.broadcast %mul3A_198 : i32 to vector<16xi32>
      %mul3A_200 = arith.muli %shift_right_arithmetic3A_197, %mul3A_199 : vector<16xi32>
      %add3A_201 = arith.addi %shift_left3A_194, %mul3A_200 : vector<16xi32>
      %add3A_202 = arith.addi %add3A_201, %add3A_179 : vector<16xi32>
      %shift_left3A_203 = arith.constant 7 : i32
      %shift_left3A_204 = vector.broadcast %shift_left3A_203 : i32 to vector<16xi32>
      %shift_left3A_205 = arith.shli %get3A_169, %shift_left3A_204 : vector<16xi32>
      %shift_right_arithmetic3A_206 = arith.constant 3 : i32
      %shift_right_arithmetic3A_207 = vector.broadcast %shift_right_arithmetic3A_206 : i32 to vector<16xi32>
      %shift_right_arithmetic3A_208 = arith.shrsi %get3A_169, %shift_right_arithmetic3A_207 : vector<16xi32>
      %mul3A_209 = arith.constant 2096128 : i32
      %mul3A_210 = vector.broadcast %mul3A_209 : i32 to vector<16xi32>
      %mul3A_211 = arith.muli %shift_right_arithmetic3A_208, %mul3A_210 : vector<16xi32>
      %add3A_212 = arith.addi %shift_left3A_205, %mul3A_211 : vector<16xi32>
      %add3A_213 = arith.addi %add3A_212, %add3A_192 : vector<16xi32>
      %mul3A_214 = arith.constant 16 : i32
      %mul3A_215 = arith.muli %mul3A_158, %mul3A_214 : i32
      %swap3A_216 = arith.index_cast %mul3A_215 : i32 to index
      %swap3A_217 = tpu.vector_load %arg6[%swap3A_216] {strides = array<i32>} : memref<6144xi32, #tpu.memory_space<vmem>>, vector<16xi32>,
      %swap3A_218 = vector.shape_cast %swap3A_217 : vector<16xi32> to vector<16xi32>
      %swap3A_219 = vector.shape_cast %add3A_202 : vector<16xi32> to vector<16xi32>
      tpu.vector_store %arg6[%swap3A_216], %swap3A_219 {strides = array<i32>} : memref<6144xi32, #tpu.memory_space<vmem>>, vector<16xi32>,
      %mul3A_220 = arith.constant 16 : i32
      %mul3A_221 = arith.muli %mul3A_158, %mul3A_220 : i32
      %add3A_222 = arith.constant 16 : i32
      %add3A_223 = arith.addi %mul3A_221, %add3A_222 : i32
      %swap3A_224 = arith.index_cast %add3A_223 : i32 to index
      %swap3A_225 = tpu.vector_load %arg6[%swap3A_224] {strides = array<i32>} : memref<6144xi32, #tpu.memory_space<vmem>>, vector<16xi32>,
      %swap3A_226 = vector.shape_cast %swap3A_225 : vector<16xi32> to vector<16xi32>
      %swap3A_227 = vector.shape_cast %add3A_213 : vector<16xi32> to vector<16xi32>
      tpu.vector_store %arg6[%swap3A_224], %swap3A_227 {strides = array<i32>} : memref<6144xi32, #tpu.memory_space<vmem>>, vector<16xi32>,
      %scan3A_228 = arith.constant 1 : i32
      %scan3A_229 = arith.addi %scan3A_156, %scan3A_228 : i32
      %mul3A_230 = arith.constant 2 : i32
      %mul3A_231 = arith.muli %scan3A_229, %mul3A_230 : i32
      %mul3A_232 = arith.constant 16 : i32
      %mul3A_233 = arith.muli %mul3A_231, %mul3A_232 : i32
      %get3A_234 = arith.index_cast %mul3A_233 : i32 to index
      %get3A_235 = tpu.vector_load %arg5[%get3A_234] {strides = array<i32>} : memref<6144xi32, #tpu.memory_space<vmem>>, vector<16xi32>,
      %get3A_236 = vector.shape_cast %get3A_235 : vector<16xi32> to vector<16xi32>
      %mul3A_237 = arith.constant 16 : i32
      %mul3A_238 = arith.muli %mul3A_231, %mul3A_237 : i32
      %add3A_239 = arith.constant 16 : i32
      %add3A_240 = arith.addi %mul3A_238, %add3A_239 : i32
      %get3A_241 = arith.index_cast %add3A_240 : i32 to index
      %get3A_242 = tpu.vector_load %arg5[%get3A_241] {strides = array<i32>} : memref<6144xi32, #tpu.memory_space<vmem>>, vector<16xi32>,
      %get3A_243 = vector.shape_cast %get3A_242 : vector<16xi32> to vector<16xi32>
      %mul3A_244 = arith.constant 16 : i32
      %mul3A_245 = arith.muli %mul3A_231, %mul3A_244 : i32
      %add3A_246 = arith.addi %mul3A_2, %mul3A_245 : i32
      %shift_right_arithmetic3A_247 = arith.constant 7 : i32
      %shift_right_arithmetic3A_248 = arith.shrsi %add3A_246, %shift_right_arithmetic3A_247 : i32
      %mul3A_249 = arith.constant 1024 : i32
      %mul3A_250 = arith.muli %shift_right_arithmetic3A_248, %mul3A_249 : i32
      %and3A_251 = arith.constant 127 : i32
      %and3A_252 = arith.andi %add3A_246, %and3A_251 : i32
      %add3A_253 = arith.addi %mul3A_250, %and3A_252 : i32
      %add3A_254 = vector.broadcast %add3A_253 : i32 to vector<16xi32>
      %add3A_255 = arith.addi %add3A_254, %iota3A : vector<16xi32>
      %add3A_256 = arith.constant 16 : i32
      %add3A_257 = arith.addi %add3A_246, %add3A_256 : i32
      %shift_right_arithmetic3A_258 = arith.constant 7 : i32
      %shift_right_arithmetic3A_259 = arith.shrsi %add3A_257, %shift_right_arithmetic3A_258 : i32
      %mul3A_260 = arith.constant 1024 : i32
      %mul3A_261 = arith.muli %shift_right_arithmetic3A_259, %mul3A_260 : i32
      %add3A_262 = arith.constant 16 : i32
      %add3A_263 = arith.addi %add3A_246, %add3A_262 : i32
      %and3A_264 = arith.constant 127 : i32
      %and3A_265 = arith.andi %add3A_263, %and3A_264 : i32
      %add3A_266 = arith.addi %mul3A_261, %and3A_265 : i32
      %add3A_267 = vector.broadcast %add3A_266 : i32 to vector<16xi32>
      %add3A_268 = arith.addi %add3A_267, %iota3A : vector<16xi32>
      %shift_left3A_269 = arith.constant 7 : i32
      %shift_left3A_270 = vector.broadcast %shift_left3A_269 : i32 to vector<16xi32>
      %shift_left3A_271 = arith.shli %get3A_236, %shift_left3A_270 : vector<16xi32>
      %shift_right_arithmetic3A_272 = arith.constant 3 : i32
      %shift_right_arithmetic3A_273 = vector.broadcast %shift_right_arithmetic3A_272 : i32 to vector<16xi32>
      %shift_right_arithmetic3A_274 = arith.shrsi %get3A_236, %shift_right_arithmetic3A_273 : vector<16xi32>
      %mul3A_275 = arith.constant 2096128 : i32
      %mul3A_276 = vector.broadcast %mul3A_275 : i32 to vector<16xi32>
      %mul3A_277 = arith.muli %shift_right_arithmetic3A_274, %mul3A_276 : vector<16xi32>
      %add3A_278 = arith.addi %shift_left3A_271, %mul3A_277 : vector<16xi32>
      %add3A_279 = arith.addi %add3A_278, %add3A_255 : vector<16xi32>
      %shift_left3A_280 = arith.constant 7 : i32
      %shift_left3A_281 = vector.broadcast %shift_left3A_280 : i32 to vector<16xi32>
      %shift_left3A_282 = arith.shli %get3A_243, %shift_left3A_281 : vector<16xi32>
      %shift_right_arithmetic3A_283 = arith.constant 3 : i32
      %shift_right_arithmetic3A_284 = vector.broadcast %shift_right_arithmetic3A_283 : i32 to vector<16xi32>
      %shift_right_arithmetic3A_285 = arith.shrsi %get3A_243, %shift_right_arithmetic3A_284 : vector<16xi32>
      %mul3A_286 = arith.constant 2096128 : i32
      %mul3A_287 = vector.broadcast %mul3A_286 : i32 to vector<16xi32>
      %mul3A_288 = arith.muli %shift_right_arithmetic3A_285, %mul3A_287 : vector<16xi32>
      %add3A_289 = arith.addi %shift_left3A_282, %mul3A_288 : vector<16xi32>
      %add3A_290 = arith.addi %add3A_289, %add3A_268 : vector<16xi32>
      %mul3A_291 = arith.constant 16 : i32
      %mul3A_292 = arith.muli %mul3A_231, %mul3A_291 : i32
      %swap3A_293 = arith.index_cast %mul3A_292 : i32 to index
      %swap3A_294 = tpu.vector_load %arg6[%swap3A_293] {strides = array<i32>} : memref<6144xi32, #tpu.memory_space<vmem>>, vector<16xi32>,
      %swap3A_295 = vector.shape_cast %swap3A_294 : vector<16xi32> to vector<16xi32>
      %swap3A_296 = vector.shape_cast %add3A_279 : vector<16xi32> to vector<16xi32>
      tpu.vector_store %arg6[%swap3A_293], %swap3A_296 {strides = array<i32>} : memref<6144xi32, #tpu.memory_space<vmem>>, vector<16xi32>,
      %mul3A_297 = arith.constant 16 : i32
      %mul3A_298 = arith.muli %mul3A_231, %mul3A_297 : i32
      %add3A_299 = arith.constant 16 : i32
      %add3A_300 = arith.addi %mul3A_298, %add3A_299 : i32
      %swap3A_301 = arith.index_cast %add3A_300 : i32 to index
      %swap3A_302 = tpu.vector_load %arg6[%swap3A_301] {strides = array<i32>} : memref<6144xi32, #tpu.memory_space<vmem>>, vector<16xi32>,
      %swap3A_303 = vector.shape_cast %swap3A_302 : vector<16xi32> to vector<16xi32>
      %swap3A_304 = vector.shape_cast %add3A_290 : vector<16xi32> to vector<16xi32>
      tpu.vector_store %arg6[%swap3A_301], %swap3A_304 {strides = array<i32>} : memref<6144xi32, #tpu.memory_space<vmem>>, vector<16xi32>,
      %scan3A_305 = arith.constant 2 : i32
      %scan3A_306 = arith.addi %scan3A_156, %scan3A_305 : i32
      %mul3A_307 = arith.constant 2 : i32
      %mul3A_308 = arith.muli %scan3A_306, %mul3A_307 : i32
      %mul3A_309 = arith.constant 16 : i32
      %mul3A_310 = arith.muli %mul3A_308, %mul3A_309 : i32
      %get3A_311 = arith.index_cast %mul3A_310 : i32 to index
      %get3A_312 = tpu.vector_load %arg5[%get3A_311] {strides = array<i32>} : memref<6144xi32, #tpu.memory_space<vmem>>, vector<16xi32>,
      %get3A_313 = vector.shape_cast %get3A_312 : vector<16xi32> to vector<16xi32>
      %mul3A_314 = arith.constant 16 : i32
      %mul3A_315 = arith.muli %mul3A_308, %mul3A_314 : i32
      %add3A_316 = arith.constant 16 : i32
      %add3A_317 = arith.addi %mul3A_315, %add3A_316 : i32
      %get3A_318 = arith.index_cast %add3A_317 : i32 to index
      %get3A_319 = tpu.vector_load %arg5[%get3A_318] {strides = array<i32>} : memref<6144xi32, #tpu.memory_space<vmem>>, vector<16xi32>,
      %get3A_320 = vector.shape_cast %get3A_319 : vector<16xi32> to vector<16xi32>
      %mul3A_321 = arith.constant 16 : i32
      %mul3A_322 = arith.muli %mul3A_308, %mul3A_321 : i32
      %add3A_323 = arith.addi %mul3A_2, %mul3A_322 : i32
      %shift_right_arithmetic3A_324 = arith.constant 7 : i32
      %shift_right_arithmetic3A_325 = arith.shrsi %add3A_323, %shift_right_arithmetic3A_324 : i32
      %mul3A_326 = arith.constant 1024 : i32
      %mul3A_327 = arith.muli %shift_right_arithmetic3A_325, %mul3A_326 : i32
      %and3A_328 = arith.constant 127 : i32
      %and3A_329 = arith.andi %add3A_323, %and3A_328 : i32
      %add3A_330 = arith.addi %mul3A_327, %and3A_329 : i32
      %add3A_331 = vector.broadcast %add3A_330 : i32 to vector<16xi32>
      %add3A_332 = arith.addi %add3A_331, %iota3A : vector<16xi32>
      %add3A_333 = arith.constant 16 : i32
      %add3A_334 = arith.addi %add3A_323, %add3A_333 : i32
      %shift_right_arithmetic3A_335 = arith.constant 7 : i32
      %shift_right_arithmetic3A_336 = arith.shrsi %add3A_334, %shift_right_arithmetic3A_335 : i32
      %mul3A_337 = arith.constant 1024 : i32
      %mul3A_338 = arith.muli %shift_right_arithmetic3A_336, %mul3A_337 : i32
      %add3A_339 = arith.constant 16 : i32
      %add3A_340 = arith.addi %add3A_323, %add3A_339 : i32
      %and3A_341 = arith.constant 127 : i32
      %and3A_342 = arith.andi %add3A_340, %and3A_341 : i32
      %add3A_343 = arith.addi %mul3A_338, %and3A_342 : i32
      %add3A_344 = vector.broadcast %add3A_343 : i32 to vector<16xi32>
      %add3A_345 = arith.addi %add3A_344, %iota3A : vector<16xi32>
      %shift_left3A_346 = arith.constant 7 : i32
      %shift_left3A_347 = vector.broadcast %shift_left3A_346 : i32 to vector<16xi32>
      %shift_left3A_348 = arith.shli %get3A_313, %shift_left3A_347 : vector<16xi32>
      %shift_right_arithmetic3A_349 = arith.constant 3 : i32
      %shift_right_arithmetic3A_350 = vector.broadcast %shift_right_arithmetic3A_349 : i32 to vector<16xi32>
      %shift_right_arithmetic3A_351 = arith.shrsi %get3A_313, %shift_right_arithmetic3A_350 : vector<16xi32>
      %mul3A_352 = arith.constant 2096128 : i32
      %mul3A_353 = vector.broadcast %mul3A_352 : i32 to vector<16xi32>
      %mul3A_354 = arith.muli %shift_right_arithmetic3A_351, %mul3A_353 : vector<16xi32>
      %add3A_355 = arith.addi %shift_left3A_348, %mul3A_354 : vector<16xi32>
      %add3A_356 = arith.addi %add3A_355, %add3A_332 : vector<16xi32>
      %shift_left3A_357 = arith.constant 7 : i32
      %shift_left3A_358 = vector.broadcast %shift_left3A_357 : i32 to vector<16xi32>
      %shift_left3A_359 = arith.shli %get3A_320, %shift_left3A_358 : vector<16xi32>
      %shift_right_arithmetic3A_360 = arith.constant 3 : i32
      %shift_right_arithmetic3A_361 = vector.broadcast %shift_right_arithmetic3A_360 : i32 to vector<16xi32>
      %shift_right_arithmetic3A_362 = arith.shrsi %get3A_320, %shift_right_arithmetic3A_361 : vector<16xi32>
      %mul3A_363 = arith.constant 2096128 : i32
      %mul3A_364 = vector.broadcast %mul3A_363 : i32 to vector<16xi32>
      %mul3A_365 = arith.muli %shift_right_arithmetic3A_362, %mul3A_364 : vector<16xi32>
      %add3A_366 = arith.addi %shift_left3A_359, %mul3A_365 : vector<16xi32>
      %add3A_367 = arith.addi %add3A_366, %add3A_345 : vector<16xi32>
      %mul3A_368 = arith.constant 16 : i32
      %mul3A_369 = arith.muli %mul3A_308, %mul3A_368 : i32
      %swap3A_370 = arith.index_cast %mul3A_369 : i32 to index
      %swap3A_371 = tpu.vector_load %arg6[%swap3A_370] {strides = array<i32>} : memref<6144xi32, #tpu.memory_space<vmem>>, vector<16xi32>,
      %swap3A_372 = vector.shape_cast %swap3A_371 : vector<16xi32> to vector<16xi32>
      %swap3A_373 = vector.shape_cast %add3A_356 : vector<16xi32> to vector<16xi32>
      tpu.vector_store %arg6[%swap3A_370], %swap3A_373 {strides = array<i32>} : memref<6144xi32, #tpu.memory_space<vmem>>, vector<16xi32>,
      %mul3A_374 = arith.constant 16 : i32
      %mul3A_375 = arith.muli %mul3A_308, %mul3A_374 : i32
      %add3A_376 = arith.constant 16 : i32
      %add3A_377 = arith.addi %mul3A_375, %add3A_376 : i32
      %swap3A_378 = arith.index_cast %add3A_377 : i32 to index
      %swap3A_379 = tpu.vector_load %arg6[%swap3A_378] {strides = array<i32>} : memref<6144xi32, #tpu.memory_space<vmem>>, vector<16xi32>,
      %swap3A_380 = vector.shape_cast %swap3A_379 : vector<16xi32> to vector<16xi32>
      %swap3A_381 = vector.shape_cast %add3A_367 : vector<16xi32> to vector<16xi32>
      tpu.vector_store %arg6[%swap3A_378], %swap3A_381 {strides = array<i32>} : memref<6144xi32, #tpu.memory_space<vmem>>, vector<16xi32>,
      %scan3A_382 = arith.constant 3 : i32
      %scan3A_383 = arith.addi %scan3A_156, %scan3A_382 : i32
      %mul3A_384 = arith.constant 2 : i32
      %mul3A_385 = arith.muli %scan3A_383, %mul3A_384 : i32
      %mul3A_386 = arith.constant 16 : i32
      %mul3A_387 = arith.muli %mul3A_385, %mul3A_386 : i32
      %get3A_388 = arith.index_cast %mul3A_387 : i32 to index
      %get3A_389 = tpu.vector_load %arg5[%get3A_388] {strides = array<i32>} : memref<6144xi32, #tpu.memory_space<vmem>>, vector<16xi32>,
      %get3A_390 = vector.shape_cast %get3A_389 : vector<16xi32> to vector<16xi32>
      %mul3A_391 = arith.constant 16 : i32
      %mul3A_392 = arith.muli %mul3A_385, %mul3A_391 : i32
      %add3A_393 = arith.constant 16 : i32
      %add3A_394 = arith.addi %mul3A_392, %add3A_393 : i32
      %get3A_395 = arith.index_cast %add3A_394 : i32 to index
      %get3A_396 = tpu.vector_load %arg5[%get3A_395] {strides = array<i32>} : memref<6144xi32, #tpu.memory_space<vmem>>, vector<16xi32>,
      %get3A_397 = vector.shape_cast %get3A_396 : vector<16xi32> to vector<16xi32>
      %mul3A_398 = arith.constant 16 : i32
      %mul3A_399 = arith.muli %mul3A_385, %mul3A_398 : i32
      %add3A_400 = arith.addi %mul3A_2, %mul3A_399 : i32
      %shift_right_arithmetic3A_401 = arith.constant 7 : i32
      %shift_right_arithmetic3A_402 = arith.shrsi %add3A_400, %shift_right_arithmetic3A_401 : i32
      %mul3A_403 = arith.constant 1024 : i32
      %mul3A_404 = arith.muli %shift_right_arithmetic3A_402, %mul3A_403 : i32
      %and3A_405 = arith.constant 127 : i32
      %and3A_406 = arith.andi %add3A_400, %and3A_405 : i32
      %add3A_407 = arith.addi %mul3A_404, %and3A_406 : i32
      %add3A_408 = vector.broadcast %add3A_407 : i32 to vector<16xi32>
      %add3A_409 = arith.addi %add3A_408, %iota3A : vector<16xi32>
      %add3A_410 = arith.constant 16 : i32
      %add3A_411 = arith.addi %add3A_400, %add3A_410 : i32
      %shift_right_arithmetic3A_412 = arith.constant 7 : i32
      %shift_right_arithmetic3A_413 = arith.shrsi %add3A_411, %shift_right_arithmetic3A_412 : i32
      %mul3A_414 = arith.constant 1024 : i32
      %mul3A_415 = arith.muli %shift_right_arithmetic3A_413, %mul3A_414 : i32
      %add3A_416 = arith.constant 16 : i32
      %add3A_417 = arith.addi %add3A_400, %add3A_416 : i32
      %and3A_418 = arith.constant 127 : i32
      %and3A_419 = arith.andi %add3A_417, %and3A_418 : i32
      %add3A_420 = arith.addi %mul3A_415, %and3A_419 : i32
      %add3A_421 = vector.broadcast %add3A_420 : i32 to vector<16xi32>
      %add3A_422 = arith.addi %add3A_421, %iota3A : vector<16xi32>
      %shift_left3A_423 = arith.constant 7 : i32
      %shift_left3A_424 = vector.broadcast %shift_left3A_423 : i32 to vector<16xi32>
      %shift_left3A_425 = arith.shli %get3A_390, %shift_left3A_424 : vector<16xi32>
      %shift_right_arithmetic3A_426 = arith.constant 3 : i32
      %shift_right_arithmetic3A_427 = vector.broadcast %shift_right_arithmetic3A_426 : i32 to vector<16xi32>
      %shift_right_arithmetic3A_428 = arith.shrsi %get3A_390, %shift_right_arithmetic3A_427 : vector<16xi32>
      %mul3A_429 = arith.constant 2096128 : i32
      %mul3A_430 = vector.broadcast %mul3A_429 : i32 to vector<16xi32>
      %mul3A_431 = arith.muli %shift_right_arithmetic3A_428, %mul3A_430 : vector<16xi32>
      %add3A_432 = arith.addi %shift_left3A_425, %mul3A_431 : vector<16xi32>
      %add3A_433 = arith.addi %add3A_432, %add3A_409 : vector<16xi32>
      %shift_left3A_434 = arith.constant 7 : i32
      %shift_left3A_435 = vector.broadcast %shift_left3A_434 : i32 to vector<16xi32>
      %shift_left3A_436 = arith.shli %get3A_397, %shift_left3A_435 : vector<16xi32>
      %shift_right_arithmetic3A_437 = arith.constant 3 : i32
      %shift_right_arithmetic3A_438 = vector.broadcast %shift_right_arithmetic3A_437 : i32 to vector<16xi32>
      %shift_right_arithmetic3A_439 = arith.shrsi %get3A_397, %shift_right_arithmetic3A_438 : vector<16xi32>
      %mul3A_440 = arith.constant 2096128 : i32
      %mul3A_441 = vector.broadcast %mul3A_440 : i32 to vector<16xi32>
      %mul3A_442 = arith.muli %shift_right_arithmetic3A_439, %mul3A_441 : vector<16xi32>
      %add3A_443 = arith.addi %shift_left3A_436, %mul3A_442 : vector<16xi32>
      %add3A_444 = arith.addi %add3A_443, %add3A_422 : vector<16xi32>
      %mul3A_445 = arith.constant 16 : i32
      %mul3A_446 = arith.muli %mul3A_385, %mul3A_445 : i32
      %swap3A_447 = arith.index_cast %mul3A_446 : i32 to index
      %swap3A_448 = tpu.vector_load %arg6[%swap3A_447] {strides = array<i32>} : memref<6144xi32, #tpu.memory_space<vmem>>, vector<16xi32>,
      %swap3A_449 = vector.shape_cast %swap3A_448 : vector<16xi32> to vector<16xi32>
      %swap3A_450 = vector.shape_cast %add3A_433 : vector<16xi32> to vector<16xi32>
      tpu.vector_store %arg6[%swap3A_447], %swap3A_450 {strides = array<i32>} : memref<6144xi32, #tpu.memory_space<vmem>>, vector<16xi32>,
      %mul3A_451 = arith.constant 16 : i32
      %mul3A_452 = arith.muli %mul3A_385, %mul3A_451 : i32
      %add3A_453 = arith.constant 16 : i32
      %add3A_454 = arith.addi %mul3A_452, %add3A_453 : i32
      %swap3A_455 = arith.index_cast %add3A_454 : i32 to index
      %swap3A_456 = tpu.vector_load %arg6[%swap3A_455] {strides = array<i32>} : memref<6144xi32, #tpu.memory_space<vmem>>, vector<16xi32>,
      %swap3A_457 = vector.shape_cast %swap3A_456 : vector<16xi32> to vector<16xi32>
      %swap3A_458 = vector.shape_cast %add3A_444 : vector<16xi32> to vector<16xi32>
      tpu.vector_store %arg6[%swap3A_455], %swap3A_458 {strides = array<i32>} : memref<6144xi32, #tpu.memory_space<vmem>>, vector<16xi32>,
      %scan3A_459 = arith.constant 4 : i32
      %scan3A_460 = arith.addi %scan3A_156, %scan3A_459 : i32
      %mul3A_461 = arith.constant 2 : i32
      %mul3A_462 = arith.muli %scan3A_460, %mul3A_461 : i32
      %mul3A_463 = arith.constant 16 : i32
      %mul3A_464 = arith.muli %mul3A_462, %mul3A_463 : i32
      %get3A_465 = arith.index_cast %mul3A_464 : i32 to index
      %get3A_466 = tpu.vector_load %arg5[%get3A_465] {strides = array<i32>} : memref<6144xi32, #tpu.memory_space<vmem>>, vector<16xi32>,
      %get3A_467 = vector.shape_cast %get3A_466 : vector<16xi32> to vector<16xi32>
      %mul3A_468 = arith.constant 16 : i32
      %mul3A_469 = arith.muli %mul3A_462, %mul3A_468 : i32
      %add3A_470 = arith.constant 16 : i32
      %add3A_471 = arith.addi %mul3A_469, %add3A_470 : i32
      %get3A_472 = arith.index_cast %add3A_471 : i32 to index
      %get3A_473 = tpu.vector_load %arg5[%get3A_472] {strides = array<i32>} : memref<6144xi32, #tpu.memory_space<vmem>>, vector<16xi32>,
      %get3A_474 = vector.shape_cast %get3A_473 : vector<16xi32> to vector<16xi32>
      %mul3A_475 = arith.constant 16 : i32
      %mul3A_476 = arith.muli %mul3A_462, %mul3A_475 : i32
      %add3A_477 = arith.addi %mul3A_2, %mul3A_476 : i32
      %shift_right_arithmetic3A_478 = arith.constant 7 : i32
      %shift_right_arithmetic3A_479 = arith.shrsi %add3A_477, %shift_right_arithmetic3A_478 : i32
      %mul3A_480 = arith.constant 1024 : i32
      %mul3A_481 = arith.muli %shift_right_arithmetic3A_479, %mul3A_480 : i32
      %and3A_482 = arith.constant 127 : i32
      %and3A_483 = arith.andi %add3A_477, %and3A_482 : i32
      %add3A_484 = arith.addi %mul3A_481, %and3A_483 : i32
      %add3A_485 = vector.broadcast %add3A_484 : i32 to vector<16xi32>
      %add3A_486 = arith.addi %add3A_485, %iota3A : vector<16xi32>
      %add3A_487 = arith.constant 16 : i32
      %add3A_488 = arith.addi %add3A_477, %add3A_487 : i32
      %shift_right_arithmetic3A_489 = arith.constant 7 : i32
      %shift_right_arithmetic3A_490 = arith.shrsi %add3A_488, %shift_right_arithmetic3A_489 : i32
      %mul3A_491 = arith.constant 1024 : i32
      %mul3A_492 = arith.muli %shift_right_arithmetic3A_490, %mul3A_491 : i32
      %add3A_493 = arith.constant 16 : i32
      %add3A_494 = arith.addi %add3A_477, %add3A_493 : i32
      %and3A_495 = arith.constant 127 : i32
      %and3A_496 = arith.andi %add3A_494, %and3A_495 : i32
      %add3A_497 = arith.addi %mul3A_492, %and3A_496 : i32
      %add3A_498 = vector.broadcast %add3A_497 : i32 to vector<16xi32>
      %add3A_499 = arith.addi %add3A_498, %iota3A : vector<16xi32>
      %shift_left3A_500 = arith.constant 7 : i32
      %shift_left3A_501 = vector.broadcast %shift_left3A_500 : i32 to vector<16xi32>
      %shift_left3A_502 = arith.shli %get3A_467, %shift_left3A_501 : vector<16xi32>
      %shift_right_arithmetic3A_503 = arith.constant 3 : i32
      %shift_right_arithmetic3A_504 = vector.broadcast %shift_right_arithmetic3A_503 : i32 to vector<16xi32>
      %shift_right_arithmetic3A_505 = arith.shrsi %get3A_467, %shift_right_arithmetic3A_504 : vector<16xi32>
      %mul3A_506 = arith.constant 2096128 : i32
      %mul3A_507 = vector.broadcast %mul3A_506 : i32 to vector<16xi32>
      %mul3A_508 = arith.muli %shift_right_arithmetic3A_505, %mul3A_507 : vector<16xi32>
      %add3A_509 = arith.addi %shift_left3A_502, %mul3A_508 : vector<16xi32>
      %add3A_510 = arith.addi %add3A_509, %add3A_486 : vector<16xi32>
      %shift_left3A_511 = arith.constant 7 : i32
      %shift_left3A_512 = vector.broadcast %shift_left3A_511 : i32 to vector<16xi32>
      %shift_left3A_513 = arith.shli %get3A_474, %shift_left3A_512 : vector<16xi32>
      %shift_right_arithmetic3A_514 = arith.constant 3 : i32
      %shift_right_arithmetic3A_515 = vector.broadcast %shift_right_arithmetic3A_514 : i32 to vector<16xi32>
      %shift_right_arithmetic3A_516 = arith.shrsi %get3A_474, %shift_right_arithmetic3A_515 : vector<16xi32>
      %mul3A_517 = arith.constant 2096128 : i32
      %mul3A_518 = vector.broadcast %mul3A_517 : i32 to vector<16xi32>
      %mul3A_519 = arith.muli %shift_right_arithmetic3A_516, %mul3A_518 : vector<16xi32>
      %add3A_520 = arith.addi %shift_left3A_513, %mul3A_519 : vector<16xi32>
      %add3A_521 = arith.addi %add3A_520, %add3A_499 : vector<16xi32>
      %mul3A_522 = arith.constant 16 : i32
      %mul3A_523 = arith.muli %mul3A_462, %mul3A_522 : i32
      %swap3A_524 = arith.index_cast %mul3A_523 : i32 to index
      %swap3A_525 = tpu.vector_load %arg6[%swap3A_524] {strides = array<i32>} : memref<6144xi32, #tpu.memory_space<vmem>>, vector<16xi32>,
      %swap3A_526 = vector.shape_cast %swap3A_525 : vector<16xi32> to vector<16xi32>
      %swap3A_527 = vector.shape_cast %add3A_510 : vector<16xi32> to vector<16xi32>
      tpu.vector_store %arg6[%swap3A_524], %swap3A_527 {strides = array<i32>} : memref<6144xi32, #tpu.memory_space<vmem>>, vector<16xi32>,
      %mul3A_528 = arith.constant 16 : i32
      %mul3A_529 = arith.muli %mul3A_462, %mul3A_528 : i32
      %add3A_530 = arith.constant 16 : i32
      %add3A_531 = arith.addi %mul3A_529, %add3A_530 : i32
      %swap3A_532 = arith.index_cast %add3A_531 : i32 to index
      %swap3A_533 = tpu.vector_load %arg6[%swap3A_532] {strides = array<i32>} : memref<6144xi32, #tpu.memory_space<vmem>>, vector<16xi32>,
      %swap3A_534 = vector.shape_cast %swap3A_533 : vector<16xi32> to vector<16xi32>
      %swap3A_535 = vector.shape_cast %add3A_521 : vector<16xi32> to vector<16xi32>
      tpu.vector_store %arg6[%swap3A_532], %swap3A_535 {strides = array<i32>} : memref<6144xi32, #tpu.memory_space<vmem>>, vector<16xi32>,
      %scan3A_536 = arith.constant 5 : i32
      %scan3A_537 = arith.addi %scan3A_156, %scan3A_536 : i32
      %mul3A_538 = arith.constant 2 : i32
      %mul3A_539 = arith.muli %scan3A_537, %mul3A_538 : i32
      %mul3A_540 = arith.constant 16 : i32
      %mul3A_541 = arith.muli %mul3A_539, %mul3A_540 : i32
      %get3A_542 = arith.index_cast %mul3A_541 : i32 to index
      %get3A_543 = tpu.vector_load %arg5[%get3A_542] {strides = array<i32>} : memref<6144xi32, #tpu.memory_space<vmem>>, vector<16xi32>,
      %get3A_544 = vector.shape_cast %get3A_543 : vector<16xi32> to vector<16xi32>
      %mul3A_545 = arith.constant 16 : i32
      %mul3A_546 = arith.muli %mul3A_539, %mul3A_545 : i32
      %add3A_547 = arith.constant 16 : i32
      %add3A_548 = arith.addi %mul3A_546, %add3A_547 : i32
      %get3A_549 = arith.index_cast %add3A_548 : i32 to index
      %get3A_550 = tpu.vector_load %arg5[%get3A_549] {strides = array<i32>} : memref<6144xi32, #tpu.memory_space<vmem>>, vector<16xi32>,
      %get3A_551 = vector.shape_cast %get3A_550 : vector<16xi32> to vector<16xi32>
      %mul3A_552 = arith.constant 16 : i32
      %mul3A_553 = arith.muli %mul3A_539, %mul3A_552 : i32
      %add3A_554 = arith.addi %mul3A_2, %mul3A_553 : i32
      %shift_right_arithmetic3A_555 = arith.constant 7 : i32
      %shift_right_arithmetic3A_556 = arith.shrsi %add3A_554, %shift_right_arithmetic3A_555 : i32
      %mul3A_557 = arith.constant 1024 : i32
      %mul3A_558 = arith.muli %shift_right_arithmetic3A_556, %mul3A_557 : i32
      %and3A_559 = arith.constant 127 : i32
      %and3A_560 = arith.andi %add3A_554, %and3A_559 : i32
      %add3A_561 = arith.addi %mul3A_558, %and3A_560 : i32
      %add3A_562 = vector.broadcast %add3A_561 : i32 to vector<16xi32>
      %add3A_563 = arith.addi %add3A_562, %iota3A : vector<16xi32>
      %add3A_564 = arith.constant 16 : i32
      %add3A_565 = arith.addi %add3A_554, %add3A_564 : i32
      %shift_right_arithmetic3A_566 = arith.constant 7 : i32
      %shift_right_arithmetic3A_567 = arith.shrsi %add3A_565, %shift_right_arithmetic3A_566 : i32
      %mul3A_568 = arith.constant 1024 : i32
      %mul3A_569 = arith.muli %shift_right_arithmetic3A_567, %mul3A_568 : i32
      %add3A_570 = arith.constant 16 : i32
      %add3A_571 = arith.addi %add3A_554, %add3A_570 : i32
      %and3A_572 = arith.constant 127 : i32
      %and3A_573 = arith.andi %add3A_571, %and3A_572 : i32
      %add3A_574 = arith.addi %mul3A_569, %and3A_573 : i32
      %add3A_575 = vector.broadcast %add3A_574 : i32 to vector<16xi32>
      %add3A_576 = arith.addi %add3A_575, %iota3A : vector<16xi32>
      %shift_left3A_577 = arith.constant 7 : i32
      %shift_left3A_578 = vector.broadcast %shift_left3A_577 : i32 to vector<16xi32>
      %shift_left3A_579 = arith.shli %get3A_544, %shift_left3A_578 : vector<16xi32>
      %shift_right_arithmetic3A_580 = arith.constant 3 : i32
      %shift_right_arithmetic3A_581 = vector.broadcast %shift_right_arithmetic3A_580 : i32 to vector<16xi32>
      %shift_right_arithmetic3A_582 = arith.shrsi %get3A_544, %shift_right_arithmetic3A_581 : vector<16xi32>
      %mul3A_583 = arith.constant 2096128 : i32
      %mul3A_584 = vector.broadcast %mul3A_583 : i32 to vector<16xi32>
      %mul3A_585 = arith.muli %shift_right_arithmetic3A_582, %mul3A_584 : vector<16xi32>
      %add3A_586 = arith.addi %shift_left3A_579, %mul3A_585 : vector<16xi32>
      %add3A_587 = arith.addi %add3A_586, %add3A_563 : vector<16xi32>
      %shift_left3A_588 = arith.constant 7 : i32
      %shift_left3A_589 = vector.broadcast %shift_left3A_588 : i32 to vector<16xi32>
      %shift_left3A_590 = arith.shli %get3A_551, %shift_left3A_589 : vector<16xi32>
      %shift_right_arithmetic3A_591 = arith.constant 3 : i32
      %shift_right_arithmetic3A_592 = vector.broadcast %shift_right_arithmetic3A_591 : i32 to vector<16xi32>
      %shift_right_arithmetic3A_593 = arith.shrsi %get3A_551, %shift_right_arithmetic3A_592 : vector<16xi32>
      %mul3A_594 = arith.constant 2096128 : i32
      %mul3A_595 = vector.broadcast %mul3A_594 : i32 to vector<16xi32>
      %mul3A_596 = arith.muli %shift_right_arithmetic3A_593, %mul3A_595 : vector<16xi32>
      %add3A_597 = arith.addi %shift_left3A_590, %mul3A_596 : vector<16xi32>
      %add3A_598 = arith.addi %add3A_597, %add3A_576 : vector<16xi32>
      %mul3A_599 = arith.constant 16 : i32
      %mul3A_600 = arith.muli %mul3A_539, %mul3A_599 : i32
      %swap3A_601 = arith.index_cast %mul3A_600 : i32 to index
      %swap3A_602 = tpu.vector_load %arg6[%swap3A_601] {strides = array<i32>} : memref<6144xi32, #tpu.memory_space<vmem>>, vector<16xi32>,
      %swap3A_603 = vector.shape_cast %swap3A_602 : vector<16xi32> to vector<16xi32>
      %swap3A_604 = vector.shape_cast %add3A_587 : vector<16xi32> to vector<16xi32>
      tpu.vector_store %arg6[%swap3A_601], %swap3A_604 {strides = array<i32>} : memref<6144xi32, #tpu.memory_space<vmem>>, vector<16xi32>,
      %mul3A_605 = arith.constant 16 : i32
      %mul3A_606 = arith.muli %mul3A_539, %mul3A_605 : i32
      %add3A_607 = arith.constant 16 : i32
      %add3A_608 = arith.addi %mul3A_606, %add3A_607 : i32
      %swap3A_609 = arith.index_cast %add3A_608 : i32 to index
      %swap3A_610 = tpu.vector_load %arg6[%swap3A_609] {strides = array<i32>} : memref<6144xi32, #tpu.memory_space<vmem>>, vector<16xi32>,
      %swap3A_611 = vector.shape_cast %swap3A_610 : vector<16xi32> to vector<16xi32>
      %swap3A_612 = vector.shape_cast %add3A_598 : vector<16xi32> to vector<16xi32>
      tpu.vector_store %arg6[%swap3A_609], %swap3A_612 {strides = array<i32>} : memref<6144xi32, #tpu.memory_space<vmem>>, vector<16xi32>,
      %scan3A_613 = arith.constant 6 : i32
      %scan3A_614 = arith.addi %scan3A_156, %scan3A_613 : i32
      %mul3A_615 = arith.constant 2 : i32
      %mul3A_616 = arith.muli %scan3A_614, %mul3A_615 : i32
      %mul3A_617 = arith.constant 16 : i32
      %mul3A_618 = arith.muli %mul3A_616, %mul3A_617 : i32
      %get3A_619 = arith.index_cast %mul3A_618 : i32 to index
      %get3A_620 = tpu.vector_load %arg5[%get3A_619] {strides = array<i32>} : memref<6144xi32, #tpu.memory_space<vmem>>, vector<16xi32>,
      %get3A_621 = vector.shape_cast %get3A_620 : vector<16xi32> to vector<16xi32>
      %mul3A_622 = arith.constant 16 : i32
      %mul3A_623 = arith.muli %mul3A_616, %mul3A_622 : i32
      %add3A_624 = arith.constant 16 : i32
      %add3A_625 = arith.addi %mul3A_623, %add3A_624 : i32
      %get3A_626 = arith.index_cast %add3A_625 : i32 to index
      %get3A_627 = tpu.vector_load %arg5[%get3A_626] {strides = array<i32>} : memref<6144xi32, #tpu.memory_space<vmem>>, vector<16xi32>,
      %get3A_628 = vector.shape_cast %get3A_627 : vector<16xi32> to vector<16xi32>
      %mul3A_629 = arith.constant 16 : i32
      %mul3A_630 = arith.muli %mul3A_616, %mul3A_629 : i32
      %add3A_631 = arith.addi %mul3A_2, %mul3A_630 : i32
      %shift_right_arithmetic3A_632 = arith.constant 7 : i32
      %shift_right_arithmetic3A_633 = arith.shrsi %add3A_631, %shift_right_arithmetic3A_632 : i32
      %mul3A_634 = arith.constant 1024 : i32
      %mul3A_635 = arith.muli %shift_right_arithmetic3A_633, %mul3A_634 : i32
      %and3A_636 = arith.constant 127 : i32
      %and3A_637 = arith.andi %add3A_631, %and3A_636 : i32
      %add3A_638 = arith.addi %mul3A_635, %and3A_637 : i32
      %add3A_639 = vector.broadcast %add3A_638 : i32 to vector<16xi32>
      %add3A_640 = arith.addi %add3A_639, %iota3A : vector<16xi32>
      %add3A_641 = arith.constant 16 : i32
      %add3A_642 = arith.addi %add3A_631, %add3A_641 : i32
      %shift_right_arithmetic3A_643 = arith.constant 7 : i32
      %shift_right_arithmetic3A_644 = arith.shrsi %add3A_642, %shift_right_arithmetic3A_643 : i32
      %mul3A_645 = arith.constant 1024 : i32
      %mul3A_646 = arith.muli %shift_right_arithmetic3A_644, %mul3A_645 : i32
      %add3A_647 = arith.constant 16 : i32
      %add3A_648 = arith.addi %add3A_631, %add3A_647 : i32
      %and3A_649 = arith.constant 127 : i32
      %and3A_650 = arith.andi %add3A_648, %and3A_649 : i32
      %add3A_651 = arith.addi %mul3A_646, %and3A_650 : i32
      %add3A_652 = vector.broadcast %add3A_651 : i32 to vector<16xi32>
      %add3A_653 = arith.addi %add3A_652, %iota3A : vector<16xi32>
      %shift_left3A_654 = arith.constant 7 : i32
      %shift_left3A_655 = vector.broadcast %shift_left3A_654 : i32 to vector<16xi32>
      %shift_left3A_656 = arith.shli %get3A_621, %shift_left3A_655 : vector<16xi32>
      %shift_right_arithmetic3A_657 = arith.constant 3 : i32
      %shift_right_arithmetic3A_658 = vector.broadcast %shift_right_arithmetic3A_657 : i32 to vector<16xi32>
      %shift_right_arithmetic3A_659 = arith.shrsi %get3A_621, %shift_right_arithmetic3A_658 : vector<16xi32>
      %mul3A_660 = arith.constant 2096128 : i32
      %mul3A_661 = vector.broadcast %mul3A_660 : i32 to vector<16xi32>
      %mul3A_662 = arith.muli %shift_right_arithmetic3A_659, %mul3A_661 : vector<16xi32>
      %add3A_663 = arith.addi %shift_left3A_656, %mul3A_662 : vector<16xi32>
      %add3A_664 = arith.addi %add3A_663, %add3A_640 : vector<16xi32>
      %shift_left3A_665 = arith.constant 7 : i32
      %shift_left3A_666 = vector.broadcast %shift_left3A_665 : i32 to vector<16xi32>
      %shift_left3A_667 = arith.shli %get3A_628, %shift_left3A_666 : vector<16xi32>
      %shift_right_arithmetic3A_668 = arith.constant 3 : i32
      %shift_right_arithmetic3A_669 = vector.broadcast %shift_right_arithmetic3A_668 : i32 to vector<16xi32>
      %shift_right_arithmetic3A_670 = arith.shrsi %get3A_628, %shift_right_arithmetic3A_669 : vector<16xi32>
      %mul3A_671 = arith.constant 2096128 : i32
      %mul3A_672 = vector.broadcast %mul3A_671 : i32 to vector<16xi32>
      %mul3A_673 = arith.muli %shift_right_arithmetic3A_670, %mul3A_672 : vector<16xi32>
      %add3A_674 = arith.addi %shift_left3A_667, %mul3A_673 : vector<16xi32>
      %add3A_675 = arith.addi %add3A_674, %add3A_653 : vector<16xi32>
      %mul3A_676 = arith.constant 16 : i32
      %mul3A_677 = arith.muli %mul3A_616, %mul3A_676 : i32
      %swap3A_678 = arith.index_cast %mul3A_677 : i32 to index
      %swap3A_679 = tpu.vector_load %arg6[%swap3A_678] {strides = array<i32>} : memref<6144xi32, #tpu.memory_space<vmem>>, vector<16xi32>,
      %swap3A_680 = vector.shape_cast %swap3A_679 : vector<16xi32> to vector<16xi32>
      %swap3A_681 = vector.shape_cast %add3A_664 : vector<16xi32> to vector<16xi32>
      tpu.vector_store %arg6[%swap3A_678], %swap3A_681 {strides = array<i32>} : memref<6144xi32, #tpu.memory_space<vmem>>, vector<16xi32>,
      %mul3A_682 = arith.constant 16 : i32
      %mul3A_683 = arith.muli %mul3A_616, %mul3A_682 : i32
      %add3A_684 = arith.constant 16 : i32
      %add3A_685 = arith.addi %mul3A_683, %add3A_684 : i32
      %swap3A_686 = arith.index_cast %add3A_685 : i32 to index
      %swap3A_687 = tpu.vector_load %arg6[%swap3A_686] {strides = array<i32>} : memref<6144xi32, #tpu.memory_space<vmem>>, vector<16xi32>,
      %swap3A_688 = vector.shape_cast %swap3A_687 : vector<16xi32> to vector<16xi32>
      %swap3A_689 = vector.shape_cast %add3A_675 : vector<16xi32> to vector<16xi32>
      tpu.vector_store %arg6[%swap3A_686], %swap3A_689 {strides = array<i32>} : memref<6144xi32, #tpu.memory_space<vmem>>, vector<16xi32>,
      %scan3A_690 = arith.constant 7 : i32
      %scan3A_691 = arith.addi %scan3A_156, %scan3A_690 : i32
      %mul3A_692 = arith.constant 2 : i32
      %mul3A_693 = arith.muli %scan3A_691, %mul3A_692 : i32
      %mul3A_694 = arith.constant 16 : i32
      %mul3A_695 = arith.muli %mul3A_693, %mul3A_694 : i32
      %get3A_696 = arith.index_cast %mul3A_695 : i32 to index
      %get3A_697 = tpu.vector_load %arg5[%get3A_696] {strides = array<i32>} : memref<6144xi32, #tpu.memory_space<vmem>>, vector<16xi32>,
      %get3A_698 = vector.shape_cast %get3A_697 : vector<16xi32> to vector<16xi32>
      %mul3A_699 = arith.constant 16 : i32
      %mul3A_700 = arith.muli %mul3A_693, %mul3A_699 : i32
      %add3A_701 = arith.constant 16 : i32
      %add3A_702 = arith.addi %mul3A_700, %add3A_701 : i32
      %get3A_703 = arith.index_cast %add3A_702 : i32 to index
      %get3A_704 = tpu.vector_load %arg5[%get3A_703] {strides = array<i32>} : memref<6144xi32, #tpu.memory_space<vmem>>, vector<16xi32>,
      %get3A_705 = vector.shape_cast %get3A_704 : vector<16xi32> to vector<16xi32>
      %mul3A_706 = arith.constant 16 : i32
      %mul3A_707 = arith.muli %mul3A_693, %mul3A_706 : i32
      %add3A_708 = arith.addi %mul3A_2, %mul3A_707 : i32
      %shift_right_arithmetic3A_709 = arith.constant 7 : i32
      %shift_right_arithmetic3A_710 = arith.shrsi %add3A_708, %shift_right_arithmetic3A_709 : i32
      %mul3A_711 = arith.constant 1024 : i32
      %mul3A_712 = arith.muli %shift_right_arithmetic3A_710, %mul3A_711 : i32
      %and3A_713 = arith.constant 127 : i32
      %and3A_714 = arith.andi %add3A_708, %and3A_713 : i32
      %add3A_715 = arith.addi %mul3A_712, %and3A_714 : i32
      %add3A_716 = vector.broadcast %add3A_715 : i32 to vector<16xi32>
      %add3A_717 = arith.addi %add3A_716, %iota3A : vector<16xi32>
      %add3A_718 = arith.constant 16 : i32
      %add3A_719 = arith.addi %add3A_708, %add3A_718 : i32
      %shift_right_arithmetic3A_720 = arith.constant 7 : i32
      %shift_right_arithmetic3A_721 = arith.shrsi %add3A_719, %shift_right_arithmetic3A_720 : i32
      %mul3A_722 = arith.constant 1024 : i32
      %mul3A_723 = arith.muli %shift_right_arithmetic3A_721, %mul3A_722 : i32
      %add3A_724 = arith.constant 16 : i32
      %add3A_725 = arith.addi %add3A_708, %add3A_724 : i32
      %and3A_726 = arith.constant 127 : i32
      %and3A_727 = arith.andi %add3A_725, %and3A_726 : i32
      %add3A_728 = arith.addi %mul3A_723, %and3A_727 : i32
      %add3A_729 = vector.broadcast %add3A_728 : i32 to vector<16xi32>
      %add3A_730 = arith.addi %add3A_729, %iota3A : vector<16xi32>
      %shift_left3A_731 = arith.constant 7 : i32
      %shift_left3A_732 = vector.broadcast %shift_left3A_731 : i32 to vector<16xi32>
      %shift_left3A_733 = arith.shli %get3A_698, %shift_left3A_732 : vector<16xi32>
      %shift_right_arithmetic3A_734 = arith.constant 3 : i32
      %shift_right_arithmetic3A_735 = vector.broadcast %shift_right_arithmetic3A_734 : i32 to vector<16xi32>
      %shift_right_arithmetic3A_736 = arith.shrsi %get3A_698, %shift_right_arithmetic3A_735 : vector<16xi32>
      %mul3A_737 = arith.constant 2096128 : i32
      %mul3A_738 = vector.broadcast %mul3A_737 : i32 to vector<16xi32>
      %mul3A_739 = arith.muli %shift_right_arithmetic3A_736, %mul3A_738 : vector<16xi32>
      %add3A_740 = arith.addi %shift_left3A_733, %mul3A_739 : vector<16xi32>
      %add3A_741 = arith.addi %add3A_740, %add3A_717 : vector<16xi32>
      %shift_left3A_742 = arith.constant 7 : i32
      %shift_left3A_743 = vector.broadcast %shift_left3A_742 : i32 to vector<16xi32>
      %shift_left3A_744 = arith.shli %get3A_705, %shift_left3A_743 : vector<16xi32>
      %shift_right_arithmetic3A_745 = arith.constant 3 : i32
      %shift_right_arithmetic3A_746 = vector.broadcast %shift_right_arithmetic3A_745 : i32 to vector<16xi32>
      %shift_right_arithmetic3A_747 = arith.shrsi %get3A_705, %shift_right_arithmetic3A_746 : vector<16xi32>
      %mul3A_748 = arith.constant 2096128 : i32
      %mul3A_749 = vector.broadcast %mul3A_748 : i32 to vector<16xi32>
      %mul3A_750 = arith.muli %shift_right_arithmetic3A_747, %mul3A_749 : vector<16xi32>
      %add3A_751 = arith.addi %shift_left3A_744, %mul3A_750 : vector<16xi32>
      %add3A_752 = arith.addi %add3A_751, %add3A_730 : vector<16xi32>
      %mul3A_753 = arith.constant 16 : i32
      %mul3A_754 = arith.muli %mul3A_693, %mul3A_753 : i32
      %swap3A_755 = arith.index_cast %mul3A_754 : i32 to index
      %swap3A_756 = tpu.vector_load %arg6[%swap3A_755] {strides = array<i32>} : memref<6144xi32, #tpu.memory_space<vmem>>, vector<16xi32>,
      %swap3A_757 = vector.shape_cast %swap3A_756 : vector<16xi32> to vector<16xi32>
      %swap3A_758 = vector.shape_cast %add3A_741 : vector<16xi32> to vector<16xi32>
      tpu.vector_store %arg6[%swap3A_755], %swap3A_758 {strides = array<i32>} : memref<6144xi32, #tpu.memory_space<vmem>>, vector<16xi32>,
      %mul3A_759 = arith.constant 16 : i32
      %mul3A_760 = arith.muli %mul3A_693, %mul3A_759 : i32
      %add3A_761 = arith.constant 16 : i32
      %add3A_762 = arith.addi %mul3A_760, %add3A_761 : i32
      %swap3A_763 = arith.index_cast %add3A_762 : i32 to index
      %swap3A_764 = tpu.vector_load %arg6[%swap3A_763] {strides = array<i32>} : memref<6144xi32, #tpu.memory_space<vmem>>, vector<16xi32>,
      %swap3A_765 = vector.shape_cast %swap3A_764 : vector<16xi32> to vector<16xi32>
      %swap3A_766 = vector.shape_cast %add3A_752 : vector<16xi32> to vector<16xi32>
      tpu.vector_store %arg6[%swap3A_763], %swap3A_766 {strides = array<i32>} : memref<6144xi32, #tpu.memory_space<vmem>>, vector<16xi32>,
    }
    %scan3A_67 = arith.constant 64 : i32
    %dma_start3A_68 = arith.constant 4096 : i32
    %dma_start3A_69 = tpu.memref_slice %arg7[%dma_start3A_68] : memref<6144xf32, #tpu.memory_space<vmem>> -> memref<2048xf32, #tpu.memory_space<vmem>>
    %dma_start3A_70 = arith.constant 4096 : i32
    %dma_start3A_71 = tpu.memref_slice %arg6[%dma_start3A_70] : memref<6144xi32, #tpu.memory_space<vmem>> -> memref<2048xi32, #tpu.memory_space<vmem>>
    %dma_start3A_72 = arith.constant 0 : i32
    %dma_start3A_73 = tpu.memref_slice %arg2[%dma_start3A_72] : memref<16777216xf32, #tpu.memory_space<hbm>> -> memref<16777216xf32, #tpu.memory_space<hbm>>
    tpu.enqueue_indirect_dma source(%dma_start3A_73 : memref<16777216xf32, #tpu.memory_space<hbm>>) target(%dma_start3A_69 : memref<2048xf32, #tpu.memory_space<vmem>>) offsets(%dma_start3A_71 : memref<2048xi32, #tpu.memory_space<vmem>>) semaphore(%arg12 : memref<!tpu.dma_semaphore, #tpu.memory_space<semaphore_mem>>)
    %broadcast_in_dim3A = arith.constant 0.000000e+00 : f32
    %broadcast_in_dim3A_74 = vector.broadcast %broadcast_in_dim3A : f32 to vector<16xf32>
    %dma_wait3A_75 = arith.constant 0 : i32
    %dma_wait3A_76 = tpu.memref_slice %arg7[%dma_wait3A_75] : memref<6144xf32, #tpu.memory_space<vmem>> -> memref<512xf32, #tpu.memory_space<vmem>>
    %dma_wait3A_77 = arith.constant 0 : i32
    %dma_wait3A_78 = tpu.memref_slice %arg6[%dma_wait3A_77] : memref<6144xi32, #tpu.memory_space<vmem>> -> memref<512xi32, #tpu.memory_space<vmem>>
    %dma_wait3A_79 = arith.constant 0 : i32
    %dma_wait3A_80 = tpu.memref_slice %arg2[%dma_wait3A_79] : memref<16777216xf32, #tpu.memory_space<hbm>> -> memref<16777216xf32, #tpu.memory_space<hbm>>
    tpu.wait_indirect_dma semaphore(%arg9 : memref<!tpu.dma_semaphore, #tpu.memory_space<semaphore_mem>>) src(%dma_wait3A_80 : memref<16777216xf32, #tpu.memory_space<hbm>>) dst(%dma_wait3A_76 : memref<512xf32, #tpu.memory_space<vmem>>)
    %scan3A_81 = arith.constant 0 : i32
    %scan3A_82 = arith.constant 8 : i32
    %scan3A_83 = arith.addi %scan3A_81, %scan3A_82 : i32
    %scan3A_84 = arith.constant 4 : i32
    %scan3A_85:4 = scf.for %scan3A_156 = %scan3A_81 to %scan3A_83 step %scan3A_84 iter_args(%scan3A_157 = %broadcast_in_dim3A_74, %scan3A_158 = %broadcast_in_dim3A_74, %scan3A_159 = %broadcast_in_dim3A_74, %scan3A_160 = %broadcast_in_dim3A_74) -> (vector<16xf32>, vector<16xf32>, vector<16xf32>, vector<16xf32>)  : i32 {
      %mul3A_161 = arith.constant 64 : i32
      %mul3A_162 = arith.muli %scan3A_156, %mul3A_161 : i32
      %get3A = arith.index_cast %mul3A_162 : i32 to index
      %get3A_163 = tpu.vector_load %arg7[%get3A] {strides = array<i32>} : memref<6144xf32, #tpu.memory_space<vmem>>, vector<16xf32>,
      %get3A_164 = vector.shape_cast %get3A_163 : vector<16xf32> to vector<16xf32>
      %add3A_165 = arith.addf %scan3A_157, %get3A_164 : vector<16xf32>
      %add3A_166 = arith.constant 16 : i32
      %add3A_167 = arith.addi %mul3A_162, %add3A_166 : i32
      %get3A_168 = arith.index_cast %add3A_167 : i32 to index
      %get3A_169 = tpu.vector_load %arg7[%get3A_168] {strides = array<i32>} : memref<6144xf32, #tpu.memory_space<vmem>>, vector<16xf32>,
      %get3A_170 = vector.shape_cast %get3A_169 : vector<16xf32> to vector<16xf32>
      %add3A_171 = arith.addf %scan3A_158, %get3A_170 : vector<16xf32>
      %add3A_172 = arith.constant 32 : i32
      %add3A_173 = arith.addi %mul3A_162, %add3A_172 : i32
      %get3A_174 = arith.index_cast %add3A_173 : i32 to index
      %get3A_175 = tpu.vector_load %arg7[%get3A_174] {strides = array<i32>} : memref<6144xf32, #tpu.memory_space<vmem>>, vector<16xf32>,
      %get3A_176 = vector.shape_cast %get3A_175 : vector<16xf32> to vector<16xf32>
      %add3A_177 = arith.addf %scan3A_159, %get3A_176 : vector<16xf32>
      %add3A_178 = arith.constant 48 : i32
      %add3A_179 = arith.addi %mul3A_162, %add3A_178 : i32
      %get3A_180 = arith.index_cast %add3A_179 : i32 to index
      %get3A_181 = tpu.vector_load %arg7[%get3A_180] {strides = array<i32>} : memref<6144xf32, #tpu.memory_space<vmem>>, vector<16xf32>,
      %get3A_182 = vector.shape_cast %get3A_181 : vector<16xf32> to vector<16xf32>
      %add3A_183 = arith.addf %scan3A_160, %get3A_182 : vector<16xf32>
      %scan3A_184 = arith.constant 1 : i32
      %scan3A_185 = arith.addi %scan3A_156, %scan3A_184 : i32
      %mul3A_186 = arith.constant 64 : i32
      %mul3A_187 = arith.muli %scan3A_185, %mul3A_186 : i32
      %get3A_188 = arith.index_cast %mul3A_187 : i32 to index
      %get3A_189 = tpu.vector_load %arg7[%get3A_188] {strides = array<i32>} : memref<6144xf32, #tpu.memory_space<vmem>>, vector<16xf32>,
      %get3A_190 = vector.shape_cast %get3A_189 : vector<16xf32> to vector<16xf32>
      %add3A_191 = arith.addf %add3A_165, %get3A_190 : vector<16xf32>
      %add3A_192 = arith.constant 16 : i32
      %add3A_193 = arith.addi %mul3A_187, %add3A_192 : i32
      %get3A_194 = arith.index_cast %add3A_193 : i32 to index
      %get3A_195 = tpu.vector_load %arg7[%get3A_194] {strides = array<i32>} : memref<6144xf32, #tpu.memory_space<vmem>>, vector<16xf32>,
      %get3A_196 = vector.shape_cast %get3A_195 : vector<16xf32> to vector<16xf32>
      %add3A_197 = arith.addf %add3A_171, %get3A_196 : vector<16xf32>
      %add3A_198 = arith.constant 32 : i32
      %add3A_199 = arith.addi %mul3A_187, %add3A_198 : i32
      %get3A_200 = arith.index_cast %add3A_199 : i32 to index
      %get3A_201 = tpu.vector_load %arg7[%get3A_200] {strides = array<i32>} : memref<6144xf32, #tpu.memory_space<vmem>>, vector<16xf32>,
      %get3A_202 = vector.shape_cast %get3A_201 : vector<16xf32> to vector<16xf32>
      %add3A_203 = arith.addf %add3A_177, %get3A_202 : vector<16xf32>
      %add3A_204 = arith.constant 48 : i32
      %add3A_205 = arith.addi %mul3A_187, %add3A_204 : i32
      %get3A_206 = arith.index_cast %add3A_205 : i32 to index
      %get3A_207 = tpu.vector_load %arg7[%get3A_206] {strides = array<i32>} : memref<6144xf32, #tpu.memory_space<vmem>>, vector<16xf32>,
      %get3A_208 = vector.shape_cast %get3A_207 : vector<16xf32> to vector<16xf32>
      %add3A_209 = arith.addf %add3A_183, %get3A_208 : vector<16xf32>
      %scan3A_210 = arith.constant 2 : i32
      %scan3A_211 = arith.addi %scan3A_156, %scan3A_210 : i32
      %mul3A_212 = arith.constant 64 : i32
      %mul3A_213 = arith.muli %scan3A_211, %mul3A_212 : i32
      %get3A_214 = arith.index_cast %mul3A_213 : i32 to index
      %get3A_215 = tpu.vector_load %arg7[%get3A_214] {strides = array<i32>} : memref<6144xf32, #tpu.memory_space<vmem>>, vector<16xf32>,
      %get3A_216 = vector.shape_cast %get3A_215 : vector<16xf32> to vector<16xf32>
      %add3A_217 = arith.addf %add3A_191, %get3A_216 : vector<16xf32>
      %add3A_218 = arith.constant 16 : i32
      %add3A_219 = arith.addi %mul3A_213, %add3A_218 : i32
      %get3A_220 = arith.index_cast %add3A_219 : i32 to index
      %get3A_221 = tpu.vector_load %arg7[%get3A_220] {strides = array<i32>} : memref<6144xf32, #tpu.memory_space<vmem>>, vector<16xf32>,
      %get3A_222 = vector.shape_cast %get3A_221 : vector<16xf32> to vector<16xf32>
      %add3A_223 = arith.addf %add3A_197, %get3A_222 : vector<16xf32>
      %add3A_224 = arith.constant 32 : i32
      %add3A_225 = arith.addi %mul3A_213, %add3A_224 : i32
      %get3A_226 = arith.index_cast %add3A_225 : i32 to index
      %get3A_227 = tpu.vector_load %arg7[%get3A_226] {strides = array<i32>} : memref<6144xf32, #tpu.memory_space<vmem>>, vector<16xf32>,
      %get3A_228 = vector.shape_cast %get3A_227 : vector<16xf32> to vector<16xf32>
      %add3A_229 = arith.addf %add3A_203, %get3A_228 : vector<16xf32>
      %add3A_230 = arith.constant 48 : i32
      %add3A_231 = arith.addi %mul3A_213, %add3A_230 : i32
      %get3A_232 = arith.index_cast %add3A_231 : i32 to index
      %get3A_233 = tpu.vector_load %arg7[%get3A_232] {strides = array<i32>} : memref<6144xf32, #tpu.memory_space<vmem>>, vector<16xf32>,
      %get3A_234 = vector.shape_cast %get3A_233 : vector<16xf32> to vector<16xf32>
      %add3A_235 = arith.addf %add3A_209, %get3A_234 : vector<16xf32>
      %scan3A_236 = arith.constant 3 : i32
      %scan3A_237 = arith.addi %scan3A_156, %scan3A_236 : i32
      %mul3A_238 = arith.constant 64 : i32
      %mul3A_239 = arith.muli %scan3A_237, %mul3A_238 : i32
      %get3A_240 = arith.index_cast %mul3A_239 : i32 to index
      %get3A_241 = tpu.vector_load %arg7[%get3A_240] {strides = array<i32>} : memref<6144xf32, #tpu.memory_space<vmem>>, vector<16xf32>,
      %get3A_242 = vector.shape_cast %get3A_241 : vector<16xf32> to vector<16xf32>
      %add3A_243 = arith.addf %add3A_217, %get3A_242 : vector<16xf32>
      %add3A_244 = arith.constant 16 : i32
      %add3A_245 = arith.addi %mul3A_239, %add3A_244 : i32
      %get3A_246 = arith.index_cast %add3A_245 : i32 to index
      %get3A_247 = tpu.vector_load %arg7[%get3A_246] {strides = array<i32>} : memref<6144xf32, #tpu.memory_space<vmem>>, vector<16xf32>,
      %get3A_248 = vector.shape_cast %get3A_247 : vector<16xf32> to vector<16xf32>
      %add3A_249 = arith.addf %add3A_223, %get3A_248 : vector<16xf32>
      %add3A_250 = arith.constant 32 : i32
      %add3A_251 = arith.addi %mul3A_239, %add3A_250 : i32
      %get3A_252 = arith.index_cast %add3A_251 : i32 to index
      %get3A_253 = tpu.vector_load %arg7[%get3A_252] {strides = array<i32>} : memref<6144xf32, #tpu.memory_space<vmem>>, vector<16xf32>,
      %get3A_254 = vector.shape_cast %get3A_253 : vector<16xf32> to vector<16xf32>
      %add3A_255 = arith.addf %add3A_229, %get3A_254 : vector<16xf32>
      %add3A_256 = arith.constant 48 : i32
      %add3A_257 = arith.addi %mul3A_239, %add3A_256 : i32
      %get3A_258 = arith.index_cast %add3A_257 : i32 to index
      %get3A_259 = tpu.vector_load %arg7[%get3A_258] {strides = array<i32>} : memref<6144xf32, #tpu.memory_space<vmem>>, vector<16xf32>,
      %get3A_260 = vector.shape_cast %get3A_259 : vector<16xf32> to vector<16xf32>
      %add3A_261 = arith.addf %add3A_235, %get3A_260 : vector<16xf32>
      scf.yield %add3A_243, %add3A_249, %add3A_255, %add3A_261 : vector<16xf32>, vector<16xf32>, vector<16xf32>, vector<16xf32>
    }
    %scan3A_86 = arith.constant 8 : i32
    %dma_wait3A_87 = arith.constant 512 : i32
    %dma_wait3A_88 = tpu.memref_slice %arg7[%dma_wait3A_87] : memref<6144xf32, #tpu.memory_space<vmem>> -> memref<1536xf32, #tpu.memory_space<vmem>>
    %dma_wait3A_89 = arith.constant 512 : i32
    %dma_wait3A_90 = tpu.memref_slice %arg6[%dma_wait3A_89] : memref<6144xi32, #tpu.memory_space<vmem>> -> memref<1536xi32, #tpu.memory_space<vmem>>
    %dma_wait3A_91 = arith.constant 0 : i32
    %dma_wait3A_92 = tpu.memref_slice %arg2[%dma_wait3A_91] : memref<16777216xf32, #tpu.memory_space<hbm>> -> memref<16777216xf32, #tpu.memory_space<hbm>>
    tpu.wait_indirect_dma semaphore(%arg10 : memref<!tpu.dma_semaphore, #tpu.memory_space<semaphore_mem>>) src(%dma_wait3A_92 : memref<16777216xf32, #tpu.memory_space<hbm>>) dst(%dma_wait3A_88 : memref<1536xf32, #tpu.memory_space<vmem>>)
    %scan3A_93 = arith.constant 8 : i32
    %scan3A_94 = arith.constant 24 : i32
    %scan3A_95 = arith.addi %scan3A_93, %scan3A_94 : i32
    %scan3A_96 = arith.constant 4 : i32
    %scan3A_97:4 = scf.for %scan3A_156 = %scan3A_93 to %scan3A_95 step %scan3A_96 iter_args(%scan3A_157 = %scan3A_85#0, %scan3A_158 = %scan3A_85#1, %scan3A_159 = %scan3A_85#2, %scan3A_160 = %scan3A_85#3) -> (vector<16xf32>, vector<16xf32>, vector<16xf32>, vector<16xf32>)  : i32 {
      %mul3A_161 = arith.constant 64 : i32
      %mul3A_162 = arith.muli %scan3A_156, %mul3A_161 : i32
      %get3A = arith.index_cast %mul3A_162 : i32 to index
      %get3A_163 = tpu.vector_load %arg7[%get3A] {strides = array<i32>} : memref<6144xf32, #tpu.memory_space<vmem>>, vector<16xf32>,
      %get3A_164 = vector.shape_cast %get3A_163 : vector<16xf32> to vector<16xf32>
      %add3A_165 = arith.addf %scan3A_157, %get3A_164 : vector<16xf32>
      %add3A_166 = arith.constant 16 : i32
      %add3A_167 = arith.addi %mul3A_162, %add3A_166 : i32
      %get3A_168 = arith.index_cast %add3A_167 : i32 to index
      %get3A_169 = tpu.vector_load %arg7[%get3A_168] {strides = array<i32>} : memref<6144xf32, #tpu.memory_space<vmem>>, vector<16xf32>,
      %get3A_170 = vector.shape_cast %get3A_169 : vector<16xf32> to vector<16xf32>
      %add3A_171 = arith.addf %scan3A_158, %get3A_170 : vector<16xf32>
      %add3A_172 = arith.constant 32 : i32
      %add3A_173 = arith.addi %mul3A_162, %add3A_172 : i32
      %get3A_174 = arith.index_cast %add3A_173 : i32 to index
      %get3A_175 = tpu.vector_load %arg7[%get3A_174] {strides = array<i32>} : memref<6144xf32, #tpu.memory_space<vmem>>, vector<16xf32>,
      %get3A_176 = vector.shape_cast %get3A_175 : vector<16xf32> to vector<16xf32>
      %add3A_177 = arith.addf %scan3A_159, %get3A_176 : vector<16xf32>
      %add3A_178 = arith.constant 48 : i32
      %add3A_179 = arith.addi %mul3A_162, %add3A_178 : i32
      %get3A_180 = arith.index_cast %add3A_179 : i32 to index
      %get3A_181 = tpu.vector_load %arg7[%get3A_180] {strides = array<i32>} : memref<6144xf32, #tpu.memory_space<vmem>>, vector<16xf32>,
      %get3A_182 = vector.shape_cast %get3A_181 : vector<16xf32> to vector<16xf32>
      %add3A_183 = arith.addf %scan3A_160, %get3A_182 : vector<16xf32>
      %scan3A_184 = arith.constant 1 : i32
      %scan3A_185 = arith.addi %scan3A_156, %scan3A_184 : i32
      %mul3A_186 = arith.constant 64 : i32
      %mul3A_187 = arith.muli %scan3A_185, %mul3A_186 : i32
      %get3A_188 = arith.index_cast %mul3A_187 : i32 to index
      %get3A_189 = tpu.vector_load %arg7[%get3A_188] {strides = array<i32>} : memref<6144xf32, #tpu.memory_space<vmem>>, vector<16xf32>,
      %get3A_190 = vector.shape_cast %get3A_189 : vector<16xf32> to vector<16xf32>
      %add3A_191 = arith.addf %add3A_165, %get3A_190 : vector<16xf32>
      %add3A_192 = arith.constant 16 : i32
      %add3A_193 = arith.addi %mul3A_187, %add3A_192 : i32
      %get3A_194 = arith.index_cast %add3A_193 : i32 to index
      %get3A_195 = tpu.vector_load %arg7[%get3A_194] {strides = array<i32>} : memref<6144xf32, #tpu.memory_space<vmem>>, vector<16xf32>,
      %get3A_196 = vector.shape_cast %get3A_195 : vector<16xf32> to vector<16xf32>
      %add3A_197 = arith.addf %add3A_171, %get3A_196 : vector<16xf32>
      %add3A_198 = arith.constant 32 : i32
      %add3A_199 = arith.addi %mul3A_187, %add3A_198 : i32
      %get3A_200 = arith.index_cast %add3A_199 : i32 to index
      %get3A_201 = tpu.vector_load %arg7[%get3A_200] {strides = array<i32>} : memref<6144xf32, #tpu.memory_space<vmem>>, vector<16xf32>,
      %get3A_202 = vector.shape_cast %get3A_201 : vector<16xf32> to vector<16xf32>
      %add3A_203 = arith.addf %add3A_177, %get3A_202 : vector<16xf32>
      %add3A_204 = arith.constant 48 : i32
      %add3A_205 = arith.addi %mul3A_187, %add3A_204 : i32
      %get3A_206 = arith.index_cast %add3A_205 : i32 to index
      %get3A_207 = tpu.vector_load %arg7[%get3A_206] {strides = array<i32>} : memref<6144xf32, #tpu.memory_space<vmem>>, vector<16xf32>,
      %get3A_208 = vector.shape_cast %get3A_207 : vector<16xf32> to vector<16xf32>
      %add3A_209 = arith.addf %add3A_183, %get3A_208 : vector<16xf32>
      %scan3A_210 = arith.constant 2 : i32
      %scan3A_211 = arith.addi %scan3A_156, %scan3A_210 : i32
      %mul3A_212 = arith.constant 64 : i32
      %mul3A_213 = arith.muli %scan3A_211, %mul3A_212 : i32
      %get3A_214 = arith.index_cast %mul3A_213 : i32 to index
      %get3A_215 = tpu.vector_load %arg7[%get3A_214] {strides = array<i32>} : memref<6144xf32, #tpu.memory_space<vmem>>, vector<16xf32>,
      %get3A_216 = vector.shape_cast %get3A_215 : vector<16xf32> to vector<16xf32>
      %add3A_217 = arith.addf %add3A_191, %get3A_216 : vector<16xf32>
      %add3A_218 = arith.constant 16 : i32
      %add3A_219 = arith.addi %mul3A_213, %add3A_218 : i32
      %get3A_220 = arith.index_cast %add3A_219 : i32 to index
      %get3A_221 = tpu.vector_load %arg7[%get3A_220] {strides = array<i32>} : memref<6144xf32, #tpu.memory_space<vmem>>, vector<16xf32>,
      %get3A_222 = vector.shape_cast %get3A_221 : vector<16xf32> to vector<16xf32>
      %add3A_223 = arith.addf %add3A_197, %get3A_222 : vector<16xf32>
      %add3A_224 = arith.constant 32 : i32
      %add3A_225 = arith.addi %mul3A_213, %add3A_224 : i32
      %get3A_226 = arith.index_cast %add3A_225 : i32 to index
      %get3A_227 = tpu.vector_load %arg7[%get3A_226] {strides = array<i32>} : memref<6144xf32, #tpu.memory_space<vmem>>, vector<16xf32>,
      %get3A_228 = vector.shape_cast %get3A_227 : vector<16xf32> to vector<16xf32>
      %add3A_229 = arith.addf %add3A_203, %get3A_228 : vector<16xf32>
      %add3A_230 = arith.constant 48 : i32
      %add3A_231 = arith.addi %mul3A_213, %add3A_230 : i32
      %get3A_232 = arith.index_cast %add3A_231 : i32 to index
      %get3A_233 = tpu.vector_load %arg7[%get3A_232] {strides = array<i32>} : memref<6144xf32, #tpu.memory_space<vmem>>, vector<16xf32>,
      %get3A_234 = vector.shape_cast %get3A_233 : vector<16xf32> to vector<16xf32>
      %add3A_235 = arith.addf %add3A_209, %get3A_234 : vector<16xf32>
      %scan3A_236 = arith.constant 3 : i32
      %scan3A_237 = arith.addi %scan3A_156, %scan3A_236 : i32
      %mul3A_238 = arith.constant 64 : i32
      %mul3A_239 = arith.muli %scan3A_237, %mul3A_238 : i32
      %get3A_240 = arith.index_cast %mul3A_239 : i32 to index
      %get3A_241 = tpu.vector_load %arg7[%get3A_240] {strides = array<i32>} : memref<6144xf32, #tpu.memory_space<vmem>>, vector<16xf32>,
      %get3A_242 = vector.shape_cast %get3A_241 : vector<16xf32> to vector<16xf32>
      %add3A_243 = arith.addf %add3A_217, %get3A_242 : vector<16xf32>
      %add3A_244 = arith.constant 16 : i32
      %add3A_245 = arith.addi %mul3A_239, %add3A_244 : i32
      %get3A_246 = arith.index_cast %add3A_245 : i32 to index
      %get3A_247 = tpu.vector_load %arg7[%get3A_246] {strides = array<i32>} : memref<6144xf32, #tpu.memory_space<vmem>>, vector<16xf32>,
      %get3A_248 = vector.shape_cast %get3A_247 : vector<16xf32> to vector<16xf32>
      %add3A_249 = arith.addf %add3A_223, %get3A_248 : vector<16xf32>
      %add3A_250 = arith.constant 32 : i32
      %add3A_251 = arith.addi %mul3A_239, %add3A_250 : i32
      %get3A_252 = arith.index_cast %add3A_251 : i32 to index
      %get3A_253 = tpu.vector_load %arg7[%get3A_252] {strides = array<i32>} : memref<6144xf32, #tpu.memory_space<vmem>>, vector<16xf32>,
      %get3A_254 = vector.shape_cast %get3A_253 : vector<16xf32> to vector<16xf32>
      %add3A_255 = arith.addf %add3A_229, %get3A_254 : vector<16xf32>
      %add3A_256 = arith.constant 48 : i32
      %add3A_257 = arith.addi %mul3A_239, %add3A_256 : i32
      %get3A_258 = arith.index_cast %add3A_257 : i32 to index
      %get3A_259 = tpu.vector_load %arg7[%get3A_258] {strides = array<i32>} : memref<6144xf32, #tpu.memory_space<vmem>>, vector<16xf32>,
      %get3A_260 = vector.shape_cast %get3A_259 : vector<16xf32> to vector<16xf32>
      %add3A_261 = arith.addf %add3A_235, %get3A_260 : vector<16xf32>
      scf.yield %add3A_243, %add3A_249, %add3A_255, %add3A_261 : vector<16xf32>, vector<16xf32>, vector<16xf32>, vector<16xf32>
    }
    %scan3A_98 = arith.constant 24 : i32
    %dma_wait3A_99 = arith.constant 2048 : i32
    %dma_wait3A_100 = tpu.memref_slice %arg7[%dma_wait3A_99] : memref<6144xf32, #tpu.memory_space<vmem>> -> memref<2048xf32, #tpu.memory_space<vmem>>
    %dma_wait3A_101 = arith.constant 2048 : i32
    %dma_wait3A_102 = tpu.memref_slice %arg6[%dma_wait3A_101] : memref<6144xi32, #tpu.memory_space<vmem>> -> memref<2048xi32, #tpu.memory_space<vmem>>
    %dma_wait3A_103 = arith.constant 0 : i32
    %dma_wait3A_104 = tpu.memref_slice %arg2[%dma_wait3A_103] : memref<16777216xf32, #tpu.memory_space<hbm>> -> memref<16777216xf32, #tpu.memory_space<hbm>>
    tpu.wait_indirect_dma semaphore(%arg11 : memref<!tpu.dma_semaphore, #tpu.memory_space<semaphore_mem>>) src(%dma_wait3A_104 : memref<16777216xf32, #tpu.memory_space<hbm>>) dst(%dma_wait3A_100 : memref<2048xf32, #tpu.memory_space<vmem>>)
    %scan3A_105 = arith.constant 32 : i32
    %scan3A_106 = arith.constant 32 : i32
    %scan3A_107 = arith.addi %scan3A_105, %scan3A_106 : i32
    %scan3A_108 = arith.constant 4 : i32
    %scan3A_109:4 = scf.for %scan3A_156 = %scan3A_105 to %scan3A_107 step %scan3A_108 iter_args(%scan3A_157 = %scan3A_97#0, %scan3A_158 = %scan3A_97#1, %scan3A_159 = %scan3A_97#2, %scan3A_160 = %scan3A_97#3) -> (vector<16xf32>, vector<16xf32>, vector<16xf32>, vector<16xf32>)  : i32 {
      %mul3A_161 = arith.constant 64 : i32
      %mul3A_162 = arith.muli %scan3A_156, %mul3A_161 : i32
      %get3A = arith.index_cast %mul3A_162 : i32 to index
      %get3A_163 = tpu.vector_load %arg7[%get3A] {strides = array<i32>} : memref<6144xf32, #tpu.memory_space<vmem>>, vector<16xf32>,
      %get3A_164 = vector.shape_cast %get3A_163 : vector<16xf32> to vector<16xf32>
      %add3A_165 = arith.addf %scan3A_157, %get3A_164 : vector<16xf32>
      %add3A_166 = arith.constant 16 : i32
      %add3A_167 = arith.addi %mul3A_162, %add3A_166 : i32
      %get3A_168 = arith.index_cast %add3A_167 : i32 to index
      %get3A_169 = tpu.vector_load %arg7[%get3A_168] {strides = array<i32>} : memref<6144xf32, #tpu.memory_space<vmem>>, vector<16xf32>,
      %get3A_170 = vector.shape_cast %get3A_169 : vector<16xf32> to vector<16xf32>
      %add3A_171 = arith.addf %scan3A_158, %get3A_170 : vector<16xf32>
      %add3A_172 = arith.constant 32 : i32
      %add3A_173 = arith.addi %mul3A_162, %add3A_172 : i32
      %get3A_174 = arith.index_cast %add3A_173 : i32 to index
      %get3A_175 = tpu.vector_load %arg7[%get3A_174] {strides = array<i32>} : memref<6144xf32, #tpu.memory_space<vmem>>, vector<16xf32>,
      %get3A_176 = vector.shape_cast %get3A_175 : vector<16xf32> to vector<16xf32>
      %add3A_177 = arith.addf %scan3A_159, %get3A_176 : vector<16xf32>
      %add3A_178 = arith.constant 48 : i32
      %add3A_179 = arith.addi %mul3A_162, %add3A_178 : i32
      %get3A_180 = arith.index_cast %add3A_179 : i32 to index
      %get3A_181 = tpu.vector_load %arg7[%get3A_180] {strides = array<i32>} : memref<6144xf32, #tpu.memory_space<vmem>>, vector<16xf32>,
      %get3A_182 = vector.shape_cast %get3A_181 : vector<16xf32> to vector<16xf32>
      %add3A_183 = arith.addf %scan3A_160, %get3A_182 : vector<16xf32>
      %scan3A_184 = arith.constant 1 : i32
      %scan3A_185 = arith.addi %scan3A_156, %scan3A_184 : i32
      %mul3A_186 = arith.constant 64 : i32
      %mul3A_187 = arith.muli %scan3A_185, %mul3A_186 : i32
      %get3A_188 = arith.index_cast %mul3A_187 : i32 to index
      %get3A_189 = tpu.vector_load %arg7[%get3A_188] {strides = array<i32>} : memref<6144xf32, #tpu.memory_space<vmem>>, vector<16xf32>,
      %get3A_190 = vector.shape_cast %get3A_189 : vector<16xf32> to vector<16xf32>
      %add3A_191 = arith.addf %add3A_165, %get3A_190 : vector<16xf32>
      %add3A_192 = arith.constant 16 : i32
      %add3A_193 = arith.addi %mul3A_187, %add3A_192 : i32
      %get3A_194 = arith.index_cast %add3A_193 : i32 to index
      %get3A_195 = tpu.vector_load %arg7[%get3A_194] {strides = array<i32>} : memref<6144xf32, #tpu.memory_space<vmem>>, vector<16xf32>,
      %get3A_196 = vector.shape_cast %get3A_195 : vector<16xf32> to vector<16xf32>
      %add3A_197 = arith.addf %add3A_171, %get3A_196 : vector<16xf32>
      %add3A_198 = arith.constant 32 : i32
      %add3A_199 = arith.addi %mul3A_187, %add3A_198 : i32
      %get3A_200 = arith.index_cast %add3A_199 : i32 to index
      %get3A_201 = tpu.vector_load %arg7[%get3A_200] {strides = array<i32>} : memref<6144xf32, #tpu.memory_space<vmem>>, vector<16xf32>,
      %get3A_202 = vector.shape_cast %get3A_201 : vector<16xf32> to vector<16xf32>
      %add3A_203 = arith.addf %add3A_177, %get3A_202 : vector<16xf32>
      %add3A_204 = arith.constant 48 : i32
      %add3A_205 = arith.addi %mul3A_187, %add3A_204 : i32
      %get3A_206 = arith.index_cast %add3A_205 : i32 to index
      %get3A_207 = tpu.vector_load %arg7[%get3A_206] {strides = array<i32>} : memref<6144xf32, #tpu.memory_space<vmem>>, vector<16xf32>,
      %get3A_208 = vector.shape_cast %get3A_207 : vector<16xf32> to vector<16xf32>
      %add3A_209 = arith.addf %add3A_183, %get3A_208 : vector<16xf32>
      %scan3A_210 = arith.constant 2 : i32
      %scan3A_211 = arith.addi %scan3A_156, %scan3A_210 : i32
      %mul3A_212 = arith.constant 64 : i32
      %mul3A_213 = arith.muli %scan3A_211, %mul3A_212 : i32
      %get3A_214 = arith.index_cast %mul3A_213 : i32 to index
      %get3A_215 = tpu.vector_load %arg7[%get3A_214] {strides = array<i32>} : memref<6144xf32, #tpu.memory_space<vmem>>, vector<16xf32>,
      %get3A_216 = vector.shape_cast %get3A_215 : vector<16xf32> to vector<16xf32>
      %add3A_217 = arith.addf %add3A_191, %get3A_216 : vector<16xf32>
      %add3A_218 = arith.constant 16 : i32
      %add3A_219 = arith.addi %mul3A_213, %add3A_218 : i32
      %get3A_220 = arith.index_cast %add3A_219 : i32 to index
      %get3A_221 = tpu.vector_load %arg7[%get3A_220] {strides = array<i32>} : memref<6144xf32, #tpu.memory_space<vmem>>, vector<16xf32>,
      %get3A_222 = vector.shape_cast %get3A_221 : vector<16xf32> to vector<16xf32>
      %add3A_223 = arith.addf %add3A_197, %get3A_222 : vector<16xf32>
      %add3A_224 = arith.constant 32 : i32
      %add3A_225 = arith.addi %mul3A_213, %add3A_224 : i32
      %get3A_226 = arith.index_cast %add3A_225 : i32 to index
      %get3A_227 = tpu.vector_load %arg7[%get3A_226] {strides = array<i32>} : memref<6144xf32, #tpu.memory_space<vmem>>, vector<16xf32>,
      %get3A_228 = vector.shape_cast %get3A_227 : vector<16xf32> to vector<16xf32>
      %add3A_229 = arith.addf %add3A_203, %get3A_228 : vector<16xf32>
      %add3A_230 = arith.constant 48 : i32
      %add3A_231 = arith.addi %mul3A_213, %add3A_230 : i32
      %get3A_232 = arith.index_cast %add3A_231 : i32 to index
      %get3A_233 = tpu.vector_load %arg7[%get3A_232] {strides = array<i32>} : memref<6144xf32, #tpu.memory_space<vmem>>, vector<16xf32>,
      %get3A_234 = vector.shape_cast %get3A_233 : vector<16xf32> to vector<16xf32>
      %add3A_235 = arith.addf %add3A_209, %get3A_234 : vector<16xf32>
      %scan3A_236 = arith.constant 3 : i32
      %scan3A_237 = arith.addi %scan3A_156, %scan3A_236 : i32
      %mul3A_238 = arith.constant 64 : i32
      %mul3A_239 = arith.muli %scan3A_237, %mul3A_238 : i32
      %get3A_240 = arith.index_cast %mul3A_239 : i32 to index
      %get3A_241 = tpu.vector_load %arg7[%get3A_240] {strides = array<i32>} : memref<6144xf32, #tpu.memory_space<vmem>>, vector<16xf32>,
      %get3A_242 = vector.shape_cast %get3A_241 : vector<16xf32> to vector<16xf32>
      %add3A_243 = arith.addf %add3A_217, %get3A_242 : vector<16xf32>
      %add3A_244 = arith.constant 16 : i32
      %add3A_245 = arith.addi %mul3A_239, %add3A_244 : i32
      %get3A_246 = arith.index_cast %add3A_245 : i32 to index
      %get3A_247 = tpu.vector_load %arg7[%get3A_246] {strides = array<i32>} : memref<6144xf32, #tpu.memory_space<vmem>>, vector<16xf32>,
      %get3A_248 = vector.shape_cast %get3A_247 : vector<16xf32> to vector<16xf32>
      %add3A_249 = arith.addf %add3A_223, %get3A_248 : vector<16xf32>
      %add3A_250 = arith.constant 32 : i32
      %add3A_251 = arith.addi %mul3A_239, %add3A_250 : i32
      %get3A_252 = arith.index_cast %add3A_251 : i32 to index
      %get3A_253 = tpu.vector_load %arg7[%get3A_252] {strides = array<i32>} : memref<6144xf32, #tpu.memory_space<vmem>>, vector<16xf32>,
      %get3A_254 = vector.shape_cast %get3A_253 : vector<16xf32> to vector<16xf32>
      %add3A_255 = arith.addf %add3A_229, %get3A_254 : vector<16xf32>
      %add3A_256 = arith.constant 48 : i32
      %add3A_257 = arith.addi %mul3A_239, %add3A_256 : i32
      %get3A_258 = arith.index_cast %add3A_257 : i32 to index
      %get3A_259 = tpu.vector_load %arg7[%get3A_258] {strides = array<i32>} : memref<6144xf32, #tpu.memory_space<vmem>>, vector<16xf32>,
      %get3A_260 = vector.shape_cast %get3A_259 : vector<16xf32> to vector<16xf32>
      %add3A_261 = arith.addf %add3A_235, %get3A_260 : vector<16xf32>
      scf.yield %add3A_243, %add3A_249, %add3A_255, %add3A_261 : vector<16xf32>, vector<16xf32>, vector<16xf32>, vector<16xf32>
    }
    %scan3A_110 = arith.constant 32 : i32
    %dma_wait3A_111 = arith.constant 4096 : i32
    %dma_wait3A_112 = tpu.memref_slice %arg7[%dma_wait3A_111] : memref<6144xf32, #tpu.memory_space<vmem>> -> memref<2048xf32, #tpu.memory_space<vmem>>
    %dma_wait3A_113 = arith.constant 4096 : i32
    %dma_wait3A_114 = tpu.memref_slice %arg6[%dma_wait3A_113] : memref<6144xi32, #tpu.memory_space<vmem>> -> memref<2048xi32, #tpu.memory_space<vmem>>
    %dma_wait3A_115 = arith.constant 0 : i32
    %dma_wait3A_116 = tpu.memref_slice %arg2[%dma_wait3A_115] : memref<16777216xf32, #tpu.memory_space<hbm>> -> memref<16777216xf32, #tpu.memory_space<hbm>>
    tpu.wait_indirect_dma semaphore(%arg12 : memref<!tpu.dma_semaphore, #tpu.memory_space<semaphore_mem>>) src(%dma_wait3A_116 : memref<16777216xf32, #tpu.memory_space<hbm>>) dst(%dma_wait3A_112 : memref<2048xf32, #tpu.memory_space<vmem>>)
    %scan3A_117 = arith.constant 64 : i32
    %scan3A_118 = arith.constant 32 : i32
    %scan3A_119 = arith.addi %scan3A_117, %scan3A_118 : i32
    %scan3A_120 = arith.constant 4 : i32
    %scan3A_121:4 = scf.for %scan3A_156 = %scan3A_117 to %scan3A_119 step %scan3A_120 iter_args(%scan3A_157 = %scan3A_109#0, %scan3A_158 = %scan3A_109#1, %scan3A_159 = %scan3A_109#2, %scan3A_160 = %scan3A_109#3) -> (vector<16xf32>, vector<16xf32>, vector<16xf32>, vector<16xf32>)  : i32 {
      %mul3A_161 = arith.constant 64 : i32
      %mul3A_162 = arith.muli %scan3A_156, %mul3A_161 : i32
      %get3A = arith.index_cast %mul3A_162 : i32 to index
      %get3A_163 = tpu.vector_load %arg7[%get3A] {strides = array<i32>} : memref<6144xf32, #tpu.memory_space<vmem>>, vector<16xf32>,
      %get3A_164 = vector.shape_cast %get3A_163 : vector<16xf32> to vector<16xf32>
      %add3A_165 = arith.addf %scan3A_157, %get3A_164 : vector<16xf32>
      %add3A_166 = arith.constant 16 : i32
      %add3A_167 = arith.addi %mul3A_162, %add3A_166 : i32
      %get3A_168 = arith.index_cast %add3A_167 : i32 to index
      %get3A_169 = tpu.vector_load %arg7[%get3A_168] {strides = array<i32>} : memref<6144xf32, #tpu.memory_space<vmem>>, vector<16xf32>,
      %get3A_170 = vector.shape_cast %get3A_169 : vector<16xf32> to vector<16xf32>
      %add3A_171 = arith.addf %scan3A_158, %get3A_170 : vector<16xf32>
      %add3A_172 = arith.constant 32 : i32
      %add3A_173 = arith.addi %mul3A_162, %add3A_172 : i32
      %get3A_174 = arith.index_cast %add3A_173 : i32 to index
      %get3A_175 = tpu.vector_load %arg7[%get3A_174] {strides = array<i32>} : memref<6144xf32, #tpu.memory_space<vmem>>, vector<16xf32>,
      %get3A_176 = vector.shape_cast %get3A_175 : vector<16xf32> to vector<16xf32>
      %add3A_177 = arith.addf %scan3A_159, %get3A_176 : vector<16xf32>
      %add3A_178 = arith.constant 48 : i32
      %add3A_179 = arith.addi %mul3A_162, %add3A_178 : i32
      %get3A_180 = arith.index_cast %add3A_179 : i32 to index
      %get3A_181 = tpu.vector_load %arg7[%get3A_180] {strides = array<i32>} : memref<6144xf32, #tpu.memory_space<vmem>>, vector<16xf32>,
      %get3A_182 = vector.shape_cast %get3A_181 : vector<16xf32> to vector<16xf32>
      %add3A_183 = arith.addf %scan3A_160, %get3A_182 : vector<16xf32>
      %scan3A_184 = arith.constant 1 : i32
      %scan3A_185 = arith.addi %scan3A_156, %scan3A_184 : i32
      %mul3A_186 = arith.constant 64 : i32
      %mul3A_187 = arith.muli %scan3A_185, %mul3A_186 : i32
      %get3A_188 = arith.index_cast %mul3A_187 : i32 to index
      %get3A_189 = tpu.vector_load %arg7[%get3A_188] {strides = array<i32>} : memref<6144xf32, #tpu.memory_space<vmem>>, vector<16xf32>,
      %get3A_190 = vector.shape_cast %get3A_189 : vector<16xf32> to vector<16xf32>
      %add3A_191 = arith.addf %add3A_165, %get3A_190 : vector<16xf32>
      %add3A_192 = arith.constant 16 : i32
      %add3A_193 = arith.addi %mul3A_187, %add3A_192 : i32
      %get3A_194 = arith.index_cast %add3A_193 : i32 to index
      %get3A_195 = tpu.vector_load %arg7[%get3A_194] {strides = array<i32>} : memref<6144xf32, #tpu.memory_space<vmem>>, vector<16xf32>,
      %get3A_196 = vector.shape_cast %get3A_195 : vector<16xf32> to vector<16xf32>
      %add3A_197 = arith.addf %add3A_171, %get3A_196 : vector<16xf32>
      %add3A_198 = arith.constant 32 : i32
      %add3A_199 = arith.addi %mul3A_187, %add3A_198 : i32
      %get3A_200 = arith.index_cast %add3A_199 : i32 to index
      %get3A_201 = tpu.vector_load %arg7[%get3A_200] {strides = array<i32>} : memref<6144xf32, #tpu.memory_space<vmem>>, vector<16xf32>,
      %get3A_202 = vector.shape_cast %get3A_201 : vector<16xf32> to vector<16xf32>
      %add3A_203 = arith.addf %add3A_177, %get3A_202 : vector<16xf32>
      %add3A_204 = arith.constant 48 : i32
      %add3A_205 = arith.addi %mul3A_187, %add3A_204 : i32
      %get3A_206 = arith.index_cast %add3A_205 : i32 to index
      %get3A_207 = tpu.vector_load %arg7[%get3A_206] {strides = array<i32>} : memref<6144xf32, #tpu.memory_space<vmem>>, vector<16xf32>,
      %get3A_208 = vector.shape_cast %get3A_207 : vector<16xf32> to vector<16xf32>
      %add3A_209 = arith.addf %add3A_183, %get3A_208 : vector<16xf32>
      %scan3A_210 = arith.constant 2 : i32
      %scan3A_211 = arith.addi %scan3A_156, %scan3A_210 : i32
      %mul3A_212 = arith.constant 64 : i32
      %mul3A_213 = arith.muli %scan3A_211, %mul3A_212 : i32
      %get3A_214 = arith.index_cast %mul3A_213 : i32 to index
      %get3A_215 = tpu.vector_load %arg7[%get3A_214] {strides = array<i32>} : memref<6144xf32, #tpu.memory_space<vmem>>, vector<16xf32>,
      %get3A_216 = vector.shape_cast %get3A_215 : vector<16xf32> to vector<16xf32>
      %add3A_217 = arith.addf %add3A_191, %get3A_216 : vector<16xf32>
      %add3A_218 = arith.constant 16 : i32
      %add3A_219 = arith.addi %mul3A_213, %add3A_218 : i32
      %get3A_220 = arith.index_cast %add3A_219 : i32 to index
      %get3A_221 = tpu.vector_load %arg7[%get3A_220] {strides = array<i32>} : memref<6144xf32, #tpu.memory_space<vmem>>, vector<16xf32>,
      %get3A_222 = vector.shape_cast %get3A_221 : vector<16xf32> to vector<16xf32>
      %add3A_223 = arith.addf %add3A_197, %get3A_222 : vector<16xf32>
      %add3A_224 = arith.constant 32 : i32
      %add3A_225 = arith.addi %mul3A_213, %add3A_224 : i32
      %get3A_226 = arith.index_cast %add3A_225 : i32 to index
      %get3A_227 = tpu.vector_load %arg7[%get3A_226] {strides = array<i32>} : memref<6144xf32, #tpu.memory_space<vmem>>, vector<16xf32>,
      %get3A_228 = vector.shape_cast %get3A_227 : vector<16xf32> to vector<16xf32>
      %add3A_229 = arith.addf %add3A_203, %get3A_228 : vector<16xf32>
      %add3A_230 = arith.constant 48 : i32
      %add3A_231 = arith.addi %mul3A_213, %add3A_230 : i32
      %get3A_232 = arith.index_cast %add3A_231 : i32 to index
      %get3A_233 = tpu.vector_load %arg7[%get3A_232] {strides = array<i32>} : memref<6144xf32, #tpu.memory_space<vmem>>, vector<16xf32>,
      %get3A_234 = vector.shape_cast %get3A_233 : vector<16xf32> to vector<16xf32>
      %add3A_235 = arith.addf %add3A_209, %get3A_234 : vector<16xf32>
      %scan3A_236 = arith.constant 3 : i32
      %scan3A_237 = arith.addi %scan3A_156, %scan3A_236 : i32
      %mul3A_238 = arith.constant 64 : i32
      %mul3A_239 = arith.muli %scan3A_237, %mul3A_238 : i32
      %get3A_240 = arith.index_cast %mul3A_239 : i32 to index
      %get3A_241 = tpu.vector_load %arg7[%get3A_240] {strides = array<i32>} : memref<6144xf32, #tpu.memory_space<vmem>>, vector<16xf32>,
      %get3A_242 = vector.shape_cast %get3A_241 : vector<16xf32> to vector<16xf32>
      %add3A_243 = arith.addf %add3A_217, %get3A_242 : vector<16xf32>
      %add3A_244 = arith.constant 16 : i32
      %add3A_245 = arith.addi %mul3A_239, %add3A_244 : i32
      %get3A_246 = arith.index_cast %add3A_245 : i32 to index
      %get3A_247 = tpu.vector_load %arg7[%get3A_246] {strides = array<i32>} : memref<6144xf32, #tpu.memory_space<vmem>>, vector<16xf32>,
      %get3A_248 = vector.shape_cast %get3A_247 : vector<16xf32> to vector<16xf32>
      %add3A_249 = arith.addf %add3A_223, %get3A_248 : vector<16xf32>
      %add3A_250 = arith.constant 32 : i32
      %add3A_251 = arith.addi %mul3A_239, %add3A_250 : i32
      %get3A_252 = arith.index_cast %add3A_251 : i32 to index
      %get3A_253 = tpu.vector_load %arg7[%get3A_252] {strides = array<i32>} : memref<6144xf32, #tpu.memory_space<vmem>>, vector<16xf32>,
      %get3A_254 = vector.shape_cast %get3A_253 : vector<16xf32> to vector<16xf32>
      %add3A_255 = arith.addf %add3A_229, %get3A_254 : vector<16xf32>
      %add3A_256 = arith.constant 48 : i32
      %add3A_257 = arith.addi %mul3A_239, %add3A_256 : i32
      %get3A_258 = arith.index_cast %add3A_257 : i32 to index
      %get3A_259 = tpu.vector_load %arg7[%get3A_258] {strides = array<i32>} : memref<6144xf32, #tpu.memory_space<vmem>>, vector<16xf32>,
      %get3A_260 = vector.shape_cast %get3A_259 : vector<16xf32> to vector<16xf32>
      %add3A_261 = arith.addf %add3A_235, %get3A_260 : vector<16xf32>
      scf.yield %add3A_243, %add3A_249, %add3A_255, %add3A_261 : vector<16xf32>, vector<16xf32>, vector<16xf32>, vector<16xf32>
    }
    %scan3A_122 = arith.constant 32 : i32
    %swap3A = arith.constant 0 : index
    %swap3A_123 = tpu.vector_load %arg8[%swap3A] {strides = array<i32>} : memref<128xf32, #tpu.memory_space<vmem>>, vector<16xf32>,
    %swap3A_124 = vector.shape_cast %swap3A_123 : vector<16xf32> to vector<16xf32>
    %swap3A_125 = vector.shape_cast %scan3A_121#0 : vector<16xf32> to vector<16xf32>
    tpu.vector_store %arg8[%swap3A], %swap3A_125 {strides = array<i32>} : memref<128xf32, #tpu.memory_space<vmem>>, vector<16xf32>,
    %swap3A_126 = arith.constant 64 : index
    %swap3A_127 = tpu.vector_load %arg8[%swap3A_126] {strides = array<i32>} : memref<128xf32, #tpu.memory_space<vmem>>, vector<16xf32>,
    %swap3A_128 = vector.shape_cast %swap3A_127 : vector<16xf32> to vector<16xf32>
    %swap3A_129 = vector.shape_cast %broadcast_in_dim3A_74 : vector<16xf32> to vector<16xf32>
    tpu.vector_store %arg8[%swap3A_126], %swap3A_129 {strides = array<i32>} : memref<128xf32, #tpu.memory_space<vmem>>, vector<16xf32>,
    %swap3A_130 = arith.constant 16 : index
    %swap3A_131 = tpu.vector_load %arg8[%swap3A_130] {strides = array<i32>} : memref<128xf32, #tpu.memory_space<vmem>>, vector<16xf32>,
    %swap3A_132 = vector.shape_cast %swap3A_131 : vector<16xf32> to vector<16xf32>
    %swap3A_133 = vector.shape_cast %scan3A_121#1 : vector<16xf32> to vector<16xf32>
    tpu.vector_store %arg8[%swap3A_130], %swap3A_133 {strides = array<i32>} : memref<128xf32, #tpu.memory_space<vmem>>, vector<16xf32>,
    %swap3A_134 = arith.constant 80 : index
    %swap3A_135 = tpu.vector_load %arg8[%swap3A_134] {strides = array<i32>} : memref<128xf32, #tpu.memory_space<vmem>>, vector<16xf32>,
    %swap3A_136 = vector.shape_cast %swap3A_135 : vector<16xf32> to vector<16xf32>
    %swap3A_137 = vector.shape_cast %broadcast_in_dim3A_74 : vector<16xf32> to vector<16xf32>
    tpu.vector_store %arg8[%swap3A_134], %swap3A_137 {strides = array<i32>} : memref<128xf32, #tpu.memory_space<vmem>>, vector<16xf32>,
    %swap3A_138 = arith.constant 32 : index
    %swap3A_139 = tpu.vector_load %arg8[%swap3A_138] {strides = array<i32>} : memref<128xf32, #tpu.memory_space<vmem>>, vector<16xf32>,
    %swap3A_140 = vector.shape_cast %swap3A_139 : vector<16xf32> to vector<16xf32>
    %swap3A_141 = vector.shape_cast %scan3A_121#2 : vector<16xf32> to vector<16xf32>
    tpu.vector_store %arg8[%swap3A_138], %swap3A_141 {strides = array<i32>} : memref<128xf32, #tpu.memory_space<vmem>>, vector<16xf32>,
    %swap3A_142 = arith.constant 96 : index
    %swap3A_143 = tpu.vector_load %arg8[%swap3A_142] {strides = array<i32>} : memref<128xf32, #tpu.memory_space<vmem>>, vector<16xf32>,
    %swap3A_144 = vector.shape_cast %swap3A_143 : vector<16xf32> to vector<16xf32>
    %swap3A_145 = vector.shape_cast %broadcast_in_dim3A_74 : vector<16xf32> to vector<16xf32>
    tpu.vector_store %arg8[%swap3A_142], %swap3A_145 {strides = array<i32>} : memref<128xf32, #tpu.memory_space<vmem>>, vector<16xf32>,
    %swap3A_146 = arith.constant 48 : index
    %swap3A_147 = tpu.vector_load %arg8[%swap3A_146] {strides = array<i32>} : memref<128xf32, #tpu.memory_space<vmem>>, vector<16xf32>,
    %swap3A_148 = vector.shape_cast %swap3A_147 : vector<16xf32> to vector<16xf32>
    %swap3A_149 = vector.shape_cast %scan3A_121#3 : vector<16xf32> to vector<16xf32>
    tpu.vector_store %arg8[%swap3A_146], %swap3A_149 {strides = array<i32>} : memref<128xf32, #tpu.memory_space<vmem>>, vector<16xf32>,
    %swap3A_150 = arith.constant 112 : index
    %swap3A_151 = tpu.vector_load %arg8[%swap3A_150] {strides = array<i32>} : memref<128xf32, #tpu.memory_space<vmem>>, vector<16xf32>,
    %swap3A_152 = vector.shape_cast %swap3A_151 : vector<16xf32> to vector<16xf32>
    %swap3A_153 = vector.shape_cast %broadcast_in_dim3A_74 : vector<16xf32> to vector<16xf32>
    tpu.vector_store %arg8[%swap3A_150], %swap3A_153 {strides = array<i32>} : memref<128xf32, #tpu.memory_space<vmem>>, vector<16xf32>,
    %mul3A_154 = arith.constant 128 : i32
    %mul3A_155 = arith.muli %add3A, %mul3A_154 : i32
    "tpu.region"() ({
      %run_scoped3A = tpu.sem_alloc : memref<!tpu.dma_semaphore, #tpu.memory_space<semaphore_mem>>
      %dma_start3A_156 = tpu.memref_slice %arg4[%mul3A_155] : memref<4096xf32, #tpu.memory_space<hbm>> -> memref<128xf32, #tpu.memory_space<hbm>>
      %dma_start3A_157 = tpu.memref_slice %arg4[%mul3A_155] : memref<4096xf32, #tpu.memory_space<hbm>> -> memref<128xf32, #tpu.memory_space<hbm>>
      tpu.enqueue_dma source(%arg8 : memref<128xf32, #tpu.memory_space<vmem>>) target(%dma_start3A_157 : memref<128xf32, #tpu.memory_space<hbm>>) target_semaphore(%run_scoped3A : memref<!tpu.dma_semaphore, #tpu.memory_space<semaphore_mem>>)
      %dma_wait3A_158 = tpu.memref_slice %arg4[%mul3A_155] : memref<4096xf32, #tpu.memory_space<hbm>> -> memref<128xf32, #tpu.memory_space<hbm>>
      %dma_wait3A_159 = tpu.memref_slice %arg4[%mul3A_155] : memref<4096xf32, #tpu.memory_space<hbm>> -> memref<128xf32, #tpu.memory_space<hbm>>
      tpu.wait_dma2 semaphore(%run_scoped3A : memref<!tpu.dma_semaphore, #tpu.memory_space<semaphore_mem>>) src(%arg8 : memref<128xf32, #tpu.memory_space<vmem>>) dst(%dma_wait3A_159 : memref<128xf32, #tpu.memory_space<hbm>>)
      tpu.yield
    }) : () -> ()
    return
  }
}

module attributes {stable_mosaic.version = 14 : i64} {
  func.func @_bincount_body(%arg0: i32, %arg1: memref<256x128xi32, #tpu.memory_space<vmem>>, %arg2: memref<64x128xi32, #tpu.memory_space<vmem>>, %arg3: memref<64x8192xf32, #tpu.memory_space<vmem>>, %arg4: memref<64x128xi32, #tpu.memory_space<vmem>>, %arg5: memref<1x64xf32, #tpu.memory_space<vmem>>, %arg6: memref<64x128xi16, #tpu.memory_space<vmem>>, %arg7: memref<64x128xf32, #tpu.memory_space<vmem>>, %arg8: memref<256x128xi16, #tpu.memory_space<vmem>>) attributes {dimension_semantics = [#tpu.dimension_semantics<arbitrary>], iteration_bounds = array<i64: 8>, scalar_prefetch = 0 : i64, scratch_operands = 3 : i64, tpu.core_type = #tpu.core_type<tc>, window_params = [{transform_indices = @transform_0, window_bounds = array<i64: 256, 128>}, {transform_indices = @transform_1, window_bounds = array<i64: 64, 128>}, {transform_indices = @transform_2, window_bounds = array<i64: 64, 8192>}, {pipeline_mode = #tpu.pipeline_mode<synchronous>, transform_indices = @transform_3, window_bounds = array<i64: 64, 128>}, {pipeline_mode = #tpu.pipeline_mode<synchronous>, transform_indices = @transform_4, window_bounds = array<i64: 1, 64>}]} {
    %eq3A = arith.constant 0 : i32
    %eq3A_0 = arith.cmpi eq, %arg0, %eq3A : i32
    %convert_element_type3A = arith.extui %eq3A_0 : i1 to i32
    %cond3A = arith.constant 0 : i32
    %cond3A_1 = arith.cmpi ne, %convert_element_type3A, %cond3A : i32
    scf.if %cond3A_1 {
      %broadcast_in_dim3A_668 = arith.constant 0 : i16
      %broadcast_in_dim3A_669 = vector.broadcast %broadcast_in_dim3A_668 : i16 to vector<64x128xi16>
      %swap3A_670 = arith.constant 0 : index
      %swap3A_671 = arith.constant 0 : index
      %swap3A_672 = vector.load %arg6[%swap3A_670, %swap3A_671] : memref<64x128xi16, #tpu.memory_space<vmem>>, vector<64x128xi16>
      tpu.vector_store %arg6[%swap3A_670, %swap3A_671], %broadcast_in_dim3A_669 {strides = array<i32>} : memref<64x128xi16, #tpu.memory_space<vmem>>, vector<64x128xi16>,
      %broadcast_in_dim3A_673 = arith.constant 0.000000e+00 : f32
      %broadcast_in_dim3A_674 = vector.broadcast %broadcast_in_dim3A_673 : f32 to vector<64x128xf32>
      %swap3A_675 = arith.constant 0 : index
      %swap3A_676 = arith.constant 0 : index
      %swap3A_677 = vector.load %arg7[%swap3A_675, %swap3A_676] : memref<64x128xf32, #tpu.memory_space<vmem>>, vector<64x128xf32>
      tpu.vector_store %arg7[%swap3A_675, %swap3A_676], %broadcast_in_dim3A_674 {strides = array<i32>} : memref<64x128xf32, #tpu.memory_space<vmem>>, vector<64x128xf32>,
    } else {
    }
    %get3A = arith.constant 0 : index
    %get3A_2 = arith.constant 0 : index
    %get3A_3 = vector.load %arg1[%get3A, %get3A_2] : memref<256x128xi32, #tpu.memory_space<vmem>>, vector<256x128xi32>
    %convert_element_type3A_4 = arith.trunci %get3A_3 : vector<256x128xi32> to vector<256x128xi16>
    %swap3A = arith.constant 0 : index
    %swap3A_5 = arith.constant 0 : index
    %swap3A_6 = vector.load %arg8[%swap3A, %swap3A_5] : memref<256x128xi16, #tpu.memory_space<vmem>>, vector<256x128xi16>
    tpu.vector_store %arg8[%swap3A, %swap3A_5], %convert_element_type3A_4 {strides = array<i32>} : memref<256x128xi16, #tpu.memory_space<vmem>>, vector<256x128xi16>,
    %iota3A = tpu.iota {dimensions = array<i32: 0>} : vector<64x128xi16>
    %get3A_7 = arith.constant 0 : index
    %get3A_8 = arith.constant 0 : index
    %get3A_9 = vector.load %arg6[%get3A_7, %get3A_8] : memref<64x128xi16, #tpu.memory_space<vmem>>, vector<64x128xi16>
    %scan3A = arith.constant 0 : i32
    %scan3A_10 = arith.constant 16 : i32
    %scan3A_11 = arith.addi %scan3A, %scan3A_10 : i32
    %scan3A_12 = arith.constant 1 : i32
    %scan3A_13 = scf.for %scan3A_668 = %scan3A to %scan3A_11 step %scan3A_12 iter_args(%scan3A_669 = %get3A_9) -> (vector<64x128xi16>)  : i32 {
      %mul3A = arith.constant 16 : i32
      %mul3A_670 = arith.muli %scan3A_668, %mul3A : i32
      %multiple_of3A = tpu.assume_multiple %mul3A_670, 16 : i32
      %get3A_671 = arith.index_cast %multiple_of3A : i32 to index
      %get3A_672 = arith.constant 0 : index
      %get3A_673 = vector.load %arg8[%get3A_671, %get3A_672] : memref<256x128xi16, #tpu.memory_space<vmem>>, vector<16x128xi16>
      %slice3A_674 = vector.extract_strided_slice %get3A_673 {offsets = [0, 0], sizes = [1, 128], strides = [1, 1]} : vector<16x128xi16> to vector<1x128xi16>
      %eq3A_675 = vector.broadcast %slice3A_674 : vector<1x128xi16> to vector<64x128xi16>
      %eq3A_676 = arith.cmpi eq, %iota3A, %eq3A_675 : vector<64x128xi16>
      %convert_element_type3A_677 = arith.extui %eq3A_676 : vector<64x128xi1> to vector<64x128xi16>
      %add3A_678 = arith.addi %scan3A_669, %convert_element_type3A_677 : vector<64x128xi16>
      %slice3A_679 = vector.extract_strided_slice %get3A_673 {offsets = [1, 0], sizes = [1, 128], strides = [1, 1]} : vector<16x128xi16> to vector<1x128xi16>
      %eq3A_680 = vector.broadcast %slice3A_679 : vector<1x128xi16> to vector<64x128xi16>
      %eq3A_681 = arith.cmpi eq, %iota3A, %eq3A_680 : vector<64x128xi16>
      %convert_element_type3A_682 = arith.extui %eq3A_681 : vector<64x128xi1> to vector<64x128xi16>
      %add3A_683 = arith.addi %add3A_678, %convert_element_type3A_682 : vector<64x128xi16>
      %slice3A_684 = vector.extract_strided_slice %get3A_673 {offsets = [2, 0], sizes = [1, 128], strides = [1, 1]} : vector<16x128xi16> to vector<1x128xi16>
      %eq3A_685 = vector.broadcast %slice3A_684 : vector<1x128xi16> to vector<64x128xi16>
      %eq3A_686 = arith.cmpi eq, %iota3A, %eq3A_685 : vector<64x128xi16>
      %convert_element_type3A_687 = arith.extui %eq3A_686 : vector<64x128xi1> to vector<64x128xi16>
      %add3A_688 = arith.addi %add3A_683, %convert_element_type3A_687 : vector<64x128xi16>
      %slice3A_689 = vector.extract_strided_slice %get3A_673 {offsets = [3, 0], sizes = [1, 128], strides = [1, 1]} : vector<16x128xi16> to vector<1x128xi16>
      %eq3A_690 = vector.broadcast %slice3A_689 : vector<1x128xi16> to vector<64x128xi16>
      %eq3A_691 = arith.cmpi eq, %iota3A, %eq3A_690 : vector<64x128xi16>
      %convert_element_type3A_692 = arith.extui %eq3A_691 : vector<64x128xi1> to vector<64x128xi16>
      %add3A_693 = arith.addi %add3A_688, %convert_element_type3A_692 : vector<64x128xi16>
      %slice3A_694 = vector.extract_strided_slice %get3A_673 {offsets = [4, 0], sizes = [1, 128], strides = [1, 1]} : vector<16x128xi16> to vector<1x128xi16>
      %eq3A_695 = vector.broadcast %slice3A_694 : vector<1x128xi16> to vector<64x128xi16>
      %eq3A_696 = arith.cmpi eq, %iota3A, %eq3A_695 : vector<64x128xi16>
      %convert_element_type3A_697 = arith.extui %eq3A_696 : vector<64x128xi1> to vector<64x128xi16>
      %add3A_698 = arith.addi %add3A_693, %convert_element_type3A_697 : vector<64x128xi16>
      %slice3A_699 = vector.extract_strided_slice %get3A_673 {offsets = [5, 0], sizes = [1, 128], strides = [1, 1]} : vector<16x128xi16> to vector<1x128xi16>
      %eq3A_700 = vector.broadcast %slice3A_699 : vector<1x128xi16> to vector<64x128xi16>
      %eq3A_701 = arith.cmpi eq, %iota3A, %eq3A_700 : vector<64x128xi16>
      %convert_element_type3A_702 = arith.extui %eq3A_701 : vector<64x128xi1> to vector<64x128xi16>
      %add3A_703 = arith.addi %add3A_698, %convert_element_type3A_702 : vector<64x128xi16>
      %slice3A_704 = vector.extract_strided_slice %get3A_673 {offsets = [6, 0], sizes = [1, 128], strides = [1, 1]} : vector<16x128xi16> to vector<1x128xi16>
      %eq3A_705 = vector.broadcast %slice3A_704 : vector<1x128xi16> to vector<64x128xi16>
      %eq3A_706 = arith.cmpi eq, %iota3A, %eq3A_705 : vector<64x128xi16>
      %convert_element_type3A_707 = arith.extui %eq3A_706 : vector<64x128xi1> to vector<64x128xi16>
      %add3A_708 = arith.addi %add3A_703, %convert_element_type3A_707 : vector<64x128xi16>
      %slice3A_709 = vector.extract_strided_slice %get3A_673 {offsets = [7, 0], sizes = [1, 128], strides = [1, 1]} : vector<16x128xi16> to vector<1x128xi16>
      %eq3A_710 = vector.broadcast %slice3A_709 : vector<1x128xi16> to vector<64x128xi16>
      %eq3A_711 = arith.cmpi eq, %iota3A, %eq3A_710 : vector<64x128xi16>
      %convert_element_type3A_712 = arith.extui %eq3A_711 : vector<64x128xi1> to vector<64x128xi16>
      %add3A_713 = arith.addi %add3A_708, %convert_element_type3A_712 : vector<64x128xi16>
      %slice3A_714 = vector.extract_strided_slice %get3A_673 {offsets = [8, 0], sizes = [1, 128], strides = [1, 1]} : vector<16x128xi16> to vector<1x128xi16>
      %eq3A_715 = vector.broadcast %slice3A_714 : vector<1x128xi16> to vector<64x128xi16>
      %eq3A_716 = arith.cmpi eq, %iota3A, %eq3A_715 : vector<64x128xi16>
      %convert_element_type3A_717 = arith.extui %eq3A_716 : vector<64x128xi1> to vector<64x128xi16>
      %add3A_718 = arith.addi %add3A_713, %convert_element_type3A_717 : vector<64x128xi16>
      %slice3A_719 = vector.extract_strided_slice %get3A_673 {offsets = [9, 0], sizes = [1, 128], strides = [1, 1]} : vector<16x128xi16> to vector<1x128xi16>
      %eq3A_720 = vector.broadcast %slice3A_719 : vector<1x128xi16> to vector<64x128xi16>
      %eq3A_721 = arith.cmpi eq, %iota3A, %eq3A_720 : vector<64x128xi16>
      %convert_element_type3A_722 = arith.extui %eq3A_721 : vector<64x128xi1> to vector<64x128xi16>
      %add3A_723 = arith.addi %add3A_718, %convert_element_type3A_722 : vector<64x128xi16>
      %slice3A_724 = vector.extract_strided_slice %get3A_673 {offsets = [10, 0], sizes = [1, 128], strides = [1, 1]} : vector<16x128xi16> to vector<1x128xi16>
      %eq3A_725 = vector.broadcast %slice3A_724 : vector<1x128xi16> to vector<64x128xi16>
      %eq3A_726 = arith.cmpi eq, %iota3A, %eq3A_725 : vector<64x128xi16>
      %convert_element_type3A_727 = arith.extui %eq3A_726 : vector<64x128xi1> to vector<64x128xi16>
      %add3A_728 = arith.addi %add3A_723, %convert_element_type3A_727 : vector<64x128xi16>
      %slice3A_729 = vector.extract_strided_slice %get3A_673 {offsets = [11, 0], sizes = [1, 128], strides = [1, 1]} : vector<16x128xi16> to vector<1x128xi16>
      %eq3A_730 = vector.broadcast %slice3A_729 : vector<1x128xi16> to vector<64x128xi16>
      %eq3A_731 = arith.cmpi eq, %iota3A, %eq3A_730 : vector<64x128xi16>
      %convert_element_type3A_732 = arith.extui %eq3A_731 : vector<64x128xi1> to vector<64x128xi16>
      %add3A_733 = arith.addi %add3A_728, %convert_element_type3A_732 : vector<64x128xi16>
      %slice3A_734 = vector.extract_strided_slice %get3A_673 {offsets = [12, 0], sizes = [1, 128], strides = [1, 1]} : vector<16x128xi16> to vector<1x128xi16>
      %eq3A_735 = vector.broadcast %slice3A_734 : vector<1x128xi16> to vector<64x128xi16>
      %eq3A_736 = arith.cmpi eq, %iota3A, %eq3A_735 : vector<64x128xi16>
      %convert_element_type3A_737 = arith.extui %eq3A_736 : vector<64x128xi1> to vector<64x128xi16>
      %add3A_738 = arith.addi %add3A_733, %convert_element_type3A_737 : vector<64x128xi16>
      %slice3A_739 = vector.extract_strided_slice %get3A_673 {offsets = [13, 0], sizes = [1, 128], strides = [1, 1]} : vector<16x128xi16> to vector<1x128xi16>
      %eq3A_740 = vector.broadcast %slice3A_739 : vector<1x128xi16> to vector<64x128xi16>
      %eq3A_741 = arith.cmpi eq, %iota3A, %eq3A_740 : vector<64x128xi16>
      %convert_element_type3A_742 = arith.extui %eq3A_741 : vector<64x128xi1> to vector<64x128xi16>
      %add3A_743 = arith.addi %add3A_738, %convert_element_type3A_742 : vector<64x128xi16>
      %slice3A_744 = vector.extract_strided_slice %get3A_673 {offsets = [14, 0], sizes = [1, 128], strides = [1, 1]} : vector<16x128xi16> to vector<1x128xi16>
      %eq3A_745 = vector.broadcast %slice3A_744 : vector<1x128xi16> to vector<64x128xi16>
      %eq3A_746 = arith.cmpi eq, %iota3A, %eq3A_745 : vector<64x128xi16>
      %convert_element_type3A_747 = arith.extui %eq3A_746 : vector<64x128xi1> to vector<64x128xi16>
      %add3A_748 = arith.addi %add3A_743, %convert_element_type3A_747 : vector<64x128xi16>
      %slice3A_749 = vector.extract_strided_slice %get3A_673 {offsets = [15, 0], sizes = [1, 128], strides = [1, 1]} : vector<16x128xi16> to vector<1x128xi16>
      %eq3A_750 = vector.broadcast %slice3A_749 : vector<1x128xi16> to vector<64x128xi16>
      %eq3A_751 = arith.cmpi eq, %iota3A, %eq3A_750 : vector<64x128xi16>
      %convert_element_type3A_752 = arith.extui %eq3A_751 : vector<64x128xi1> to vector<64x128xi16>
      %add3A_753 = arith.addi %add3A_748, %convert_element_type3A_752 : vector<64x128xi16>
      scf.yield %add3A_753 : vector<64x128xi16>
    }
    %scan3A_14 = arith.constant 16 : i32
    %swap3A_15 = arith.constant 0 : index
    %swap3A_16 = arith.constant 0 : index
    %swap3A_17 = vector.load %arg6[%swap3A_15, %swap3A_16] : memref<64x128xi16, #tpu.memory_space<vmem>>, vector<64x128xi16>
    tpu.vector_store %arg6[%swap3A_15, %swap3A_16], %scan3A_13 {strides = array<i32>} : memref<64x128xi16, #tpu.memory_space<vmem>>, vector<64x128xi16>,
    %iota3A_18 = tpu.iota {dimensions = array<i32: 0>} : vector<64x128xi32>
    %get3A_19 = arith.constant 0 : index
    %get3A_20 = arith.constant 0 : index
    %get3A_21 = vector.load %arg2[%get3A_19, %get3A_20] : memref<64x128xi32, #tpu.memory_space<vmem>>, vector<64x128xi32>
    %get3A_22 = arith.constant 0 : index
    %get3A_23 = arith.constant 0 : index
    %get3A_24 = vector.load %arg7[%get3A_22, %get3A_23] : memref<64x128xf32, #tpu.memory_space<vmem>>, vector<64x128xf32>
    %slice3A = vector.extract_strided_slice %get3A_21 {offsets = [0, 0], sizes = [1, 128], strides = [1, 1]} : vector<64x128xi32> to vector<1x128xi32>
    %get3A_25 = arith.constant 0 : index
    %get3A_26 = arith.constant 0 : index
    %get3A_27 = vector.load %arg3[%get3A_25, %get3A_26] : memref<64x8192xf32, #tpu.memory_space<vmem>>, vector<64x128xf32>
    %eq3A_28 = vector.broadcast %slice3A : vector<1x128xi32> to vector<64x128xi32>
    %eq3A_29 = arith.cmpi eq, %iota3A_18, %eq3A_28 : vector<64x128xi32>
    %jit3A = arith.constant 0.000000e+00 : f32
    %broadcast_in_dim3A = vector.broadcast %jit3A : f32 to vector<64x128xf32>
    %select_n3A = arith.select %eq3A_29, %get3A_27, %broadcast_in_dim3A : vector<64x128xi1>, vector<64x128xf32>
    %add3A = arith.addf %get3A_24, %select_n3A : vector<64x128xf32>
    %slice3A_30 = vector.extract_strided_slice %get3A_21 {offsets = [1, 0], sizes = [1, 128], strides = [1, 1]} : vector<64x128xi32> to vector<1x128xi32>
    %get3A_31 = arith.constant 0 : index
    %get3A_32 = arith.constant 128 : index
    %get3A_33 = vector.load %arg3[%get3A_31, %get3A_32] : memref<64x8192xf32, #tpu.memory_space<vmem>>, vector<64x128xf32>
    %eq3A_34 = vector.broadcast %slice3A_30 : vector<1x128xi32> to vector<64x128xi32>
    %eq3A_35 = arith.cmpi eq, %iota3A_18, %eq3A_34 : vector<64x128xi32>
    %jit3A_36 = arith.constant 0.000000e+00 : f32
    %broadcast_in_dim3A_37 = vector.broadcast %jit3A_36 : f32 to vector<64x128xf32>
    %select_n3A_38 = arith.select %eq3A_35, %get3A_33, %broadcast_in_dim3A_37 : vector<64x128xi1>, vector<64x128xf32>
    %add3A_39 = arith.addf %add3A, %select_n3A_38 : vector<64x128xf32>
    %slice3A_40 = vector.extract_strided_slice %get3A_21 {offsets = [2, 0], sizes = [1, 128], strides = [1, 1]} : vector<64x128xi32> to vector<1x128xi32>
    %get3A_41 = arith.constant 0 : index
    %get3A_42 = arith.constant 256 : index
    %get3A_43 = vector.load %arg3[%get3A_41, %get3A_42] : memref<64x8192xf32, #tpu.memory_space<vmem>>, vector<64x128xf32>
    %eq3A_44 = vector.broadcast %slice3A_40 : vector<1x128xi32> to vector<64x128xi32>
    %eq3A_45 = arith.cmpi eq, %iota3A_18, %eq3A_44 : vector<64x128xi32>
    %jit3A_46 = arith.constant 0.000000e+00 : f32
    %broadcast_in_dim3A_47 = vector.broadcast %jit3A_46 : f32 to vector<64x128xf32>
    %select_n3A_48 = arith.select %eq3A_45, %get3A_43, %broadcast_in_dim3A_47 : vector<64x128xi1>, vector<64x128xf32>
    %add3A_49 = arith.addf %add3A_39, %select_n3A_48 : vector<64x128xf32>
    %slice3A_50 = vector.extract_strided_slice %get3A_21 {offsets = [3, 0], sizes = [1, 128], strides = [1, 1]} : vector<64x128xi32> to vector<1x128xi32>
    %get3A_51 = arith.constant 0 : index
    %get3A_52 = arith.constant 384 : index
    %get3A_53 = vector.load %arg3[%get3A_51, %get3A_52] : memref<64x8192xf32, #tpu.memory_space<vmem>>, vector<64x128xf32>
    %eq3A_54 = vector.broadcast %slice3A_50 : vector<1x128xi32> to vector<64x128xi32>
    %eq3A_55 = arith.cmpi eq, %iota3A_18, %eq3A_54 : vector<64x128xi32>
    %jit3A_56 = arith.constant 0.000000e+00 : f32
    %broadcast_in_dim3A_57 = vector.broadcast %jit3A_56 : f32 to vector<64x128xf32>
    %select_n3A_58 = arith.select %eq3A_55, %get3A_53, %broadcast_in_dim3A_57 : vector<64x128xi1>, vector<64x128xf32>
    %add3A_59 = arith.addf %add3A_49, %select_n3A_58 : vector<64x128xf32>
    %slice3A_60 = vector.extract_strided_slice %get3A_21 {offsets = [4, 0], sizes = [1, 128], strides = [1, 1]} : vector<64x128xi32> to vector<1x128xi32>
    %get3A_61 = arith.constant 0 : index
    %get3A_62 = arith.constant 512 : index
    %get3A_63 = vector.load %arg3[%get3A_61, %get3A_62] : memref<64x8192xf32, #tpu.memory_space<vmem>>, vector<64x128xf32>
    %eq3A_64 = vector.broadcast %slice3A_60 : vector<1x128xi32> to vector<64x128xi32>
    %eq3A_65 = arith.cmpi eq, %iota3A_18, %eq3A_64 : vector<64x128xi32>
    %jit3A_66 = arith.constant 0.000000e+00 : f32
    %broadcast_in_dim3A_67 = vector.broadcast %jit3A_66 : f32 to vector<64x128xf32>
    %select_n3A_68 = arith.select %eq3A_65, %get3A_63, %broadcast_in_dim3A_67 : vector<64x128xi1>, vector<64x128xf32>
    %add3A_69 = arith.addf %add3A_59, %select_n3A_68 : vector<64x128xf32>
    %slice3A_70 = vector.extract_strided_slice %get3A_21 {offsets = [5, 0], sizes = [1, 128], strides = [1, 1]} : vector<64x128xi32> to vector<1x128xi32>
    %get3A_71 = arith.constant 0 : index
    %get3A_72 = arith.constant 640 : index
    %get3A_73 = vector.load %arg3[%get3A_71, %get3A_72] : memref<64x8192xf32, #tpu.memory_space<vmem>>, vector<64x128xf32>
    %eq3A_74 = vector.broadcast %slice3A_70 : vector<1x128xi32> to vector<64x128xi32>
    %eq3A_75 = arith.cmpi eq, %iota3A_18, %eq3A_74 : vector<64x128xi32>
    %jit3A_76 = arith.constant 0.000000e+00 : f32
    %broadcast_in_dim3A_77 = vector.broadcast %jit3A_76 : f32 to vector<64x128xf32>
    %select_n3A_78 = arith.select %eq3A_75, %get3A_73, %broadcast_in_dim3A_77 : vector<64x128xi1>, vector<64x128xf32>
    %add3A_79 = arith.addf %add3A_69, %select_n3A_78 : vector<64x128xf32>
    %slice3A_80 = vector.extract_strided_slice %get3A_21 {offsets = [6, 0], sizes = [1, 128], strides = [1, 1]} : vector<64x128xi32> to vector<1x128xi32>
    %get3A_81 = arith.constant 0 : index
    %get3A_82 = arith.constant 768 : index
    %get3A_83 = vector.load %arg3[%get3A_81, %get3A_82] : memref<64x8192xf32, #tpu.memory_space<vmem>>, vector<64x128xf32>
    %eq3A_84 = vector.broadcast %slice3A_80 : vector<1x128xi32> to vector<64x128xi32>
    %eq3A_85 = arith.cmpi eq, %iota3A_18, %eq3A_84 : vector<64x128xi32>
    %jit3A_86 = arith.constant 0.000000e+00 : f32
    %broadcast_in_dim3A_87 = vector.broadcast %jit3A_86 : f32 to vector<64x128xf32>
    %select_n3A_88 = arith.select %eq3A_85, %get3A_83, %broadcast_in_dim3A_87 : vector<64x128xi1>, vector<64x128xf32>
    %add3A_89 = arith.addf %add3A_79, %select_n3A_88 : vector<64x128xf32>
    %slice3A_90 = vector.extract_strided_slice %get3A_21 {offsets = [7, 0], sizes = [1, 128], strides = [1, 1]} : vector<64x128xi32> to vector<1x128xi32>
    %get3A_91 = arith.constant 0 : index
    %get3A_92 = arith.constant 896 : index
    %get3A_93 = vector.load %arg3[%get3A_91, %get3A_92] : memref<64x8192xf32, #tpu.memory_space<vmem>>, vector<64x128xf32>
    %eq3A_94 = vector.broadcast %slice3A_90 : vector<1x128xi32> to vector<64x128xi32>
    %eq3A_95 = arith.cmpi eq, %iota3A_18, %eq3A_94 : vector<64x128xi32>
    %jit3A_96 = arith.constant 0.000000e+00 : f32
    %broadcast_in_dim3A_97 = vector.broadcast %jit3A_96 : f32 to vector<64x128xf32>
    %select_n3A_98 = arith.select %eq3A_95, %get3A_93, %broadcast_in_dim3A_97 : vector<64x128xi1>, vector<64x128xf32>
    %add3A_99 = arith.addf %add3A_89, %select_n3A_98 : vector<64x128xf32>
    %slice3A_100 = vector.extract_strided_slice %get3A_21 {offsets = [8, 0], sizes = [1, 128], strides = [1, 1]} : vector<64x128xi32> to vector<1x128xi32>
    %get3A_101 = arith.constant 0 : index
    %get3A_102 = arith.constant 1024 : index
    %get3A_103 = vector.load %arg3[%get3A_101, %get3A_102] : memref<64x8192xf32, #tpu.memory_space<vmem>>, vector<64x128xf32>
    %eq3A_104 = vector.broadcast %slice3A_100 : vector<1x128xi32> to vector<64x128xi32>
    %eq3A_105 = arith.cmpi eq, %iota3A_18, %eq3A_104 : vector<64x128xi32>
    %jit3A_106 = arith.constant 0.000000e+00 : f32
    %broadcast_in_dim3A_107 = vector.broadcast %jit3A_106 : f32 to vector<64x128xf32>
    %select_n3A_108 = arith.select %eq3A_105, %get3A_103, %broadcast_in_dim3A_107 : vector<64x128xi1>, vector<64x128xf32>
    %add3A_109 = arith.addf %add3A_99, %select_n3A_108 : vector<64x128xf32>
    %slice3A_110 = vector.extract_strided_slice %get3A_21 {offsets = [9, 0], sizes = [1, 128], strides = [1, 1]} : vector<64x128xi32> to vector<1x128xi32>
    %get3A_111 = arith.constant 0 : index
    %get3A_112 = arith.constant 1152 : index
    %get3A_113 = vector.load %arg3[%get3A_111, %get3A_112] : memref<64x8192xf32, #tpu.memory_space<vmem>>, vector<64x128xf32>
    %eq3A_114 = vector.broadcast %slice3A_110 : vector<1x128xi32> to vector<64x128xi32>
    %eq3A_115 = arith.cmpi eq, %iota3A_18, %eq3A_114 : vector<64x128xi32>
    %jit3A_116 = arith.constant 0.000000e+00 : f32
    %broadcast_in_dim3A_117 = vector.broadcast %jit3A_116 : f32 to vector<64x128xf32>
    %select_n3A_118 = arith.select %eq3A_115, %get3A_113, %broadcast_in_dim3A_117 : vector<64x128xi1>, vector<64x128xf32>
    %add3A_119 = arith.addf %add3A_109, %select_n3A_118 : vector<64x128xf32>
    %slice3A_120 = vector.extract_strided_slice %get3A_21 {offsets = [10, 0], sizes = [1, 128], strides = [1, 1]} : vector<64x128xi32> to vector<1x128xi32>
    %get3A_121 = arith.constant 0 : index
    %get3A_122 = arith.constant 1280 : index
    %get3A_123 = vector.load %arg3[%get3A_121, %get3A_122] : memref<64x8192xf32, #tpu.memory_space<vmem>>, vector<64x128xf32>
    %eq3A_124 = vector.broadcast %slice3A_120 : vector<1x128xi32> to vector<64x128xi32>
    %eq3A_125 = arith.cmpi eq, %iota3A_18, %eq3A_124 : vector<64x128xi32>
    %jit3A_126 = arith.constant 0.000000e+00 : f32
    %broadcast_in_dim3A_127 = vector.broadcast %jit3A_126 : f32 to vector<64x128xf32>
    %select_n3A_128 = arith.select %eq3A_125, %get3A_123, %broadcast_in_dim3A_127 : vector<64x128xi1>, vector<64x128xf32>
    %add3A_129 = arith.addf %add3A_119, %select_n3A_128 : vector<64x128xf32>
    %slice3A_130 = vector.extract_strided_slice %get3A_21 {offsets = [11, 0], sizes = [1, 128], strides = [1, 1]} : vector<64x128xi32> to vector<1x128xi32>
    %get3A_131 = arith.constant 0 : index
    %get3A_132 = arith.constant 1408 : index
    %get3A_133 = vector.load %arg3[%get3A_131, %get3A_132] : memref<64x8192xf32, #tpu.memory_space<vmem>>, vector<64x128xf32>
    %eq3A_134 = vector.broadcast %slice3A_130 : vector<1x128xi32> to vector<64x128xi32>
    %eq3A_135 = arith.cmpi eq, %iota3A_18, %eq3A_134 : vector<64x128xi32>
    %jit3A_136 = arith.constant 0.000000e+00 : f32
    %broadcast_in_dim3A_137 = vector.broadcast %jit3A_136 : f32 to vector<64x128xf32>
    %select_n3A_138 = arith.select %eq3A_135, %get3A_133, %broadcast_in_dim3A_137 : vector<64x128xi1>, vector<64x128xf32>
    %add3A_139 = arith.addf %add3A_129, %select_n3A_138 : vector<64x128xf32>
    %slice3A_140 = vector.extract_strided_slice %get3A_21 {offsets = [12, 0], sizes = [1, 128], strides = [1, 1]} : vector<64x128xi32> to vector<1x128xi32>
    %get3A_141 = arith.constant 0 : index
    %get3A_142 = arith.constant 1536 : index
    %get3A_143 = vector.load %arg3[%get3A_141, %get3A_142] : memref<64x8192xf32, #tpu.memory_space<vmem>>, vector<64x128xf32>
    %eq3A_144 = vector.broadcast %slice3A_140 : vector<1x128xi32> to vector<64x128xi32>
    %eq3A_145 = arith.cmpi eq, %iota3A_18, %eq3A_144 : vector<64x128xi32>
    %jit3A_146 = arith.constant 0.000000e+00 : f32
    %broadcast_in_dim3A_147 = vector.broadcast %jit3A_146 : f32 to vector<64x128xf32>
    %select_n3A_148 = arith.select %eq3A_145, %get3A_143, %broadcast_in_dim3A_147 : vector<64x128xi1>, vector<64x128xf32>
    %add3A_149 = arith.addf %add3A_139, %select_n3A_148 : vector<64x128xf32>
    %slice3A_150 = vector.extract_strided_slice %get3A_21 {offsets = [13, 0], sizes = [1, 128], strides = [1, 1]} : vector<64x128xi32> to vector<1x128xi32>
    %get3A_151 = arith.constant 0 : index
    %get3A_152 = arith.constant 1664 : index
    %get3A_153 = vector.load %arg3[%get3A_151, %get3A_152] : memref<64x8192xf32, #tpu.memory_space<vmem>>, vector<64x128xf32>
    %eq3A_154 = vector.broadcast %slice3A_150 : vector<1x128xi32> to vector<64x128xi32>
    %eq3A_155 = arith.cmpi eq, %iota3A_18, %eq3A_154 : vector<64x128xi32>
    %jit3A_156 = arith.constant 0.000000e+00 : f32
    %broadcast_in_dim3A_157 = vector.broadcast %jit3A_156 : f32 to vector<64x128xf32>
    %select_n3A_158 = arith.select %eq3A_155, %get3A_153, %broadcast_in_dim3A_157 : vector<64x128xi1>, vector<64x128xf32>
    %add3A_159 = arith.addf %add3A_149, %select_n3A_158 : vector<64x128xf32>
    %slice3A_160 = vector.extract_strided_slice %get3A_21 {offsets = [14, 0], sizes = [1, 128], strides = [1, 1]} : vector<64x128xi32> to vector<1x128xi32>
    %get3A_161 = arith.constant 0 : index
    %get3A_162 = arith.constant 1792 : index
    %get3A_163 = vector.load %arg3[%get3A_161, %get3A_162] : memref<64x8192xf32, #tpu.memory_space<vmem>>, vector<64x128xf32>
    %eq3A_164 = vector.broadcast %slice3A_160 : vector<1x128xi32> to vector<64x128xi32>
    %eq3A_165 = arith.cmpi eq, %iota3A_18, %eq3A_164 : vector<64x128xi32>
    %jit3A_166 = arith.constant 0.000000e+00 : f32
    %broadcast_in_dim3A_167 = vector.broadcast %jit3A_166 : f32 to vector<64x128xf32>
    %select_n3A_168 = arith.select %eq3A_165, %get3A_163, %broadcast_in_dim3A_167 : vector<64x128xi1>, vector<64x128xf32>
    %add3A_169 = arith.addf %add3A_159, %select_n3A_168 : vector<64x128xf32>
    %slice3A_170 = vector.extract_strided_slice %get3A_21 {offsets = [15, 0], sizes = [1, 128], strides = [1, 1]} : vector<64x128xi32> to vector<1x128xi32>
    %get3A_171 = arith.constant 0 : index
    %get3A_172 = arith.constant 1920 : index
    %get3A_173 = vector.load %arg3[%get3A_171, %get3A_172] : memref<64x8192xf32, #tpu.memory_space<vmem>>, vector<64x128xf32>
    %eq3A_174 = vector.broadcast %slice3A_170 : vector<1x128xi32> to vector<64x128xi32>
    %eq3A_175 = arith.cmpi eq, %iota3A_18, %eq3A_174 : vector<64x128xi32>
    %jit3A_176 = arith.constant 0.000000e+00 : f32
    %broadcast_in_dim3A_177 = vector.broadcast %jit3A_176 : f32 to vector<64x128xf32>
    %select_n3A_178 = arith.select %eq3A_175, %get3A_173, %broadcast_in_dim3A_177 : vector<64x128xi1>, vector<64x128xf32>
    %add3A_179 = arith.addf %add3A_169, %select_n3A_178 : vector<64x128xf32>
    %slice3A_180 = vector.extract_strided_slice %get3A_21 {offsets = [16, 0], sizes = [1, 128], strides = [1, 1]} : vector<64x128xi32> to vector<1x128xi32>
    %get3A_181 = arith.constant 0 : index
    %get3A_182 = arith.constant 2048 : index
    %get3A_183 = vector.load %arg3[%get3A_181, %get3A_182] : memref<64x8192xf32, #tpu.memory_space<vmem>>, vector<64x128xf32>
    %eq3A_184 = vector.broadcast %slice3A_180 : vector<1x128xi32> to vector<64x128xi32>
    %eq3A_185 = arith.cmpi eq, %iota3A_18, %eq3A_184 : vector<64x128xi32>
    %jit3A_186 = arith.constant 0.000000e+00 : f32
    %broadcast_in_dim3A_187 = vector.broadcast %jit3A_186 : f32 to vector<64x128xf32>
    %select_n3A_188 = arith.select %eq3A_185, %get3A_183, %broadcast_in_dim3A_187 : vector<64x128xi1>, vector<64x128xf32>
    %add3A_189 = arith.addf %add3A_179, %select_n3A_188 : vector<64x128xf32>
    %slice3A_190 = vector.extract_strided_slice %get3A_21 {offsets = [17, 0], sizes = [1, 128], strides = [1, 1]} : vector<64x128xi32> to vector<1x128xi32>
    %get3A_191 = arith.constant 0 : index
    %get3A_192 = arith.constant 2176 : index
    %get3A_193 = vector.load %arg3[%get3A_191, %get3A_192] : memref<64x8192xf32, #tpu.memory_space<vmem>>, vector<64x128xf32>
    %eq3A_194 = vector.broadcast %slice3A_190 : vector<1x128xi32> to vector<64x128xi32>
    %eq3A_195 = arith.cmpi eq, %iota3A_18, %eq3A_194 : vector<64x128xi32>
    %jit3A_196 = arith.constant 0.000000e+00 : f32
    %broadcast_in_dim3A_197 = vector.broadcast %jit3A_196 : f32 to vector<64x128xf32>
    %select_n3A_198 = arith.select %eq3A_195, %get3A_193, %broadcast_in_dim3A_197 : vector<64x128xi1>, vector<64x128xf32>
    %add3A_199 = arith.addf %add3A_189, %select_n3A_198 : vector<64x128xf32>
    %slice3A_200 = vector.extract_strided_slice %get3A_21 {offsets = [18, 0], sizes = [1, 128], strides = [1, 1]} : vector<64x128xi32> to vector<1x128xi32>
    %get3A_201 = arith.constant 0 : index
    %get3A_202 = arith.constant 2304 : index
    %get3A_203 = vector.load %arg3[%get3A_201, %get3A_202] : memref<64x8192xf32, #tpu.memory_space<vmem>>, vector<64x128xf32>
    %eq3A_204 = vector.broadcast %slice3A_200 : vector<1x128xi32> to vector<64x128xi32>
    %eq3A_205 = arith.cmpi eq, %iota3A_18, %eq3A_204 : vector<64x128xi32>
    %jit3A_206 = arith.constant 0.000000e+00 : f32
    %broadcast_in_dim3A_207 = vector.broadcast %jit3A_206 : f32 to vector<64x128xf32>
    %select_n3A_208 = arith.select %eq3A_205, %get3A_203, %broadcast_in_dim3A_207 : vector<64x128xi1>, vector<64x128xf32>
    %add3A_209 = arith.addf %add3A_199, %select_n3A_208 : vector<64x128xf32>
    %slice3A_210 = vector.extract_strided_slice %get3A_21 {offsets = [19, 0], sizes = [1, 128], strides = [1, 1]} : vector<64x128xi32> to vector<1x128xi32>
    %get3A_211 = arith.constant 0 : index
    %get3A_212 = arith.constant 2432 : index
    %get3A_213 = vector.load %arg3[%get3A_211, %get3A_212] : memref<64x8192xf32, #tpu.memory_space<vmem>>, vector<64x128xf32>
    %eq3A_214 = vector.broadcast %slice3A_210 : vector<1x128xi32> to vector<64x128xi32>
    %eq3A_215 = arith.cmpi eq, %iota3A_18, %eq3A_214 : vector<64x128xi32>
    %jit3A_216 = arith.constant 0.000000e+00 : f32
    %broadcast_in_dim3A_217 = vector.broadcast %jit3A_216 : f32 to vector<64x128xf32>
    %select_n3A_218 = arith.select %eq3A_215, %get3A_213, %broadcast_in_dim3A_217 : vector<64x128xi1>, vector<64x128xf32>
    %add3A_219 = arith.addf %add3A_209, %select_n3A_218 : vector<64x128xf32>
    %slice3A_220 = vector.extract_strided_slice %get3A_21 {offsets = [20, 0], sizes = [1, 128], strides = [1, 1]} : vector<64x128xi32> to vector<1x128xi32>
    %get3A_221 = arith.constant 0 : index
    %get3A_222 = arith.constant 2560 : index
    %get3A_223 = vector.load %arg3[%get3A_221, %get3A_222] : memref<64x8192xf32, #tpu.memory_space<vmem>>, vector<64x128xf32>
    %eq3A_224 = vector.broadcast %slice3A_220 : vector<1x128xi32> to vector<64x128xi32>
    %eq3A_225 = arith.cmpi eq, %iota3A_18, %eq3A_224 : vector<64x128xi32>
    %jit3A_226 = arith.constant 0.000000e+00 : f32
    %broadcast_in_dim3A_227 = vector.broadcast %jit3A_226 : f32 to vector<64x128xf32>
    %select_n3A_228 = arith.select %eq3A_225, %get3A_223, %broadcast_in_dim3A_227 : vector<64x128xi1>, vector<64x128xf32>
    %add3A_229 = arith.addf %add3A_219, %select_n3A_228 : vector<64x128xf32>
    %slice3A_230 = vector.extract_strided_slice %get3A_21 {offsets = [21, 0], sizes = [1, 128], strides = [1, 1]} : vector<64x128xi32> to vector<1x128xi32>
    %get3A_231 = arith.constant 0 : index
    %get3A_232 = arith.constant 2688 : index
    %get3A_233 = vector.load %arg3[%get3A_231, %get3A_232] : memref<64x8192xf32, #tpu.memory_space<vmem>>, vector<64x128xf32>
    %eq3A_234 = vector.broadcast %slice3A_230 : vector<1x128xi32> to vector<64x128xi32>
    %eq3A_235 = arith.cmpi eq, %iota3A_18, %eq3A_234 : vector<64x128xi32>
    %jit3A_236 = arith.constant 0.000000e+00 : f32
    %broadcast_in_dim3A_237 = vector.broadcast %jit3A_236 : f32 to vector<64x128xf32>
    %select_n3A_238 = arith.select %eq3A_235, %get3A_233, %broadcast_in_dim3A_237 : vector<64x128xi1>, vector<64x128xf32>
    %add3A_239 = arith.addf %add3A_229, %select_n3A_238 : vector<64x128xf32>
    %slice3A_240 = vector.extract_strided_slice %get3A_21 {offsets = [22, 0], sizes = [1, 128], strides = [1, 1]} : vector<64x128xi32> to vector<1x128xi32>
    %get3A_241 = arith.constant 0 : index
    %get3A_242 = arith.constant 2816 : index
    %get3A_243 = vector.load %arg3[%get3A_241, %get3A_242] : memref<64x8192xf32, #tpu.memory_space<vmem>>, vector<64x128xf32>
    %eq3A_244 = vector.broadcast %slice3A_240 : vector<1x128xi32> to vector<64x128xi32>
    %eq3A_245 = arith.cmpi eq, %iota3A_18, %eq3A_244 : vector<64x128xi32>
    %jit3A_246 = arith.constant 0.000000e+00 : f32
    %broadcast_in_dim3A_247 = vector.broadcast %jit3A_246 : f32 to vector<64x128xf32>
    %select_n3A_248 = arith.select %eq3A_245, %get3A_243, %broadcast_in_dim3A_247 : vector<64x128xi1>, vector<64x128xf32>
    %add3A_249 = arith.addf %add3A_239, %select_n3A_248 : vector<64x128xf32>
    %slice3A_250 = vector.extract_strided_slice %get3A_21 {offsets = [23, 0], sizes = [1, 128], strides = [1, 1]} : vector<64x128xi32> to vector<1x128xi32>
    %get3A_251 = arith.constant 0 : index
    %get3A_252 = arith.constant 2944 : index
    %get3A_253 = vector.load %arg3[%get3A_251, %get3A_252] : memref<64x8192xf32, #tpu.memory_space<vmem>>, vector<64x128xf32>
    %eq3A_254 = vector.broadcast %slice3A_250 : vector<1x128xi32> to vector<64x128xi32>
    %eq3A_255 = arith.cmpi eq, %iota3A_18, %eq3A_254 : vector<64x128xi32>
    %jit3A_256 = arith.constant 0.000000e+00 : f32
    %broadcast_in_dim3A_257 = vector.broadcast %jit3A_256 : f32 to vector<64x128xf32>
    %select_n3A_258 = arith.select %eq3A_255, %get3A_253, %broadcast_in_dim3A_257 : vector<64x128xi1>, vector<64x128xf32>
    %add3A_259 = arith.addf %add3A_249, %select_n3A_258 : vector<64x128xf32>
    %slice3A_260 = vector.extract_strided_slice %get3A_21 {offsets = [24, 0], sizes = [1, 128], strides = [1, 1]} : vector<64x128xi32> to vector<1x128xi32>
    %get3A_261 = arith.constant 0 : index
    %get3A_262 = arith.constant 3072 : index
    %get3A_263 = vector.load %arg3[%get3A_261, %get3A_262] : memref<64x8192xf32, #tpu.memory_space<vmem>>, vector<64x128xf32>
    %eq3A_264 = vector.broadcast %slice3A_260 : vector<1x128xi32> to vector<64x128xi32>
    %eq3A_265 = arith.cmpi eq, %iota3A_18, %eq3A_264 : vector<64x128xi32>
    %jit3A_266 = arith.constant 0.000000e+00 : f32
    %broadcast_in_dim3A_267 = vector.broadcast %jit3A_266 : f32 to vector<64x128xf32>
    %select_n3A_268 = arith.select %eq3A_265, %get3A_263, %broadcast_in_dim3A_267 : vector<64x128xi1>, vector<64x128xf32>
    %add3A_269 = arith.addf %add3A_259, %select_n3A_268 : vector<64x128xf32>
    %slice3A_270 = vector.extract_strided_slice %get3A_21 {offsets = [25, 0], sizes = [1, 128], strides = [1, 1]} : vector<64x128xi32> to vector<1x128xi32>
    %get3A_271 = arith.constant 0 : index
    %get3A_272 = arith.constant 3200 : index
    %get3A_273 = vector.load %arg3[%get3A_271, %get3A_272] : memref<64x8192xf32, #tpu.memory_space<vmem>>, vector<64x128xf32>
    %eq3A_274 = vector.broadcast %slice3A_270 : vector<1x128xi32> to vector<64x128xi32>
    %eq3A_275 = arith.cmpi eq, %iota3A_18, %eq3A_274 : vector<64x128xi32>
    %jit3A_276 = arith.constant 0.000000e+00 : f32
    %broadcast_in_dim3A_277 = vector.broadcast %jit3A_276 : f32 to vector<64x128xf32>
    %select_n3A_278 = arith.select %eq3A_275, %get3A_273, %broadcast_in_dim3A_277 : vector<64x128xi1>, vector<64x128xf32>
    %add3A_279 = arith.addf %add3A_269, %select_n3A_278 : vector<64x128xf32>
    %slice3A_280 = vector.extract_strided_slice %get3A_21 {offsets = [26, 0], sizes = [1, 128], strides = [1, 1]} : vector<64x128xi32> to vector<1x128xi32>
    %get3A_281 = arith.constant 0 : index
    %get3A_282 = arith.constant 3328 : index
    %get3A_283 = vector.load %arg3[%get3A_281, %get3A_282] : memref<64x8192xf32, #tpu.memory_space<vmem>>, vector<64x128xf32>
    %eq3A_284 = vector.broadcast %slice3A_280 : vector<1x128xi32> to vector<64x128xi32>
    %eq3A_285 = arith.cmpi eq, %iota3A_18, %eq3A_284 : vector<64x128xi32>
    %jit3A_286 = arith.constant 0.000000e+00 : f32
    %broadcast_in_dim3A_287 = vector.broadcast %jit3A_286 : f32 to vector<64x128xf32>
    %select_n3A_288 = arith.select %eq3A_285, %get3A_283, %broadcast_in_dim3A_287 : vector<64x128xi1>, vector<64x128xf32>
    %add3A_289 = arith.addf %add3A_279, %select_n3A_288 : vector<64x128xf32>
    %slice3A_290 = vector.extract_strided_slice %get3A_21 {offsets = [27, 0], sizes = [1, 128], strides = [1, 1]} : vector<64x128xi32> to vector<1x128xi32>
    %get3A_291 = arith.constant 0 : index
    %get3A_292 = arith.constant 3456 : index
    %get3A_293 = vector.load %arg3[%get3A_291, %get3A_292] : memref<64x8192xf32, #tpu.memory_space<vmem>>, vector<64x128xf32>
    %eq3A_294 = vector.broadcast %slice3A_290 : vector<1x128xi32> to vector<64x128xi32>
    %eq3A_295 = arith.cmpi eq, %iota3A_18, %eq3A_294 : vector<64x128xi32>
    %jit3A_296 = arith.constant 0.000000e+00 : f32
    %broadcast_in_dim3A_297 = vector.broadcast %jit3A_296 : f32 to vector<64x128xf32>
    %select_n3A_298 = arith.select %eq3A_295, %get3A_293, %broadcast_in_dim3A_297 : vector<64x128xi1>, vector<64x128xf32>
    %add3A_299 = arith.addf %add3A_289, %select_n3A_298 : vector<64x128xf32>
    %slice3A_300 = vector.extract_strided_slice %get3A_21 {offsets = [28, 0], sizes = [1, 128], strides = [1, 1]} : vector<64x128xi32> to vector<1x128xi32>
    %get3A_301 = arith.constant 0 : index
    %get3A_302 = arith.constant 3584 : index
    %get3A_303 = vector.load %arg3[%get3A_301, %get3A_302] : memref<64x8192xf32, #tpu.memory_space<vmem>>, vector<64x128xf32>
    %eq3A_304 = vector.broadcast %slice3A_300 : vector<1x128xi32> to vector<64x128xi32>
    %eq3A_305 = arith.cmpi eq, %iota3A_18, %eq3A_304 : vector<64x128xi32>
    %jit3A_306 = arith.constant 0.000000e+00 : f32
    %broadcast_in_dim3A_307 = vector.broadcast %jit3A_306 : f32 to vector<64x128xf32>
    %select_n3A_308 = arith.select %eq3A_305, %get3A_303, %broadcast_in_dim3A_307 : vector<64x128xi1>, vector<64x128xf32>
    %add3A_309 = arith.addf %add3A_299, %select_n3A_308 : vector<64x128xf32>
    %slice3A_310 = vector.extract_strided_slice %get3A_21 {offsets = [29, 0], sizes = [1, 128], strides = [1, 1]} : vector<64x128xi32> to vector<1x128xi32>
    %get3A_311 = arith.constant 0 : index
    %get3A_312 = arith.constant 3712 : index
    %get3A_313 = vector.load %arg3[%get3A_311, %get3A_312] : memref<64x8192xf32, #tpu.memory_space<vmem>>, vector<64x128xf32>
    %eq3A_314 = vector.broadcast %slice3A_310 : vector<1x128xi32> to vector<64x128xi32>
    %eq3A_315 = arith.cmpi eq, %iota3A_18, %eq3A_314 : vector<64x128xi32>
    %jit3A_316 = arith.constant 0.000000e+00 : f32
    %broadcast_in_dim3A_317 = vector.broadcast %jit3A_316 : f32 to vector<64x128xf32>
    %select_n3A_318 = arith.select %eq3A_315, %get3A_313, %broadcast_in_dim3A_317 : vector<64x128xi1>, vector<64x128xf32>
    %add3A_319 = arith.addf %add3A_309, %select_n3A_318 : vector<64x128xf32>
    %slice3A_320 = vector.extract_strided_slice %get3A_21 {offsets = [30, 0], sizes = [1, 128], strides = [1, 1]} : vector<64x128xi32> to vector<1x128xi32>
    %get3A_321 = arith.constant 0 : index
    %get3A_322 = arith.constant 3840 : index
    %get3A_323 = vector.load %arg3[%get3A_321, %get3A_322] : memref<64x8192xf32, #tpu.memory_space<vmem>>, vector<64x128xf32>
    %eq3A_324 = vector.broadcast %slice3A_320 : vector<1x128xi32> to vector<64x128xi32>
    %eq3A_325 = arith.cmpi eq, %iota3A_18, %eq3A_324 : vector<64x128xi32>
    %jit3A_326 = arith.constant 0.000000e+00 : f32
    %broadcast_in_dim3A_327 = vector.broadcast %jit3A_326 : f32 to vector<64x128xf32>
    %select_n3A_328 = arith.select %eq3A_325, %get3A_323, %broadcast_in_dim3A_327 : vector<64x128xi1>, vector<64x128xf32>
    %add3A_329 = arith.addf %add3A_319, %select_n3A_328 : vector<64x128xf32>
    %slice3A_330 = vector.extract_strided_slice %get3A_21 {offsets = [31, 0], sizes = [1, 128], strides = [1, 1]} : vector<64x128xi32> to vector<1x128xi32>
    %get3A_331 = arith.constant 0 : index
    %get3A_332 = arith.constant 3968 : index
    %get3A_333 = vector.load %arg3[%get3A_331, %get3A_332] : memref<64x8192xf32, #tpu.memory_space<vmem>>, vector<64x128xf32>
    %eq3A_334 = vector.broadcast %slice3A_330 : vector<1x128xi32> to vector<64x128xi32>
    %eq3A_335 = arith.cmpi eq, %iota3A_18, %eq3A_334 : vector<64x128xi32>
    %jit3A_336 = arith.constant 0.000000e+00 : f32
    %broadcast_in_dim3A_337 = vector.broadcast %jit3A_336 : f32 to vector<64x128xf32>
    %select_n3A_338 = arith.select %eq3A_335, %get3A_333, %broadcast_in_dim3A_337 : vector<64x128xi1>, vector<64x128xf32>
    %add3A_339 = arith.addf %add3A_329, %select_n3A_338 : vector<64x128xf32>
    %slice3A_340 = vector.extract_strided_slice %get3A_21 {offsets = [32, 0], sizes = [1, 128], strides = [1, 1]} : vector<64x128xi32> to vector<1x128xi32>
    %get3A_341 = arith.constant 0 : index
    %get3A_342 = arith.constant 4096 : index
    %get3A_343 = vector.load %arg3[%get3A_341, %get3A_342] : memref<64x8192xf32, #tpu.memory_space<vmem>>, vector<64x128xf32>
    %eq3A_344 = vector.broadcast %slice3A_340 : vector<1x128xi32> to vector<64x128xi32>
    %eq3A_345 = arith.cmpi eq, %iota3A_18, %eq3A_344 : vector<64x128xi32>
    %jit3A_346 = arith.constant 0.000000e+00 : f32
    %broadcast_in_dim3A_347 = vector.broadcast %jit3A_346 : f32 to vector<64x128xf32>
    %select_n3A_348 = arith.select %eq3A_345, %get3A_343, %broadcast_in_dim3A_347 : vector<64x128xi1>, vector<64x128xf32>
    %add3A_349 = arith.addf %add3A_339, %select_n3A_348 : vector<64x128xf32>
    %slice3A_350 = vector.extract_strided_slice %get3A_21 {offsets = [33, 0], sizes = [1, 128], strides = [1, 1]} : vector<64x128xi32> to vector<1x128xi32>
    %get3A_351 = arith.constant 0 : index
    %get3A_352 = arith.constant 4224 : index
    %get3A_353 = vector.load %arg3[%get3A_351, %get3A_352] : memref<64x8192xf32, #tpu.memory_space<vmem>>, vector<64x128xf32>
    %eq3A_354 = vector.broadcast %slice3A_350 : vector<1x128xi32> to vector<64x128xi32>
    %eq3A_355 = arith.cmpi eq, %iota3A_18, %eq3A_354 : vector<64x128xi32>
    %jit3A_356 = arith.constant 0.000000e+00 : f32
    %broadcast_in_dim3A_357 = vector.broadcast %jit3A_356 : f32 to vector<64x128xf32>
    %select_n3A_358 = arith.select %eq3A_355, %get3A_353, %broadcast_in_dim3A_357 : vector<64x128xi1>, vector<64x128xf32>
    %add3A_359 = arith.addf %add3A_349, %select_n3A_358 : vector<64x128xf32>
    %slice3A_360 = vector.extract_strided_slice %get3A_21 {offsets = [34, 0], sizes = [1, 128], strides = [1, 1]} : vector<64x128xi32> to vector<1x128xi32>
    %get3A_361 = arith.constant 0 : index
    %get3A_362 = arith.constant 4352 : index
    %get3A_363 = vector.load %arg3[%get3A_361, %get3A_362] : memref<64x8192xf32, #tpu.memory_space<vmem>>, vector<64x128xf32>
    %eq3A_364 = vector.broadcast %slice3A_360 : vector<1x128xi32> to vector<64x128xi32>
    %eq3A_365 = arith.cmpi eq, %iota3A_18, %eq3A_364 : vector<64x128xi32>
    %jit3A_366 = arith.constant 0.000000e+00 : f32
    %broadcast_in_dim3A_367 = vector.broadcast %jit3A_366 : f32 to vector<64x128xf32>
    %select_n3A_368 = arith.select %eq3A_365, %get3A_363, %broadcast_in_dim3A_367 : vector<64x128xi1>, vector<64x128xf32>
    %add3A_369 = arith.addf %add3A_359, %select_n3A_368 : vector<64x128xf32>
    %slice3A_370 = vector.extract_strided_slice %get3A_21 {offsets = [35, 0], sizes = [1, 128], strides = [1, 1]} : vector<64x128xi32> to vector<1x128xi32>
    %get3A_371 = arith.constant 0 : index
    %get3A_372 = arith.constant 4480 : index
    %get3A_373 = vector.load %arg3[%get3A_371, %get3A_372] : memref<64x8192xf32, #tpu.memory_space<vmem>>, vector<64x128xf32>
    %eq3A_374 = vector.broadcast %slice3A_370 : vector<1x128xi32> to vector<64x128xi32>
    %eq3A_375 = arith.cmpi eq, %iota3A_18, %eq3A_374 : vector<64x128xi32>
    %jit3A_376 = arith.constant 0.000000e+00 : f32
    %broadcast_in_dim3A_377 = vector.broadcast %jit3A_376 : f32 to vector<64x128xf32>
    %select_n3A_378 = arith.select %eq3A_375, %get3A_373, %broadcast_in_dim3A_377 : vector<64x128xi1>, vector<64x128xf32>
    %add3A_379 = arith.addf %add3A_369, %select_n3A_378 : vector<64x128xf32>
    %slice3A_380 = vector.extract_strided_slice %get3A_21 {offsets = [36, 0], sizes = [1, 128], strides = [1, 1]} : vector<64x128xi32> to vector<1x128xi32>
    %get3A_381 = arith.constant 0 : index
    %get3A_382 = arith.constant 4608 : index
    %get3A_383 = vector.load %arg3[%get3A_381, %get3A_382] : memref<64x8192xf32, #tpu.memory_space<vmem>>, vector<64x128xf32>
    %eq3A_384 = vector.broadcast %slice3A_380 : vector<1x128xi32> to vector<64x128xi32>
    %eq3A_385 = arith.cmpi eq, %iota3A_18, %eq3A_384 : vector<64x128xi32>
    %jit3A_386 = arith.constant 0.000000e+00 : f32
    %broadcast_in_dim3A_387 = vector.broadcast %jit3A_386 : f32 to vector<64x128xf32>
    %select_n3A_388 = arith.select %eq3A_385, %get3A_383, %broadcast_in_dim3A_387 : vector<64x128xi1>, vector<64x128xf32>
    %add3A_389 = arith.addf %add3A_379, %select_n3A_388 : vector<64x128xf32>
    %slice3A_390 = vector.extract_strided_slice %get3A_21 {offsets = [37, 0], sizes = [1, 128], strides = [1, 1]} : vector<64x128xi32> to vector<1x128xi32>
    %get3A_391 = arith.constant 0 : index
    %get3A_392 = arith.constant 4736 : index
    %get3A_393 = vector.load %arg3[%get3A_391, %get3A_392] : memref<64x8192xf32, #tpu.memory_space<vmem>>, vector<64x128xf32>
    %eq3A_394 = vector.broadcast %slice3A_390 : vector<1x128xi32> to vector<64x128xi32>
    %eq3A_395 = arith.cmpi eq, %iota3A_18, %eq3A_394 : vector<64x128xi32>
    %jit3A_396 = arith.constant 0.000000e+00 : f32
    %broadcast_in_dim3A_397 = vector.broadcast %jit3A_396 : f32 to vector<64x128xf32>
    %select_n3A_398 = arith.select %eq3A_395, %get3A_393, %broadcast_in_dim3A_397 : vector<64x128xi1>, vector<64x128xf32>
    %add3A_399 = arith.addf %add3A_389, %select_n3A_398 : vector<64x128xf32>
    %slice3A_400 = vector.extract_strided_slice %get3A_21 {offsets = [38, 0], sizes = [1, 128], strides = [1, 1]} : vector<64x128xi32> to vector<1x128xi32>
    %get3A_401 = arith.constant 0 : index
    %get3A_402 = arith.constant 4864 : index
    %get3A_403 = vector.load %arg3[%get3A_401, %get3A_402] : memref<64x8192xf32, #tpu.memory_space<vmem>>, vector<64x128xf32>
    %eq3A_404 = vector.broadcast %slice3A_400 : vector<1x128xi32> to vector<64x128xi32>
    %eq3A_405 = arith.cmpi eq, %iota3A_18, %eq3A_404 : vector<64x128xi32>
    %jit3A_406 = arith.constant 0.000000e+00 : f32
    %broadcast_in_dim3A_407 = vector.broadcast %jit3A_406 : f32 to vector<64x128xf32>
    %select_n3A_408 = arith.select %eq3A_405, %get3A_403, %broadcast_in_dim3A_407 : vector<64x128xi1>, vector<64x128xf32>
    %add3A_409 = arith.addf %add3A_399, %select_n3A_408 : vector<64x128xf32>
    %slice3A_410 = vector.extract_strided_slice %get3A_21 {offsets = [39, 0], sizes = [1, 128], strides = [1, 1]} : vector<64x128xi32> to vector<1x128xi32>
    %get3A_411 = arith.constant 0 : index
    %get3A_412 = arith.constant 4992 : index
    %get3A_413 = vector.load %arg3[%get3A_411, %get3A_412] : memref<64x8192xf32, #tpu.memory_space<vmem>>, vector<64x128xf32>
    %eq3A_414 = vector.broadcast %slice3A_410 : vector<1x128xi32> to vector<64x128xi32>
    %eq3A_415 = arith.cmpi eq, %iota3A_18, %eq3A_414 : vector<64x128xi32>
    %jit3A_416 = arith.constant 0.000000e+00 : f32
    %broadcast_in_dim3A_417 = vector.broadcast %jit3A_416 : f32 to vector<64x128xf32>
    %select_n3A_418 = arith.select %eq3A_415, %get3A_413, %broadcast_in_dim3A_417 : vector<64x128xi1>, vector<64x128xf32>
    %add3A_419 = arith.addf %add3A_409, %select_n3A_418 : vector<64x128xf32>
    %slice3A_420 = vector.extract_strided_slice %get3A_21 {offsets = [40, 0], sizes = [1, 128], strides = [1, 1]} : vector<64x128xi32> to vector<1x128xi32>
    %get3A_421 = arith.constant 0 : index
    %get3A_422 = arith.constant 5120 : index
    %get3A_423 = vector.load %arg3[%get3A_421, %get3A_422] : memref<64x8192xf32, #tpu.memory_space<vmem>>, vector<64x128xf32>
    %eq3A_424 = vector.broadcast %slice3A_420 : vector<1x128xi32> to vector<64x128xi32>
    %eq3A_425 = arith.cmpi eq, %iota3A_18, %eq3A_424 : vector<64x128xi32>
    %jit3A_426 = arith.constant 0.000000e+00 : f32
    %broadcast_in_dim3A_427 = vector.broadcast %jit3A_426 : f32 to vector<64x128xf32>
    %select_n3A_428 = arith.select %eq3A_425, %get3A_423, %broadcast_in_dim3A_427 : vector<64x128xi1>, vector<64x128xf32>
    %add3A_429 = arith.addf %add3A_419, %select_n3A_428 : vector<64x128xf32>
    %slice3A_430 = vector.extract_strided_slice %get3A_21 {offsets = [41, 0], sizes = [1, 128], strides = [1, 1]} : vector<64x128xi32> to vector<1x128xi32>
    %get3A_431 = arith.constant 0 : index
    %get3A_432 = arith.constant 5248 : index
    %get3A_433 = vector.load %arg3[%get3A_431, %get3A_432] : memref<64x8192xf32, #tpu.memory_space<vmem>>, vector<64x128xf32>
    %eq3A_434 = vector.broadcast %slice3A_430 : vector<1x128xi32> to vector<64x128xi32>
    %eq3A_435 = arith.cmpi eq, %iota3A_18, %eq3A_434 : vector<64x128xi32>
    %jit3A_436 = arith.constant 0.000000e+00 : f32
    %broadcast_in_dim3A_437 = vector.broadcast %jit3A_436 : f32 to vector<64x128xf32>
    %select_n3A_438 = arith.select %eq3A_435, %get3A_433, %broadcast_in_dim3A_437 : vector<64x128xi1>, vector<64x128xf32>
    %add3A_439 = arith.addf %add3A_429, %select_n3A_438 : vector<64x128xf32>
    %slice3A_440 = vector.extract_strided_slice %get3A_21 {offsets = [42, 0], sizes = [1, 128], strides = [1, 1]} : vector<64x128xi32> to vector<1x128xi32>
    %get3A_441 = arith.constant 0 : index
    %get3A_442 = arith.constant 5376 : index
    %get3A_443 = vector.load %arg3[%get3A_441, %get3A_442] : memref<64x8192xf32, #tpu.memory_space<vmem>>, vector<64x128xf32>
    %eq3A_444 = vector.broadcast %slice3A_440 : vector<1x128xi32> to vector<64x128xi32>
    %eq3A_445 = arith.cmpi eq, %iota3A_18, %eq3A_444 : vector<64x128xi32>
    %jit3A_446 = arith.constant 0.000000e+00 : f32
    %broadcast_in_dim3A_447 = vector.broadcast %jit3A_446 : f32 to vector<64x128xf32>
    %select_n3A_448 = arith.select %eq3A_445, %get3A_443, %broadcast_in_dim3A_447 : vector<64x128xi1>, vector<64x128xf32>
    %add3A_449 = arith.addf %add3A_439, %select_n3A_448 : vector<64x128xf32>
    %slice3A_450 = vector.extract_strided_slice %get3A_21 {offsets = [43, 0], sizes = [1, 128], strides = [1, 1]} : vector<64x128xi32> to vector<1x128xi32>
    %get3A_451 = arith.constant 0 : index
    %get3A_452 = arith.constant 5504 : index
    %get3A_453 = vector.load %arg3[%get3A_451, %get3A_452] : memref<64x8192xf32, #tpu.memory_space<vmem>>, vector<64x128xf32>
    %eq3A_454 = vector.broadcast %slice3A_450 : vector<1x128xi32> to vector<64x128xi32>
    %eq3A_455 = arith.cmpi eq, %iota3A_18, %eq3A_454 : vector<64x128xi32>
    %jit3A_456 = arith.constant 0.000000e+00 : f32
    %broadcast_in_dim3A_457 = vector.broadcast %jit3A_456 : f32 to vector<64x128xf32>
    %select_n3A_458 = arith.select %eq3A_455, %get3A_453, %broadcast_in_dim3A_457 : vector<64x128xi1>, vector<64x128xf32>
    %add3A_459 = arith.addf %add3A_449, %select_n3A_458 : vector<64x128xf32>
    %slice3A_460 = vector.extract_strided_slice %get3A_21 {offsets = [44, 0], sizes = [1, 128], strides = [1, 1]} : vector<64x128xi32> to vector<1x128xi32>
    %get3A_461 = arith.constant 0 : index
    %get3A_462 = arith.constant 5632 : index
    %get3A_463 = vector.load %arg3[%get3A_461, %get3A_462] : memref<64x8192xf32, #tpu.memory_space<vmem>>, vector<64x128xf32>
    %eq3A_464 = vector.broadcast %slice3A_460 : vector<1x128xi32> to vector<64x128xi32>
    %eq3A_465 = arith.cmpi eq, %iota3A_18, %eq3A_464 : vector<64x128xi32>
    %jit3A_466 = arith.constant 0.000000e+00 : f32
    %broadcast_in_dim3A_467 = vector.broadcast %jit3A_466 : f32 to vector<64x128xf32>
    %select_n3A_468 = arith.select %eq3A_465, %get3A_463, %broadcast_in_dim3A_467 : vector<64x128xi1>, vector<64x128xf32>
    %add3A_469 = arith.addf %add3A_459, %select_n3A_468 : vector<64x128xf32>
    %slice3A_470 = vector.extract_strided_slice %get3A_21 {offsets = [45, 0], sizes = [1, 128], strides = [1, 1]} : vector<64x128xi32> to vector<1x128xi32>
    %get3A_471 = arith.constant 0 : index
    %get3A_472 = arith.constant 5760 : index
    %get3A_473 = vector.load %arg3[%get3A_471, %get3A_472] : memref<64x8192xf32, #tpu.memory_space<vmem>>, vector<64x128xf32>
    %eq3A_474 = vector.broadcast %slice3A_470 : vector<1x128xi32> to vector<64x128xi32>
    %eq3A_475 = arith.cmpi eq, %iota3A_18, %eq3A_474 : vector<64x128xi32>
    %jit3A_476 = arith.constant 0.000000e+00 : f32
    %broadcast_in_dim3A_477 = vector.broadcast %jit3A_476 : f32 to vector<64x128xf32>
    %select_n3A_478 = arith.select %eq3A_475, %get3A_473, %broadcast_in_dim3A_477 : vector<64x128xi1>, vector<64x128xf32>
    %add3A_479 = arith.addf %add3A_469, %select_n3A_478 : vector<64x128xf32>
    %slice3A_480 = vector.extract_strided_slice %get3A_21 {offsets = [46, 0], sizes = [1, 128], strides = [1, 1]} : vector<64x128xi32> to vector<1x128xi32>
    %get3A_481 = arith.constant 0 : index
    %get3A_482 = arith.constant 5888 : index
    %get3A_483 = vector.load %arg3[%get3A_481, %get3A_482] : memref<64x8192xf32, #tpu.memory_space<vmem>>, vector<64x128xf32>
    %eq3A_484 = vector.broadcast %slice3A_480 : vector<1x128xi32> to vector<64x128xi32>
    %eq3A_485 = arith.cmpi eq, %iota3A_18, %eq3A_484 : vector<64x128xi32>
    %jit3A_486 = arith.constant 0.000000e+00 : f32
    %broadcast_in_dim3A_487 = vector.broadcast %jit3A_486 : f32 to vector<64x128xf32>
    %select_n3A_488 = arith.select %eq3A_485, %get3A_483, %broadcast_in_dim3A_487 : vector<64x128xi1>, vector<64x128xf32>
    %add3A_489 = arith.addf %add3A_479, %select_n3A_488 : vector<64x128xf32>
    %slice3A_490 = vector.extract_strided_slice %get3A_21 {offsets = [47, 0], sizes = [1, 128], strides = [1, 1]} : vector<64x128xi32> to vector<1x128xi32>
    %get3A_491 = arith.constant 0 : index
    %get3A_492 = arith.constant 6016 : index
    %get3A_493 = vector.load %arg3[%get3A_491, %get3A_492] : memref<64x8192xf32, #tpu.memory_space<vmem>>, vector<64x128xf32>
    %eq3A_494 = vector.broadcast %slice3A_490 : vector<1x128xi32> to vector<64x128xi32>
    %eq3A_495 = arith.cmpi eq, %iota3A_18, %eq3A_494 : vector<64x128xi32>
    %jit3A_496 = arith.constant 0.000000e+00 : f32
    %broadcast_in_dim3A_497 = vector.broadcast %jit3A_496 : f32 to vector<64x128xf32>
    %select_n3A_498 = arith.select %eq3A_495, %get3A_493, %broadcast_in_dim3A_497 : vector<64x128xi1>, vector<64x128xf32>
    %add3A_499 = arith.addf %add3A_489, %select_n3A_498 : vector<64x128xf32>
    %slice3A_500 = vector.extract_strided_slice %get3A_21 {offsets = [48, 0], sizes = [1, 128], strides = [1, 1]} : vector<64x128xi32> to vector<1x128xi32>
    %get3A_501 = arith.constant 0 : index
    %get3A_502 = arith.constant 6144 : index
    %get3A_503 = vector.load %arg3[%get3A_501, %get3A_502] : memref<64x8192xf32, #tpu.memory_space<vmem>>, vector<64x128xf32>
    %eq3A_504 = vector.broadcast %slice3A_500 : vector<1x128xi32> to vector<64x128xi32>
    %eq3A_505 = arith.cmpi eq, %iota3A_18, %eq3A_504 : vector<64x128xi32>
    %jit3A_506 = arith.constant 0.000000e+00 : f32
    %broadcast_in_dim3A_507 = vector.broadcast %jit3A_506 : f32 to vector<64x128xf32>
    %select_n3A_508 = arith.select %eq3A_505, %get3A_503, %broadcast_in_dim3A_507 : vector<64x128xi1>, vector<64x128xf32>
    %add3A_509 = arith.addf %add3A_499, %select_n3A_508 : vector<64x128xf32>
    %slice3A_510 = vector.extract_strided_slice %get3A_21 {offsets = [49, 0], sizes = [1, 128], strides = [1, 1]} : vector<64x128xi32> to vector<1x128xi32>
    %get3A_511 = arith.constant 0 : index
    %get3A_512 = arith.constant 6272 : index
    %get3A_513 = vector.load %arg3[%get3A_511, %get3A_512] : memref<64x8192xf32, #tpu.memory_space<vmem>>, vector<64x128xf32>
    %eq3A_514 = vector.broadcast %slice3A_510 : vector<1x128xi32> to vector<64x128xi32>
    %eq3A_515 = arith.cmpi eq, %iota3A_18, %eq3A_514 : vector<64x128xi32>
    %jit3A_516 = arith.constant 0.000000e+00 : f32
    %broadcast_in_dim3A_517 = vector.broadcast %jit3A_516 : f32 to vector<64x128xf32>
    %select_n3A_518 = arith.select %eq3A_515, %get3A_513, %broadcast_in_dim3A_517 : vector<64x128xi1>, vector<64x128xf32>
    %add3A_519 = arith.addf %add3A_509, %select_n3A_518 : vector<64x128xf32>
    %slice3A_520 = vector.extract_strided_slice %get3A_21 {offsets = [50, 0], sizes = [1, 128], strides = [1, 1]} : vector<64x128xi32> to vector<1x128xi32>
    %get3A_521 = arith.constant 0 : index
    %get3A_522 = arith.constant 6400 : index
    %get3A_523 = vector.load %arg3[%get3A_521, %get3A_522] : memref<64x8192xf32, #tpu.memory_space<vmem>>, vector<64x128xf32>
    %eq3A_524 = vector.broadcast %slice3A_520 : vector<1x128xi32> to vector<64x128xi32>
    %eq3A_525 = arith.cmpi eq, %iota3A_18, %eq3A_524 : vector<64x128xi32>
    %jit3A_526 = arith.constant 0.000000e+00 : f32
    %broadcast_in_dim3A_527 = vector.broadcast %jit3A_526 : f32 to vector<64x128xf32>
    %select_n3A_528 = arith.select %eq3A_525, %get3A_523, %broadcast_in_dim3A_527 : vector<64x128xi1>, vector<64x128xf32>
    %add3A_529 = arith.addf %add3A_519, %select_n3A_528 : vector<64x128xf32>
    %slice3A_530 = vector.extract_strided_slice %get3A_21 {offsets = [51, 0], sizes = [1, 128], strides = [1, 1]} : vector<64x128xi32> to vector<1x128xi32>
    %get3A_531 = arith.constant 0 : index
    %get3A_532 = arith.constant 6528 : index
    %get3A_533 = vector.load %arg3[%get3A_531, %get3A_532] : memref<64x8192xf32, #tpu.memory_space<vmem>>, vector<64x128xf32>
    %eq3A_534 = vector.broadcast %slice3A_530 : vector<1x128xi32> to vector<64x128xi32>
    %eq3A_535 = arith.cmpi eq, %iota3A_18, %eq3A_534 : vector<64x128xi32>
    %jit3A_536 = arith.constant 0.000000e+00 : f32
    %broadcast_in_dim3A_537 = vector.broadcast %jit3A_536 : f32 to vector<64x128xf32>
    %select_n3A_538 = arith.select %eq3A_535, %get3A_533, %broadcast_in_dim3A_537 : vector<64x128xi1>, vector<64x128xf32>
    %add3A_539 = arith.addf %add3A_529, %select_n3A_538 : vector<64x128xf32>
    %slice3A_540 = vector.extract_strided_slice %get3A_21 {offsets = [52, 0], sizes = [1, 128], strides = [1, 1]} : vector<64x128xi32> to vector<1x128xi32>
    %get3A_541 = arith.constant 0 : index
    %get3A_542 = arith.constant 6656 : index
    %get3A_543 = vector.load %arg3[%get3A_541, %get3A_542] : memref<64x8192xf32, #tpu.memory_space<vmem>>, vector<64x128xf32>
    %eq3A_544 = vector.broadcast %slice3A_540 : vector<1x128xi32> to vector<64x128xi32>
    %eq3A_545 = arith.cmpi eq, %iota3A_18, %eq3A_544 : vector<64x128xi32>
    %jit3A_546 = arith.constant 0.000000e+00 : f32
    %broadcast_in_dim3A_547 = vector.broadcast %jit3A_546 : f32 to vector<64x128xf32>
    %select_n3A_548 = arith.select %eq3A_545, %get3A_543, %broadcast_in_dim3A_547 : vector<64x128xi1>, vector<64x128xf32>
    %add3A_549 = arith.addf %add3A_539, %select_n3A_548 : vector<64x128xf32>
    %slice3A_550 = vector.extract_strided_slice %get3A_21 {offsets = [53, 0], sizes = [1, 128], strides = [1, 1]} : vector<64x128xi32> to vector<1x128xi32>
    %get3A_551 = arith.constant 0 : index
    %get3A_552 = arith.constant 6784 : index
    %get3A_553 = vector.load %arg3[%get3A_551, %get3A_552] : memref<64x8192xf32, #tpu.memory_space<vmem>>, vector<64x128xf32>
    %eq3A_554 = vector.broadcast %slice3A_550 : vector<1x128xi32> to vector<64x128xi32>
    %eq3A_555 = arith.cmpi eq, %iota3A_18, %eq3A_554 : vector<64x128xi32>
    %jit3A_556 = arith.constant 0.000000e+00 : f32
    %broadcast_in_dim3A_557 = vector.broadcast %jit3A_556 : f32 to vector<64x128xf32>
    %select_n3A_558 = arith.select %eq3A_555, %get3A_553, %broadcast_in_dim3A_557 : vector<64x128xi1>, vector<64x128xf32>
    %add3A_559 = arith.addf %add3A_549, %select_n3A_558 : vector<64x128xf32>
    %slice3A_560 = vector.extract_strided_slice %get3A_21 {offsets = [54, 0], sizes = [1, 128], strides = [1, 1]} : vector<64x128xi32> to vector<1x128xi32>
    %get3A_561 = arith.constant 0 : index
    %get3A_562 = arith.constant 6912 : index
    %get3A_563 = vector.load %arg3[%get3A_561, %get3A_562] : memref<64x8192xf32, #tpu.memory_space<vmem>>, vector<64x128xf32>
    %eq3A_564 = vector.broadcast %slice3A_560 : vector<1x128xi32> to vector<64x128xi32>
    %eq3A_565 = arith.cmpi eq, %iota3A_18, %eq3A_564 : vector<64x128xi32>
    %jit3A_566 = arith.constant 0.000000e+00 : f32
    %broadcast_in_dim3A_567 = vector.broadcast %jit3A_566 : f32 to vector<64x128xf32>
    %select_n3A_568 = arith.select %eq3A_565, %get3A_563, %broadcast_in_dim3A_567 : vector<64x128xi1>, vector<64x128xf32>
    %add3A_569 = arith.addf %add3A_559, %select_n3A_568 : vector<64x128xf32>
    %slice3A_570 = vector.extract_strided_slice %get3A_21 {offsets = [55, 0], sizes = [1, 128], strides = [1, 1]} : vector<64x128xi32> to vector<1x128xi32>
    %get3A_571 = arith.constant 0 : index
    %get3A_572 = arith.constant 7040 : index
    %get3A_573 = vector.load %arg3[%get3A_571, %get3A_572] : memref<64x8192xf32, #tpu.memory_space<vmem>>, vector<64x128xf32>
    %eq3A_574 = vector.broadcast %slice3A_570 : vector<1x128xi32> to vector<64x128xi32>
    %eq3A_575 = arith.cmpi eq, %iota3A_18, %eq3A_574 : vector<64x128xi32>
    %jit3A_576 = arith.constant 0.000000e+00 : f32
    %broadcast_in_dim3A_577 = vector.broadcast %jit3A_576 : f32 to vector<64x128xf32>
    %select_n3A_578 = arith.select %eq3A_575, %get3A_573, %broadcast_in_dim3A_577 : vector<64x128xi1>, vector<64x128xf32>
    %add3A_579 = arith.addf %add3A_569, %select_n3A_578 : vector<64x128xf32>
    %slice3A_580 = vector.extract_strided_slice %get3A_21 {offsets = [56, 0], sizes = [1, 128], strides = [1, 1]} : vector<64x128xi32> to vector<1x128xi32>
    %get3A_581 = arith.constant 0 : index
    %get3A_582 = arith.constant 7168 : index
    %get3A_583 = vector.load %arg3[%get3A_581, %get3A_582] : memref<64x8192xf32, #tpu.memory_space<vmem>>, vector<64x128xf32>
    %eq3A_584 = vector.broadcast %slice3A_580 : vector<1x128xi32> to vector<64x128xi32>
    %eq3A_585 = arith.cmpi eq, %iota3A_18, %eq3A_584 : vector<64x128xi32>
    %jit3A_586 = arith.constant 0.000000e+00 : f32
    %broadcast_in_dim3A_587 = vector.broadcast %jit3A_586 : f32 to vector<64x128xf32>
    %select_n3A_588 = arith.select %eq3A_585, %get3A_583, %broadcast_in_dim3A_587 : vector<64x128xi1>, vector<64x128xf32>
    %add3A_589 = arith.addf %add3A_579, %select_n3A_588 : vector<64x128xf32>
    %slice3A_590 = vector.extract_strided_slice %get3A_21 {offsets = [57, 0], sizes = [1, 128], strides = [1, 1]} : vector<64x128xi32> to vector<1x128xi32>
    %get3A_591 = arith.constant 0 : index
    %get3A_592 = arith.constant 7296 : index
    %get3A_593 = vector.load %arg3[%get3A_591, %get3A_592] : memref<64x8192xf32, #tpu.memory_space<vmem>>, vector<64x128xf32>
    %eq3A_594 = vector.broadcast %slice3A_590 : vector<1x128xi32> to vector<64x128xi32>
    %eq3A_595 = arith.cmpi eq, %iota3A_18, %eq3A_594 : vector<64x128xi32>
    %jit3A_596 = arith.constant 0.000000e+00 : f32
    %broadcast_in_dim3A_597 = vector.broadcast %jit3A_596 : f32 to vector<64x128xf32>
    %select_n3A_598 = arith.select %eq3A_595, %get3A_593, %broadcast_in_dim3A_597 : vector<64x128xi1>, vector<64x128xf32>
    %add3A_599 = arith.addf %add3A_589, %select_n3A_598 : vector<64x128xf32>
    %slice3A_600 = vector.extract_strided_slice %get3A_21 {offsets = [58, 0], sizes = [1, 128], strides = [1, 1]} : vector<64x128xi32> to vector<1x128xi32>
    %get3A_601 = arith.constant 0 : index
    %get3A_602 = arith.constant 7424 : index
    %get3A_603 = vector.load %arg3[%get3A_601, %get3A_602] : memref<64x8192xf32, #tpu.memory_space<vmem>>, vector<64x128xf32>
    %eq3A_604 = vector.broadcast %slice3A_600 : vector<1x128xi32> to vector<64x128xi32>
    %eq3A_605 = arith.cmpi eq, %iota3A_18, %eq3A_604 : vector<64x128xi32>
    %jit3A_606 = arith.constant 0.000000e+00 : f32
    %broadcast_in_dim3A_607 = vector.broadcast %jit3A_606 : f32 to vector<64x128xf32>
    %select_n3A_608 = arith.select %eq3A_605, %get3A_603, %broadcast_in_dim3A_607 : vector<64x128xi1>, vector<64x128xf32>
    %add3A_609 = arith.addf %add3A_599, %select_n3A_608 : vector<64x128xf32>
    %slice3A_610 = vector.extract_strided_slice %get3A_21 {offsets = [59, 0], sizes = [1, 128], strides = [1, 1]} : vector<64x128xi32> to vector<1x128xi32>
    %get3A_611 = arith.constant 0 : index
    %get3A_612 = arith.constant 7552 : index
    %get3A_613 = vector.load %arg3[%get3A_611, %get3A_612] : memref<64x8192xf32, #tpu.memory_space<vmem>>, vector<64x128xf32>
    %eq3A_614 = vector.broadcast %slice3A_610 : vector<1x128xi32> to vector<64x128xi32>
    %eq3A_615 = arith.cmpi eq, %iota3A_18, %eq3A_614 : vector<64x128xi32>
    %jit3A_616 = arith.constant 0.000000e+00 : f32
    %broadcast_in_dim3A_617 = vector.broadcast %jit3A_616 : f32 to vector<64x128xf32>
    %select_n3A_618 = arith.select %eq3A_615, %get3A_613, %broadcast_in_dim3A_617 : vector<64x128xi1>, vector<64x128xf32>
    %add3A_619 = arith.addf %add3A_609, %select_n3A_618 : vector<64x128xf32>
    %slice3A_620 = vector.extract_strided_slice %get3A_21 {offsets = [60, 0], sizes = [1, 128], strides = [1, 1]} : vector<64x128xi32> to vector<1x128xi32>
    %get3A_621 = arith.constant 0 : index
    %get3A_622 = arith.constant 7680 : index
    %get3A_623 = vector.load %arg3[%get3A_621, %get3A_622] : memref<64x8192xf32, #tpu.memory_space<vmem>>, vector<64x128xf32>
    %eq3A_624 = vector.broadcast %slice3A_620 : vector<1x128xi32> to vector<64x128xi32>
    %eq3A_625 = arith.cmpi eq, %iota3A_18, %eq3A_624 : vector<64x128xi32>
    %jit3A_626 = arith.constant 0.000000e+00 : f32
    %broadcast_in_dim3A_627 = vector.broadcast %jit3A_626 : f32 to vector<64x128xf32>
    %select_n3A_628 = arith.select %eq3A_625, %get3A_623, %broadcast_in_dim3A_627 : vector<64x128xi1>, vector<64x128xf32>
    %add3A_629 = arith.addf %add3A_619, %select_n3A_628 : vector<64x128xf32>
    %slice3A_630 = vector.extract_strided_slice %get3A_21 {offsets = [61, 0], sizes = [1, 128], strides = [1, 1]} : vector<64x128xi32> to vector<1x128xi32>
    %get3A_631 = arith.constant 0 : index
    %get3A_632 = arith.constant 7808 : index
    %get3A_633 = vector.load %arg3[%get3A_631, %get3A_632] : memref<64x8192xf32, #tpu.memory_space<vmem>>, vector<64x128xf32>
    %eq3A_634 = vector.broadcast %slice3A_630 : vector<1x128xi32> to vector<64x128xi32>
    %eq3A_635 = arith.cmpi eq, %iota3A_18, %eq3A_634 : vector<64x128xi32>
    %jit3A_636 = arith.constant 0.000000e+00 : f32
    %broadcast_in_dim3A_637 = vector.broadcast %jit3A_636 : f32 to vector<64x128xf32>
    %select_n3A_638 = arith.select %eq3A_635, %get3A_633, %broadcast_in_dim3A_637 : vector<64x128xi1>, vector<64x128xf32>
    %add3A_639 = arith.addf %add3A_629, %select_n3A_638 : vector<64x128xf32>
    %slice3A_640 = vector.extract_strided_slice %get3A_21 {offsets = [62, 0], sizes = [1, 128], strides = [1, 1]} : vector<64x128xi32> to vector<1x128xi32>
    %get3A_641 = arith.constant 0 : index
    %get3A_642 = arith.constant 7936 : index
    %get3A_643 = vector.load %arg3[%get3A_641, %get3A_642] : memref<64x8192xf32, #tpu.memory_space<vmem>>, vector<64x128xf32>
    %eq3A_644 = vector.broadcast %slice3A_640 : vector<1x128xi32> to vector<64x128xi32>
    %eq3A_645 = arith.cmpi eq, %iota3A_18, %eq3A_644 : vector<64x128xi32>
    %jit3A_646 = arith.constant 0.000000e+00 : f32
    %broadcast_in_dim3A_647 = vector.broadcast %jit3A_646 : f32 to vector<64x128xf32>
    %select_n3A_648 = arith.select %eq3A_645, %get3A_643, %broadcast_in_dim3A_647 : vector<64x128xi1>, vector<64x128xf32>
    %add3A_649 = arith.addf %add3A_639, %select_n3A_648 : vector<64x128xf32>
    %slice3A_650 = vector.extract_strided_slice %get3A_21 {offsets = [63, 0], sizes = [1, 128], strides = [1, 1]} : vector<64x128xi32> to vector<1x128xi32>
    %get3A_651 = arith.constant 0 : index
    %get3A_652 = arith.constant 8064 : index
    %get3A_653 = vector.load %arg3[%get3A_651, %get3A_652] : memref<64x8192xf32, #tpu.memory_space<vmem>>, vector<64x128xf32>
    %eq3A_654 = vector.broadcast %slice3A_650 : vector<1x128xi32> to vector<64x128xi32>
    %eq3A_655 = arith.cmpi eq, %iota3A_18, %eq3A_654 : vector<64x128xi32>
    %jit3A_656 = arith.constant 0.000000e+00 : f32
    %broadcast_in_dim3A_657 = vector.broadcast %jit3A_656 : f32 to vector<64x128xf32>
    %select_n3A_658 = arith.select %eq3A_655, %get3A_653, %broadcast_in_dim3A_657 : vector<64x128xi1>, vector<64x128xf32>
    %add3A_659 = arith.addf %add3A_649, %select_n3A_658 : vector<64x128xf32>
    %swap3A_660 = arith.constant 0 : index
    %swap3A_661 = arith.constant 0 : index
    %swap3A_662 = vector.load %arg7[%swap3A_660, %swap3A_661] : memref<64x128xf32, #tpu.memory_space<vmem>>, vector<64x128xf32>
    tpu.vector_store %arg7[%swap3A_660, %swap3A_661], %add3A_659 {strides = array<i32>} : memref<64x128xf32, #tpu.memory_space<vmem>>, vector<64x128xf32>,
    %eq3A_663 = arith.constant 7 : i32
    %eq3A_664 = arith.cmpi eq, %arg0, %eq3A_663 : i32
    %convert_element_type3A_665 = arith.extui %eq3A_664 : i1 to i32
    %cond3A_666 = arith.constant 0 : i32
    %cond3A_667 = arith.cmpi ne, %convert_element_type3A_665, %cond3A_666 : i32
    scf.if %cond3A_667 {
      %get3A_668 = arith.constant 0 : index
      %get3A_669 = arith.constant 0 : index
      %get3A_670 = vector.load %arg6[%get3A_668, %get3A_669] : memref<64x128xi16, #tpu.memory_space<vmem>>, vector<64x128xi16>
      %convert_element_type3A_671 = arith.extsi %get3A_670 : vector<64x128xi16> to vector<64x128xi32>
      %swap3A_672 = arith.constant 0 : index
      %swap3A_673 = arith.constant 0 : index
      %swap3A_674 = vector.load %arg4[%swap3A_672, %swap3A_673] : memref<64x128xi32, #tpu.memory_space<vmem>>, vector<64x128xi32>
      tpu.vector_store %arg4[%swap3A_672, %swap3A_673], %convert_element_type3A_671 {strides = array<i32>} : memref<64x128xi32, #tpu.memory_space<vmem>>, vector<64x128xi32>,
      %get3A_675 = arith.constant 0 : index
      %get3A_676 = arith.constant 0 : index
      %get3A_677 = vector.load %arg7[%get3A_675, %get3A_676] : memref<64x128xf32, #tpu.memory_space<vmem>>, vector<64x128xf32>
      %reduce_sum3A = arith.constant dense<0.000000e+00> : vector<128xf32>
      %reduce_sum3A_678 = vector.multi_reduction <add>, %get3A_677, %reduce_sum3A [0] : vector<64x128xf32> to vector<128xf32>
      %broadcast_in_dim3A_679 = vector.shape_cast %reduce_sum3A_678 : vector<128xf32> to vector<1x128xf32>
      %slice3A_680 = vector.extract_strided_slice %broadcast_in_dim3A_679 {offsets = [0, 0], sizes = [1, 64], strides = [1, 1]} : vector<1x128xf32> to vector<1x64xf32>
      %slice3A_681 = vector.extract_strided_slice %broadcast_in_dim3A_679 {offsets = [0, 64], sizes = [1, 64], strides = [1, 1]} : vector<1x128xf32> to vector<1x64xf32>
      %add3A_682 = arith.addf %slice3A_680, %slice3A_681 : vector<1x64xf32>
      %swap3A_683 = arith.constant 0 : index
      %swap3A_684 = arith.constant 0 : index
      %swap3A_685 = vector.load %arg5[%swap3A_683, %swap3A_684] : memref<1x64xf32, #tpu.memory_space<vmem>>, vector<1x64xf32>
      tpu.vector_store %arg5[%swap3A_683, %swap3A_684], %add3A_682 {strides = array<i32>} : memref<1x64xf32, #tpu.memory_space<vmem>>, vector<1x64xf32>,
    } else {
    }
    return
  }
  func.func @transform_0(%arg0: i32) -> (i32, i32) {
    %c0_i32 = arith.constant 0 : i32
    %c0_i32_0 = arith.constant 0 : i32
    return %arg0, %c0_i32 : i32, i32
  }
  func.func @transform_1(%arg0: i32) -> (i32, i32) {
    %add3A = arith.constant 24 : i32
    %add3A_0 = arith.addi %add3A, %arg0 : i32
    %c0_i32 = arith.constant 0 : i32
    %c0_i32_1 = arith.constant 0 : i32
    return %add3A_0, %c0_i32 : i32, i32
  }
  func.func @transform_2(%arg0: i32) -> (i32, i32) {
    %add3A = arith.constant 24 : i32
    %add3A_0 = arith.addi %add3A, %arg0 : i32
    %c0_i32 = arith.constant 0 : i32
    %c0_i32_1 = arith.constant 0 : i32
    return %c0_i32, %add3A_0 : i32, i32
  }
  func.func @transform_3(%arg0: i32) -> (i32, i32) {
    %c0_i32 = arith.constant 0 : i32
    %c0_i32_0 = arith.constant 0 : i32
    %c0_i32_1 = arith.constant 0 : i32
    return %c0_i32, %c0_i32_0 : i32, i32
  }
  func.func @transform_4(%arg0: i32) -> (i32, i32) {
    %c0_i32 = arith.constant 0 : i32
    %c0_i32_0 = arith.constant 0 : i32
    %c0_i32_1 = arith.constant 0 : i32
    return %c0_i32, %c0_i32_0 : i32, i32
  }
}

module attributes {stable_mosaic.version = 14 : i64} {
  func.func @_combine_body(%arg0: memref<32x128xf32, #tpu.memory_space<vmem>>, %arg1: memref<1x64xf32, #tpu.memory_space<vmem>>, %arg2: memref<64x128xi32, #tpu.memory_space<vmem>>, %arg3: memref<1x1xf32, #tpu.memory_space<vmem>>) attributes {dimension_semantics = [], scalar_prefetch = 0 : i64, scratch_operands = 0 : i64, tpu.core_type = #tpu.core_type<tc>} {
    %get3A = arith.constant 0 : index
    %get3A_0 = arith.constant 0 : index
    %get3A_1 = vector.load %arg0[%get3A, %get3A_0] : memref<32x128xf32, #tpu.memory_space<vmem>>, vector<32x128xf32>
    %reduce_sum3A = arith.constant dense<0.000000e+00> : vector<128xf32>
    %reduce_sum3A_2 = vector.multi_reduction <add>, %get3A_1, %reduce_sum3A [0] : vector<32x128xf32> to vector<128xf32>
    %broadcast_in_dim3A = vector.shape_cast %reduce_sum3A_2 : vector<128xf32> to vector<1x128xf32>
    %slice3A = vector.extract_strided_slice %broadcast_in_dim3A {offsets = [0, 0], sizes = [1, 64], strides = [1, 1]} : vector<1x128xf32> to vector<1x64xf32>
    %get3A_3 = arith.constant 0 : index
    %get3A_4 = arith.constant 0 : index
    %get3A_5 = vector.load %arg1[%get3A_3, %get3A_4] : memref<1x64xf32, #tpu.memory_space<vmem>>, vector<1x64xf32>
    %add3A = arith.addf %slice3A, %get3A_5 : vector<1x64xf32>
    %get3A_6 = arith.constant 0 : index
    %get3A_7 = arith.constant 0 : index
    %get3A_8 = vector.load %arg2[%get3A_6, %get3A_7] : memref<64x128xi32, #tpu.memory_space<vmem>>, vector<64x128xi32>
    %reduce_sum3A_9 = arith.constant dense<0> : vector<64xi32>
    %reduce_sum3A_10 = vector.multi_reduction <add>, %get3A_8, %reduce_sum3A_9 [1] : vector<64x128xi32> to vector<64xi32>
    %broadcast_in_dim3A_11 = vector.shape_cast %reduce_sum3A_10 : vector<64xi32> to vector<64x1xi32>
    %gt3A = arith.constant 0 : i32
    %gt3A_12 = vector.broadcast %gt3A : i32 to vector<64x1xi32>
    %gt3A_13 = arith.cmpi sgt, %broadcast_in_dim3A_11, %gt3A_12 : vector<64x1xi32>
    %max3A = arith.constant 1 : i32
    %max3A_14 = vector.broadcast %max3A : i32 to vector<64x1xi32>
    %max3A_15 = arith.maxsi %broadcast_in_dim3A_11, %max3A_14 : vector<64x1xi32>
    %convert_element_type3A = arith.sitofp %max3A_15 : vector<64x1xi32> to vector<64x1xf32>
    %div3A = arith.constant 1.000000e+00 : f32
    %div3A_16 = vector.broadcast %div3A : f32 to vector<64x1xf32>
    %div3A_17 = arith.divf %div3A_16, %convert_element_type3A : vector<64x1xf32>
    %jit3A = arith.constant 0.000000e+00 : f32
    %broadcast_in_dim3A_18 = vector.broadcast %jit3A : f32 to vector<64x1xf32>
    %select_n3A = arith.select %gt3A_13, %div3A_17, %broadcast_in_dim3A_18 : vector<64x1xi1>, vector<64x1xf32>
    %dot_general3A = arith.constant dense<0.000000e+00> : vector<1x1xf32>
    %dot_general3A_19 = tpu.matmul %add3A, %select_n3A, %dot_general3A {dimension_numbers = #tpu.dot_dimension_numbers<[1], [0], [0], [1], [0, 0, 1, 1], [], []>, precision = #tpu.contract_precision<fp32>, transpose_lhs_hint = false} : vector<1x64xf32>, vector<64x1xf32>, vector<1x1xf32> -> vector<1x1xf32>
    %convert_element_type3A_20 = arith.extui %gt3A_13 : vector<64x1xi1> to vector<64x1xi32>
    %convert_element_type3A_21 = arith.sitofp %convert_element_type3A_20 : vector<64x1xi32> to vector<64x1xf32>
    %reduce_sum3A_22 = vector.shape_cast %convert_element_type3A_21 : vector<64x1xf32> to vector<1x64x1xf32>
    %reduce_sum3A_23 = arith.constant dense<0.000000e+00> : vector<1xf32>
    %reduce_sum3A_24 = vector.multi_reduction <add>, %reduce_sum3A_22, %reduce_sum3A_23 [1, 2] : vector<1x64x1xf32> to vector<1xf32>
    %reduce_sum3A_25 = vector.shape_cast %reduce_sum3A_24 : vector<1xf32> to vector<1x1x1xf32>
    %reduce_sum3A_26 = vector.extract %reduce_sum3A_25[0, 0, 0] : f32 from vector<1x1x1xf32>
    %max3A_27 = arith.constant 1.000000e+00 : f32
    %max3A_28 = arith.maximumf %reduce_sum3A_26, %max3A_27 : f32
    %div3A_29 = vector.broadcast %max3A_28 : f32 to vector<1x1xf32>
    %div3A_30 = arith.divf %dot_general3A_19, %div3A_29 : vector<1x1xf32>
    %swap3A = arith.constant 0 : index
    %swap3A_31 = arith.constant 0 : index
    %swap3A_32 = vector.load %arg3[%swap3A, %swap3A_31] : memref<1x1xf32, #tpu.memory_space<vmem>>, vector<1x1xf32>
    tpu.vector_store %arg3[%swap3A, %swap3A_31], %div3A_30 {strides = array<i32>} : memref<1x1xf32, #tpu.memory_space<vmem>>, vector<1x1xf32>,
    return
  }
}

</mosaic_0001>

<sc_bundles>
// kernel: kernel.5.cloned.1.call-start
scs
__scs_entry_jumppad:
0x0: {  	(pc) =	sbr.rel $0x88, $3  }
0x1: {  	(tag) =	ssettag $0x0;
	lr =	simm.s32 $0x1  }
0x2: {  	[smem:$0x3F9F] =	sst lr;
	_ =	strace $0xD0000000  }
0x3: {  	_ = 	snop  }
0x4: {  	_ = 	snop  }
0x5: {  	_ = 	snop  }
0x6: {  	_ = 	snop  }
0x7: {  	_ = 	snop  }
__scs_overlays_trampoline_lowered:
0x8: {  	[smem:$0x3FAE] =	sst s0  }
0x9: {  	[smem:$0x3FAF] =	sst s1  }
0xa: {  	[smem:$0x3FB0] =	sst s2  }
0xb: {  	[smem:$0x3FB1] =	sst s3  }
0xc: {  	[smem:$0x3FB2] =	sst s4  }
0xd: {  	[smem:$0x3FB3] =	sst s5  }
0xe: {  	[smem:$0x3FB4] =	sst s6  }
0xf: {  	[smem:$0x3FB5] =	sst s7  }
0x10: {  	[smem:$0x3FB6] =	sst s8  }
0x11: {  	[smem:$0x3FB7] =	sst s9;
	s0 =	simm.s32 @!p0 $0x0  }
0x12: {  	s1 =	sld [smem:$0x3F9D];
	s0 =	simm.s32 @p0 $0x1  }
0x13: {  	[smem:$0x3FB8] =	sst s0;
	s0 =	simm.s32 @!p1 $0x0  }
0x14: {  	s2 =	sld [smem:$0x3F9C];
	s0 =	simm.s32 @p1 $0x1  }
0x15: {  	[smem:$0x3FB9] =	sst s0;
	s0 =	simm.s32 @!p2 $0x0  }
0x16: {  	s3 =	sld [smem:$0x3FDB];
	s0 =	simm.s32 @p2 $0x1  }
0x17: {  	s4 =	simm.s32 $0x1BF5;
	[smem:$0x3FBB] =	sst s0  }
0x18: {  	s0 =	sld [smem:$0x3F9E];
	_ =	swait.ge [sflag:s4], $0x0  }
0x19: {  	s7 =	sld [smem:$0x3F9F]  }
0x1a: {  	s8 =	sadd.s32 $0xFFFFE003, lr  }
0x1b: {  	s9 =	sadd.s32 $0xFFFFFEF7, lr;
	s5 =	simm.s32 $0xFFFFFFFF;
	p2 =	slt.u32 s8, $0xFFFFF086  }
0x1c: {  	p1 =	slt.u32 s9, $0xF7A;
	s5 =	simm.s32 @!p2 $0x0  }
0x1d: {  	s5 =	simm.s32 @p1 $0x1;
	p0 =	seq.s32 s7, s2  }
0x1e: {  	s7 =	smul.u32 @!p0 $0xF7A, s2;
	p2 =	seq.s32 @!p0 s5, $0x0  }
0x1f: {  	s9 =	smul.u32 $0xF7A, s1;
	s8 =	simm.s32 @!p0 $0x1BF5;
	p2 =	por !p2, p0  }
0x20: {  	[sflag:s8] =	ssyncset.s32 @!p0 $0xFFFFF086;
	s6 =	sadd.s32 @!p0 s3, s7;
	s7 =	simm.s32 @!p0 $0x108  }
0x21: {  	s3 =	sadd.s32 s3, s9;
	s6 =	sadd.s32 @!p0 $0x88, s6;
	s7 =	simm.s32 @p2 $0x1082  }
0x22: {  	[simem:s7], [sflag:s8] =	dma.local @!p0 [hbm:s6], $0xF7A  }
0x23: {  	s9 =	sor.u32 $0xD0000000, s2;
	s6 =	simm.s32 $0x108;
	_ =	swait.ge @!p0 [sflag:s8], $0x0  }
0x24: {  	s3 =	sadd.s32 $0x88, s3;
	s6 =	simm.s32 @!p1 $0x1082;
	[sflag:s4] =	ssyncset.s32 $0xFFFFF086  }
0x25: {  	[simem:s6], [sflag:s4] =	dma.local [hbm:s3], $0xF7A  }
0x26: {  	[smem:$0x3F9F] =	sst s1;
	(tag) =	ssettag s2;
	_ =	strace s9  }
0x27: {  	s1 =	sld [smem:$0x3FAF]  }
0x28: {  	s2 =	sld [smem:$0x3FB0]  }
0x29: {  	s4 =	sld [smem:$0x3FB2]  }
0x2a: {  	p0 =	seq.s32 s5, $0x0;
	s5 =	sld [smem:$0x3FB3]  }
0x2b: {  	s6 =	sld [smem:$0x3FB4]  }
0x2c: {  	s7 =	sld [smem:$0x3FB5]  }
0x2d: {  	s3 =	simm.s32 $0x108;
	s8 =	sld [smem:$0x3FB6]  }
0x2e: {  	s3 =	simm.s32 @!p0 $0x1082;
	s9 =	sld [smem:$0x3FB7]  }
0x2f: {  	lr =	sadd.s32 s0, s3;
	s0 =	sld [smem:$0x3FAE]  }
0x30: {  	s3 =	sld [smem:$0x3FB1]  }
0x31: {  	[smem:$0x3FBA] =	sst s10  }
0x32: {  	s10 =	sld [smem:$0x3FB8];
	_ =	sdelay $0x3  }
0x33: {  	p0 =	seq.s32 s10, $0x1;
	s10 =	sld [smem:$0x3FBA];
	_ =	sdelay $0x3  }
0x34: {  	[smem:$0x3FBA] =	sst s10  }
0x35: {  	s10 =	sld [smem:$0x3FB9];
	_ =	sdelay $0x3  }
0x36: {  	p1 =	seq.s32 s10, $0x1;
	s10 =	sld [smem:$0x3FBA];
	_ =	sdelay $0x3  }
0x37: {  	[smem:$0x3FBA] =	sst s10  }
0x38: {  	s10 =	sld [smem:$0x3FBB]  }
0x39: {  	_ = 	snop;
	(pc) =	sbr.ind lr, $3  }
0x3a: {  	_ = 	snop  }
0x3b: {  	_ = 	snop  }
0x3c: {  	p2 =	seq.s32 s10, $0x1;
	s10 =	sld [smem:$0x3FBA]  }
0x3d: {  	_ =	shalt  }
0x3e: {  	_ =	shalt  }
0x3f: {  	_ =	shalt  }
0x40: {  	_ =	shalt  }
0x41: {  	_ =	shalt  }
0x42: {  	_ =	shalt  }
0x43: {  	_ =	shalt  }
0x44: {  	_ =	shalt  }
0x45: {  	_ =	shalt  }
0x46: {  	_ =	shalt  }
0x47: {  	_ =	shalt  }
0x48: {  	_ =	shalt  }
0x49: {  	_ =	shalt  }
0x4a: {  	_ =	shalt  }
0x4b: {  	_ =	shalt  }
0x4c: {  	_ =	shalt  }
0x4d: {  	_ =	shalt  }
0x4e: {  	_ =	shalt  }
0x4f: {  	_ =	shalt  }
0x50: {  	_ =	shalt  }
0x51: {  	_ =	shalt  }
0x52: {  	_ =	shalt  }
0x53: {  	_ =	shalt  }
0x54: {  	_ =	shalt  }
0x55: {  	_ =	shalt  }
0x56: {  	_ =	shalt  }
0x57: {  	_ =	shalt  }
0x58: {  	_ =	shalt  }
0x59: {  	_ =	shalt  }
0x5a: {  	_ =	shalt  }
0x5b: {  	_ =	shalt  }
0x5c: {  	_ =	shalt  }
0x5d: {  	_ =	shalt  }
0x5e: {  	_ =	shalt  }
0x5f: {  	_ =	shalt  }
0x60: {  	_ =	shalt  }
0x61: {  	_ =	shalt  }
0x62: {  	_ =	shalt  }
0x63: {  	_ =	shalt  }
0x64: {  	_ =	shalt  }
0x65: {  	_ =	shalt  }
0x66: {  	_ =	shalt  }
0x67: {  	_ =	shalt  }
0x68: {  	_ =	shalt  }
0x69: {  	_ =	shalt  }
0x6a: {  	_ =	shalt  }
0x6b: {  	_ =	shalt  }
0x6c: {  	_ =	shalt  }
0x6d: {  	_ =	shalt  }
0x6e: {  	_ =	shalt  }
0x6f: {  	_ =	shalt  }
0x70: {  	_ =	shalt  }
0x71: {  	_ =	shalt  }
0x72: {  	_ =	shalt  }
0x73: {  	_ =	shalt  }
0x74: {  	_ =	shalt  }
0x75: {  	_ =	shalt  }
0x76: {  	_ =	shalt  }
0x77: {  	_ =	shalt  }
0x78: {  	_ =	shalt  }
0x79: {  	_ =	shalt  }
0x7a: {  	_ =	shalt  }
0x7b: {  	_ =	shalt  }
0x7c: {  	_ =	shalt  }
0x7d: {  	_ =	shalt  }
0x7e: {  	_ =	shalt  }
0x7f: {  	_ =	shalt  }
0x80: {  	_ =	shalt  }
0x81: {  	_ =	shalt  }
0x82: {  	_ =	shalt  }
0x83: {  	_ =	shalt  }
0x84: {  	_ =	shalt  }
0x85: {  	_ =	shalt  }
0x86: {  	_ =	shalt  }
0x87: {  	_ =	shalt  }
.Lfunc_end0:
.L_simem_size_0:
called_computation_lowered:
.L_overlay_start_0:
0x88: {  	s2 =	sld [smem:$0x3FD9]  }
0x89: {  	s3 =	sld [smem:$0x3FFE];
	_ =	sdelay $0x1  }
0x8a: {  	s1 =	srdreg.scid  }
0x8b: {  	s0 =	sand.u32 $0x1, s1  }
0x8c: {  	s17 =	sshll.u32 s0, $0xA;
	s2 =	sadd.s32 s3, s2  }
0x8d: {  	s2 =	sadd.s32 s2, s17  }
0x8e: {  	[smem:$0x3FC6] =	sst s2  }
0x8f: {  	_ = 	snop  }
0x90: {  	s2 =	sld [smem:$0x3FC9]  }
0x91: {  	s18 =	sld [smem:$0x3FC8];
	(tm) =	ssettm $0x1  }
0x92: {  	s4 =	sld [smem:$0x3FFB];
	_ =	sdelay $0x3  }
0x93: {  	_ =	strace s4  }
0x94: {  	s4 =	sld [smem:$0x3FFC];
	_ =	sdelay $0x3  }
0x95: {  	_ =	strace s4  }
0x96: {  	s4 =	sld [smem:$0x3FFD];
	_ =	sdelay $0x3  }
0x97: {  	_ =	strace s4  }
0x98: {  	_ =	strace $0x8FFFFFFF  }
0x99: {  	s19 =	sld [smem:$0x3FDB];
	_ =	sdelay $0x1  }
0x9a: {  	s5 =	simm.s32 $_scs_section_size  }
0x9b: {  	s6 =	simm.s32 $_size__tile_overlayer_lowered;
	s7 =	simm.s32 $_tile_overlayer_lowered  }
0x9c: {  	s22 =	simm.s32 $0x1BFF;
	s21 =	sshll.u32 s7, $0x1;
	s4 =	sadd.s32 s5, s19  }
0x9d: {  	s8 =	simm.s32 $0x0;
	s20 =	sshll.u32 s6, $0x1;
	s6 =	sadd.s32 s21, s4  }
0x9e: {  	[timem:s8], [sflag:s22] =	dma.local [hbm:s6], s20  }
0x9f: {  	_ =	swait.ge [sflag:s22], s20  }
0xa0: {  	s5 =	ssub.s32 $0x0, s20;
	[sflag:s22] =	ssyncset.done $0x0  }
0xa1: {  	[sflag:s22] =	ssyncadd.s32 s5;
	_ =	sdelay $0x1  }
0xa2: {  	s23 =	simm.s32 $0x1B8B  }
0xa3: {  	_ =	swait.ge [sflag:s23], $0x1  }
0xa4: {  	[sflag:s23] =	ssyncset.done $0x0  }
0xa5: {  	s25 =	simm.s32 $0x1B8E;
	s24 =	sld [smem:$0x3FFE];
	[sflag:s23] =	ssyncadd.s32 $0xFFFFFFFF  }
0xa6: {  	s26 =	simm.s32 $execute0_lowered;
	[smem:$0x3FD2] =	sst s25  }
0xa7: {  	s6 =	sshll.u32 s26, $0x1;
	_ =	strace $0x80000046;
	[dreg:$0x1] =	wrdreg $0xFFFFFFFF  }
0xa8: {  	s28 =	simm.s32 $_size_execute0_lowered;
	s4 =	sadd.s32 s4, s6;
	[dreg:$0x0] =	wrdreg $0x0  }
0xa9: {  	s6 =	sshll.u32 s28, $0x1;
	[dreg:$0x2] =	wrdreg s4  }
0xaa: {  	[dreg:$0x3] =	wrdreg s6  }
0xab: {  	[dreg:$0x4] =	wrdreg $0xC0  }
0xac: {  	_ =	task [dreg:s8], $0x5FFFF  }
0xad: {  	[dreg:$0x1] =	wrdreg $0xFFFFFFFF  }
0xae: {  	[dreg:$0x0] =	wrdreg $0x60  }
0xaf: {  	[dreg:$0x2] =	wrdreg s2  }
0xb0: {  	[dreg:$0x3] =	wrdreg s18  }
0xb1: {  	[dreg:$0x4] =	wrdreg s24  }
0xb2: {  	[dreg:$0x5] =	wrdreg $0x9  }
0xb3: {  	_ =	task.clear_ibuf [dreg:s8], $0x6FFFF;
	_ =	strace $0x90000046  }
0xb4: {  	s29 =	simm.s32 $0x9;
	_ =	strace $0x80000048  }
0xb5: {  	_ =	swait.ge [sflag:s29], $0x1  }
0xb6: {  	[sflag:s29] =	ssyncadd.s32 $0xFFFFFFFF  }
0xb7: {  	_ =	strace $0x90000048  }
0xb8: {  	_ =	sfence  }
0xb9: {  	s30 =	sld [smem:$0x0];
	_ =	sdelay $0x2  }
0xba: {  	s31 =	sshll.u32 s1, $0xD;
	s1 =	sshrl.u32 s1, $0x2  }
0xbb: {  	s3 =	sand.u32 $0x4000, s31;
	s1 =	sadd.s32 s1, s30  }
0xbc: {  	s0 =	sor.u32 s3, s0;
	s1 =	sshll.u32 s1, $0x11  }
0xbd: {  	s0 =	sor.u32 s1, s0  }
0xbe: {  	s0 =	sadd.s32 $0x8F2B, s0  }
0xbf: {  	[sflag:s0] =	ssyncadd.remote.s32 $0x1  }
0xc0: {  	_ =	sfence.sel $0xFFFF  }
0xc1: {  	[dreg:$0x0] =	wrdreg $0xFFFFFFFF;
	(pc) =	sbr.abs _section_cstart, $3  }
0xc2: {  	[dreg:$0x1] =	wrdreg $0xFFFFFFFF  }
0xc3: {  	_ =	task.clear_ibuf [dreg:s8], $0x2FFFF;
	_ =	strace $0x9FFFFFFF  }
0xc4: {  	(tm) =	ssettm $0x7FFFFFFF  }
0xc5: {  	_ =	shalt  }
tec
execute0_lowered:
.L_overlay_start_1:
0x0: {  	(tag) =	ssettag $0x1  }
0x1: {  	s1 =	rddreg [dreg:$0x0]  }
0x2: {  	s0 =	rddreg [dreg:$0x1];
	s2 =	srdreg.scid  }
0x3: {  	s11 =	stileid.u32;
	s5 =	rddreg [dreg:$0x2]  }
0x4: {  	s3 =	simm.s32 $0x0;
	s17 =	simm.s32 $0x800;
	s18 =	simm.s32 $0x5  }
0x5: {  	s31 =	simm.s32 $0x1;
	s19 =	simm.s32 $0x4;
	s8 =	smul.u32 $0x3000, s11  }
0x6: {  	s2 =	sand.u32 $0x1, s2;
	s4 =	sshll.u32 s11, $0x1;
	s23 =	smul.u32 $0x18000, s11  }
0x7: {  	[smem:$0x7FF] =	sst s3;
	s6 =	sor.u32 s2, s4;
	s10 =	smul.u32 $0x1800, s2  }
0x8: {  	_ =	strace $0x80000047;
	s7 =	ssub.s32 $0x2, s2;
	s2 =	smul.u32 $0xC000, s2  }
0x9: {  	s4 =	smul.u32 $0x1800, s6;
	s6 =	sshll.u32 s6, $0x4;
	s9 =	sshrl.u32 s7, $0x1  }
0xa: {  	s6 =	sadd.s32 s6, s5;
	s9 =	ssub.s32 s7, s9;
	s22 =	sadd.s32 s10, s8  }
0xb: {  	s10 =	sadd.s32 s2, s23;
	s2 =	simm.s32 $0x2;
	s21 =	sshrl.u32 s4, $0x3  }
0xc: {  	s6 =	sadd.s32 $0xA00, s6;
	s8 =	smax.u32 s9, $0x1;
	s5 =	sadd.s32 s0, s21  }
0xd: {  	s0 =	sshll.u32 s22, $0x3;
	[dreg:$0x5] =	wrdreg s6;
	s21 =	simm.s32 $0x7  }
0xe: {  	s22 =	simm.s32 $0x0;
	s24 =	sadd.s32 $0x100, s5;
	s9 =	sor.u32 $0x1400, s0  }
0xf: {  	s25 =	sadd.s32 $0x4700, s0;
	s26 =	sadd.s32 $0x4600, s0;
	s28 =	sadd.s32 $0x4500, s0  }
0x10: {  	s29 =	sadd.s32 $0x8700, s0;
	s30 =	sadd.s32 $0x8600, s0;
	s0 =	sadd.s32 $0x8500, s0  }
0x11: {  	[dreg:$0x4] =	wrdreg s24;
	s11 =	sand.u32 $0x7FC400, s25;
	s12 =	sand.u32 $0x7FC400, s26  }
0x12: {  	s13 =	sand.u32 $0x7FC400, s28;
	s14 =	sand.u32 $0x7FC400, s29;
	s15 =	sand.u32 $0x7FC400, s30  }
0x13: {  	v0 =	vlaneseq.u32;
	v1 =	vimm.f32 $0.0e+00;
	s16 =	sand.u32 $0x7FC400, s0;
	s25 =	simm.s32 $0x6;
	s0 =	simm.s32 $0x3  }
.LBB2_1:
0x14: {  	[tilespmem:s3], [sflag:$0x5] =	stream.linear.gather [hbm4b:s5+s3], $0x800, $0x38;
	[tilespmem:$0x4880] =	vst v63  }
0x15: {  	s6 =	rddreg [dreg:$0x4]  }
0x16: {  	[tilespmem:s17], [sflag:$0x6] =	stream.linear.gather [hbm4b:s6+s3], $0x1000, $0x38;
	[tilespmem:$0x4880] =	vst v63  }
0x17: {  	_ =	swait.ge [sflag:s18], $0x800  }
0x18: {  	[sflag:s18] =	ssyncset.done $0x0  }
0x19: {  	p0 =	por $0x1, $0x1;
	s23 =	simm.s32 $0x0;
	[sflag:s18] =	ssyncadd.s32 $0xFFFFF800  }
.LBB2_2:
0x1a: {  	v2 =	vld [tilespmem:s23+$0x0];
	s6 =	sor.u32 $0x10, s23  }
0x1b: {  	v3 =	vld [tilespmem:s6+$0x0];
	_ =	sdelay $0x3  }
0x1c: {  	s24 =	sor.u32 s4, s23;
	v4 =	vshrl.u32 v2, $0x3  }
0x1d: {  	s20 =	sshll.u32 s24, $0x3;
	v2 =	vshll.u32 v2, $0x7;
	v4 =	vmul.u32 $0x1FFC00, v4;
	v5 =	vshrl.u32 v3, $0x3  }
0x1e: {  	s6 =	sor.u32 $0x10, s20;
	v2 =	vadd.s32 s20, v2;
	v3 =	vshll.u32 v3, $0x7;
	v5 =	vmul.u32 $0x1FFC00, v5  }
0x1f: {  	v3 =	vadd.s32 s6, v3;
	v2 =	vadd.s32 v4, v2  }
0x20: {  	v2 =	vadd.s32 v0, v2;
	v3 =	vadd.s32 v5, v3  }
0x21: {  	v3 =	vadd.s32 v0, v3;
	[tilespmem:s23+$0x1800] =	vst v2  }
0x22: {  	s26 =	sor.u32 $0x20, s23;
	[tilespmem:s23+$0x1810] =	vst v3  }
0x23: {  	s28 =	sor.u32 $0x30, s23;
	v2 =	vld [tilespmem:s26+$0x0]  }
0x24: {  	v3 =	vld [tilespmem:s28+$0x0];
	_ =	sdelay $0x3  }
0x25: {  	v50 =	vshrl.u32 v2, $0x3  }
0x26: {  	s29 =	sor.u32 $0x20, s20;
	v2 =	vshll.u32 v2, $0x7;
	v51 =	vshrl.u32 v3, $0x3;
	v4 =	vmul.u32 $0x1FFC00, v50  }
0x27: {  	s24 =	sor.u32 $0x30, s20;
	v3 =	vshll.u32 v3, $0x7;
	v2 =	vadd.s32 s29, v2;
	v5 =	vmul.u32 $0x1FFC00, v51  }
0x28: {  	v3 =	vadd.s32 s24, v3;
	v2 =	vadd.s32 v4, v2  }
0x29: {  	v3 =	vadd.s32 v5, v3;
	v2 =	vadd.s32 v0, v2  }
0x2a: {  	v3 =	vadd.s32 v0, v3;
	[tilespmem:s23+$0x1820] =	vst v2  }
0x2b: {  	s30 =	sor.u32 $0x40, s23;
	[tilespmem:s23+$0x1830] =	vst v3  }
0x2c: {  	s7 =	sor.u32 $0x50, s23;
	v2 =	vld [tilespmem:s30+$0x0]  }
0x2d: {  	v3 =	vld [tilespmem:s7+$0x0];
	_ =	sdelay $0x3  }
0x2e: {  	v52 =	vshrl.u32 v2, $0x3  }
0x2f: {  	s24 =	sor.u32 $0x40, s20;
	v2 =	vshll.u32 v2, $0x7;
	v53 =	vshrl.u32 v3, $0x3;
	v4 =	vmul.u32 $0x1FFC00, v52  }
0x30: {  	s26 =	sor.u32 $0x50, s20;
	v3 =	vshll.u32 v3, $0x7;
	v2 =	vadd.s32 s24, v2;
	v5 =	vmul.u32 $0x1FFC00, v53  }
0x31: {  	v3 =	vadd.s32 s26, v3;
	v2 =	vadd.s32 v4, v2  }
0x32: {  	v3 =	vadd.s32 v5, v3;
	v2 =	vadd.s32 v0, v2  }
0x33: {  	v3 =	vadd.s32 v0, v3;
	[tilespmem:s23+$0x1840] =	vst v2  }
0x34: {  	s28 =	sor.u32 $0x60, s23;
	[tilespmem:s23+$0x1850] =	vst v3  }
0x35: {  	s29 =	sor.u32 $0x70, s23;
	v2 =	vld [tilespmem:s28+$0x0]  }
0x36: {  	v3 =	vld [tilespmem:s29+$0x0];
	_ =	sdelay $0x3  }
0x37: {  	v54 =	vshrl.u32 v2, $0x3  }
0x38: {  	s30 =	sor.u32 $0x60, s20;
	v2 =	vshll.u32 v2, $0x7;
	v55 =	vshrl.u32 v3, $0x3;
	v4 =	vmul.u32 $0x1FFC00, v54  }
0x39: {  	s20 =	sor.u32 $0x70, s20;
	v3 =	vshll.u32 v3, $0x7;
	v2 =	vadd.s32 s30, v2;
	v5 =	vmul.u32 $0x1FFC00, v55  }
0x3a: {  	v3 =	vadd.s32 s20, v3;
	v2 =	vadd.s32 v4, v2  }
0x3b: {  	v3 =	vadd.s32 v5, v3;
	v2 =	vadd.s32 v0, v2  }
0x3c: {  	v3 =	vadd.s32 v0, v3;
	[tilespmem:s23+$0x1860] =	vst v2  }
0x3d: {  	s7 =	sor.u32 $0x80, s23;
	[tilespmem:s23+$0x1870] =	vst v3  }
0x3e: {  	s24 =	sor.u32 $0x90, s23;
	v2 =	vld [tilespmem:s7+$0x0]  }
0x3f: {  	v3 =	vld [tilespmem:s24+$0x0];
	_ =	sdelay $0x3  }
0x40: {  	s6 =	sor.u32 s4, s7;
	v56 =	vshrl.u32 v2, $0x3  }
0x41: {  	s6 =	sshll.u32 s6, $0x3;
	v2 =	vshll.u32 v2, $0x7;
	v57 =	vshrl.u32 v3, $0x3;
	v4 =	vmul.u32 $0x1FFC00, v56  }
0x42: {  	s26 =	sor.u32 $0x10, s6;
	v3 =	vshll.u32 v3, $0x7;
	v2 =	vadd.s32 s6, v2;
	v5 =	vmul.u32 $0x1FFC00, v57  }
0x43: {  	v3 =	vadd.s32 s26, v3;
	v2 =	vadd.s32 v4, v2  }
0x44: {  	v3 =	vadd.s32 v5, v3;
	v2 =	vadd.s32 v0, v2  }
0x45: {  	v3 =	vadd.s32 v0, v3;
	[tilespmem:s23+$0x1880] =	vst v2  }
0x46: {  	s28 =	sor.u32 $0xA0, s23;
	[tilespmem:s23+$0x1890] =	vst v3  }
0x47: {  	s29 =	sor.u32 $0xB0, s23;
	v2 =	vld [tilespmem:s28+$0x0]  }
0x48: {  	v3 =	vld [tilespmem:s29+$0x0];
	_ =	sdelay $0x1  }
0x49: {  	s6 =	sor.u32 s4, s28  }
0x4a: {  	s6 =	sshll.u32 s6, $0x3  }
0x4b: {  	s6 =	sand.u32 $0x7FFFCC00, s6;
	v58 =	vshrl.u32 v2, $0x3  }
0x4c: {  	s30 =	sor.u32 $0x20, s6;
	v2 =	vshll.u32 v2, $0x7;
	v59 =	vshrl.u32 v3, $0x3;
	v4 =	vmul.u32 $0x1FFC00, v58  }
0x4d: {  	s6 =	sor.u32 $0x30, s6;
	v3 =	vshll.u32 v3, $0x7;
	v2 =	vadd.s32 s30, v2;
	v5 =	vmul.u32 $0x1FFC00, v59  }
0x4e: {  	v3 =	vadd.s32 s6, v3;
	v2 =	vadd.s32 v2, v4  }
0x4f: {  	v3 =	vadd.s32 v3, v5;
	v2 =	vor.u32 v0, v2  }
0x50: {  	v3 =	vor.u32 v0, v3;
	[tilespmem:s23+$0x18A0] =	vst v2  }
0x51: {  	s7 =	sor.u32 $0xC0, s23;
	[tilespmem:s23+$0x18B0] =	vst v3  }
0x52: {  	s24 =	sor.u32 $0xD0, s23;
	v2 =	vld [tilespmem:s7+$0x0]  }
0x53: {  	v3 =	vld [tilespmem:s24+$0x0];
	_ =	sdelay $0x1  }
0x54: {  	s6 =	sor.u32 s4, s7  }
0x55: {  	s6 =	sshll.u32 s6, $0x3  }
0x56: {  	s6 =	sand.u32 $0x7FFFCC00, s6;
	v60 =	vshrl.u32 v2, $0x3  }
0x57: {  	s26 =	sor.u32 $0x40, s6;
	v2 =	vshll.u32 v2, $0x7;
	v61 =	vshrl.u32 v3, $0x3;
	v4 =	vmul.u32 $0x1FFC00, v60  }
0x58: {  	s6 =	sor.u32 $0x50, s6;
	v3 =	vshll.u32 v3, $0x7;
	v2 =	vadd.s32 s26, v2;
	v5 =	vmul.u32 $0x1FFC00, v61  }
0x59: {  	v3 =	vadd.s32 s6, v3;
	v2 =	vadd.s32 v2, v4  }
0x5a: {  	v3 =	vadd.s32 v3, v5;
	v2 =	vor.u32 v0, v2  }
0x5b: {  	v3 =	vor.u32 v0, v3;
	[tilespmem:s23+$0x18C0] =	vst v2  }
0x5c: {  	s28 =	sor.u32 $0xE0, s23;
	[tilespmem:s23+$0x18D0] =	vst v3  }
0x5d: {  	s29 =	sor.u32 $0xF0, s23;
	v2 =	vld [tilespmem:s28+$0x0]  }
0x5e: {  	v3 =	vld [tilespmem:s29+$0x0];
	_ =	sdelay $0x1  }
0x5f: {  	s6 =	sor.u32 s4, s28  }
0x60: {  	s6 =	sshll.u32 s6, $0x3  }
0x61: {  	s6 =	sand.u32 $0x7FFFCC00, s6;
	v62 =	vshrl.u32 v2, $0x3  }
0x62: {  	p1 =	por p0, p0;
	s30 =	sor.u32 $0x60, s6;
	v2 =	vshll.u32 v2, $0x7;
	v63 =	vshrl.u32 v3, $0x3;
	v4 =	vmul.u32 $0x1FFC00, v62  }
.Ltmp0:
0x63: {  	s6 =	sor.u32 $0x70, s6;
	v3 =	vshll.u32 v3, $0x7;
	v2 =	vadd.s32 s30, v2;
	v5 =	vmul.u32 $0x1FFC00, v63;
	(pc) =	sbr.rel @p1 .LBB2_2-.Ltmp0, $4  }
0x64: {  	v3 =	vadd.s32 s6, v3;
	v2 =	vadd.s32 v2, v4  }
0x65: {  	v3 =	vadd.s32 v3, v5;
	v2 =	vor.u32 v0, v2  }
0x66: {  	v3 =	vor.u32 v0, v3;
	[tilespmem:s23+$0x18E0] =	vst v2  }
0x67: {  	p0 =	por $0x0, $0x0;
	[tilespmem:s23+$0x18F0] =	vst v3;
	s23 =	simm.s32 $0x100  }
0x68: {  	s6 =	simm.s32 $0x200  }
0x69: {  	s7 =	simm.s32 $0x1800;
	s20 =	simm.s32 $0x3000;
	s23 =	simm.s32 $0x2F0  }
0x6a: {  	[tilespmem:s20], [sflag:$0x1] =	stream.indirect.gather [hbm4b:s1+s6], $0x1, s7, s6, $0xb8;
	[tilespmem:$0x4880] =	vst v63  }
0x6b: {  	v2 =	vld [tilespmem:s23+$0xFFFFFF10]  }
0x6c: {  	v3 =	vld [tilespmem:s23+$0xFFFFFF20];
	_ =	sdelay $0x3  }
0x6d: {  	s20 =	sadd.s32 $0x0, s10;
	v4 =	vshrl.u32 v2, $0x3  }
0x6e: {  	s26 =	sadd.s32 $0x1000, s20;
	v5 =	vshrl.u32 v3, $0x3;
	v2 =	vshll.u32 v2, $0x7;
	v4 =	vmul.u32 $0x1FFC00, v4  }
0x6f: {  	s24 =	sadd.s32 $0x1010, s20;
	v3 =	vshll.u32 v3, $0x7;
	v5 =	vmul.u32 $0x1FFC00, v5;
	v2 =	vadd.s32 s26, v2  }
0x70: {  	v3 =	vadd.s32 s24, v3;
	v2 =	vadd.s32 v4, v2  }
0x71: {  	s24 =	simm.s32 $0x1AF0;
	v3 =	vadd.s32 v5, v3;
	v2 =	vadd.s32 v0, v2  }
0x72: {  	v3 =	vadd.s32 v0, v3;
	[tilespmem:s24+$0xFFFFFF10] =	vst v2  }
0x73: {  	[tilespmem:s24+$0xFFFFFF20] =	vst v3  }
0x74: {  	v2 =	vld [tilespmem:s23+$0xFFFFFF30]  }
0x75: {  	v3 =	vld [tilespmem:s23+$0xFFFFFF40];
	_ =	sdelay $0x3  }
0x76: {  	v52 =	vshrl.u32 v2, $0x3  }
0x77: {  	s7 =	sadd.s32 $0x1020, s20;
	v2 =	vshll.u32 v2, $0x7;
	v53 =	vshrl.u32 v3, $0x3;
	v4 =	vmul.u32 $0x1FFC00, v52  }
0x78: {  	s26 =	sadd.s32 $0x1030, s20;
	v3 =	vshll.u32 v3, $0x7;
	v2 =	vadd.s32 s7, v2;
	v5 =	vmul.u32 $0x1FFC00, v53  }
0x79: {  	v3 =	vadd.s32 s26, v3;
	v2 =	vadd.s32 v4, v2  }
0x7a: {  	v3 =	vadd.s32 v5, v3;
	v2 =	vadd.s32 v0, v2  }
0x7b: {  	v3 =	vadd.s32 v0, v3;
	[tilespmem:s24+$0xFFFFFF30] =	vst v2  }
0x7c: {  	[tilespmem:s24+$0xFFFFFF40] =	vst v3  }
0x7d: {  	v2 =	vld [tilespmem:s23+$0xFFFFFF50]  }
0x7e: {  	v3 =	vld [tilespmem:s23+$0xFFFFFF60];
	_ =	sdelay $0x3  }
0x7f: {  	v54 =	vshrl.u32 v2, $0x3  }
0x80: {  	s26 =	sadd.s32 $0x1040, s20;
	v2 =	vshll.u32 v2, $0x7;
	v55 =	vshrl.u32 v3, $0x3;
	v4 =	vmul.u32 $0x1FFC00, v54  }
0x81: {  	s7 =	sadd.s32 $0x1050, s20;
	v3 =	vshll.u32 v3, $0x7;
	v2 =	vadd.s32 s26, v2;
	v5 =	vmul.u32 $0x1FFC00, v55  }
0x82: {  	v3 =	vadd.s32 s7, v3;
	v2 =	vadd.s32 v4, v2  }
0x83: {  	v3 =	vadd.s32 v5, v3;
	v2 =	vadd.s32 v0, v2  }
0x84: {  	v3 =	vadd.s32 v0, v3;
	[tilespmem:s24+$0xFFFFFF50] =	vst v2  }
0x85: {  	[tilespmem:s24+$0xFFFFFF60] =	vst v3  }
0x86: {  	v2 =	vld [tilespmem:s23+$0xFFFFFF70]  }
0x87: {  	v3 =	vld [tilespmem:s23+$0xFFFFFF80];
	_ =	sdelay $0x3  }
0x88: {  	v56 =	vshrl.u32 v2, $0x3  }
0x89: {  	s26 =	sadd.s32 $0x1060, s20;
	v2 =	vshll.u32 v2, $0x7;
	v57 =	vshrl.u32 v3, $0x3;
	v4 =	vmul.u32 $0x1FFC00, v56  }
0x8a: {  	s7 =	sadd.s32 $0x1070, s20;
	v3 =	vshll.u32 v3, $0x7;
	v2 =	vadd.s32 s26, v2;
	v5 =	vmul.u32 $0x1FFC00, v57  }
0x8b: {  	v3 =	vadd.s32 s7, v3;
	v2 =	vadd.s32 v4, v2  }
0x8c: {  	v3 =	vadd.s32 v5, v3;
	v2 =	vadd.s32 v0, v2  }
0x8d: {  	v3 =	vadd.s32 v0, v3;
	[tilespmem:s24+$0xFFFFFF70] =	vst v2  }
0x8e: {  	[tilespmem:s24+$0xFFFFFF80] =	vst v3  }
0x8f: {  	v2 =	vld [tilespmem:s23+$0xFFFFFF90]  }
0x90: {  	v3 =	vld [tilespmem:s23+$0xFFFFFFA0];
	_ =	sdelay $0x3  }
0x91: {  	v58 =	vshrl.u32 v2, $0x3  }
0x92: {  	s7 =	sadd.s32 $0x1400, s20;
	v2 =	vshll.u32 v2, $0x7;
	v59 =	vshrl.u32 v3, $0x3;
	v4 =	vmul.u32 $0x1FFC00, v58  }
0x93: {  	s20 =	sadd.s32 $0x1410, s20;
	v3 =	vshll.u32 v3, $0x7;
	v2 =	vadd.s32 s7, v2;
	v5 =	vmul.u32 $0x1FFC00, v59  }
0x94: {  	v3 =	vadd.s32 s20, v3;
	v2 =	vadd.s32 v4, v2  }
0x95: {  	v3 =	vadd.s32 v5, v3;
	v2 =	vadd.s32 v0, v2  }
0x96: {  	v3 =	vadd.s32 v0, v3;
	[tilespmem:s24+$0xFFFFFF90] =	vst v2  }
0x97: {  	[tilespmem:s24+$0xFFFFFFA0] =	vst v3  }
0x98: {  	v2 =	vld [tilespmem:s23+$0xFFFFFFB0]  }
0x99: {  	v3 =	vld [tilespmem:s23+$0xFFFFFFC0];
	_ =	sdelay $0x3  }
0x9a: {  	s20 =	sadd.s32 $0x0, s9;
	v60 =	vshrl.u32 v2, $0x3  }
0x9b: {  	s26 =	sadd.s32 $0x20, s20;
	v2 =	vshll.u32 v2, $0x7;
	v61 =	vshrl.u32 v3, $0x3;
	v4 =	vmul.u32 $0x1FFC00, v60  }
0x9c: {  	s7 =	sadd.s32 $0x30, s20;
	v3 =	vshll.u32 v3, $0x7;
	v2 =	vadd.s32 s26, v2;
	v5 =	vmul.u32 $0x1FFC00, v61  }
0x9d: {  	v3 =	vadd.s32 s7, v3;
	v2 =	vadd.s32 v4, v2  }
0x9e: {  	v3 =	vadd.s32 v5, v3;
	v2 =	vadd.s32 v0, v2  }
0x9f: {  	v3 =	vadd.s32 v0, v3;
	[tilespmem:s24+$0xFFFFFFB0] =	vst v2  }
0xa0: {  	[tilespmem:s24+$0xFFFFFFC0] =	vst v3  }
0xa1: {  	v2 =	vld [tilespmem:s23+$0xFFFFFFD0]  }
0xa2: {  	v3 =	vld [tilespmem:s23+$0xFFFFFFE0];
	_ =	sdelay $0x3  }
0xa3: {  	v62 =	vshrl.u32 v2, $0x3  }
0xa4: {  	s26 =	sadd.s32 $0x40, s20;
	v2 =	vshll.u32 v2, $0x7;
	v63 =	vshrl.u32 v3, $0x3;
	v4 =	vmul.u32 $0x1FFC00, v62  }
0xa5: {  	s7 =	sadd.s32 $0x50, s20;
	v3 =	vshll.u32 v3, $0x7;
	v2 =	vadd.s32 s26, v2;
	v5 =	vmul.u32 $0x1FFC00, v63  }
0xa6: {  	v3 =	vadd.s32 s7, v3;
	v2 =	vadd.s32 v4, v2  }
0xa7: {  	v3 =	vadd.s32 v5, v3;
	v2 =	vadd.s32 v0, v2  }
0xa8: {  	v3 =	vadd.s32 v0, v3;
	[tilespmem:s24+$0xFFFFFFD0] =	vst v2  }
0xa9: {  	s28 =	simm.s32 $0x0;
	s29 =	simm.s32 $0x10;
	[tilespmem:s24+$0xFFFFFFE0] =	vst v3  }
0xaa: {  	s30 =	simm.s32 $0x3F0;
	s6 =	sadd.s32 $0x70, s20;
	s26 =	simm.s32 $0x1AF0;
	v2 =	vld [tilespmem:s23+$0xFFFFFFF0]  }
.LBB2_4:
0xab: {  	s29 =	sadd.s32 $0x8, s29;
	v3 =	vld [tilespmem:s23+$0x0];
	s28 =	sadd.s32 $0x800, s28;
	s24 =	sadd.s32 $0x100, s24  }
0xac: {  	s23 =	smov.u32 s30;
	p0 =	slt.u32 s29, $0x38;
	_ =	sdelay $0x2  }
0xad: {  	v4 =	vshll.u32 v2, $0x7;
	v2 =	vshrl.u32 v2, $0x3  }
0xae: {  	s20 =	sadd.s32 $0x60, s20;
	v2 =	vmul.u32 $0x1FFC00, v2;
	v5 =	vshll.u32 v3, $0x7;
	v3 =	vshrl.u32 v3, $0x3  }
0xaf: {  	v4 =	vadd.s32 s20, v4;
	v3 =	vmul.u32 $0x1FFC00, v3;
	v5 =	vadd.s32 s6, v5  }
0xb0: {  	v2 =	vadd.s32 v2, v4  }
0xb1: {  	v2 =	vadd.s32 v0, v2;
	v3 =	vadd.s32 v3, v5  }
0xb2: {  	v3 =	vadd.s32 v0, v3;
	[tilespmem:s26+$0xFFFFFFF0] =	vst v2  }
0xb3: {  	[tilespmem:s26+$0x0] =	vst v3;
	s26 =	smov.u32 s24  }
0xb4: {  	v2 =	vld [tilespmem:s30+$0xFFFFFF20]  }
0xb5: {  	v3 =	vld [tilespmem:s30+$0xFFFFFF10];
	_ =	sdelay $0x2  }
0xb6: {  	s20 =	sadd.s32 s28, s10  }
0xb7: {  	s6 =	sadd.s32 $0x1010, s20;
	v4 =	vshll.u32 v2, $0x7;
	v2 =	vshrl.u32 v2, $0x3  }
0xb8: {  	v5 =	vshll.u32 v3, $0x7;
	v3 =	vshrl.u32 v3, $0x3;
	v4 =	vadd.s32 s6, v4  }
0xb9: {  	s6 =	sadd.s32 $0x1000, s20;
	v2 =	vmul.u32 $0x1FFC00, v2;
	v3 =	vmul.u32 $0x1FFC00, v3  }
0xba: {  	v5 =	vadd.s32 s6, v5  }
0xbb: {  	v2 =	vadd.s32 v2, v4;
	v3 =	vadd.s32 v3, v5  }
0xbc: {  	v2 =	vadd.s32 v0, v2;
	v3 =	vadd.s32 v0, v3  }
0xbd: {  	[tilespmem:s24+$0xFFFFFF10] =	vst v3  }
0xbe: {  	[tilespmem:s24+$0xFFFFFF20] =	vst v2  }
0xbf: {  	v2 =	vld [tilespmem:s30+$0xFFFFFF30]  }
0xc0: {  	v3 =	vld [tilespmem:s30+$0xFFFFFF40];
	_ =	sdelay $0x3  }
0xc1: {  	v4 =	vshll.u32 v2, $0x7;
	v2 =	vshrl.u32 v2, $0x3  }
0xc2: {  	s6 =	sadd.s32 $0x1020, s20;
	v2 =	vmul.u32 $0x1FFC00, v2;
	v5 =	vshll.u32 v3, $0x7;
	v3 =	vshrl.u32 v3, $0x3  }
0xc3: {  	s7 =	sadd.s32 $0x1030, s20;
	v4 =	vadd.s32 s6, v4;
	v3 =	vmul.u32 $0x1FFC00, v3  }
0xc4: {  	v2 =	vadd.s32 v2, v4;
	v4 =	vadd.s32 s7, v5  }
0xc5: {  	v2 =	vadd.s32 v0, v2;
	v3 =	vadd.s32 v3, v4  }
0xc6: {  	v3 =	vadd.s32 v0, v3;
	[tilespmem:s24+$0xFFFFFF30] =	vst v2  }
0xc7: {  	[tilespmem:s24+$0xFFFFFF40] =	vst v3  }
0xc8: {  	v2 =	vld [tilespmem:s30+$0xFFFFFF50]  }
0xc9: {  	v3 =	vld [tilespmem:s30+$0xFFFFFF60];
	_ =	sdelay $0x3  }
0xca: {  	v4 =	vshll.u32 v2, $0x7;
	v2 =	vshrl.u32 v2, $0x3  }
0xcb: {  	s6 =	sadd.s32 $0x1040, s20;
	v2 =	vmul.u32 $0x1FFC00, v2;
	v5 =	vshll.u32 v3, $0x7;
	v3 =	vshrl.u32 v3, $0x3  }
0xcc: {  	s7 =	sadd.s32 $0x1050, s20;
	v4 =	vadd.s32 s6, v4;
	v3 =	vmul.u32 $0x1FFC00, v3  }
0xcd: {  	v2 =	vadd.s32 v2, v4;
	v4 =	vadd.s32 s7, v5  }
0xce: {  	v2 =	vadd.s32 v0, v2;
	v3 =	vadd.s32 v3, v4  }
0xcf: {  	v3 =	vadd.s32 v0, v3;
	[tilespmem:s24+$0xFFFFFF50] =	vst v2  }
0xd0: {  	[tilespmem:s24+$0xFFFFFF60] =	vst v3  }
0xd1: {  	v2 =	vld [tilespmem:s30+$0xFFFFFF70]  }
0xd2: {  	v3 =	vld [tilespmem:s30+$0xFFFFFF80];
	_ =	sdelay $0x3  }
0xd3: {  	v4 =	vshrl.u32 v2, $0x3  }
0xd4: {  	s6 =	sadd.s32 $0x1060, s20;
	v2 =	vshll.u32 v2, $0x7;
	v4 =	vmul.u32 $0x1FFC00, v4;
	v5 =	vshrl.u32 v3, $0x3  }
0xd5: {  	s7 =	sadd.s32 $0x1070, s20;
	v2 =	vadd.s32 s6, v2;
	v3 =	vshll.u32 v3, $0x7;
	v5 =	vmul.u32 $0x1FFC00, v5  }
0xd6: {  	v3 =	vadd.s32 s7, v3;
	v2 =	vadd.s32 v4, v2  }
0xd7: {  	v2 =	vadd.s32 v0, v2;
	v3 =	vadd.s32 v5, v3  }
0xd8: {  	v3 =	vadd.s32 v0, v3;
	[tilespmem:s24+$0xFFFFFF70] =	vst v2  }
0xd9: {  	[tilespmem:s24+$0xFFFFFF80] =	vst v3  }
0xda: {  	v2 =	vld [tilespmem:s30+$0xFFFFFF90]  }
0xdb: {  	v3 =	vld [tilespmem:s30+$0xFFFFFFA0];
	_ =	sdelay $0x3  }
0xdc: {  	v4 =	vshll.u32 v2, $0x7;
	v2 =	vshrl.u32 v2, $0x3  }
0xdd: {  	s6 =	sadd.s32 $0x1400, s20;
	v2 =	vmul.u32 $0x1FFC00, v2;
	v5 =	vshll.u32 v3, $0x7;
	v3 =	vshrl.u32 v3, $0x3  }
0xde: {  	s7 =	sadd.s32 $0x1410, s20;
	v4 =	vadd.s32 s6, v4;
	v3 =	vmul.u32 $0x1FFC00, v3  }
0xdf: {  	v2 =	vadd.s32 v2, v4;
	v4 =	vadd.s32 s7, v5  }
0xe0: {  	v2 =	vadd.s32 v0, v2;
	v3 =	vadd.s32 v3, v4  }
0xe1: {  	v3 =	vadd.s32 v0, v3;
	[tilespmem:s24+$0xFFFFFF90] =	vst v2  }
0xe2: {  	[tilespmem:s24+$0xFFFFFFA0] =	vst v3  }
0xe3: {  	v2 =	vld [tilespmem:s30+$0xFFFFFFB0]  }
0xe4: {  	v3 =	vld [tilespmem:s30+$0xFFFFFFC0];
	_ =	sdelay $0x3  }
0xe5: {  	s20 =	sadd.s32 s28, s9;
	v4 =	vshll.u32 v2, $0x7;
	v2 =	vshrl.u32 v2, $0x3  }
0xe6: {  	s6 =	sadd.s32 $0x20, s20;
	v2 =	vmul.u32 $0x1FFC00, v2;
	v5 =	vshll.u32 v3, $0x7;
	v3 =	vshrl.u32 v3, $0x3  }
0xe7: {  	s7 =	sadd.s32 $0x30, s20;
	v4 =	vadd.s32 s6, v4;
	v3 =	vmul.u32 $0x1FFC00, v3  }
0xe8: {  	v2 =	vadd.s32 v2, v4;
	v4 =	vadd.s32 s7, v5  }
0xe9: {  	v2 =	vadd.s32 v0, v2;
	v3 =	vadd.s32 v3, v4  }
0xea: {  	v3 =	vadd.s32 v0, v3;
	[tilespmem:s24+$0xFFFFFFB0] =	vst v2  }
0xeb: {  	[tilespmem:s24+$0xFFFFFFC0] =	vst v3  }
0xec: {  	v2 =	vld [tilespmem:s30+$0xFFFFFFD0]  }
0xed: {  	v3 =	vld [tilespmem:s30+$0xFFFFFFE0];
	_ =	sdelay $0x3  }
0xee: {  	v4 =	vshll.u32 v2, $0x7;
	v2 =	vshrl.u32 v2, $0x3  }
0xef: {  	s6 =	sadd.s32 $0x40, s20;
	v2 =	vmul.u32 $0x1FFC00, v2;
	v5 =	vshll.u32 v3, $0x7;
	v3 =	vshrl.u32 v3, $0x3  }
0xf0: {  	s7 =	sadd.s32 $0x50, s20;
	v4 =	vadd.s32 s6, v4;
	v3 =	vmul.u32 $0x1FFC00, v3  }
.Ltmp1:
0xf1: {  	v2 =	vadd.s32 v2, v4;
	v4 =	vadd.s32 s7, v5;
	(pc) =	sbr.rel @p0 .LBB2_4-.Ltmp1, $4  }
0xf2: {  	s6 =	sadd.s32 $0x70, s20;
	v2 =	vadd.s32 v0, v2;
	v3 =	vadd.s32 v3, v4  }
0xf3: {  	v3 =	vadd.s32 v0, v3;
	[tilespmem:s24+$0xFFFFFFD0] =	vst v2  }
0xf4: {  	[tilespmem:s24+$0xFFFFFFE0] =	vst v3  }
0xf5: {  	s30 =	sadd.s32 $0x100, s30;
	v2 =	vld [tilespmem:s23+$0xFFFFFFF0]  }
0xf6: {  	v3 =	vld [tilespmem:s23+$0x0];
	_ =	sdelay $0x3  }
0xf7: {  	v4 =	vshrl.u32 v2, $0x3  }
0xf8: {  	s7 =	sadd.s32 $0x60, s20;
	v2 =	vshll.u32 v2, $0x7;
	v4 =	vmul.u32 $0x1FFC00, v4;
	v5 =	vshrl.u32 v3, $0x3  }
0xf9: {  	v3 =	vshll.u32 v3, $0x7;
	v2 =	vadd.s32 s7, v2;
	v5 =	vmul.u32 $0x1FFC00, v5  }
0xfa: {  	v3 =	vadd.s32 s6, v3;
	v2 =	vadd.s32 v4, v2  }
0xfb: {  	v2 =	vadd.s32 v0, v2;
	v3 =	vadd.s32 v5, v3  }
0xfc: {  	v3 =	vadd.s32 v0, v3;
	[tilespmem:s26+$0xFFFFFFF0] =	vst v2  }
0xfd: {  	s20 =	simm.s32 $0x1A00;
	s23 =	simm.s32 $0x3200;
	s7 =	simm.s32 $0x600;
	[tilespmem:s26+$0x0] =	vst v3  }
0xfe: {  	[tilespmem:s23], [sflag:$0x2] =	stream.indirect.gather [hbm4b:s1+s7], $0x1, s20, s7, $0xb8;
	[tilespmem:$0x4880] =	vst v63  }
0xff: {  	_ =	swait.ge [sflag:s25], $0x1000  }
0x100: {  	[sflag:s25] =	ssyncset.done $0x0  }
0x101: {  	s23 =	simm.s32 $0x8F0;
	[sflag:s25] =	ssyncadd.s32 $0xFFFFF000  }
0x102: {  	v2 =	vld [tilespmem:s23+$0xFFFFFF10]  }
0x103: {  	v3 =	vld [tilespmem:s23+$0xFFFFFF20];
	_ =	sdelay $0x3  }
0x104: {  	s20 =	sadd.s32 $0x0, s10;
	v50 =	vshrl.u32 v2, $0x3  }
0x105: {  	s24 =	sadd.s32 $0x4000, s20;
	v51 =	vshrl.u32 v3, $0x3;
	v2 =	vshll.u32 v2, $0x7;
	v4 =	vmul.u32 $0x1FFC00, v50  }
0x106: {  	s26 =	sadd.s32 $0x4010, s20;
	v3 =	vshll.u32 v3, $0x7;
	v5 =	vmul.u32 $0x1FFC00, v51;
	v2 =	vadd.s32 s24, v2  }
0x107: {  	v3 =	vadd.s32 s26, v3;
	v2 =	vadd.s32 v4, v2  }
0x108: {  	s24 =	simm.s32 $0x20F0;
	v3 =	vadd.s32 v5, v3;
	v2 =	vadd.s32 v0, v2  }
0x109: {  	v3 =	vadd.s32 v0, v3;
	[tilespmem:s24+$0xFFFFFF10] =	vst v2  }
0x10a: {  	[tilespmem:s24+$0xFFFFFF20] =	vst v3  }
0x10b: {  	v2 =	vld [tilespmem:s23+$0xFFFFFF30]  }
0x10c: {  	v3 =	vld [tilespmem:s23+$0xFFFFFF40];
	_ =	sdelay $0x3  }
0x10d: {  	v52 =	vshrl.u32 v2, $0x3  }
0x10e: {  	s7 =	sadd.s32 $0x4020, s20;
	v2 =	vshll.u32 v2, $0x7;
	v53 =	vshrl.u32 v3, $0x3;
	v4 =	vmul.u32 $0x1FFC00, v52  }
0x10f: {  	s26 =	sadd.s32 $0x4030, s20;
	v3 =	vshll.u32 v3, $0x7;
	v2 =	vadd.s32 s7, v2;
	v5 =	vmul.u32 $0x1FFC00, v53  }
0x110: {  	v3 =	vadd.s32 s26, v3;
	v2 =	vadd.s32 v4, v2  }
0x111: {  	v3 =	vadd.s32 v5, v3;
	v2 =	vadd.s32 v0, v2  }
0x112: {  	v3 =	vadd.s32 v0, v3;
	[tilespmem:s24+$0xFFFFFF30] =	vst v2  }
0x113: {  	[tilespmem:s24+$0xFFFFFF40] =	vst v3  }
0x114: {  	v2 =	vld [tilespmem:s23+$0xFFFFFF50]  }
0x115: {  	v3 =	vld [tilespmem:s23+$0xFFFFFF60];
	_ =	sdelay $0x3  }
0x116: {  	v54 =	vshrl.u32 v2, $0x3  }
0x117: {  	s7 =	sadd.s32 $0x4040, s20;
	v2 =	vshll.u32 v2, $0x7;
	v55 =	vshrl.u32 v3, $0x3;
	v4 =	vmul.u32 $0x1FFC00, v54  }
0x118: {  	s26 =	sadd.s32 $0x4050, s20;
	v3 =	vshll.u32 v3, $0x7;
	v2 =	vadd.s32 s7, v2;
	v5 =	vmul.u32 $0x1FFC00, v55  }
0x119: {  	v3 =	vadd.s32 s26, v3;
	v2 =	vadd.s32 v4, v2  }
0x11a: {  	v3 =	vadd.s32 v5, v3;
	v2 =	vadd.s32 v0, v2  }
0x11b: {  	v3 =	vadd.s32 v0, v3;
	[tilespmem:s24+$0xFFFFFF50] =	vst v2  }
0x11c: {  	[tilespmem:s24+$0xFFFFFF60] =	vst v3  }
0x11d: {  	v2 =	vld [tilespmem:s23+$0xFFFFFF70]  }
0x11e: {  	v3 =	vld [tilespmem:s23+$0xFFFFFF80];
	_ =	sdelay $0x3  }
0x11f: {  	v56 =	vshrl.u32 v2, $0x3  }
0x120: {  	s7 =	sadd.s32 $0x4060, s20;
	v2 =	vshll.u32 v2, $0x7;
	v57 =	vshrl.u32 v3, $0x3;
	v4 =	vmul.u32 $0x1FFC00, v56  }
0x121: {  	s26 =	sadd.s32 $0x4070, s20;
	v3 =	vshll.u32 v3, $0x7;
	v2 =	vadd.s32 s7, v2;
	v5 =	vmul.u32 $0x1FFC00, v57  }
0x122: {  	v3 =	vadd.s32 s26, v3;
	v2 =	vadd.s32 v4, v2  }
0x123: {  	v3 =	vadd.s32 v5, v3;
	v2 =	vadd.s32 v0, v2  }
0x124: {  	v3 =	vadd.s32 v0, v3;
	[tilespmem:s24+$0xFFFFFF70] =	vst v2  }
0x125: {  	[tilespmem:s24+$0xFFFFFF80] =	vst v3  }
0x126: {  	v2 =	vld [tilespmem:s23+$0xFFFFFF90]  }
0x127: {  	v3 =	vld [tilespmem:s23+$0xFFFFFFA0];
	_ =	sdelay $0x3  }
0x128: {  	v58 =	vshrl.u32 v2, $0x3  }
0x129: {  	s7 =	sadd.s32 $0x4400, s20;
	v2 =	vshll.u32 v2, $0x7;
	v59 =	vshrl.u32 v3, $0x3;
	v4 =	vmul.u32 $0x1FFC00, v58  }
0x12a: {  	s26 =	sadd.s32 $0x4410, s20;
	v3 =	vshll.u32 v3, $0x7;
	v2 =	vadd.s32 s7, v2;
	v5 =	vmul.u32 $0x1FFC00, v59  }
0x12b: {  	v3 =	vadd.s32 s26, v3;
	v2 =	vadd.s32 v4, v2  }
0x12c: {  	v3 =	vadd.s32 v5, v3;
	v2 =	vadd.s32 v0, v2  }
0x12d: {  	v3 =	vadd.s32 v0, v3;
	[tilespmem:s24+$0xFFFFFF90] =	vst v2  }
0x12e: {  	[tilespmem:s24+$0xFFFFFFA0] =	vst v3  }
0x12f: {  	v2 =	vld [tilespmem:s23+$0xFFFFFFB0]  }
0x130: {  	v3 =	vld [tilespmem:s23+$0xFFFFFFC0];
	_ =	sdelay $0x3  }
0x131: {  	s20 =	sadd.s32 $0x0, s13;
	v60 =	vshrl.u32 v2, $0x3  }
0x132: {  	s26 =	sadd.s32 $0x20, s20;
	v2 =	vshll.u32 v2, $0x7;
	v61 =	vshrl.u32 v3, $0x3;
	v4 =	vmul.u32 $0x1FFC00, v60  }
0x133: {  	s6 =	sadd.s32 $0x30, s20;
	v3 =	vshll.u32 v3, $0x7;
	v2 =	vadd.s32 s26, v2;
	v5 =	vmul.u32 $0x1FFC00, v61  }
0x134: {  	v3 =	vadd.s32 s6, v3;
	v2 =	vadd.s32 v4, v2  }
0x135: {  	v3 =	vadd.s32 v5, v3;
	v2 =	vadd.s32 v0, v2  }
0x136: {  	v3 =	vadd.s32 v0, v3;
	[tilespmem:s24+$0xFFFFFFB0] =	vst v2  }
0x137: {  	[tilespmem:s24+$0xFFFFFFC0] =	vst v3  }
0x138: {  	v2 =	vld [tilespmem:s23+$0xFFFFFFD0]  }
0x139: {  	v3 =	vld [tilespmem:s23+$0xFFFFFFE0];
	_ =	sdelay $0x3  }
0x13a: {  	s20 =	sadd.s32 $0x0, s12;
	v62 =	vshrl.u32 v2, $0x3  }
0x13b: {  	s26 =	sadd.s32 $0x40, s20;
	v2 =	vshll.u32 v2, $0x7;
	v63 =	vshrl.u32 v3, $0x3;
	v4 =	vmul.u32 $0x1FFC00, v62  }
0x13c: {  	s6 =	sadd.s32 $0x50, s20;
	v3 =	vshll.u32 v3, $0x7;
	v2 =	vadd.s32 s26, v2;
	v5 =	vmul.u32 $0x1FFC00, v63  }
0x13d: {  	v3 =	vadd.s32 s6, v3;
	v2 =	vadd.s32 v4, v2  }
0x13e: {  	v3 =	vadd.s32 v5, v3;
	v2 =	vadd.s32 v0, v2  }
0x13f: {  	v3 =	vadd.s32 v0, v3;
	[tilespmem:s24+$0xFFFFFFD0] =	vst v2  }
0x140: {  	s28 =	simm.s32 $0x0;
	s29 =	simm.s32 $0x40;
	s20 =	sadd.s32 $0x0, s11;
	[tilespmem:s24+$0xFFFFFFE0] =	vst v3  }
0x141: {  	s30 =	simm.s32 $0x9F0;
	s6 =	sadd.s32 $0x70, s20;
	s26 =	simm.s32 $0x20F0;
	v2 =	vld [tilespmem:s23+$0xFFFFFFF0]  }
.LBB2_6:
0x142: {  	s29 =	sadd.s32 $0x8, s29;
	v3 =	vld [tilespmem:s23+$0x0];
	s28 =	sadd.s32 $0x800, s28;
	s24 =	sadd.s32 $0x100, s24  }
0x143: {  	s23 =	smov.u32 s30;
	p0 =	slt.u32 s29, $0x78;
	_ =	sdelay $0x2  }
0x144: {  	v4 =	vshll.u32 v2, $0x7;
	v2 =	vshrl.u32 v2, $0x3  }
0x145: {  	s7 =	sadd.s32 $0x60, s20;
	v2 =	vmul.u32 $0x1FFC00, v2;
	v5 =	vshll.u32 v3, $0x7;
	v3 =	vshrl.u32 v3, $0x3  }
0x146: {  	v4 =	vadd.s32 s7, v4;
	v3 =	vmul.u32 $0x1FFC00, v3;
	v5 =	vadd.s32 s6, v5  }
0x147: {  	v2 =	vadd.s32 v2, v4  }
0x148: {  	v2 =	vadd.s32 v0, v2;
	v3 =	vadd.s32 v3, v5  }
0x149: {  	v3 =	vadd.s32 v0, v3;
	[tilespmem:s26+$0xFFFFFFF0] =	vst v2  }
0x14a: {  	[tilespmem:s26+$0x0] =	vst v3;
	s26 =	smov.u32 s24  }
0x14b: {  	v2 =	vld [tilespmem:s30+$0xFFFFFF20]  }
0x14c: {  	v3 =	vld [tilespmem:s30+$0xFFFFFF10];
	_ =	sdelay $0x2  }
0x14d: {  	s20 =	sadd.s32 s28, s10  }
0x14e: {  	s6 =	sadd.s32 $0x4010, s20;
	v4 =	vshll.u32 v2, $0x7;
	v2 =	vshrl.u32 v2, $0x3  }
0x14f: {  	v5 =	vshll.u32 v3, $0x7;
	v3 =	vshrl.u32 v3, $0x3;
	v4 =	vadd.s32 s6, v4  }
0x150: {  	s6 =	sadd.s32 $0x4000, s20;
	v2 =	vmul.u32 $0x1FFC00, v2;
	v3 =	vmul.u32 $0x1FFC00, v3  }
0x151: {  	v5 =	vadd.s32 s6, v5  }
0x152: {  	v2 =	vadd.s32 v2, v4;
	v3 =	vadd.s32 v3, v5  }
0x153: {  	v2 =	vadd.s32 v0, v2;
	v3 =	vadd.s32 v0, v3  }
0x154: {  	[tilespmem:s24+$0xFFFFFF10] =	vst v3  }
0x155: {  	[tilespmem:s24+$0xFFFFFF20] =	vst v2  }
0x156: {  	v2 =	vld [tilespmem:s30+$0xFFFFFF30]  }
0x157: {  	v3 =	vld [tilespmem:s30+$0xFFFFFF40];
	_ =	sdelay $0x3  }
0x158: {  	v4 =	vshll.u32 v2, $0x7;
	v2 =	vshrl.u32 v2, $0x3  }
0x159: {  	s6 =	sadd.s32 $0x4020, s20;
	v2 =	vmul.u32 $0x1FFC00, v2;
	v5 =	vshll.u32 v3, $0x7;
	v3 =	vshrl.u32 v3, $0x3  }
0x15a: {  	s7 =	sadd.s32 $0x4030, s20;
	v4 =	vadd.s32 s6, v4;
	v3 =	vmul.u32 $0x1FFC00, v3  }
0x15b: {  	v2 =	vadd.s32 v2, v4;
	v4 =	vadd.s32 s7, v5  }
0x15c: {  	v2 =	vadd.s32 v0, v2;
	v3 =	vadd.s32 v3, v4  }
0x15d: {  	v3 =	vadd.s32 v0, v3;
	[tilespmem:s24+$0xFFFFFF30] =	vst v2  }
0x15e: {  	[tilespmem:s24+$0xFFFFFF40] =	vst v3  }
0x15f: {  	v2 =	vld [tilespmem:s30+$0xFFFFFF50]  }
0x160: {  	v3 =	vld [tilespmem:s30+$0xFFFFFF60];
	_ =	sdelay $0x3  }
0x161: {  	v4 =	vshll.u32 v2, $0x7;
	v2 =	vshrl.u32 v2, $0x3  }
0x162: {  	s6 =	sadd.s32 $0x4040, s20;
	v2 =	vmul.u32 $0x1FFC00, v2;
	v5 =	vshll.u32 v3, $0x7;
	v3 =	vshrl.u32 v3, $0x3  }
0x163: {  	s7 =	sadd.s32 $0x4050, s20;
	v4 =	vadd.s32 s6, v4;
	v3 =	vmul.u32 $0x1FFC00, v3  }
0x164: {  	v2 =	vadd.s32 v2, v4;
	v4 =	vadd.s32 s7, v5  }
0x165: {  	v2 =	vadd.s32 v0, v2;
	v3 =	vadd.s32 v3, v4  }
0x166: {  	v3 =	vadd.s32 v0, v3;
	[tilespmem:s24+$0xFFFFFF50] =	vst v2  }
0x167: {  	[tilespmem:s24+$0xFFFFFF60] =	vst v3  }
0x168: {  	v2 =	vld [tilespmem:s30+$0xFFFFFF70]  }
0x169: {  	v3 =	vld [tilespmem:s30+$0xFFFFFF80];
	_ =	sdelay $0x3  }
0x16a: {  	v4 =	vshrl.u32 v2, $0x3  }
0x16b: {  	s6 =	sadd.s32 $0x4060, s20;
	v2 =	vshll.u32 v2, $0x7;
	v4 =	vmul.u32 $0x1FFC00, v4;
	v5 =	vshrl.u32 v3, $0x3  }
0x16c: {  	s7 =	sadd.s32 $0x4070, s20;
	v2 =	vadd.s32 s6, v2;
	v3 =	vshll.u32 v3, $0x7;
	v5 =	vmul.u32 $0x1FFC00, v5  }
0x16d: {  	v3 =	vadd.s32 s7, v3;
	v2 =	vadd.s32 v4, v2  }
0x16e: {  	v2 =	vadd.s32 v0, v2;
	v3 =	vadd.s32 v5, v3  }
0x16f: {  	v3 =	vadd.s32 v0, v3;
	[tilespmem:s24+$0xFFFFFF70] =	vst v2  }
0x170: {  	[tilespmem:s24+$0xFFFFFF80] =	vst v3  }
0x171: {  	v2 =	vld [tilespmem:s30+$0xFFFFFF90]  }
0x172: {  	v3 =	vld [tilespmem:s30+$0xFFFFFFA0];
	_ =	sdelay $0x3  }
0x173: {  	v4 =	vshll.u32 v2, $0x7;
	v2 =	vshrl.u32 v2, $0x3  }
0x174: {  	s6 =	sadd.s32 $0x4400, s20;
	v2 =	vmul.u32 $0x1FFC00, v2;
	v5 =	vshll.u32 v3, $0x7;
	v3 =	vshrl.u32 v3, $0x3  }
0x175: {  	s7 =	sadd.s32 $0x4410, s20;
	v4 =	vadd.s32 s6, v4;
	v3 =	vmul.u32 $0x1FFC00, v3  }
0x176: {  	v2 =	vadd.s32 v2, v4;
	v4 =	vadd.s32 s7, v5  }
0x177: {  	v2 =	vadd.s32 v0, v2;
	v3 =	vadd.s32 v3, v4  }
0x178: {  	v3 =	vadd.s32 v0, v3;
	[tilespmem:s24+$0xFFFFFF90] =	vst v2  }
0x179: {  	[tilespmem:s24+$0xFFFFFFA0] =	vst v3  }
0x17a: {  	v2 =	vld [tilespmem:s30+$0xFFFFFFB0]  }
0x17b: {  	v3 =	vld [tilespmem:s30+$0xFFFFFFC0];
	_ =	sdelay $0x3  }
0x17c: {  	s6 =	sadd.s32 s28, s13;
	v4 =	vshll.u32 v2, $0x7;
	v2 =	vshrl.u32 v2, $0x3  }
0x17d: {  	s7 =	sadd.s32 $0x20, s6;
	v2 =	vmul.u32 $0x1FFC00, v2;
	v5 =	vshrl.u32 v3, $0x3  }
0x17e: {  	s6 =	sadd.s32 $0x30, s6;
	v4 =	vadd.s32 s7, v4;
	v3 =	vshll.u32 v3, $0x7;
	v5 =	vmul.u32 $0x1FFC00, v5  }
0x17f: {  	v3 =	vadd.s32 s6, v3;
	v2 =	vadd.s32 v2, v4  }
0x180: {  	v2 =	vadd.s32 v0, v2;
	v3 =	vadd.s32 v5, v3  }
0x181: {  	v3 =	vadd.s32 v0, v3;
	[tilespmem:s24+$0xFFFFFFB0] =	vst v2  }
0x182: {  	[tilespmem:s24+$0xFFFFFFC0] =	vst v3  }
0x183: {  	v2 =	vld [tilespmem:s30+$0xFFFFFFD0]  }
0x184: {  	v3 =	vld [tilespmem:s30+$0xFFFFFFE0];
	_ =	sdelay $0x3  }
0x185: {  	s6 =	sadd.s32 s28, s12;
	v4 =	vshll.u32 v2, $0x7;
	v2 =	vshrl.u32 v2, $0x3  }
0x186: {  	s7 =	sadd.s32 $0x40, s6;
	v2 =	vmul.u32 $0x1FFC00, v2;
	v5 =	vshrl.u32 v3, $0x3  }
0x187: {  	s6 =	sadd.s32 $0x50, s6;
	v4 =	vadd.s32 s7, v4;
	v3 =	vshll.u32 v3, $0x7;
	v5 =	vmul.u32 $0x1FFC00, v5  }
.Ltmp2:
0x188: {  	s20 =	sadd.s32 s28, s11;
	v3 =	vadd.s32 s6, v3;
	v2 =	vadd.s32 v2, v4;
	(pc) =	sbr.rel @p0 .LBB2_6-.Ltmp2, $4  }
0x189: {  	s6 =	sadd.s32 $0x70, s20;
	v2 =	vadd.s32 v0, v2;
	v3 =	vadd.s32 v5, v3  }
0x18a: {  	v3 =	vadd.s32 v0, v3;
	[tilespmem:s24+$0xFFFFFFD0] =	vst v2  }
0x18b: {  	[tilespmem:s24+$0xFFFFFFE0] =	vst v3  }
0x18c: {  	s30 =	sadd.s32 $0x100, s30;
	v2 =	vld [tilespmem:s23+$0xFFFFFFF0]  }
0x18d: {  	v3 =	vld [tilespmem:s23+$0x0];
	_ =	sdelay $0x3  }
0x18e: {  	v4 =	vshrl.u32 v2, $0x3  }
0x18f: {  	s7 =	sadd.s32 $0x60, s20;
	v2 =	vshll.u32 v2, $0x7;
	v4 =	vmul.u32 $0x1FFC00, v4;
	v5 =	vshrl.u32 v3, $0x3  }
0x190: {  	v3 =	vshll.u32 v3, $0x7;
	v2 =	vadd.s32 s7, v2;
	v5 =	vmul.u32 $0x1FFC00, v5  }
0x191: {  	v3 =	vadd.s32 s6, v3;
	v2 =	vadd.s32 v4, v2  }
0x192: {  	v2 =	vadd.s32 v0, v2;
	v3 =	vadd.s32 v5, v3  }
0x193: {  	v3 =	vadd.s32 v0, v3;
	[tilespmem:s26+$0xFFFFFFF0] =	vst v2  }
0x194: {  	s20 =	simm.s32 $0x2000;
	s23 =	simm.s32 $0x3800;
	[tilespmem:s26+$0x0] =	vst v3  }
0x195: {  	[tilespmem:s23], [sflag:$0x3] =	stream.indirect.gather [hbm4b:s1+s17], $0x1, s20, s17, $0xb8;
	[tilespmem:$0x4880] =	vst v63  }
0x196: {  	s23 =	simm.s32 $0x10F0  }
0x197: {  	v2 =	vld [tilespmem:s23+$0xFFFFFF10]  }
0x198: {  	v3 =	vld [tilespmem:s23+$0xFFFFFF20];
	_ =	sdelay $0x3  }
0x199: {  	s20 =	sadd.s32 $0x0, s10;
	v50 =	vshrl.u32 v2, $0x3  }
0x19a: {  	s24 =	sadd.s32 $0x8000, s20;
	v51 =	vshrl.u32 v3, $0x3;
	v2 =	vshll.u32 v2, $0x7;
	v4 =	vmul.u32 $0x1FFC00, v50  }
0x19b: {  	s26 =	sadd.s32 $0x8010, s20;
	v3 =	vshll.u32 v3, $0x7;
	v5 =	vmul.u32 $0x1FFC00, v51;
	v2 =	vadd.s32 s24, v2  }
0x19c: {  	v3 =	vadd.s32 s26, v3;
	v2 =	vadd.s32 v4, v2  }
0x19d: {  	s24 =	simm.s32 $0x28F0;
	v3 =	vadd.s32 v5, v3;
	v2 =	vadd.s32 v0, v2  }
0x19e: {  	v3 =	vadd.s32 v0, v3;
	[tilespmem:s24+$0xFFFFFF10] =	vst v2  }
0x19f: {  	[tilespmem:s24+$0xFFFFFF20] =	vst v3  }
0x1a0: {  	v2 =	vld [tilespmem:s23+$0xFFFFFF30]  }
0x1a1: {  	v3 =	vld [tilespmem:s23+$0xFFFFFF40];
	_ =	sdelay $0x3  }
0x1a2: {  	v52 =	vshrl.u32 v2, $0x3  }
0x1a3: {  	s7 =	sadd.s32 $0x8020, s20;
	v2 =	vshll.u32 v2, $0x7;
	v53 =	vshrl.u32 v3, $0x3;
	v4 =	vmul.u32 $0x1FFC00, v52  }
0x1a4: {  	s26 =	sadd.s32 $0x8030, s20;
	v3 =	vshll.u32 v3, $0x7;
	v2 =	vadd.s32 s7, v2;
	v5 =	vmul.u32 $0x1FFC00, v53  }
0x1a5: {  	v3 =	vadd.s32 s26, v3;
	v2 =	vadd.s32 v4, v2  }
0x1a6: {  	v3 =	vadd.s32 v5, v3;
	v2 =	vadd.s32 v0, v2  }
0x1a7: {  	v3 =	vadd.s32 v0, v3;
	[tilespmem:s24+$0xFFFFFF30] =	vst v2  }
0x1a8: {  	[tilespmem:s24+$0xFFFFFF40] =	vst v3  }
0x1a9: {  	v2 =	vld [tilespmem:s23+$0xFFFFFF50]  }
0x1aa: {  	v3 =	vld [tilespmem:s23+$0xFFFFFF60];
	_ =	sdelay $0x3  }
0x1ab: {  	v54 =	vshrl.u32 v2, $0x3  }
0x1ac: {  	s7 =	sadd.s32 $0x8040, s20;
	v2 =	vshll.u32 v2, $0x7;
	v55 =	vshrl.u32 v3, $0x3;
	v4 =	vmul.u32 $0x1FFC00, v54  }
0x1ad: {  	s26 =	sadd.s32 $0x8050, s20;
	v3 =	vshll.u32 v3, $0x7;
	v2 =	vadd.s32 s7, v2;
	v5 =	vmul.u32 $0x1FFC00, v55  }
0x1ae: {  	v3 =	vadd.s32 s26, v3;
	v2 =	vadd.s32 v4, v2  }
0x1af: {  	v3 =	vadd.s32 v5, v3;
	v2 =	vadd.s32 v0, v2  }
0x1b0: {  	v3 =	vadd.s32 v0, v3;
	[tilespmem:s24+$0xFFFFFF50] =	vst v2  }
0x1b1: {  	[tilespmem:s24+$0xFFFFFF60] =	vst v3  }
0x1b2: {  	v2 =	vld [tilespmem:s23+$0xFFFFFF70]  }
0x1b3: {  	v3 =	vld [tilespmem:s23+$0xFFFFFF80];
	_ =	sdelay $0x3  }
0x1b4: {  	v56 =	vshrl.u32 v2, $0x3  }
0x1b5: {  	s7 =	sadd.s32 $0x8060, s20;
	v2 =	vshll.u32 v2, $0x7;
	v57 =	vshrl.u32 v3, $0x3;
	v4 =	vmul.u32 $0x1FFC00, v56  }
0x1b6: {  	s26 =	sadd.s32 $0x8070, s20;
	v3 =	vshll.u32 v3, $0x7;
	v2 =	vadd.s32 s7, v2;
	v5 =	vmul.u32 $0x1FFC00, v57  }
0x1b7: {  	v3 =	vadd.s32 s26, v3;
	v2 =	vadd.s32 v4, v2  }
0x1b8: {  	v3 =	vadd.s32 v5, v3;
	v2 =	vadd.s32 v0, v2  }
0x1b9: {  	v3 =	vadd.s32 v0, v3;
	[tilespmem:s24+$0xFFFFFF70] =	vst v2  }
0x1ba: {  	[tilespmem:s24+$0xFFFFFF80] =	vst v3  }
0x1bb: {  	v2 =	vld [tilespmem:s23+$0xFFFFFF90]  }
0x1bc: {  	v3 =	vld [tilespmem:s23+$0xFFFFFFA0];
	_ =	sdelay $0x3  }
0x1bd: {  	v58 =	vshrl.u32 v2, $0x3  }
0x1be: {  	s7 =	sadd.s32 $0x8400, s20;
	v2 =	vshll.u32 v2, $0x7;
	v59 =	vshrl.u32 v3, $0x3;
	v4 =	vmul.u32 $0x1FFC00, v58  }
0x1bf: {  	s26 =	sadd.s32 $0x8410, s20;
	v3 =	vshll.u32 v3, $0x7;
	v2 =	vadd.s32 s7, v2;
	v5 =	vmul.u32 $0x1FFC00, v59  }
0x1c0: {  	v3 =	vadd.s32 s26, v3;
	v2 =	vadd.s32 v4, v2  }
0x1c1: {  	v3 =	vadd.s32 v5, v3;
	v2 =	vadd.s32 v0, v2  }
0x1c2: {  	v3 =	vadd.s32 v0, v3;
	[tilespmem:s24+$0xFFFFFF90] =	vst v2  }
0x1c3: {  	[tilespmem:s24+$0xFFFFFFA0] =	vst v3  }
0x1c4: {  	v2 =	vld [tilespmem:s23+$0xFFFFFFB0]  }
0x1c5: {  	v3 =	vld [tilespmem:s23+$0xFFFFFFC0];
	_ =	sdelay $0x3  }
0x1c6: {  	s20 =	sadd.s32 $0x0, s16;
	v60 =	vshrl.u32 v2, $0x3  }
0x1c7: {  	s26 =	sadd.s32 $0x20, s20;
	v2 =	vshll.u32 v2, $0x7;
	v61 =	vshrl.u32 v3, $0x3;
	v4 =	vmul.u32 $0x1FFC00, v60  }
0x1c8: {  	s6 =	sadd.s32 $0x30, s20;
	v3 =	vshll.u32 v3, $0x7;
	v2 =	vadd.s32 s26, v2;
	v5 =	vmul.u32 $0x1FFC00, v61  }
0x1c9: {  	v3 =	vadd.s32 s6, v3;
	v2 =	vadd.s32 v4, v2  }
0x1ca: {  	v3 =	vadd.s32 v5, v3;
	v2 =	vadd.s32 v0, v2  }
0x1cb: {  	v3 =	vadd.s32 v0, v3;
	[tilespmem:s24+$0xFFFFFFB0] =	vst v2  }
0x1cc: {  	[tilespmem:s24+$0xFFFFFFC0] =	vst v3  }
0x1cd: {  	v2 =	vld [tilespmem:s23+$0xFFFFFFD0]  }
0x1ce: {  	v3 =	vld [tilespmem:s23+$0xFFFFFFE0];
	_ =	sdelay $0x3  }
0x1cf: {  	s20 =	sadd.s32 $0x0, s15;
	v62 =	vshrl.u32 v2, $0x3  }
0x1d0: {  	s26 =	sadd.s32 $0x40, s20;
	v2 =	vshll.u32 v2, $0x7;
	v63 =	vshrl.u32 v3, $0x3;
	v4 =	vmul.u32 $0x1FFC00, v62  }
0x1d1: {  	s6 =	sadd.s32 $0x50, s20;
	v3 =	vshll.u32 v3, $0x7;
	v2 =	vadd.s32 s26, v2;
	v5 =	vmul.u32 $0x1FFC00, v63  }
0x1d2: {  	v3 =	vadd.s32 s6, v3;
	v2 =	vadd.s32 v4, v2  }
0x1d3: {  	v3 =	vadd.s32 v5, v3;
	v2 =	vadd.s32 v0, v2  }
0x1d4: {  	v3 =	vadd.s32 v0, v3;
	[tilespmem:s24+$0xFFFFFFD0] =	vst v2  }
0x1d5: {  	s28 =	simm.s32 $0x0;
	s29 =	simm.s32 $0x80;
	s20 =	sadd.s32 $0x0, s14;
	[tilespmem:s24+$0xFFFFFFE0] =	vst v3  }
0x1d6: {  	s30 =	simm.s32 $0x11F0;
	s6 =	sadd.s32 $0x70, s20;
	s26 =	simm.s32 $0x28F0;
	v2 =	vld [tilespmem:s23+$0xFFFFFFF0]  }
.LBB2_8:
0x1d7: {  	s29 =	sadd.s32 $0x8, s29;
	v3 =	vld [tilespmem:s23+$0x0];
	s28 =	sadd.s32 $0x800, s28;
	s24 =	sadd.s32 $0x100, s24  }
0x1d8: {  	s23 =	smov.u32 s30;
	p0 =	slt.u32 s29, $0xB8;
	_ =	sdelay $0x2  }
0x1d9: {  	v4 =	vshll.u32 v2, $0x7;
	v2 =	vshrl.u32 v2, $0x3  }
0x1da: {  	s7 =	sadd.s32 $0x60, s20;
	v2 =	vmul.u32 $0x1FFC00, v2;
	v5 =	vshll.u32 v3, $0x7;
	v3 =	vshrl.u32 v3, $0x3  }
0x1db: {  	v4 =	vadd.s32 s7, v4;
	v3 =	vmul.u32 $0x1FFC00, v3;
	v5 =	vadd.s32 s6, v5  }
0x1dc: {  	v2 =	vadd.s32 v2, v4  }
0x1dd: {  	v2 =	vadd.s32 v0, v2;
	v3 =	vadd.s32 v3, v5  }
0x1de: {  	v3 =	vadd.s32 v0, v3;
	[tilespmem:s26+$0xFFFFFFF0] =	vst v2  }
0x1df: {  	[tilespmem:s26+$0x0] =	vst v3;
	s26 =	smov.u32 s24  }
0x1e0: {  	v2 =	vld [tilespmem:s30+$0xFFFFFF20]  }
0x1e1: {  	v3 =	vld [tilespmem:s30+$0xFFFFFF10];
	_ =	sdelay $0x2  }
0x1e2: {  	s20 =	sadd.s32 s28, s10  }
0x1e3: {  	s6 =	sadd.s32 $0x8010, s20;
	v4 =	vshll.u32 v2, $0x7;
	v2 =	vshrl.u32 v2, $0x3  }
0x1e4: {  	v5 =	vshll.u32 v3, $0x7;
	v3 =	vshrl.u32 v3, $0x3;
	v4 =	vadd.s32 s6, v4  }
0x1e5: {  	s6 =	sadd.s32 $0x8000, s20;
	v2 =	vmul.u32 $0x1FFC00, v2;
	v3 =	vmul.u32 $0x1FFC00, v3  }
0x1e6: {  	v5 =	vadd.s32 s6, v5  }
0x1e7: {  	v2 =	vadd.s32 v2, v4;
	v3 =	vadd.s32 v3, v5  }
0x1e8: {  	v2 =	vadd.s32 v0, v2;
	v3 =	vadd.s32 v0, v3  }
0x1e9: {  	[tilespmem:s24+$0xFFFFFF10] =	vst v3  }
0x1ea: {  	[tilespmem:s24+$0xFFFFFF20] =	vst v2  }
0x1eb: {  	v2 =	vld [tilespmem:s30+$0xFFFFFF30]  }
0x1ec: {  	v3 =	vld [tilespmem:s30+$0xFFFFFF40];
	_ =	sdelay $0x3  }
0x1ed: {  	v4 =	vshll.u32 v2, $0x7;
	v2 =	vshrl.u32 v2, $0x3  }
0x1ee: {  	s6 =	sadd.s32 $0x8020, s20;
	v2 =	vmul.u32 $0x1FFC00, v2;
	v5 =	vshll.u32 v3, $0x7;
	v3 =	vshrl.u32 v3, $0x3  }
0x1ef: {  	s7 =	sadd.s32 $0x8030, s20;
	v4 =	vadd.s32 s6, v4;
	v3 =	vmul.u32 $0x1FFC00, v3  }
0x1f0: {  	v2 =	vadd.s32 v2, v4;
	v4 =	vadd.s32 s7, v5  }
0x1f1: {  	v2 =	vadd.s32 v0, v2;
	v3 =	vadd.s32 v3, v4  }
0x1f2: {  	v3 =	vadd.s32 v0, v3;
	[tilespmem:s24+$0xFFFFFF30] =	vst v2  }
0x1f3: {  	[tilespmem:s24+$0xFFFFFF40] =	vst v3  }
0x1f4: {  	v2 =	vld [tilespmem:s30+$0xFFFFFF50]  }
0x1f5: {  	v3 =	vld [tilespmem:s30+$0xFFFFFF60];
	_ =	sdelay $0x3  }
0x1f6: {  	v4 =	vshll.u32 v2, $0x7;
	v2 =	vshrl.u32 v2, $0x3  }
0x1f7: {  	s6 =	sadd.s32 $0x8040, s20;
	v2 =	vmul.u32 $0x1FFC00, v2;
	v5 =	vshll.u32 v3, $0x7;
	v3 =	vshrl.u32 v3, $0x3  }
0x1f8: {  	s7 =	sadd.s32 $0x8050, s20;
	v4 =	vadd.s32 s6, v4;
	v3 =	vmul.u32 $0x1FFC00, v3  }
0x1f9: {  	v2 =	vadd.s32 v2, v4;
	v4 =	vadd.s32 s7, v5  }
0x1fa: {  	v2 =	vadd.s32 v0, v2;
	v3 =	vadd.s32 v3, v4  }
0x1fb: {  	v3 =	vadd.s32 v0, v3;
	[tilespmem:s24+$0xFFFFFF50] =	vst v2  }
0x1fc: {  	[tilespmem:s24+$0xFFFFFF60] =	vst v3  }
0x1fd: {  	v2 =	vld [tilespmem:s30+$0xFFFFFF70]  }
0x1fe: {  	v3 =	vld [tilespmem:s30+$0xFFFFFF80];
	_ =	sdelay $0x3  }
0x1ff: {  	v4 =	vshrl.u32 v2, $0x3  }
0x200: {  	s6 =	sadd.s32 $0x8060, s20;
	v2 =	vshll.u32 v2, $0x7;
	v4 =	vmul.u32 $0x1FFC00, v4;
	v5 =	vshrl.u32 v3, $0x3  }
0x201: {  	s7 =	sadd.s32 $0x8070, s20;
	v2 =	vadd.s32 s6, v2;
	v3 =	vshll.u32 v3, $0x7;
	v5 =	vmul.u32 $0x1FFC00, v5  }
0x202: {  	v3 =	vadd.s32 s7, v3;
	v2 =	vadd.s32 v4, v2  }
0x203: {  	v2 =	vadd.s32 v0, v2;
	v3 =	vadd.s32 v5, v3  }
0x204: {  	v3 =	vadd.s32 v0, v3;
	[tilespmem:s24+$0xFFFFFF70] =	vst v2  }
0x205: {  	[tilespmem:s24+$0xFFFFFF80] =	vst v3  }
0x206: {  	v2 =	vld [tilespmem:s30+$0xFFFFFF90]  }
0x207: {  	v3 =	vld [tilespmem:s30+$0xFFFFFFA0];
	_ =	sdelay $0x3  }
0x208: {  	v4 =	vshll.u32 v2, $0x7;
	v2 =	vshrl.u32 v2, $0x3  }
0x209: {  	s6 =	sadd.s32 $0x8400, s20;
	v2 =	vmul.u32 $0x1FFC00, v2;
	v5 =	vshll.u32 v3, $0x7;
	v3 =	vshrl.u32 v3, $0x3  }
0x20a: {  	s7 =	sadd.s32 $0x8410, s20;
	v4 =	vadd.s32 s6, v4;
	v3 =	vmul.u32 $0x1FFC00, v3  }
0x20b: {  	v2 =	vadd.s32 v2, v4;
	v4 =	vadd.s32 s7, v5  }
0x20c: {  	v2 =	vadd.s32 v0, v2;
	v3 =	vadd.s32 v3, v4  }
0x20d: {  	v3 =	vadd.s32 v0, v3;
	[tilespmem:s24+$0xFFFFFF90] =	vst v2  }
0x20e: {  	[tilespmem:s24+$0xFFFFFFA0] =	vst v3  }
0x20f: {  	v2 =	vld [tilespmem:s30+$0xFFFFFFB0]  }
0x210: {  	v3 =	vld [tilespmem:s30+$0xFFFFFFC0];
	_ =	sdelay $0x3  }
0x211: {  	s6 =	sadd.s32 s28, s16;
	v4 =	vshll.u32 v2, $0x7;
	v2 =	vshrl.u32 v2, $0x3  }
0x212: {  	s7 =	sadd.s32 $0x20, s6;
	v2 =	vmul.u32 $0x1FFC00, v2;
	v5 =	vshrl.u32 v3, $0x3  }
0x213: {  	s6 =	sadd.s32 $0x30, s6;
	v4 =	vadd.s32 s7, v4;
	v3 =	vshll.u32 v3, $0x7;
	v5 =	vmul.u32 $0x1FFC00, v5  }
0x214: {  	v3 =	vadd.s32 s6, v3;
	v2 =	vadd.s32 v2, v4  }
0x215: {  	v2 =	vadd.s32 v0, v2;
	v3 =	vadd.s32 v5, v3  }
0x216: {  	v3 =	vadd.s32 v0, v3;
	[tilespmem:s24+$0xFFFFFFB0] =	vst v2  }
0x217: {  	[tilespmem:s24+$0xFFFFFFC0] =	vst v3  }
0x218: {  	v2 =	vld [tilespmem:s30+$0xFFFFFFD0]  }
0x219: {  	v3 =	vld [tilespmem:s30+$0xFFFFFFE0];
	_ =	sdelay $0x3  }
0x21a: {  	s6 =	sadd.s32 s28, s15;
	v4 =	vshll.u32 v2, $0x7;
	v2 =	vshrl.u32 v2, $0x3  }
0x21b: {  	s7 =	sadd.s32 $0x40, s6;
	v2 =	vmul.u32 $0x1FFC00, v2;
	v5 =	vshrl.u32 v3, $0x3  }
0x21c: {  	s6 =	sadd.s32 $0x50, s6;
	v4 =	vadd.s32 s7, v4;
	v3 =	vshll.u32 v3, $0x7;
	v5 =	vmul.u32 $0x1FFC00, v5  }
.Ltmp3:
0x21d: {  	s20 =	sadd.s32 s28, s14;
	v3 =	vadd.s32 s6, v3;
	v2 =	vadd.s32 v2, v4;
	(pc) =	sbr.rel @p0 .LBB2_8-.Ltmp3, $4  }
0x21e: {  	s6 =	sadd.s32 $0x70, s20;
	v2 =	vadd.s32 v0, v2;
	v3 =	vadd.s32 v5, v3  }
0x21f: {  	v3 =	vadd.s32 v0, v3;
	[tilespmem:s24+$0xFFFFFFD0] =	vst v2  }
0x220: {  	[tilespmem:s24+$0xFFFFFFE0] =	vst v3  }
0x221: {  	s30 =	sadd.s32 $0x100, s30;
	v2 =	vld [tilespmem:s23+$0xFFFFFFF0]  }
0x222: {  	v3 =	vld [tilespmem:s23+$0x0];
	_ =	sdelay $0x3  }
0x223: {  	v4 =	vshrl.u32 v2, $0x3  }
0x224: {  	s7 =	sadd.s32 $0x60, s20;
	v2 =	vshll.u32 v2, $0x7;
	v4 =	vmul.u32 $0x1FFC00, v4;
	v5 =	vshrl.u32 v3, $0x3  }
0x225: {  	v3 =	vshll.u32 v3, $0x7;
	v2 =	vadd.s32 s7, v2;
	v5 =	vmul.u32 $0x1FFC00, v5  }
0x226: {  	v3 =	vadd.s32 s6, v3;
	v2 =	vadd.s32 v4, v2  }
0x227: {  	v2 =	vadd.s32 v0, v2;
	v3 =	vadd.s32 v5, v3  }
0x228: {  	v3 =	vadd.s32 v0, v3;
	[tilespmem:s26+$0xFFFFFFF0] =	vst v2  }
0x229: {  	s28 =	simm.s32 $0x2800;
	s29 =	simm.s32 $0x4000;
	[tilespmem:s26+$0x0] =	vst v3  }
0x22a: {  	[tilespmem:s29], [sflag:$0x4] =	stream.indirect.gather [hbm4b:s1+s17], $0x1, s28, s17, $0xb8;
	[tilespmem:$0x4880] =	vst v63  }
0x22b: {  	_ =	swait.ge [sflag:s31], $0x200  }
0x22c: {  	[sflag:s31] =	ssyncset.done $0x0  }
0x22d: {  	[sflag:s31] =	ssyncadd.s32 $0xFFFFFE00  }
0x22e: {  	v2 =	vld [tilespmem:$0x3000]  }
0x22f: {  	v3 =	vld [tilespmem:$0x3010]  }
0x230: {  	v4 =	vld [tilespmem:$0x3020]  }
0x231: {  	v5 =	vld [tilespmem:$0x3030]  }
0x232: {  	v6 =	vld [tilespmem:$0x3040]  }
0x233: {  	v7 =	vld [tilespmem:$0x3050]  }
0x234: {  	v8 =	vld [tilespmem:$0x3060]  }
0x235: {  	v9 =	vld [tilespmem:$0x3070]  }
0x236: {  	v10 =	vld [tilespmem:$0x3080]  }
0x237: {  	v11 =	vld [tilespmem:$0x3090]  }
0x238: {  	v12 =	vld [tilespmem:$0x30A0]  }
0x239: {  	v13 =	vld [tilespmem:$0x30B0]  }
0x23a: {  	v14 =	vld [tilespmem:$0x30C0]  }
0x23b: {  	v15 =	vld [tilespmem:$0x30D0]  }
0x23c: {  	v16 =	vld [tilespmem:$0x30E0]  }
0x23d: {  	v17 =	vld [tilespmem:$0x30F0]  }
0x23e: {  	v18 =	vld [tilespmem:$0x3100]  }
0x23f: {  	v19 =	vld [tilespmem:$0x3110]  }
0x240: {  	v20 =	vld [tilespmem:$0x3120]  }
0x241: {  	v21 =	vld [tilespmem:$0x3130]  }
0x242: {  	v22 =	vld [tilespmem:$0x3140]  }
0x243: {  	v23 =	vld [tilespmem:$0x3150]  }
0x244: {  	v24 =	vld [tilespmem:$0x3160]  }
0x245: {  	v25 =	vld [tilespmem:$0x3170]  }
0x246: {  	v26 =	vld [tilespmem:$0x3180]  }
0x247: {  	v27 =	vld [tilespmem:$0x3190]  }
0x248: {  	v28 =	vld [tilespmem:$0x31A0]  }
0x249: {  	v29 =	vld [tilespmem:$0x31B0]  }
0x24a: {  	v30 =	vld [tilespmem:$0x31C0]  }
0x24b: {  	v31 =	vld [tilespmem:$0x31D0]  }
0x24c: {  	v32 =	vld [tilespmem:$0x31E0]  }
0x24d: {  	v33 =	vld [tilespmem:$0x31F0];
	_ =	swait.ge [sflag:s2], $0x600;
	v2 =	vadd.f32 $0.0e+00, v2;
	v3 =	vadd.f32 $0.0e+00, v3  }
0x24e: {  	[sflag:s2] =	ssyncset.done $0x0;
	v4 =	vadd.f32 $0.0e+00, v4;
	v5 =	vadd.f32 $0.0e+00, v5  }
0x24f: {  	s30 =	simm.s32 $0x32F0;
	[sflag:s2] =	ssyncadd.s32 $0xFFFFFA00;
	v6 =	vadd.f32 v6, v2;
	v3 =	vadd.f32 v7, v3  }
0x250: {  	v4 =	vadd.f32 v8, v4;
	v5 =	vadd.f32 v9, v5;
	v2 =	vld [tilespmem:s30+$0xFFFFFFD0]  }
0x251: {  	v6 =	vadd.f32 v10, v6;
	v7 =	vadd.f32 v11, v3;
	v3 =	vld [tilespmem:s30+$0xFFFFFFE0]  }
0x252: {  	v8 =	vadd.f32 v12, v4;
	v9 =	vadd.f32 v13, v5;
	v4 =	vld [tilespmem:s30+$0xFFFFFF90]  }
0x253: {  	v5 =	vld [tilespmem:s30+$0xFFFFFFA0];
	v6 =	vadd.f32 v14, v6;
	v7 =	vadd.f32 v15, v7  }
0x254: {  	v11 =	vld [tilespmem:s30+$0xFFFFFF10];
	v8 =	vadd.f32 v16, v8;
	v9 =	vadd.f32 v17, v9  }
0x255: {  	v13 =	vld [tilespmem:s30+$0xFFFFFF20];
	v6 =	vadd.f32 v18, v6;
	v7 =	vadd.f32 v19, v7  }
0x256: {  	v12 =	vld [tilespmem:s30+$0xFFFFFF70];
	v8 =	vadd.f32 v20, v8;
	v9 =	vadd.f32 v21, v9  }
0x257: {  	v14 =	vld [tilespmem:s30+$0xFFFFFF50];
	v6 =	vadd.f32 v22, v6;
	v7 =	vadd.f32 v23, v7  }
0x258: {  	v16 =	vld [tilespmem:s30+$0xFFFFFF30];
	v8 =	vadd.f32 v24, v8;
	v9 =	vadd.f32 v25, v9  }
0x259: {  	v17 =	vld [tilespmem:s30+$0xFFFFFF40];
	v6 =	vadd.f32 v26, v6;
	v7 =	vadd.f32 v27, v7  }
0x25a: {  	v19 =	vld [tilespmem:s30+$0xFFFFFF60];
	v8 =	vadd.f32 v28, v8;
	v9 =	vadd.f32 v29, v9  }
0x25b: {  	v15 =	vld [tilespmem:s30+$0xFFFFFF80];
	v6 =	vadd.f32 v30, v6;
	v7 =	vadd.f32 v31, v7  }
0x25c: {  	v10 =	vld [tilespmem:s30+$0xFFFFFFB0];
	v8 =	vadd.f32 v32, v8;
	v9 =	vadd.f32 v33, v9  }
0x25d: {  	v6 =	vadd.f32 v11, v6;
	v7 =	vadd.f32 v13, v7;
	v13 =	vld [tilespmem:s30+$0xFFFFFFC0]  }
0x25e: {  	v16 =	vadd.f32 v16, v8;
	v17 =	vadd.f32 v17, v9;
	v11 =	vld [tilespmem:s30+$0xFFFFFFF0]  }
0x25f: {  	s20 =	simm.s32 $0x8;
	s23 =	simm.s32 $0x33F0;
	v18 =	vadd.f32 v14, v6;
	v19 =	vadd.f32 v19, v7;
	v14 =	vld [tilespmem:s30+$0x0]  }
.LBB2_10:
0x260: {  	v6 =	vld [tilespmem:s23+$0xFFFFFFD0];
	v7 =	vadd.f32 v12, v16;
	v8 =	vadd.f32 v15, v17  }
0x261: {  	v9 =	vld [tilespmem:s23+$0xFFFFFFE0];
	v12 =	vadd.f32 v4, v18;
	v15 =	vadd.f32 v5, v19  }
0x262: {  	v4 =	vld [tilespmem:s23+$0xFFFFFF90];
	v7 =	vadd.f32 v10, v7;
	v8 =	vadd.f32 v13, v8  }
0x263: {  	v5 =	vld [tilespmem:s23+$0xFFFFFFA0];
	v13 =	vadd.f32 v2, v12;
	v16 =	vadd.f32 v3, v15  }
0x264: {  	v18 =	vld [tilespmem:s23+$0xFFFFFF50];
	v7 =	vadd.f32 v11, v7;
	v8 =	vadd.f32 v14, v8  }
0x265: {  	v14 =	vld [tilespmem:s23+$0xFFFFFF60];
	v2 =	vmov v6  }
0x266: {  	v6 =	vld [tilespmem:s23+$0xFFFFFF10];
	v3 =	vmov v9  }
0x267: {  	v9 =	vld [tilespmem:s23+$0xFFFFFF20]  }
0x268: {  	v11 =	vld [tilespmem:s23+$0xFFFFFF30]  }
0x269: {  	s20 =	sadd.s32 $0x4, s20;
	v17 =	vld [tilespmem:s23+$0xFFFFFF40]  }
0x26a: {  	p0 =	slt.u32 s20, $0x1C;
	v12 =	vld [tilespmem:s23+$0xFFFFFF70]  }
.Ltmp4:
0x26b: {  	v15 =	vld [tilespmem:s23+$0xFFFFFF80];
	(pc) =	sbr.rel @p0 .LBB2_10-.Ltmp4, $4  }
0x26c: {  	v10 =	vld [tilespmem:s23+$0xFFFFFFB0]  }
0x26d: {  	v6 =	vadd.f32 v6, v13;
	v9 =	vadd.f32 v9, v16;
	v13 =	vld [tilespmem:s23+$0xFFFFFFC0]  }
0x26e: {  	v16 =	vadd.f32 v11, v7;
	v17 =	vadd.f32 v17, v8;
	v11 =	vld [tilespmem:s23+$0xFFFFFFF0]  }
0x26f: {  	v18 =	vadd.f32 v18, v6;
	v19 =	vadd.f32 v14, v9;
	v14 =	vld [tilespmem:s23+$0x0];
	s23 =	sadd.s32 $0x100, s23  }
0x270: {  	_ =	swait.ge [sflag:s0], $0x800  }
0x271: {  	[sflag:s0] =	ssyncset.done $0x0  }
0x272: {  	s6 =	simm.s32 $0x38F0;
	[sflag:s0] =	ssyncadd.s32 $0xFFFFF800  }
0x273: {  	v6 =	vld [tilespmem:s6+$0xFFFFFFD0]  }
0x274: {  	v7 =	vld [tilespmem:s6+$0xFFFFFFE0]  }
0x275: {  	v8 =	vld [tilespmem:s6+$0xFFFFFF90]  }
0x276: {  	v9 =	vld [tilespmem:s6+$0xFFFFFFA0]  }
0x277: {  	v20 =	vld [tilespmem:s6+$0xFFFFFF50]  }
0x278: {  	v21 =	vld [tilespmem:s6+$0xFFFFFF60]  }
0x279: {  	v22 =	vld [tilespmem:s6+$0xFFFFFF10]  }
0x27a: {  	v23 =	vld [tilespmem:s6+$0xFFFFFF20]  }
0x27b: {  	v12 =	vadd.f32 v12, v16;
	v15 =	vadd.f32 v15, v17;
	v16 =	vld [tilespmem:s6+$0xFFFFFF30]  }
0x27c: {  	v4 =	vadd.f32 v4, v18;
	v5 =	vadd.f32 v5, v19;
	v17 =	vld [tilespmem:s6+$0xFFFFFF40]  }
0x27d: {  	v10 =	vadd.f32 v10, v12;
	v13 =	vadd.f32 v13, v15;
	v12 =	vld [tilespmem:s6+$0xFFFFFF70]  }
0x27e: {  	v2 =	vadd.f32 v2, v4;
	v3 =	vadd.f32 v3, v5;
	v15 =	vld [tilespmem:s6+$0xFFFFFF80]  }
0x27f: {  	v4 =	vadd.f32 v11, v10;
	v5 =	vadd.f32 v14, v13;
	v10 =	vld [tilespmem:s6+$0xFFFFFFB0]  }
0x280: {  	v13 =	vld [tilespmem:s6+$0xFFFFFFC0];
	v2 =	vadd.f32 v22, v2;
	v3 =	vadd.f32 v23, v3  }
0x281: {  	v11 =	vld [tilespmem:s6+$0xFFFFFFF0];
	v16 =	vadd.f32 v16, v4;
	v17 =	vadd.f32 v17, v5  }
0x282: {  	s20 =	simm.s32 $0x20;
	s23 =	simm.s32 $0x39F0;
	v14 =	vld [tilespmem:s6+$0x0];
	v18 =	vadd.f32 v20, v2;
	v19 =	vadd.f32 v21, v3  }
.LBB2_12:
0x283: {  	v2 =	vld [tilespmem:s23+$0xFFFFFFD0];
	v3 =	vadd.f32 v12, v16;
	v4 =	vadd.f32 v15, v17  }
0x284: {  	v5 =	vld [tilespmem:s23+$0xFFFFFFE0];
	v12 =	vadd.f32 v8, v18;
	v15 =	vadd.f32 v9, v19  }
0x285: {  	v8 =	vld [tilespmem:s23+$0xFFFFFF90];
	v3 =	vadd.f32 v10, v3;
	v4 =	vadd.f32 v13, v4  }
0x286: {  	v9 =	vld [tilespmem:s23+$0xFFFFFFA0];
	v13 =	vadd.f32 v6, v12;
	v16 =	vadd.f32 v7, v15  }
0x287: {  	v18 =	vld [tilespmem:s23+$0xFFFFFF50];
	v3 =	vadd.f32 v11, v3;
	v4 =	vadd.f32 v14, v4  }
0x288: {  	v14 =	vld [tilespmem:s23+$0xFFFFFF60];
	v6 =	vmov v2  }
0x289: {  	v2 =	vld [tilespmem:s23+$0xFFFFFF10];
	v7 =	vmov v5  }
0x28a: {  	v5 =	vld [tilespmem:s23+$0xFFFFFF20]  }
0x28b: {  	v11 =	vld [tilespmem:s23+$0xFFFFFF30]  }
0x28c: {  	s20 =	sadd.s32 $0x4, s20;
	v17 =	vld [tilespmem:s23+$0xFFFFFF40]  }
0x28d: {  	p0 =	slt.u32 s20, $0x3C;
	v12 =	vld [tilespmem:s23+$0xFFFFFF70]  }
.Ltmp5:
0x28e: {  	v15 =	vld [tilespmem:s23+$0xFFFFFF80];
	(pc) =	sbr.rel @p0 .LBB2_12-.Ltmp5, $4  }
0x28f: {  	v10 =	vld [tilespmem:s23+$0xFFFFFFB0]  }
0x290: {  	v2 =	vadd.f32 v2, v13;
	v5 =	vadd.f32 v5, v16;
	v13 =	vld [tilespmem:s23+$0xFFFFFFC0]  }
0x291: {  	v16 =	vadd.f32 v11, v3;
	v17 =	vadd.f32 v17, v4;
	v11 =	vld [tilespmem:s23+$0xFFFFFFF0]  }
0x292: {  	v18 =	vadd.f32 v18, v2;
	v19 =	vadd.f32 v14, v5;
	v14 =	vld [tilespmem:s23+$0x0];
	s23 =	sadd.s32 $0x100, s23  }
0x293: {  	_ =	swait.ge [sflag:s19], $0x800  }
0x294: {  	[sflag:s19] =	ssyncset.done $0x0  }
0x295: {  	s6 =	simm.s32 $0x40F0;
	[sflag:s19] =	ssyncadd.s32 $0xFFFFF800  }
0x296: {  	v2 =	vld [tilespmem:s6+$0xFFFFFFD0]  }
0x297: {  	v3 =	vld [tilespmem:s6+$0xFFFFFFE0]  }
0x298: {  	v4 =	vld [tilespmem:s6+$0xFFFFFF90]  }
0x299: {  	v5 =	vld [tilespmem:s6+$0xFFFFFFA0]  }
0x29a: {  	v20 =	vld [tilespmem:s6+$0xFFFFFF50]  }
0x29b: {  	v21 =	vld [tilespmem:s6+$0xFFFFFF60]  }
0x29c: {  	v22 =	vld [tilespmem:s6+$0xFFFFFF10]  }
0x29d: {  	v23 =	vld [tilespmem:s6+$0xFFFFFF20]  }
0x29e: {  	v12 =	vadd.f32 v12, v16;
	v15 =	vadd.f32 v15, v17;
	v16 =	vld [tilespmem:s6+$0xFFFFFF30]  }
0x29f: {  	v17 =	vadd.f32 v8, v18;
	v9 =	vadd.f32 v9, v19;
	v63 =	vld [tilespmem:s6+$0xFFFFFF40]  }
0x2a0: {  	v12 =	vadd.f32 v10, v12;
	v13 =	vadd.f32 v13, v15;
	v8 =	vld [tilespmem:s6+$0xFFFFFF70]  }
0x2a1: {  	v15 =	vadd.f32 v6, v17;
	v7 =	vadd.f32 v7, v9;
	v10 =	vld [tilespmem:s6+$0xFFFFFF80]  }
0x2a2: {  	v6 =	vld [tilespmem:s6+$0xFFFFFFB0];
	v11 =	vadd.f32 v11, v12;
	v12 =	vadd.f32 v14, v13  }
0x2a3: {  	v9 =	vld [tilespmem:s6+$0xFFFFFFC0];
	v14 =	vadd.f32 v22, v15;
	v17 =	vadd.f32 v23, v7  }
0x2a4: {  	v13 =	vadd.f32 v16, v11;
	v12 =	vadd.f32 v63, v12;
	v7 =	vld [tilespmem:s6+$0xFFFFFFF0]  }
0x2a5: {  	s20 =	simm.s32 $0x40;
	s23 =	simm.s32 $0x41F0;
	v11 =	vld [tilespmem:s6+$0x0];
	v15 =	vadd.f32 v20, v14;
	v14 =	vadd.f32 v21, v17  }
.LBB2_14:
0x2a6: {  	v16 =	vld [tilespmem:s23+$0xFFFFFFD0];
	v8 =	vadd.f32 v8, v13;
	v10 =	vadd.f32 v10, v12  }
0x2a7: {  	v12 =	vld [tilespmem:s23+$0xFFFFFFE0];
	v13 =	vadd.f32 v4, v15;
	v14 =	vadd.f32 v5, v14  }
0x2a8: {  	v4 =	vld [tilespmem:s23+$0xFFFFFF90];
	v6 =	vadd.f32 v6, v8;
	v8 =	vadd.f32 v9, v10  }
0x2a9: {  	v5 =	vld [tilespmem:s23+$0xFFFFFFA0];
	v9 =	vadd.f32 v2, v13;
	v13 =	vadd.f32 v3, v14  }
0x2aa: {  	v14 =	vld [tilespmem:s23+$0xFFFFFF50];
	v7 =	vadd.f32 v7, v6;
	v11 =	vadd.f32 v11, v8  }
0x2ab: {  	v17 =	vld [tilespmem:s23+$0xFFFFFF60];
	v2 =	vmov v16  }
0x2ac: {  	v15 =	vld [tilespmem:s23+$0xFFFFFF10];
	v3 =	vmov v12  }
0x2ad: {  	v12 =	vld [tilespmem:s23+$0xFFFFFF20]  }
0x2ae: {  	v16 =	vld [tilespmem:s23+$0xFFFFFF30]  }
0x2af: {  	s20 =	sadd.s32 $0x4, s20;
	v18 =	vld [tilespmem:s23+$0xFFFFFF40]  }
0x2b0: {  	p0 =	slt.u32 s20, $0x5C;
	v8 =	vld [tilespmem:s23+$0xFFFFFF70]  }
.Ltmp6:
0x2b1: {  	v10 =	vld [tilespmem:s23+$0xFFFFFF80];
	(pc) =	sbr.rel @p0 .LBB2_14-.Ltmp6, $4  }
0x2b2: {  	v6 =	vld [tilespmem:s23+$0xFFFFFFB0]  }
0x2b3: {  	v15 =	vadd.f32 v15, v9;
	v19 =	vadd.f32 v12, v13;
	v9 =	vld [tilespmem:s23+$0xFFFFFFC0]  }
0x2b4: {  	v13 =	vadd.f32 v16, v7;
	v12 =	vadd.f32 v18, v11;
	v7 =	vld [tilespmem:s23+$0xFFFFFFF0]  }
0x2b5: {  	v15 =	vadd.f32 v14, v15;
	v14 =	vadd.f32 v17, v19;
	v11 =	vld [tilespmem:s23+$0x0];
	s23 =	sadd.s32 $0x100, s23  }
0x2b6: {  	_ = 	snop  }
0x2b7: {  	v4 =	vadd.f32 v4, v15  }
0x2b8: {  	v8 =	vadd.f32 v8, v13;
	v62 =	vadd.f32 v10, v12;
	[tilespmem:$0x4840] =	vst v1  }
0x2b9: {  	[tilespmem:$0x4850] =	vst v1;
	v5 =	vadd.f32 v5, v14;
	v2 =	vadd.f32 v2, v4  }
0x2ba: {  	[tilespmem:$0x4860] =	vst v1;
	v6 =	vadd.f32 v6, v8  }
0x2bb: {  	v3 =	vadd.f32 v3, v5;
	[tilespmem:$0x4800] =	vst v2;
	v2 =	vadd.f32 v9, v62  }
0x2bc: {  	[tilespmem:$0x4870] =	vst v1;
	v63 =	vadd.f32 v7, v6  }
0x2bd: {  	s22 =	sadd.s32 $0x1, s22;
	[tilespmem:$0x4810] =	vst v3;
	v2 =	vadd.f32 v11, v2  }
0x2be: {  	p0 =	sne.s32 s22, s8;
	[tilespmem:$0x4820] =	vst v63  }
.Ltmp7:
0x2bf: {  	s6 =	rddreg [dreg:$0x5];
	s7 =	simm.s32 $0x4800;
	[tilespmem:$0x4830] =	vst v2;
	(pc) =	sbr.rel @p0 .LBB2_1-.Ltmp7, $4  }
0x2c0: {  	[hbm4b:s6+s3] =	stream.linear.scatter [tilespmem:s7], [sflag:$0x7], $0x80, $0x38;
	[tilespmem:$0x4880] =	vst v63  }
0x2c1: {  	_ =	swait.ge [sflag:s21], $0x80  }
0x2c2: {  	[sflag:s21] =	ssyncset.done $0x0  }
0x2c3: {  	[sflag:s21] =	ssyncadd.s32 $0xFFFFFF80  }
0x2c4: {  	_ =	sfence.sel $0x180000  }
0x2c5: {  	[bflag:$0x0] =	sbarrier.arrive $0xFFFF  }
0x2c6: {  	_ =	strace $0x90000047  }
0x2c7: {  	s0 =	stileid.u32;
	[bflag:$0x2] =	sbarrier.arrive $0xFFFF  }
0x2c8: {  	p0 =	sne.s32 s0, $0x0;
	s0 =	rddreg [dreg:$0x3]  }
0x2c9: {  	s0 =	sadd.s32 @!p0 $0x100000, s0  }
0x2ca: {  	[sflag:s0] =	ssyncadd.tile.s32 @!p0 $0x1;
	_ =	shalt  }
.Lfunc_end2:
_tile_overlayer_lowered:
.L_overlay_start_2:
0x2cb: {  	(tag) =	ssettag $0x2  }
0x2cc: {  	s0 =	rddreg [dreg:$0x0];
	s2 =	stileid.u32  }
0x2cd: {  	s1 =	rddreg [dreg:$0x1];
	p0 =	sne.s32 s2, $0x0  }
0x2ce: {  	s3 =	rddreg [dreg:$0x2];
	[bflag:$0x3] =	sbarrier.arrive $0xFFFF;
	s2 =	simm.s32 @!p0 $0x1C07  }
0x2cf: {  	[timem:s3], [sflag:s2] =	dma.local @!p0 [hbm:s0], s1  }
0x2d0: {  	s0 =	simm.s32 @!p0 $0x7  }
0x2d1: {  	_ =	swait.ge @!p0 [sflag:s0], s1  }
0x2d2: {  	s1 =	ssub.s32 @!p0 $0x0, s1;
	[sflag:s0] =	ssyncset.done @!p0 $0x0  }
0x2d3: {  	[sflag:s0] =	ssyncadd.s32 @!p0 s1  }
0x2d4: {  	[bflag:$0x3] =	sbarrier.arrive $0xFFFF  }
0x2d5: {  	_ =	shalt  }

</sc_bundles>
